<compile_context>
chip_gen: v7x
topology: tpu7x:2x2x1
jax: 0.10.2.dev20260603
libtpu: 0.0.44.dev20260713+nightly
codegen_flags: <defaults>
</compile_context>

<pallas_src>
import functools

import jax
import jax.numpy as jnp
from jax import lax
from jax.experimental import pallas as pl
from jax.experimental.pallas import tpu as pltpu
from jax.experimental.pallas import tpu_sc as plsc

N = 10000
D = 128
E = 320000

NC = 2
NS = 16
L = 16
NW = NC * NS
EPW = E // NW
CW = 40
NCH = EPW // CW
NBUF = 4
NGRP = (NCH + 3 + NBUF - 1) // NBUF
RPT = N // NS

_mesh = plsc.VectorSubcoreMesh(core_axis_name="c", subcore_axis_name="s")


@functools.partial(
    pl.kernel,
    out_type=jax.ShapeDtypeStruct((NC, NS, RPT, D), jnp.float32),
    mesh=_mesh,
    scratch_types=(
        [pltpu.VMEM((2, CW), jnp.int32)] * NBUF
        + [pltpu.VMEM((CW, L), jnp.float32)] * NBUF
        + [pltpu.VMEM((CW, D), jnp.float32)] * NBUF
        + [pltpu.VMEM_SHARED((N, D), jnp.float32)]
        + [pltpu.SemaphoreType.DMA] * (3 * NBUF)
    ),
)
def _sc_edge_agg(hn_hbm, meta_hbm, w_hbm, zrows_hbm, out_hbm,
                 i0, i1, i2, i3, w0, w1, w2, w3, r0, r1, r2, r3, acc,
                 m0, m1, m2, m3, g0, g1, g2, g3, s0, s1, s2, s3):
    idx_b = [i0, i1, i2, i3]
    w_b = [w0, w1, w2, w3]
    rows_b = [r0, r1, r2, r3]
    sem_m = [m0, m1, m2, m3]
    sem_g = [g0, g1, g2, g3]
    sem_s = [s0, s1, s2, s3]
    c = lax.axis_index("c")
    s = lax.axis_index("s")
    wid = s * NC + c

    def start_meta(t, b):
        pltpu.async_copy(meta_hbm.at[wid, t], idx_b[b], sem_m[b])
        pltpu.async_copy(w_hbm.at[wid, t], w_b[b], sem_m[b])

    def wait_meta(t, b):
        pltpu.make_async_copy(meta_hbm.at[wid, t], idx_b[b], sem_m[b]).wait()
        pltpu.make_async_copy(w_hbm.at[wid, t], w_b[b], sem_m[b]).wait()

    def start_gather(b):
        pltpu.async_copy(hn_hbm.at[idx_b[b].at[0]], rows_b[b], sem_g[b])

    def wait_gather(b):
        pltpu.make_async_copy(hn_hbm.at[idx_b[b].at[0]], rows_b[b],
                              sem_g[b]).wait()

    def start_scatter(b):
        pltpu.async_copy(rows_b[b], acc.at[idx_b[b].at[1]], sem_s[b],
                         add=True)

    def wait_scatter(b):
        pltpu.make_async_copy(rows_b[b], acc.at[idx_b[b].at[1]],
                              sem_s[b]).wait()

    zcp = pltpu.async_copy(zrows_hbm, acc.at[pl.ds(s * RPT, RPT)], sem_s[0])
    start_meta(0, 0)
    start_meta(1, 1)
    wait_meta(0, 0)
    start_gather(0)
    zcp.wait()
    plsc.subcore_barrier()

    def group(g, carry):
        for b in range(NBUF):
            t = g * NBUF + b

            @pl.when((t >= 3) & (t - 3 < NCH))
            def _():
                wait_scatter((b + 1) % NBUF)

            @pl.when(t + 2 < NCH)
            def _():
                start_meta(t + 2, (b + 2) % NBUF)

            @pl.when(t + 1 < NCH)
            def _():
                wait_meta(t + 1, (b + 1) % NBUF)
                start_gather((b + 1) % NBUF)

            @pl.when(t < NCH)
            def _():
                wait_gather(b)

                @plsc.parallel_loop(0, CW, unroll=4)
                def _edge(e):
                    wb = w_b[b][e]
                    for k in range(D // L):
                        rows_b[b][e, pl.ds(k * L, L)] = (
                            rows_b[b][e, pl.ds(k * L, L)] * wb)

                start_scatter(b)
        return carry

    lax.fori_loop(0, NGRP, group, 0)
    plsc.subcore_barrier()

    pltpu.sync_copy(acc.at[pl.ds(s * RPT, RPT)], out_hbm.at[c, s])


_BLK = 2000
_GRID = N // _BLK


def _mm_first(x_ref, sk_ref, nk_ref, hs_ref, hn_ref):
    x = x_ref[...]
    hs_ref[...] = jnp.dot(x, sk_ref[...], preferred_element_type=jnp.float32)
    hn_ref[...] = jnp.dot(x, nk_ref[...], preferred_element_type=jnp.float32)


def _mm_mid(hs_ref, p_ref, b_ref, sk_ref, nk_ref, hs_ref_o, hn_ref_o):
    h = jnp.maximum(hs_ref[...] + p_ref[0] + p_ref[1] + b_ref[...], 0.0)
    hs_ref_o[...] = jnp.dot(h, sk_ref[...], preferred_element_type=jnp.float32)
    hn_ref_o[...] = jnp.dot(h, nk_ref[...], preferred_element_type=jnp.float32)


def _final(hs_ref, p_ref, b_ref, o_ref):
    o_ref[...] = jnp.maximum(hs_ref[...] + p_ref[0] + p_ref[1] + b_ref[...], 0.0)


def _row_spec():
    return pl.BlockSpec((_BLK, D), lambda i: (i, 0))


def _full_spec(shape):
    nd = len(shape)
    return pl.BlockSpec(shape, lambda i: (0,) * nd)


_mm_first_call = pl.pallas_call(
    _mm_first,
    grid=(_GRID,),
    in_specs=[_row_spec(), _full_spec((D, D)), _full_spec((D, D))],
    out_specs=[_row_spec(), _row_spec()],
    out_shape=[jax.ShapeDtypeStruct((N, D), jnp.float32)] * 2,
)

_mm_mid_call = pl.pallas_call(
    _mm_mid,
    grid=(_GRID,),
    in_specs=[_row_spec(), pl.BlockSpec((NC, _BLK, D), lambda i: (0, i, 0)),
              _full_spec((1, D)), _full_spec((D, D)), _full_spec((D, D))],
    out_specs=[_row_spec(), _row_spec()],
    out_shape=[jax.ShapeDtypeStruct((N, D), jnp.float32)] * 2,
)

_final_call = pl.pallas_call(
    _final,
    grid=(_GRID,),
    in_specs=[_row_spec(), pl.BlockSpec((NC, _BLK, D), lambda i: (0, i, 0)),
              _full_spec((1, D))],
    out_specs=_row_spec(),
    out_shape=jax.ShapeDtypeStruct((N, D), jnp.float32),
)


def kernel(x, edge_index, edge_weight, self_kernel_0, neighbor_kernel_0,
           bias_0, self_kernel_1, neighbor_kernel_1, bias_1):
    col = edge_index[1].reshape(NW, NCH, 1, CW)
    row = edge_index[0].reshape(NW, NCH, 1, CW)
    meta = jnp.concatenate([col, row], axis=2)
    w = jnp.broadcast_to(edge_weight[:, None], (E, L)).reshape(NW, NCH, CW, L)
    zrows = jnp.zeros((RPT, D), jnp.float32)
    b0 = bias_0.reshape(1, D)
    b1 = bias_1.reshape(1, D)

    hs0, hn0 = _mm_first_call(x, self_kernel_0, neighbor_kernel_0)
    p0 = _sc_edge_agg(hn0, meta, w, zrows).reshape(NC, N, D)
    hs1, hn1 = _mm_mid_call(hs0, p0, b0, self_kernel_1, neighbor_kernel_1)
    p1 = _sc_edge_agg(hn1, meta, w, zrows).reshape(NC, N, D)
    return _final_call(hs1, p1, b1)

# --- scband reference (transcript-rebuilt; emitter-appended) ---
"""Pipeline reference for scband-gcnmodel-62680752717982 (READ-ONLY COPY).

The authoritative reference and input builder live on the scoring server;
editing this copy changes nothing except your own understanding.
"""

import jax, jax.numpy as jnp
import numpy as np

N = 10000
E = 320000
D = 128
UNITS = [128, 128]


def setup_inputs(seed: int = 0) -> dict:
    key = jax.random.key(seed)
    ks = jax.random.split(key, 16)
    x = jax.random.normal(ks[0], (N, D), dtype=jnp.float32)
    edge_index = jax.random.randint(ks[1], (2, E), 0, N, dtype=jnp.int32)
    edge_weight = jax.random.uniform(ks[2], (E,), dtype=jnp.float32)
    params = {}
    in_dim = D
    ki = 3
    for i, u in enumerate(UNITS):
        params[f"self_kernel_{i}"] = jax.random.normal(ks[ki], (in_dim, u), dtype=jnp.float32) * 0.05
        params[f"neighbor_kernel_{i}"] = jax.random.normal(ks[ki + 1], (in_dim, u), dtype=jnp.float32) * 0.05
        params[f"bias_{i}"] = jnp.zeros((u,), dtype=jnp.float32)
        in_dim = u
        ki += 2
    out = {"x": x, "edge_index": edge_index, "edge_weight": edge_weight}
    out.update(params)
    return out


def reference(x, edge_index, edge_weight, self_kernel_0, neighbor_kernel_0, bias_0, self_kernel_1, neighbor_kernel_1, bias_1):
    # Faithful translation of tf_geometric SumGraphSage (concat=False, activation=relu)
    # stacked for each units in units_list.
    row = edge_index[0]
    col = edge_index[1]
    num_nodes = x.shape[0]
    h = x
    layers = [
        (self_kernel_0, neighbor_kernel_0, bias_0),
        (self_kernel_1, neighbor_kernel_1, bias_1),
    ]
    for sk, nk, b in layers:
        neighbor_x = jnp.take(h, col, axis=0)  # gather neighbor features
        neighbor_x = neighbor_x * edge_weight[:, None]
        reduced = jax.ops.segment_sum(neighbor_x, row, num_segments=num_nodes)  # sum aggregator
        neighbor_msg = reduced @ nk
        self_msg = h @ sk
        h = self_msg + neighbor_msg  # concat=False -> add
        h = h + b
        h = jax.nn.relu(h)
    return h

if __name__ == "__main__":
    import jax
    _d = setup_inputs()
    print(jax.jit(kernel)(*tuple(_d.values())))

</pallas_src>

<mosaic_0001>
#map = affine_map<(d0, d1) -> (0, 0)>
#map1 = affine_map<(d0, d1) -> (0, 0, 0, 0)>
module attributes {stable_mosaic.version = 14 : i64} {
  func.func @_sc_edge_agg(%arg0: i32, %arg1: i32, %arg2: memref<10000x128xf32, #tpu.memory_space<hbm>>, %arg3: memref<32x250x2x40xi32, #tpu.memory_space<hbm>>, %arg4: memref<32x250x40x16xf32, #tpu.memory_space<hbm>>, %arg5: memref<625x128xf32, #tpu.memory_space<hbm>>, %arg6: memref<2x16x625x128xf32, #tpu.memory_space<hbm>>, %arg7: memref<2x40xi32, #tpu.memory_space<vmem>>, %arg8: memref<2x40xi32, #tpu.memory_space<vmem>>, %arg9: memref<2x40xi32, #tpu.memory_space<vmem>>, %arg10: memref<2x40xi32, #tpu.memory_space<vmem>>, %arg11: memref<40x16xf32, #tpu.memory_space<vmem>>, %arg12: memref<40x16xf32, #tpu.memory_space<vmem>>, %arg13: memref<40x16xf32, #tpu.memory_space<vmem>>, %arg14: memref<40x16xf32, #tpu.memory_space<vmem>>, %arg15: memref<40x128xf32, #tpu.memory_space<vmem>>, %arg16: memref<40x128xf32, #tpu.memory_space<vmem>>, %arg17: memref<40x128xf32, #tpu.memory_space<vmem>>, %arg18: memref<40x128xf32, #tpu.memory_space<vmem>>, %arg19: memref<10000x128xf32, #tpu.memory_space<vmem_shared>>, %arg20: memref<!tpu.dma_semaphore, #tpu.memory_space<semaphore_mem>>, %arg21: memref<!tpu.dma_semaphore, #tpu.memory_space<semaphore_mem>>, %arg22: memref<!tpu.dma_semaphore, #tpu.memory_space<semaphore_mem>>, %arg23: memref<!tpu.dma_semaphore, #tpu.memory_space<semaphore_mem>>, %arg24: memref<!tpu.dma_semaphore, #tpu.memory_space<semaphore_mem>>, %arg25: memref<!tpu.dma_semaphore, #tpu.memory_space<semaphore_mem>>, %arg26: memref<!tpu.dma_semaphore, #tpu.memory_space<semaphore_mem>>, %arg27: memref<!tpu.dma_semaphore, #tpu.memory_space<semaphore_mem>>, %arg28: memref<!tpu.dma_semaphore, #tpu.memory_space<semaphore_mem>>, %arg29: memref<!tpu.dma_semaphore, #tpu.memory_space<semaphore_mem>>, %arg30: memref<!tpu.dma_semaphore, #tpu.memory_space<semaphore_mem>>, %arg31: memref<!tpu.dma_semaphore, #tpu.memory_space<semaphore_mem>>) attributes {dimension_semantics = [#tpu.dimension_semantics<core_parallel>, #tpu.dimension_semantics<subcore_parallel>], iteration_bounds = array<i64: 2, 16>, scalar_prefetch = 0 : i64, scratch_operands = 25 : i64, tpu.core_type = #tpu.core_type<sc_vector_subcore>, window_params = [{transform_indices = #map}, {transform_indices = #map1}, {transform_indices = #map1}, {transform_indices = #map}, {transform_indices = #map1}]} {
    %mul3A = arith.constant 2 : i32
    %mul3A_0 = arith.muli %arg1, %mul3A : i32
    %add3A = arith.addi %mul3A_0, %arg0 : i32
    %mul3A_1 = arith.constant 625 : i32
    %mul3A_2 = arith.muli %arg1, %mul3A_1 : i32
    %dma_start3A = arith.constant 0 : i32
    %dma_start3A_3 = tpu.memref_slice %arg19[%mul3A_2, %dma_start3A] : memref<10000x128xf32, #tpu.memory_space<vmem_shared>> -> memref<625x128xf32, #tpu.memory_space<vmem_shared>>
    tpu.enqueue_dma source(%arg5 : memref<625x128xf32, #tpu.memory_space<hbm>>) target(%dma_start3A_3 : memref<625x128xf32, #tpu.memory_space<vmem_shared>>) target_semaphore(%arg28 : memref<!tpu.dma_semaphore, #tpu.memory_space<semaphore_mem>>)
    %dma_start3A_4 = arith.constant 0 : i32
    %dma_start3A_5 = arith.constant 0 : i32
    %dma_start3A_6 = arith.constant 0 : i32
    %dma_start3A_7 = tpu.memref_slice %arg3[%add3A, %dma_start3A_4, %dma_start3A_5, %dma_start3A_6] : memref<32x250x2x40xi32, #tpu.memory_space<hbm>> -> memref<1x1x2x40xi32, #tpu.memory_space<hbm>>
    %dma_start3A_8 = tpu.memref_squeeze %dma_start3A_7 : memref<1x1x2x40xi32, #tpu.memory_space<hbm>> -> memref<2x40xi32, #tpu.memory_space<hbm>>
    %dma_start3A_9 = arith.constant 0 : i32
    %dma_start3A_10 = arith.constant 0 : i32
    %dma_start3A_11 = tpu.memref_slice %arg3[%add3A, %dma_start3A_4, %dma_start3A_9, %dma_start3A_10] : memref<32x250x2x40xi32, #tpu.memory_space<hbm>> -> memref<1x1x2x40xi32, #tpu.memory_space<hbm>>
    %dma_start3A_12 = tpu.memref_squeeze %dma_start3A_11 : memref<1x1x2x40xi32, #tpu.memory_space<hbm>> -> memref<2x40xi32, #tpu.memory_space<hbm>>
    tpu.enqueue_dma source(%dma_start3A_12 : memref<2x40xi32, #tpu.memory_space<hbm>>) target(%arg7 : memref<2x40xi32, #tpu.memory_space<vmem>>) target_semaphore(%arg20 : memref<!tpu.dma_semaphore, #tpu.memory_space<semaphore_mem>>)
    %dma_start3A_13 = arith.constant 0 : i32
    %dma_start3A_14 = arith.constant 0 : i32
    %dma_start3A_15 = arith.constant 0 : i32
    %dma_start3A_16 = tpu.memref_slice %arg4[%add3A, %dma_start3A_13, %dma_start3A_14, %dma_start3A_15] : memref<32x250x40x16xf32, #tpu.memory_space<hbm>> -> memref<1x1x40x16xf32, #tpu.memory_space<hbm>>
    %dma_start3A_17 = tpu.memref_squeeze %dma_start3A_16 : memref<1x1x40x16xf32, #tpu.memory_space<hbm>> -> memref<40x16xf32, #tpu.memory_space<hbm>>
    %dma_start3A_18 = arith.constant 0 : i32
    %dma_start3A_19 = arith.constant 0 : i32
    %dma_start3A_20 = tpu.memref_slice %arg4[%add3A, %dma_start3A_13, %dma_start3A_18, %dma_start3A_19] : memref<32x250x40x16xf32, #tpu.memory_space<hbm>> -> memref<1x1x40x16xf32, #tpu.memory_space<hbm>>
    %dma_start3A_21 = tpu.memref_squeeze %dma_start3A_20 : memref<1x1x40x16xf32, #tpu.memory_space<hbm>> -> memref<40x16xf32, #tpu.memory_space<hbm>>
    tpu.enqueue_dma source(%dma_start3A_21 : memref<40x16xf32, #tpu.memory_space<hbm>>) target(%arg11 : memref<40x16xf32, #tpu.memory_space<vmem>>) target_semaphore(%arg20 : memref<!tpu.dma_semaphore, #tpu.memory_space<semaphore_mem>>)
    %dma_start3A_22 = arith.constant 1 : i32
    %dma_start3A_23 = arith.constant 0 : i32
    %dma_start3A_24 = arith.constant 0 : i32
    %dma_start3A_25 = tpu.memref_slice %arg3[%add3A, %dma_start3A_22, %dma_start3A_23, %dma_start3A_24] : memref<32x250x2x40xi32, #tpu.memory_space<hbm>> -> memref<1x1x2x40xi32, #tpu.memory_space<hbm>>
    %dma_start3A_26 = tpu.memref_squeeze %dma_start3A_25 : memref<1x1x2x40xi32, #tpu.memory_space<hbm>> -> memref<2x40xi32, #tpu.memory_space<hbm>>
    %dma_start3A_27 = arith.constant 0 : i32
    %dma_start3A_28 = arith.constant 0 : i32
    %dma_start3A_29 = tpu.memref_slice %arg3[%add3A, %dma_start3A_22, %dma_start3A_27, %dma_start3A_28] : memref<32x250x2x40xi32, #tpu.memory_space<hbm>> -> memref<1x1x2x40xi32, #tpu.memory_space<hbm>>
    %dma_start3A_30 = tpu.memref_squeeze %dma_start3A_29 : memref<1x1x2x40xi32, #tpu.memory_space<hbm>> -> memref<2x40xi32, #tpu.memory_space<hbm>>
    tpu.enqueue_dma source(%dma_start3A_30 : memref<2x40xi32, #tpu.memory_space<hbm>>) target(%arg8 : memref<2x40xi32, #tpu.memory_space<vmem>>) target_semaphore(%arg21 : memref<!tpu.dma_semaphore, #tpu.memory_space<semaphore_mem>>)
    %dma_start3A_31 = arith.constant 1 : i32
    %dma_start3A_32 = arith.constant 0 : i32
    %dma_start3A_33 = arith.constant 0 : i32
    %dma_start3A_34 = tpu.memref_slice %arg4[%add3A, %dma_start3A_31, %dma_start3A_32, %dma_start3A_33] : memref<32x250x40x16xf32, #tpu.memory_space<hbm>> -> memref<1x1x40x16xf32, #tpu.memory_space<hbm>>
    %dma_start3A_35 = tpu.memref_squeeze %dma_start3A_34 : memref<1x1x40x16xf32, #tpu.memory_space<hbm>> -> memref<40x16xf32, #tpu.memory_space<hbm>>
    %dma_start3A_36 = arith.constant 0 : i32
    %dma_start3A_37 = arith.constant 0 : i32
    %dma_start3A_38 = tpu.memref_slice %arg4[%add3A, %dma_start3A_31, %dma_start3A_36, %dma_start3A_37] : memref<32x250x40x16xf32, #tpu.memory_space<hbm>> -> memref<1x1x40x16xf32, #tpu.memory_space<hbm>>
    %dma_start3A_39 = tpu.memref_squeeze %dma_start3A_38 : memref<1x1x40x16xf32, #tpu.memory_space<hbm>> -> memref<40x16xf32, #tpu.memory_space<hbm>>
    tpu.enqueue_dma source(%dma_start3A_39 : memref<40x16xf32, #tpu.memory_space<hbm>>) target(%arg12 : memref<40x16xf32, #tpu.memory_space<vmem>>) target_semaphore(%arg21 : memref<!tpu.dma_semaphore, #tpu.memory_space<semaphore_mem>>)
    %dma_wait3A = arith.constant 0 : i32
    %dma_wait3A_40 = arith.constant 0 : i32
    %dma_wait3A_41 = arith.constant 0 : i32
    %dma_wait3A_42 = tpu.memref_slice %arg3[%add3A, %dma_wait3A, %dma_wait3A_40, %dma_wait3A_41] : memref<32x250x2x40xi32, #tpu.memory_space<hbm>> -> memref<1x1x2x40xi32, #tpu.memory_space<hbm>>
    %dma_wait3A_43 = tpu.memref_squeeze %dma_wait3A_42 : memref<1x1x2x40xi32, #tpu.memory_space<hbm>> -> memref<2x40xi32, #tpu.memory_space<hbm>>
    %dma_wait3A_44 = arith.constant 0 : i32
    %dma_wait3A_45 = arith.constant 0 : i32
    %dma_wait3A_46 = tpu.memref_slice %arg3[%add3A, %dma_wait3A, %dma_wait3A_44, %dma_wait3A_45] : memref<32x250x2x40xi32, #tpu.memory_space<hbm>> -> memref<1x1x2x40xi32, #tpu.memory_space<hbm>>
    %dma_wait3A_47 = tpu.memref_squeeze %dma_wait3A_46 : memref<1x1x2x40xi32, #tpu.memory_space<hbm>> -> memref<2x40xi32, #tpu.memory_space<hbm>>
    tpu.wait_dma2 semaphore(%arg20 : memref<!tpu.dma_semaphore, #tpu.memory_space<semaphore_mem>>) src(%dma_wait3A_47 : memref<2x40xi32, #tpu.memory_space<hbm>>) dst(%arg7 : memref<2x40xi32, #tpu.memory_space<vmem>>)
    %dma_wait3A_48 = arith.constant 0 : i32
    %dma_wait3A_49 = arith.constant 0 : i32
    %dma_wait3A_50 = arith.constant 0 : i32
    %dma_wait3A_51 = tpu.memref_slice %arg4[%add3A, %dma_wait3A_48, %dma_wait3A_49, %dma_wait3A_50] : memref<32x250x40x16xf32, #tpu.memory_space<hbm>> -> memref<1x1x40x16xf32, #tpu.memory_space<hbm>>
    %dma_wait3A_52 = tpu.memref_squeeze %dma_wait3A_51 : memref<1x1x40x16xf32, #tpu.memory_space<hbm>> -> memref<40x16xf32, #tpu.memory_space<hbm>>
    %dma_wait3A_53 = arith.constant 0 : i32
    %dma_wait3A_54 = arith.constant 0 : i32
    %dma_wait3A_55 = tpu.memref_slice %arg4[%add3A, %dma_wait3A_48, %dma_wait3A_53, %dma_wait3A_54] : memref<32x250x40x16xf32, #tpu.memory_space<hbm>> -> memref<1x1x40x16xf32, #tpu.memory_space<hbm>>
    %dma_wait3A_56 = tpu.memref_squeeze %dma_wait3A_55 : memref<1x1x40x16xf32, #tpu.memory_space<hbm>> -> memref<40x16xf32, #tpu.memory_space<hbm>>
    tpu.wait_dma2 semaphore(%arg20 : memref<!tpu.dma_semaphore, #tpu.memory_space<semaphore_mem>>) src(%dma_wait3A_56 : memref<40x16xf32, #tpu.memory_space<hbm>>) dst(%arg11 : memref<40x16xf32, #tpu.memory_space<vmem>>)
    %dma_start3A_57 = arith.constant 0 : i32
    %dma_start3A_58 = arith.constant 0 : i32
    %dma_start3A_59 = tpu.memref_slice %arg7[%dma_start3A_57, %dma_start3A_58] : memref<2x40xi32, #tpu.memory_space<vmem>> -> memref<1x40xi32, #tpu.memory_space<vmem>>
    %dma_start3A_60 = tpu.memref_squeeze %dma_start3A_59 : memref<1x40xi32, #tpu.memory_space<vmem>> -> memref<40xi32, #tpu.memory_space<vmem>>
    %dma_start3A_61 = arith.constant 0 : i32
    %dma_start3A_62 = arith.constant 0 : i32
    %dma_start3A_63 = tpu.memref_slice %arg2[%dma_start3A_61, %dma_start3A_62] : memref<10000x128xf32, #tpu.memory_space<hbm>> -> memref<10000x128xf32, #tpu.memory_space<hbm>>
    tpu.enqueue_indirect_dma source(%dma_start3A_63 : memref<10000x128xf32, #tpu.memory_space<hbm>>) target(%arg15 : memref<40x128xf32, #tpu.memory_space<vmem>>) offsets(%dma_start3A_60 : memref<40xi32, #tpu.memory_space<vmem>>) semaphore(%arg24 : memref<!tpu.dma_semaphore, #tpu.memory_space<semaphore_mem>>)
    %dma_wait3A_64 = arith.constant 0 : i32
    %dma_wait3A_65 = tpu.memref_slice %arg19[%mul3A_2, %dma_wait3A_64] : memref<10000x128xf32, #tpu.memory_space<vmem_shared>> -> memref<625x128xf32, #tpu.memory_space<vmem_shared>>
    tpu.wait_dma2 semaphore(%arg28 : memref<!tpu.dma_semaphore, #tpu.memory_space<semaphore_mem>>) src(%arg5 : memref<625x128xf32, #tpu.memory_space<hbm>>) dst(%dma_wait3A_65 : memref<625x128xf32, #tpu.memory_space<vmem_shared>>)
    %barrier3A = arith.constant 0 : index
    tpu.barrier barrier_id(%barrier3A)
    %scan3A = arith.constant 0 : i32
    %scan3A_66 = arith.constant 0 : i32
    %scan3A_67 = arith.constant 64 : i32
    %scan3A_68 = arith.addi %scan3A_66, %scan3A_67 : i32
    %scan3A_69 = arith.constant 1 : i32
    scf.for %scan3A_74 = %scan3A_66 to %scan3A_68 step %scan3A_69  : i32 {
      %mul3A_75 = arith.constant 4 : i32
      %mul3A_76 = arith.muli %scan3A_74, %mul3A_75 : i32
      %add3A_77 = arith.constant 0 : i32
      %add3A_78 = arith.addi %mul3A_76, %add3A_77 : i32
      %ge3A = arith.constant 3 : i32
      %ge3A_79 = arith.cmpi sge, %add3A_78, %ge3A : i32
      %sub3A = arith.constant 3 : i32
      %sub3A_80 = arith.subi %add3A_78, %sub3A : i32
      %lt3A = arith.constant 250 : i32
      %lt3A_81 = arith.cmpi slt, %sub3A_80, %lt3A : i32
      %and3A = arith.andi %ge3A_79, %lt3A_81 : i1
      %convert_element_type3A = arith.extui %and3A : i1 to i32
      %cond3A = arith.constant 0 : i32
      %cond3A_82 = arith.cmpi ne, %convert_element_type3A, %cond3A : i32
      scf.if %cond3A_82 {
        %dma_wait3A_201 = arith.constant 1 : i32
        %dma_wait3A_202 = arith.constant 0 : i32
        %dma_wait3A_203 = tpu.memref_slice %arg8[%dma_wait3A_201, %dma_wait3A_202] : memref<2x40xi32, #tpu.memory_space<vmem>> -> memref<1x40xi32, #tpu.memory_space<vmem>>
        %dma_wait3A_204 = tpu.memref_squeeze %dma_wait3A_203 : memref<1x40xi32, #tpu.memory_space<vmem>> -> memref<40xi32, #tpu.memory_space<vmem>>
        %dma_wait3A_205 = arith.constant 0 : i32
        %dma_wait3A_206 = arith.constant 0 : i32
        %dma_wait3A_207 = tpu.memref_slice %arg19[%dma_wait3A_205, %dma_wait3A_206] : memref<10000x128xf32, #tpu.memory_space<vmem_shared>> -> memref<10000x128xf32, #tpu.memory_space<vmem_shared>>
        tpu.wait_indirect_dma semaphore(%arg29 : memref<!tpu.dma_semaphore, #tpu.memory_space<semaphore_mem>>) src(%arg16 : memref<40x128xf32, #tpu.memory_space<vmem>>) dst(%dma_wait3A_207 : memref<10000x128xf32, #tpu.memory_space<vmem_shared>>)
      } else {
      }
      %add3A_83 = arith.constant 2 : i32
      %add3A_84 = arith.addi %add3A_78, %add3A_83 : i32
      %lt3A_85 = arith.constant 250 : i32
      %lt3A_86 = arith.cmpi slt, %add3A_84, %lt3A_85 : i32
      %convert_element_type3A_87 = arith.extui %lt3A_86 : i1 to i32
      %cond3A_88 = arith.constant 0 : i32
      %cond3A_89 = arith.cmpi ne, %convert_element_type3A_87, %cond3A_88 : i32
      scf.if %cond3A_89 {
        %add3A_201 = arith.constant 2 : i32
        %add3A_202 = arith.addi %add3A_78, %add3A_201 : i32
        %dma_start3A_203 = arith.constant 0 : i32
        %dma_start3A_204 = arith.constant 0 : i32
        %dma_start3A_205 = tpu.memref_slice %arg3[%add3A, %add3A_202, %dma_start3A_203, %dma_start3A_204] : memref<32x250x2x40xi32, #tpu.memory_space<hbm>> -> memref<1x1x2x40xi32, #tpu.memory_space<hbm>>
        %dma_start3A_206 = tpu.memref_squeeze %dma_start3A_205 : memref<1x1x2x40xi32, #tpu.memory_space<hbm>> -> memref<2x40xi32, #tpu.memory_space<hbm>>
        %dma_start3A_207 = arith.constant 0 : i32
        %dma_start3A_208 = arith.constant 0 : i32
        %dma_start3A_209 = tpu.memref_slice %arg3[%add3A, %add3A_202, %dma_start3A_207, %dma_start3A_208] : memref<32x250x2x40xi32, #tpu.memory_space<hbm>> -> memref<1x1x2x40xi32, #tpu.memory_space<hbm>>
        %dma_start3A_210 = tpu.memref_squeeze %dma_start3A_209 : memref<1x1x2x40xi32, #tpu.memory_space<hbm>> -> memref<2x40xi32, #tpu.memory_space<hbm>>
        tpu.enqueue_dma source(%dma_start3A_210 : memref<2x40xi32, #tpu.memory_space<hbm>>) target(%arg9 : memref<2x40xi32, #tpu.memory_space<vmem>>) target_semaphore(%arg22 : memref<!tpu.dma_semaphore, #tpu.memory_space<semaphore_mem>>)
        %dma_start3A_211 = arith.constant 0 : i32
        %dma_start3A_212 = arith.constant 0 : i32
        %dma_start3A_213 = tpu.memref_slice %arg4[%add3A, %add3A_202, %dma_start3A_211, %dma_start3A_212] : memref<32x250x40x16xf32, #tpu.memory_space<hbm>> -> memref<1x1x40x16xf32, #tpu.memory_space<hbm>>
        %dma_start3A_214 = tpu.memref_squeeze %dma_start3A_213 : memref<1x1x40x16xf32, #tpu.memory_space<hbm>> -> memref<40x16xf32, #tpu.memory_space<hbm>>
        %dma_start3A_215 = arith.constant 0 : i32
        %dma_start3A_216 = arith.constant 0 : i32
        %dma_start3A_217 = tpu.memref_slice %arg4[%add3A, %add3A_202, %dma_start3A_215, %dma_start3A_216] : memref<32x250x40x16xf32, #tpu.memory_space<hbm>> -> memref<1x1x40x16xf32, #tpu.memory_space<hbm>>
        %dma_start3A_218 = tpu.memref_squeeze %dma_start3A_217 : memref<1x1x40x16xf32, #tpu.memory_space<hbm>> -> memref<40x16xf32, #tpu.memory_space<hbm>>
        tpu.enqueue_dma source(%dma_start3A_218 : memref<40x16xf32, #tpu.memory_space<hbm>>) target(%arg13 : memref<40x16xf32, #tpu.memory_space<vmem>>) target_semaphore(%arg22 : memref<!tpu.dma_semaphore, #tpu.memory_space<semaphore_mem>>)
      } else {
      }
      %add3A_90 = arith.constant 1 : i32
      %add3A_91 = arith.addi %add3A_78, %add3A_90 : i32
      %lt3A_92 = arith.constant 250 : i32
      %lt3A_93 = arith.cmpi slt, %add3A_91, %lt3A_92 : i32
      %convert_element_type3A_94 = arith.extui %lt3A_93 : i1 to i32
      %cond3A_95 = arith.constant 0 : i32
      %cond3A_96 = arith.cmpi ne, %convert_element_type3A_94, %cond3A_95 : i32
      scf.if %cond3A_96 {
        %add3A_201 = arith.constant 1 : i32
        %add3A_202 = arith.addi %add3A_78, %add3A_201 : i32
        %dma_wait3A_203 = arith.constant 0 : i32
        %dma_wait3A_204 = arith.constant 0 : i32
        %dma_wait3A_205 = tpu.memref_slice %arg3[%add3A, %add3A_202, %dma_wait3A_203, %dma_wait3A_204] : memref<32x250x2x40xi32, #tpu.memory_space<hbm>> -> memref<1x1x2x40xi32, #tpu.memory_space<hbm>>
        %dma_wait3A_206 = tpu.memref_squeeze %dma_wait3A_205 : memref<1x1x2x40xi32, #tpu.memory_space<hbm>> -> memref<2x40xi32, #tpu.memory_space<hbm>>
        %dma_wait3A_207 = arith.constant 0 : i32
        %dma_wait3A_208 = arith.constant 0 : i32
        %dma_wait3A_209 = tpu.memref_slice %arg3[%add3A, %add3A_202, %dma_wait3A_207, %dma_wait3A_208] : memref<32x250x2x40xi32, #tpu.memory_space<hbm>> -> memref<1x1x2x40xi32, #tpu.memory_space<hbm>>
        %dma_wait3A_210 = tpu.memref_squeeze %dma_wait3A_209 : memref<1x1x2x40xi32, #tpu.memory_space<hbm>> -> memref<2x40xi32, #tpu.memory_space<hbm>>
        tpu.wait_dma2 semaphore(%arg21 : memref<!tpu.dma_semaphore, #tpu.memory_space<semaphore_mem>>) src(%dma_wait3A_210 : memref<2x40xi32, #tpu.memory_space<hbm>>) dst(%arg8 : memref<2x40xi32, #tpu.memory_space<vmem>>)
        %dma_wait3A_211 = arith.constant 0 : i32
        %dma_wait3A_212 = arith.constant 0 : i32
        %dma_wait3A_213 = tpu.memref_slice %arg4[%add3A, %add3A_202, %dma_wait3A_211, %dma_wait3A_212] : memref<32x250x40x16xf32, #tpu.memory_space<hbm>> -> memref<1x1x40x16xf32, #tpu.memory_space<hbm>>
        %dma_wait3A_214 = tpu.memref_squeeze %dma_wait3A_213 : memref<1x1x40x16xf32, #tpu.memory_space<hbm>> -> memref<40x16xf32, #tpu.memory_space<hbm>>
        %dma_wait3A_215 = arith.constant 0 : i32
        %dma_wait3A_216 = arith.constant 0 : i32
        %dma_wait3A_217 = tpu.memref_slice %arg4[%add3A, %add3A_202, %dma_wait3A_215, %dma_wait3A_216] : memref<32x250x40x16xf32, #tpu.memory_space<hbm>> -> memref<1x1x40x16xf32, #tpu.memory_space<hbm>>
        %dma_wait3A_218 = tpu.memref_squeeze %dma_wait3A_217 : memref<1x1x40x16xf32, #tpu.memory_space<hbm>> -> memref<40x16xf32, #tpu.memory_space<hbm>>
        tpu.wait_dma2 semaphore(%arg21 : memref<!tpu.dma_semaphore, #tpu.memory_space<semaphore_mem>>) src(%dma_wait3A_218 : memref<40x16xf32, #tpu.memory_space<hbm>>) dst(%arg12 : memref<40x16xf32, #tpu.memory_space<vmem>>)
        %dma_start3A_219 = arith.constant 0 : i32
        %dma_start3A_220 = arith.constant 0 : i32
        %dma_start3A_221 = tpu.memref_slice %arg8[%dma_start3A_219, %dma_start3A_220] : memref<2x40xi32, #tpu.memory_space<vmem>> -> memref<1x40xi32, #tpu.memory_space<vmem>>
        %dma_start3A_222 = tpu.memref_squeeze %dma_start3A_221 : memref<1x40xi32, #tpu.memory_space<vmem>> -> memref<40xi32, #tpu.memory_space<vmem>>
        %dma_start3A_223 = arith.constant 0 : i32
        %dma_start3A_224 = arith.constant 0 : i32
        %dma_start3A_225 = tpu.memref_slice %arg2[%dma_start3A_223, %dma_start3A_224] : memref<10000x128xf32, #tpu.memory_space<hbm>> -> memref<10000x128xf32, #tpu.memory_space<hbm>>
        tpu.enqueue_indirect_dma source(%dma_start3A_225 : memref<10000x128xf32, #tpu.memory_space<hbm>>) target(%arg16 : memref<40x128xf32, #tpu.memory_space<vmem>>) offsets(%dma_start3A_222 : memref<40xi32, #tpu.memory_space<vmem>>) semaphore(%arg25 : memref<!tpu.dma_semaphore, #tpu.memory_space<semaphore_mem>>)
      } else {
      }
      %lt3A_97 = arith.constant 250 : i32
      %lt3A_98 = arith.cmpi slt, %add3A_78, %lt3A_97 : i32
      %convert_element_type3A_99 = arith.extui %lt3A_98 : i1 to i32
      %cond3A_100 = arith.constant 0 : i32
      %cond3A_101 = arith.cmpi ne, %convert_element_type3A_99, %cond3A_100 : i32
      scf.if %cond3A_101 {
        %dma_wait3A_201 = arith.constant 0 : i32
        %dma_wait3A_202 = arith.constant 0 : i32
        %dma_wait3A_203 = tpu.memref_slice %arg7[%dma_wait3A_201, %dma_wait3A_202] : memref<2x40xi32, #tpu.memory_space<vmem>> -> memref<1x40xi32, #tpu.memory_space<vmem>>
        %dma_wait3A_204 = tpu.memref_squeeze %dma_wait3A_203 : memref<1x40xi32, #tpu.memory_space<vmem>> -> memref<40xi32, #tpu.memory_space<vmem>>
        %dma_wait3A_205 = arith.constant 0 : i32
        %dma_wait3A_206 = arith.constant 0 : i32
        %dma_wait3A_207 = tpu.memref_slice %arg2[%dma_wait3A_205, %dma_wait3A_206] : memref<10000x128xf32, #tpu.memory_space<hbm>> -> memref<10000x128xf32, #tpu.memory_space<hbm>>
        tpu.wait_indirect_dma semaphore(%arg24 : memref<!tpu.dma_semaphore, #tpu.memory_space<semaphore_mem>>) src(%dma_wait3A_207 : memref<10000x128xf32, #tpu.memory_space<hbm>>) dst(%arg15 : memref<40x128xf32, #tpu.memory_space<vmem>>)
        %parallel_loop3A = arith.constant 0 : i32
        %parallel_loop3A_208 = arith.constant 40 : i32
        %parallel_loop3A_209 = arith.constant 1 : i32
        scf.for %parallel_loop3A_217 = %parallel_loop3A to %parallel_loop3A_208 step %parallel_loop3A_209  : i32 {
          %parallel_loop3A_218 = arith.index_cast %parallel_loop3A_217 : i32 to index
          %parallel_loop3A_219 = arith.constant 0 : index
          %parallel_loop3A_220 = tpu.vector_load %arg11[%parallel_loop3A_218, %parallel_loop3A_219] {strides = array<i32>} : memref<40x16xf32, #tpu.memory_space<vmem>>, vector<1x16xf32>,
          %parallel_loop3A_221 = vector.shape_cast %parallel_loop3A_220 : vector<1x16xf32> to vector<16xf32>
          %parallel_loop3A_222 = arith.index_cast %parallel_loop3A_217 : i32 to index
          %parallel_loop3A_223 = arith.constant 0 : index
          %parallel_loop3A_224 = tpu.vector_load %arg15[%parallel_loop3A_222, %parallel_loop3A_223] {strides = array<i32>} : memref<40x128xf32, #tpu.memory_space<vmem>>, vector<1x16xf32>,
          %parallel_loop3A_225 = vector.shape_cast %parallel_loop3A_224 : vector<1x16xf32> to vector<16xf32>
          %parallel_loop3A_226 = arith.mulf %parallel_loop3A_225, %parallel_loop3A_221 : vector<16xf32>
          %parallel_loop3A_227 = arith.index_cast %parallel_loop3A_217 : i32 to index
          %parallel_loop3A_228 = arith.constant 0 : index
          %parallel_loop3A_229 = tpu.vector_load %arg15[%parallel_loop3A_227, %parallel_loop3A_228] {strides = array<i32>} : memref<40x128xf32, #tpu.memory_space<vmem>>, vector<1x16xf32>,
          %parallel_loop3A_230 = vector.shape_cast %parallel_loop3A_229 : vector<1x16xf32> to vector<16xf32>
          %parallel_loop3A_231 = vector.shape_cast %parallel_loop3A_226 : vector<16xf32> to vector<1x16xf32>
          tpu.vector_store %arg15[%parallel_loop3A_227, %parallel_loop3A_228], %parallel_loop3A_231 {strides = array<i32>} : memref<40x128xf32, #tpu.memory_space<vmem>>, vector<1x16xf32>,
          %parallel_loop3A_232 = arith.index_cast %parallel_loop3A_217 : i32 to index
          %parallel_loop3A_233 = arith.constant 16 : index
          %parallel_loop3A_234 = tpu.vector_load %arg15[%parallel_loop3A_232, %parallel_loop3A_233] {strides = array<i32>} : memref<40x128xf32, #tpu.memory_space<vmem>>, vector<1x16xf32>,
          %parallel_loop3A_235 = vector.shape_cast %parallel_loop3A_234 : vector<1x16xf32> to vector<16xf32>
          %parallel_loop3A_236 = arith.mulf %parallel_loop3A_235, %parallel_loop3A_221 : vector<16xf32>
          %parallel_loop3A_237 = arith.index_cast %parallel_loop3A_217 : i32 to index
          %parallel_loop3A_238 = arith.constant 16 : index
          %parallel_loop3A_239 = tpu.vector_load %arg15[%parallel_loop3A_237, %parallel_loop3A_238] {strides = array<i32>} : memref<40x128xf32, #tpu.memory_space<vmem>>, vector<1x16xf32>,
          %parallel_loop3A_240 = vector.shape_cast %parallel_loop3A_239 : vector<1x16xf32> to vector<16xf32>
          %parallel_loop3A_241 = vector.shape_cast %parallel_loop3A_236 : vector<16xf32> to vector<1x16xf32>
          tpu.vector_store %arg15[%parallel_loop3A_237, %parallel_loop3A_238], %parallel_loop3A_241 {strides = array<i32>} : memref<40x128xf32, #tpu.memory_space<vmem>>, vector<1x16xf32>,
          %parallel_loop3A_242 = arith.index_cast %parallel_loop3A_217 : i32 to index
          %parallel_loop3A_243 = arith.constant 32 : index
          %parallel_loop3A_244 = tpu.vector_load %arg15[%parallel_loop3A_242, %parallel_loop3A_243] {strides = array<i32>} : memref<40x128xf32, #tpu.memory_space<vmem>>, vector<1x16xf32>,
          %parallel_loop3A_245 = vector.shape_cast %parallel_loop3A_244 : vector<1x16xf32> to vector<16xf32>
          %parallel_loop3A_246 = arith.mulf %parallel_loop3A_245, %parallel_loop3A_221 : vector<16xf32>
          %parallel_loop3A_247 = arith.index_cast %parallel_loop3A_217 : i32 to index
          %parallel_loop3A_248 = arith.constant 32 : index
          %parallel_loop3A_249 = tpu.vector_load %arg15[%parallel_loop3A_247, %parallel_loop3A_248] {strides = array<i32>} : memref<40x128xf32, #tpu.memory_space<vmem>>, vector<1x16xf32>,
          %parallel_loop3A_250 = vector.shape_cast %parallel_loop3A_249 : vector<1x16xf32> to vector<16xf32>
          %parallel_loop3A_251 = vector.shape_cast %parallel_loop3A_246 : vector<16xf32> to vector<1x16xf32>
          tpu.vector_store %arg15[%parallel_loop3A_247, %parallel_loop3A_248], %parallel_loop3A_251 {strides = array<i32>} : memref<40x128xf32, #tpu.memory_space<vmem>>, vector<1x16xf32>,
          %parallel_loop3A_252 = arith.index_cast %parallel_loop3A_217 : i32 to index
          %parallel_loop3A_253 = arith.constant 48 : index
          %parallel_loop3A_254 = tpu.vector_load %arg15[%parallel_loop3A_252, %parallel_loop3A_253] {strides = array<i32>} : memref<40x128xf32, #tpu.memory_space<vmem>>, vector<1x16xf32>,
          %parallel_loop3A_255 = vector.shape_cast %parallel_loop3A_254 : vector<1x16xf32> to vector<16xf32>
          %parallel_loop3A_256 = arith.mulf %parallel_loop3A_255, %parallel_loop3A_221 : vector<16xf32>
          %parallel_loop3A_257 = arith.index_cast %parallel_loop3A_217 : i32 to index
          %parallel_loop3A_258 = arith.constant 48 : index
          %parallel_loop3A_259 = tpu.vector_load %arg15[%parallel_loop3A_257, %parallel_loop3A_258] {strides = array<i32>} : memref<40x128xf32, #tpu.memory_space<vmem>>, vector<1x16xf32>,
          %parallel_loop3A_260 = vector.shape_cast %parallel_loop3A_259 : vector<1x16xf32> to vector<16xf32>
          %parallel_loop3A_261 = vector.shape_cast %parallel_loop3A_256 : vector<16xf32> to vector<1x16xf32>
          tpu.vector_store %arg15[%parallel_loop3A_257, %parallel_loop3A_258], %parallel_loop3A_261 {strides = array<i32>} : memref<40x128xf32, #tpu.memory_space<vmem>>, vector<1x16xf32>,
          %parallel_loop3A_262 = arith.index_cast %parallel_loop3A_217 : i32 to index
          %parallel_loop3A_263 = arith.constant 64 : index
          %parallel_loop3A_264 = tpu.vector_load %arg15[%parallel_loop3A_262, %parallel_loop3A_263] {strides = array<i32>} : memref<40x128xf32, #tpu.memory_space<vmem>>, vector<1x16xf32>,
          %parallel_loop3A_265 = vector.shape_cast %parallel_loop3A_264 : vector<1x16xf32> to vector<16xf32>
          %parallel_loop3A_266 = arith.mulf %parallel_loop3A_265, %parallel_loop3A_221 : vector<16xf32>
          %parallel_loop3A_267 = arith.index_cast %parallel_loop3A_217 : i32 to index
          %parallel_loop3A_268 = arith.constant 64 : index
          %parallel_loop3A_269 = tpu.vector_load %arg15[%parallel_loop3A_267, %parallel_loop3A_268] {strides = array<i32>} : memref<40x128xf32, #tpu.memory_space<vmem>>, vector<1x16xf32>,
          %parallel_loop3A_270 = vector.shape_cast %parallel_loop3A_269 : vector<1x16xf32> to vector<16xf32>
          %parallel_loop3A_271 = vector.shape_cast %parallel_loop3A_266 : vector<16xf32> to vector<1x16xf32>
          tpu.vector_store %arg15[%parallel_loop3A_267, %parallel_loop3A_268], %parallel_loop3A_271 {strides = array<i32>} : memref<40x128xf32, #tpu.memory_space<vmem>>, vector<1x16xf32>,
          %parallel_loop3A_272 = arith.index_cast %parallel_loop3A_217 : i32 to index
          %parallel_loop3A_273 = arith.constant 80 : index
          %parallel_loop3A_274 = tpu.vector_load %arg15[%parallel_loop3A_272, %parallel_loop3A_273] {strides = array<i32>} : memref<40x128xf32, #tpu.memory_space<vmem>>, vector<1x16xf32>,
          %parallel_loop3A_275 = vector.shape_cast %parallel_loop3A_274 : vector<1x16xf32> to vector<16xf32>
          %parallel_loop3A_276 = arith.mulf %parallel_loop3A_275, %parallel_loop3A_221 : vector<16xf32>
          %parallel_loop3A_277 = arith.index_cast %parallel_loop3A_217 : i32 to index
          %parallel_loop3A_278 = arith.constant 80 : index
          %parallel_loop3A_279 = tpu.vector_load %arg15[%parallel_loop3A_277, %parallel_loop3A_278] {strides = array<i32>} : memref<40x128xf32, #tpu.memory_space<vmem>>, vector<1x16xf32>,
          %parallel_loop3A_280 = vector.shape_cast %parallel_loop3A_279 : vector<1x16xf32> to vector<16xf32>
          %parallel_loop3A_281 = vector.shape_cast %parallel_loop3A_276 : vector<16xf32> to vector<1x16xf32>
          tpu.vector_store %arg15[%parallel_loop3A_277, %parallel_loop3A_278], %parallel_loop3A_281 {strides = array<i32>} : memref<40x128xf32, #tpu.memory_space<vmem>>, vector<1x16xf32>,
          %parallel_loop3A_282 = arith.index_cast %parallel_loop3A_217 : i32 to index
          %parallel_loop3A_283 = arith.constant 96 : index
          %parallel_loop3A_284 = tpu.vector_load %arg15[%parallel_loop3A_282, %parallel_loop3A_283] {strides = array<i32>} : memref<40x128xf32, #tpu.memory_space<vmem>>, vector<1x16xf32>,
          %parallel_loop3A_285 = vector.shape_cast %parallel_loop3A_284 : vector<1x16xf32> to vector<16xf32>
          %parallel_loop3A_286 = arith.mulf %parallel_loop3A_285, %parallel_loop3A_221 : vector<16xf32>
          %parallel_loop3A_287 = arith.index_cast %parallel_loop3A_217 : i32 to index
          %parallel_loop3A_288 = arith.constant 96 : index
          %parallel_loop3A_289 = tpu.vector_load %arg15[%parallel_loop3A_287, %parallel_loop3A_288] {strides = array<i32>} : memref<40x128xf32, #tpu.memory_space<vmem>>, vector<1x16xf32>,
          %parallel_loop3A_290 = vector.shape_cast %parallel_loop3A_289 : vector<1x16xf32> to vector<16xf32>
          %parallel_loop3A_291 = vector.shape_cast %parallel_loop3A_286 : vector<16xf32> to vector<1x16xf32>
          tpu.vector_store %arg15[%parallel_loop3A_287, %parallel_loop3A_288], %parallel_loop3A_291 {strides = array<i32>} : memref<40x128xf32, #tpu.memory_space<vmem>>, vector<1x16xf32>,
          %parallel_loop3A_292 = arith.index_cast %parallel_loop3A_217 : i32 to index
          %parallel_loop3A_293 = arith.constant 112 : index
          %parallel_loop3A_294 = tpu.vector_load %arg15[%parallel_loop3A_292, %parallel_loop3A_293] {strides = array<i32>} : memref<40x128xf32, #tpu.memory_space<vmem>>, vector<1x16xf32>,
          %parallel_loop3A_295 = vector.shape_cast %parallel_loop3A_294 : vector<1x16xf32> to vector<16xf32>
          %parallel_loop3A_296 = arith.mulf %parallel_loop3A_295, %parallel_loop3A_221 : vector<16xf32>
          %parallel_loop3A_297 = arith.index_cast %parallel_loop3A_217 : i32 to index
          %parallel_loop3A_298 = arith.constant 112 : index
          %parallel_loop3A_299 = tpu.vector_load %arg15[%parallel_loop3A_297, %parallel_loop3A_298] {strides = array<i32>} : memref<40x128xf32, #tpu.memory_space<vmem>>, vector<1x16xf32>,
          %parallel_loop3A_300 = vector.shape_cast %parallel_loop3A_299 : vector<1x16xf32> to vector<16xf32>
          %parallel_loop3A_301 = vector.shape_cast %parallel_loop3A_296 : vector<16xf32> to vector<1x16xf32>
          tpu.vector_store %arg15[%parallel_loop3A_297, %parallel_loop3A_298], %parallel_loop3A_301 {strides = array<i32>} : memref<40x128xf32, #tpu.memory_space<vmem>>, vector<1x16xf32>,
        } {sc.loop_unroll_factor = 4 : i64, sc.parallel_access}
        %dma_start3A_210 = arith.constant 1 : i32
        %dma_start3A_211 = arith.constant 0 : i32
        %dma_start3A_212 = tpu.memref_slice %arg7[%dma_start3A_210, %dma_start3A_211] : memref<2x40xi32, #tpu.memory_space<vmem>> -> memref<1x40xi32, #tpu.memory_space<vmem>>
        %dma_start3A_213 = tpu.memref_squeeze %dma_start3A_212 : memref<1x40xi32, #tpu.memory_space<vmem>> -> memref<40xi32, #tpu.memory_space<vmem>>
        %dma_start3A_214 = arith.constant 0 : i32
        %dma_start3A_215 = arith.constant 0 : i32
        %dma_start3A_216 = tpu.memref_slice %arg19[%dma_start3A_214, %dma_start3A_215] : memref<10000x128xf32, #tpu.memory_space<vmem_shared>> -> memref<10000x128xf32, #tpu.memory_space<vmem_shared>>
        tpu.enqueue_indirect_dma source(%arg15 : memref<40x128xf32, #tpu.memory_space<vmem>>) target(%dma_start3A_216 : memref<10000x128xf32, #tpu.memory_space<vmem_shared>>) offsets(%dma_start3A_213 : memref<40xi32, #tpu.memory_space<vmem>>) semaphore(%arg28 : memref<!tpu.dma_semaphore, #tpu.memory_space<semaphore_mem>>) {add = true}
      } else {
      }
      %mul3A_102 = arith.constant 4 : i32
      %mul3A_103 = arith.muli %scan3A_74, %mul3A_102 : i32
      %add3A_104 = arith.constant 1 : i32
      %add3A_105 = arith.addi %mul3A_103, %add3A_104 : i32
      %ge3A_106 = arith.constant 3 : i32
      %ge3A_107 = arith.cmpi sge, %add3A_105, %ge3A_106 : i32
      %sub3A_108 = arith.constant 3 : i32
      %sub3A_109 = arith.subi %add3A_105, %sub3A_108 : i32
      %lt3A_110 = arith.constant 250 : i32
      %lt3A_111 = arith.cmpi slt, %sub3A_109, %lt3A_110 : i32
      %and3A_112 = arith.andi %ge3A_107, %lt3A_111 : i1
      %convert_element_type3A_113 = arith.extui %and3A_112 : i1 to i32
      %cond3A_114 = arith.constant 0 : i32
      %cond3A_115 = arith.cmpi ne, %convert_element_type3A_113, %cond3A_114 : i32
      scf.if %cond3A_115 {
        %dma_wait3A_201 = arith.constant 1 : i32
        %dma_wait3A_202 = arith.constant 0 : i32
        %dma_wait3A_203 = tpu.memref_slice %arg9[%dma_wait3A_201, %dma_wait3A_202] : memref<2x40xi32, #tpu.memory_space<vmem>> -> memref<1x40xi32, #tpu.memory_space<vmem>>
        %dma_wait3A_204 = tpu.memref_squeeze %dma_wait3A_203 : memref<1x40xi32, #tpu.memory_space<vmem>> -> memref<40xi32, #tpu.memory_space<vmem>>
        %dma_wait3A_205 = arith.constant 0 : i32
        %dma_wait3A_206 = arith.constant 0 : i32
        %dma_wait3A_207 = tpu.memref_slice %arg19[%dma_wait3A_205, %dma_wait3A_206] : memref<10000x128xf32, #tpu.memory_space<vmem_shared>> -> memref<10000x128xf32, #tpu.memory_space<vmem_shared>>
        tpu.wait_indirect_dma semaphore(%arg30 : memref<!tpu.dma_semaphore, #tpu.memory_space<semaphore_mem>>) src(%arg17 : memref<40x128xf32, #tpu.memory_space<vmem>>) dst(%dma_wait3A_207 : memref<10000x128xf32, #tpu.memory_space<vmem_shared>>)
      } else {
      }
      %add3A_116 = arith.constant 2 : i32
      %add3A_117 = arith.addi %add3A_105, %add3A_116 : i32
      %lt3A_118 = arith.constant 250 : i32
      %lt3A_119 = arith.cmpi slt, %add3A_117, %lt3A_118 : i32
      %convert_element_type3A_120 = arith.extui %lt3A_119 : i1 to i32
      %cond3A_121 = arith.constant 0 : i32
      %cond3A_122 = arith.cmpi ne, %convert_element_type3A_120, %cond3A_121 : i32
      scf.if %cond3A_122 {
        %add3A_201 = arith.constant 2 : i32
        %add3A_202 = arith.addi %add3A_105, %add3A_201 : i32
        %dma_start3A_203 = arith.constant 0 : i32
        %dma_start3A_204 = arith.constant 0 : i32
        %dma_start3A_205 = tpu.memref_slice %arg3[%add3A, %add3A_202, %dma_start3A_203, %dma_start3A_204] : memref<32x250x2x40xi32, #tpu.memory_space<hbm>> -> memref<1x1x2x40xi32, #tpu.memory_space<hbm>>
        %dma_start3A_206 = tpu.memref_squeeze %dma_start3A_205 : memref<1x1x2x40xi32, #tpu.memory_space<hbm>> -> memref<2x40xi32, #tpu.memory_space<hbm>>
        %dma_start3A_207 = arith.constant 0 : i32
        %dma_start3A_208 = arith.constant 0 : i32
        %dma_start3A_209 = tpu.memref_slice %arg3[%add3A, %add3A_202, %dma_start3A_207, %dma_start3A_208] : memref<32x250x2x40xi32, #tpu.memory_space<hbm>> -> memref<1x1x2x40xi32, #tpu.memory_space<hbm>>
        %dma_start3A_210 = tpu.memref_squeeze %dma_start3A_209 : memref<1x1x2x40xi32, #tpu.memory_space<hbm>> -> memref<2x40xi32, #tpu.memory_space<hbm>>
        tpu.enqueue_dma source(%dma_start3A_210 : memref<2x40xi32, #tpu.memory_space<hbm>>) target(%arg10 : memref<2x40xi32, #tpu.memory_space<vmem>>) target_semaphore(%arg23 : memref<!tpu.dma_semaphore, #tpu.memory_space<semaphore_mem>>)
        %dma_start3A_211 = arith.constant 0 : i32
        %dma_start3A_212 = arith.constant 0 : i32
        %dma_start3A_213 = tpu.memref_slice %arg4[%add3A, %add3A_202, %dma_start3A_211, %dma_start3A_212] : memref<32x250x40x16xf32, #tpu.memory_space<hbm>> -> memref<1x1x40x16xf32, #tpu.memory_space<hbm>>
        %dma_start3A_214 = tpu.memref_squeeze %dma_start3A_213 : memref<1x1x40x16xf32, #tpu.memory_space<hbm>> -> memref<40x16xf32, #tpu.memory_space<hbm>>
        %dma_start3A_215 = arith.constant 0 : i32
        %dma_start3A_216 = arith.constant 0 : i32
        %dma_start3A_217 = tpu.memref_slice %arg4[%add3A, %add3A_202, %dma_start3A_215, %dma_start3A_216] : memref<32x250x40x16xf32, #tpu.memory_space<hbm>> -> memref<1x1x40x16xf32, #tpu.memory_space<hbm>>
        %dma_start3A_218 = tpu.memref_squeeze %dma_start3A_217 : memref<1x1x40x16xf32, #tpu.memory_space<hbm>> -> memref<40x16xf32, #tpu.memory_space<hbm>>
        tpu.enqueue_dma source(%dma_start3A_218 : memref<40x16xf32, #tpu.memory_space<hbm>>) target(%arg14 : memref<40x16xf32, #tpu.memory_space<vmem>>) target_semaphore(%arg23 : memref<!tpu.dma_semaphore, #tpu.memory_space<semaphore_mem>>)
      } else {
      }
      %add3A_123 = arith.constant 1 : i32
      %add3A_124 = arith.addi %add3A_105, %add3A_123 : i32
      %lt3A_125 = arith.constant 250 : i32
      %lt3A_126 = arith.cmpi slt, %add3A_124, %lt3A_125 : i32
      %convert_element_type3A_127 = arith.extui %lt3A_126 : i1 to i32
      %cond3A_128 = arith.constant 0 : i32
      %cond3A_129 = arith.cmpi ne, %convert_element_type3A_127, %cond3A_128 : i32
      scf.if %cond3A_129 {
        %add3A_201 = arith.constant 1 : i32
        %add3A_202 = arith.addi %add3A_105, %add3A_201 : i32
        %dma_wait3A_203 = arith.constant 0 : i32
        %dma_wait3A_204 = arith.constant 0 : i32
        %dma_wait3A_205 = tpu.memref_slice %arg3[%add3A, %add3A_202, %dma_wait3A_203, %dma_wait3A_204] : memref<32x250x2x40xi32, #tpu.memory_space<hbm>> -> memref<1x1x2x40xi32, #tpu.memory_space<hbm>>
        %dma_wait3A_206 = tpu.memref_squeeze %dma_wait3A_205 : memref<1x1x2x40xi32, #tpu.memory_space<hbm>> -> memref<2x40xi32, #tpu.memory_space<hbm>>
        %dma_wait3A_207 = arith.constant 0 : i32
        %dma_wait3A_208 = arith.constant 0 : i32
        %dma_wait3A_209 = tpu.memref_slice %arg3[%add3A, %add3A_202, %dma_wait3A_207, %dma_wait3A_208] : memref<32x250x2x40xi32, #tpu.memory_space<hbm>> -> memref<1x1x2x40xi32, #tpu.memory_space<hbm>>
        %dma_wait3A_210 = tpu.memref_squeeze %dma_wait3A_209 : memref<1x1x2x40xi32, #tpu.memory_space<hbm>> -> memref<2x40xi32, #tpu.memory_space<hbm>>
        tpu.wait_dma2 semaphore(%arg22 : memref<!tpu.dma_semaphore, #tpu.memory_space<semaphore_mem>>) src(%dma_wait3A_210 : memref<2x40xi32, #tpu.memory_space<hbm>>) dst(%arg9 : memref<2x40xi32, #tpu.memory_space<vmem>>)
        %dma_wait3A_211 = arith.constant 0 : i32
        %dma_wait3A_212 = arith.constant 0 : i32
        %dma_wait3A_213 = tpu.memref_slice %arg4[%add3A, %add3A_202, %dma_wait3A_211, %dma_wait3A_212] : memref<32x250x40x16xf32, #tpu.memory_space<hbm>> -> memref<1x1x40x16xf32, #tpu.memory_space<hbm>>
        %dma_wait3A_214 = tpu.memref_squeeze %dma_wait3A_213 : memref<1x1x40x16xf32, #tpu.memory_space<hbm>> -> memref<40x16xf32, #tpu.memory_space<hbm>>
        %dma_wait3A_215 = arith.constant 0 : i32
        %dma_wait3A_216 = arith.constant 0 : i32
        %dma_wait3A_217 = tpu.memref_slice %arg4[%add3A, %add3A_202, %dma_wait3A_215, %dma_wait3A_216] : memref<32x250x40x16xf32, #tpu.memory_space<hbm>> -> memref<1x1x40x16xf32, #tpu.memory_space<hbm>>
        %dma_wait3A_218 = tpu.memref_squeeze %dma_wait3A_217 : memref<1x1x40x16xf32, #tpu.memory_space<hbm>> -> memref<40x16xf32, #tpu.memory_space<hbm>>
        tpu.wait_dma2 semaphore(%arg22 : memref<!tpu.dma_semaphore, #tpu.memory_space<semaphore_mem>>) src(%dma_wait3A_218 : memref<40x16xf32, #tpu.memory_space<hbm>>) dst(%arg13 : memref<40x16xf32, #tpu.memory_space<vmem>>)
        %dma_start3A_219 = arith.constant 0 : i32
        %dma_start3A_220 = arith.constant 0 : i32
        %dma_start3A_221 = tpu.memref_slice %arg9[%dma_start3A_219, %dma_start3A_220] : memref<2x40xi32, #tpu.memory_space<vmem>> -> memref<1x40xi32, #tpu.memory_space<vmem>>
        %dma_start3A_222 = tpu.memref_squeeze %dma_start3A_221 : memref<1x40xi32, #tpu.memory_space<vmem>> -> memref<40xi32, #tpu.memory_space<vmem>>
        %dma_start3A_223 = arith.constant 0 : i32
        %dma_start3A_224 = arith.constant 0 : i32
        %dma_start3A_225 = tpu.memref_slice %arg2[%dma_start3A_223, %dma_start3A_224] : memref<10000x128xf32, #tpu.memory_space<hbm>> -> memref<10000x128xf32, #tpu.memory_space<hbm>>
        tpu.enqueue_indirect_dma source(%dma_start3A_225 : memref<10000x128xf32, #tpu.memory_space<hbm>>) target(%arg17 : memref<40x128xf32, #tpu.memory_space<vmem>>) offsets(%dma_start3A_222 : memref<40xi32, #tpu.memory_space<vmem>>) semaphore(%arg26 : memref<!tpu.dma_semaphore, #tpu.memory_space<semaphore_mem>>)
      } else {
      }
      %lt3A_130 = arith.constant 250 : i32
      %lt3A_131 = arith.cmpi slt, %add3A_105, %lt3A_130 : i32
      %convert_element_type3A_132 = arith.extui %lt3A_131 : i1 to i32
      %cond3A_133 = arith.constant 0 : i32
      %cond3A_134 = arith.cmpi ne, %convert_element_type3A_132, %cond3A_133 : i32
      scf.if %cond3A_134 {
        %dma_wait3A_201 = arith.constant 0 : i32
        %dma_wait3A_202 = arith.constant 0 : i32
        %dma_wait3A_203 = tpu.memref_slice %arg8[%dma_wait3A_201, %dma_wait3A_202] : memref<2x40xi32, #tpu.memory_space<vmem>> -> memref<1x40xi32, #tpu.memory_space<vmem>>
        %dma_wait3A_204 = tpu.memref_squeeze %dma_wait3A_203 : memref<1x40xi32, #tpu.memory_space<vmem>> -> memref<40xi32, #tpu.memory_space<vmem>>
        %dma_wait3A_205 = arith.constant 0 : i32
        %dma_wait3A_206 = arith.constant 0 : i32
        %dma_wait3A_207 = tpu.memref_slice %arg2[%dma_wait3A_205, %dma_wait3A_206] : memref<10000x128xf32, #tpu.memory_space<hbm>> -> memref<10000x128xf32, #tpu.memory_space<hbm>>
        tpu.wait_indirect_dma semaphore(%arg25 : memref<!tpu.dma_semaphore, #tpu.memory_space<semaphore_mem>>) src(%dma_wait3A_207 : memref<10000x128xf32, #tpu.memory_space<hbm>>) dst(%arg16 : memref<40x128xf32, #tpu.memory_space<vmem>>)
        %parallel_loop3A = arith.constant 0 : i32
        %parallel_loop3A_208 = arith.constant 40 : i32
        %parallel_loop3A_209 = arith.constant 1 : i32
        scf.for %parallel_loop3A_217 = %parallel_loop3A to %parallel_loop3A_208 step %parallel_loop3A_209  : i32 {
          %parallel_loop3A_218 = arith.index_cast %parallel_loop3A_217 : i32 to index
          %parallel_loop3A_219 = arith.constant 0 : index
          %parallel_loop3A_220 = tpu.vector_load %arg12[%parallel_loop3A_218, %parallel_loop3A_219] {strides = array<i32>} : memref<40x16xf32, #tpu.memory_space<vmem>>, vector<1x16xf32>,
          %parallel_loop3A_221 = vector.shape_cast %parallel_loop3A_220 : vector<1x16xf32> to vector<16xf32>
          %parallel_loop3A_222 = arith.index_cast %parallel_loop3A_217 : i32 to index
          %parallel_loop3A_223 = arith.constant 0 : index
          %parallel_loop3A_224 = tpu.vector_load %arg16[%parallel_loop3A_222, %parallel_loop3A_223] {strides = array<i32>} : memref<40x128xf32, #tpu.memory_space<vmem>>, vector<1x16xf32>,
          %parallel_loop3A_225 = vector.shape_cast %parallel_loop3A_224 : vector<1x16xf32> to vector<16xf32>
          %parallel_loop3A_226 = arith.mulf %parallel_loop3A_225, %parallel_loop3A_221 : vector<16xf32>
          %parallel_loop3A_227 = arith.index_cast %parallel_loop3A_217 : i32 to index
          %parallel_loop3A_228 = arith.constant 0 : index
          %parallel_loop3A_229 = tpu.vector_load %arg16[%parallel_loop3A_227, %parallel_loop3A_228] {strides = array<i32>} : memref<40x128xf32, #tpu.memory_space<vmem>>, vector<1x16xf32>,
          %parallel_loop3A_230 = vector.shape_cast %parallel_loop3A_229 : vector<1x16xf32> to vector<16xf32>
          %parallel_loop3A_231 = vector.shape_cast %parallel_loop3A_226 : vector<16xf32> to vector<1x16xf32>
          tpu.vector_store %arg16[%parallel_loop3A_227, %parallel_loop3A_228], %parallel_loop3A_231 {strides = array<i32>} : memref<40x128xf32, #tpu.memory_space<vmem>>, vector<1x16xf32>,
          %parallel_loop3A_232 = arith.index_cast %parallel_loop3A_217 : i32 to index
          %parallel_loop3A_233 = arith.constant 16 : index
          %parallel_loop3A_234 = tpu.vector_load %arg16[%parallel_loop3A_232, %parallel_loop3A_233] {strides = array<i32>} : memref<40x128xf32, #tpu.memory_space<vmem>>, vector<1x16xf32>,
          %parallel_loop3A_235 = vector.shape_cast %parallel_loop3A_234 : vector<1x16xf32> to vector<16xf32>
          %parallel_loop3A_236 = arith.mulf %parallel_loop3A_235, %parallel_loop3A_221 : vector<16xf32>
          %parallel_loop3A_237 = arith.index_cast %parallel_loop3A_217 : i32 to index
          %parallel_loop3A_238 = arith.constant 16 : index
          %parallel_loop3A_239 = tpu.vector_load %arg16[%parallel_loop3A_237, %parallel_loop3A_238] {strides = array<i32>} : memref<40x128xf32, #tpu.memory_space<vmem>>, vector<1x16xf32>,
          %parallel_loop3A_240 = vector.shape_cast %parallel_loop3A_239 : vector<1x16xf32> to vector<16xf32>
          %parallel_loop3A_241 = vector.shape_cast %parallel_loop3A_236 : vector<16xf32> to vector<1x16xf32>
          tpu.vector_store %arg16[%parallel_loop3A_237, %parallel_loop3A_238], %parallel_loop3A_241 {strides = array<i32>} : memref<40x128xf32, #tpu.memory_space<vmem>>, vector<1x16xf32>,
          %parallel_loop3A_242 = arith.index_cast %parallel_loop3A_217 : i32 to index
          %parallel_loop3A_243 = arith.constant 32 : index
          %parallel_loop3A_244 = tpu.vector_load %arg16[%parallel_loop3A_242, %parallel_loop3A_243] {strides = array<i32>} : memref<40x128xf32, #tpu.memory_space<vmem>>, vector<1x16xf32>,
          %parallel_loop3A_245 = vector.shape_cast %parallel_loop3A_244 : vector<1x16xf32> to vector<16xf32>
          %parallel_loop3A_246 = arith.mulf %parallel_loop3A_245, %parallel_loop3A_221 : vector<16xf32>
          %parallel_loop3A_247 = arith.index_cast %parallel_loop3A_217 : i32 to index
          %parallel_loop3A_248 = arith.constant 32 : index
          %parallel_loop3A_249 = tpu.vector_load %arg16[%parallel_loop3A_247, %parallel_loop3A_248] {strides = array<i32>} : memref<40x128xf32, #tpu.memory_space<vmem>>, vector<1x16xf32>,
          %parallel_loop3A_250 = vector.shape_cast %parallel_loop3A_249 : vector<1x16xf32> to vector<16xf32>
          %parallel_loop3A_251 = vector.shape_cast %parallel_loop3A_246 : vector<16xf32> to vector<1x16xf32>
          tpu.vector_store %arg16[%parallel_loop3A_247, %parallel_loop3A_248], %parallel_loop3A_251 {strides = array<i32>} : memref<40x128xf32, #tpu.memory_space<vmem>>, vector<1x16xf32>,
          %parallel_loop3A_252 = arith.index_cast %parallel_loop3A_217 : i32 to index
          %parallel_loop3A_253 = arith.constant 48 : index
          %parallel_loop3A_254 = tpu.vector_load %arg16[%parallel_loop3A_252, %parallel_loop3A_253] {strides = array<i32>} : memref<40x128xf32, #tpu.memory_space<vmem>>, vector<1x16xf32>,
          %parallel_loop3A_255 = vector.shape_cast %parallel_loop3A_254 : vector<1x16xf32> to vector<16xf32>
          %parallel_loop3A_256 = arith.mulf %parallel_loop3A_255, %parallel_loop3A_221 : vector<16xf32>
          %parallel_loop3A_257 = arith.index_cast %parallel_loop3A_217 : i32 to index
          %parallel_loop3A_258 = arith.constant 48 : index
          %parallel_loop3A_259 = tpu.vector_load %arg16[%parallel_loop3A_257, %parallel_loop3A_258] {strides = array<i32>} : memref<40x128xf32, #tpu.memory_space<vmem>>, vector<1x16xf32>,
          %parallel_loop3A_260 = vector.shape_cast %parallel_loop3A_259 : vector<1x16xf32> to vector<16xf32>
          %parallel_loop3A_261 = vector.shape_cast %parallel_loop3A_256 : vector<16xf32> to vector<1x16xf32>
          tpu.vector_store %arg16[%parallel_loop3A_257, %parallel_loop3A_258], %parallel_loop3A_261 {strides = array<i32>} : memref<40x128xf32, #tpu.memory_space<vmem>>, vector<1x16xf32>,
          %parallel_loop3A_262 = arith.index_cast %parallel_loop3A_217 : i32 to index
          %parallel_loop3A_263 = arith.constant 64 : index
          %parallel_loop3A_264 = tpu.vector_load %arg16[%parallel_loop3A_262, %parallel_loop3A_263] {strides = array<i32>} : memref<40x128xf32, #tpu.memory_space<vmem>>, vector<1x16xf32>,
          %parallel_loop3A_265 = vector.shape_cast %parallel_loop3A_264 : vector<1x16xf32> to vector<16xf32>
          %parallel_loop3A_266 = arith.mulf %parallel_loop3A_265, %parallel_loop3A_221 : vector<16xf32>
          %parallel_loop3A_267 = arith.index_cast %parallel_loop3A_217 : i32 to index
          %parallel_loop3A_268 = arith.constant 64 : index
          %parallel_loop3A_269 = tpu.vector_load %arg16[%parallel_loop3A_267, %parallel_loop3A_268] {strides = array<i32>} : memref<40x128xf32, #tpu.memory_space<vmem>>, vector<1x16xf32>,
          %parallel_loop3A_270 = vector.shape_cast %parallel_loop3A_269 : vector<1x16xf32> to vector<16xf32>
          %parallel_loop3A_271 = vector.shape_cast %parallel_loop3A_266 : vector<16xf32> to vector<1x16xf32>
          tpu.vector_store %arg16[%parallel_loop3A_267, %parallel_loop3A_268], %parallel_loop3A_271 {strides = array<i32>} : memref<40x128xf32, #tpu.memory_space<vmem>>, vector<1x16xf32>,
          %parallel_loop3A_272 = arith.index_cast %parallel_loop3A_217 : i32 to index
          %parallel_loop3A_273 = arith.constant 80 : index
          %parallel_loop3A_274 = tpu.vector_load %arg16[%parallel_loop3A_272, %parallel_loop3A_273] {strides = array<i32>} : memref<40x128xf32, #tpu.memory_space<vmem>>, vector<1x16xf32>,
          %parallel_loop3A_275 = vector.shape_cast %parallel_loop3A_274 : vector<1x16xf32> to vector<16xf32>
          %parallel_loop3A_276 = arith.mulf %parallel_loop3A_275, %parallel_loop3A_221 : vector<16xf32>
          %parallel_loop3A_277 = arith.index_cast %parallel_loop3A_217 : i32 to index
          %parallel_loop3A_278 = arith.constant 80 : index
          %parallel_loop3A_279 = tpu.vector_load %arg16[%parallel_loop3A_277, %parallel_loop3A_278] {strides = array<i32>} : memref<40x128xf32, #tpu.memory_space<vmem>>, vector<1x16xf32>,
          %parallel_loop3A_280 = vector.shape_cast %parallel_loop3A_279 : vector<1x16xf32> to vector<16xf32>
          %parallel_loop3A_281 = vector.shape_cast %parallel_loop3A_276 : vector<16xf32> to vector<1x16xf32>
          tpu.vector_store %arg16[%parallel_loop3A_277, %parallel_loop3A_278], %parallel_loop3A_281 {strides = array<i32>} : memref<40x128xf32, #tpu.memory_space<vmem>>, vector<1x16xf32>,
          %parallel_loop3A_282 = arith.index_cast %parallel_loop3A_217 : i32 to index
          %parallel_loop3A_283 = arith.constant 96 : index
          %parallel_loop3A_284 = tpu.vector_load %arg16[%parallel_loop3A_282, %parallel_loop3A_283] {strides = array<i32>} : memref<40x128xf32, #tpu.memory_space<vmem>>, vector<1x16xf32>,
          %parallel_loop3A_285 = vector.shape_cast %parallel_loop3A_284 : vector<1x16xf32> to vector<16xf32>
          %parallel_loop3A_286 = arith.mulf %parallel_loop3A_285, %parallel_loop3A_221 : vector<16xf32>
          %parallel_loop3A_287 = arith.index_cast %parallel_loop3A_217 : i32 to index
          %parallel_loop3A_288 = arith.constant 96 : index
          %parallel_loop3A_289 = tpu.vector_load %arg16[%parallel_loop3A_287, %parallel_loop3A_288] {strides = array<i32>} : memref<40x128xf32, #tpu.memory_space<vmem>>, vector<1x16xf32>,
          %parallel_loop3A_290 = vector.shape_cast %parallel_loop3A_289 : vector<1x16xf32> to vector<16xf32>
          %parallel_loop3A_291 = vector.shape_cast %parallel_loop3A_286 : vector<16xf32> to vector<1x16xf32>
          tpu.vector_store %arg16[%parallel_loop3A_287, %parallel_loop3A_288], %parallel_loop3A_291 {strides = array<i32>} : memref<40x128xf32, #tpu.memory_space<vmem>>, vector<1x16xf32>,
          %parallel_loop3A_292 = arith.index_cast %parallel_loop3A_217 : i32 to index
          %parallel_loop3A_293 = arith.constant 112 : index
          %parallel_loop3A_294 = tpu.vector_load %arg16[%parallel_loop3A_292, %parallel_loop3A_293] {strides = array<i32>} : memref<40x128xf32, #tpu.memory_space<vmem>>, vector<1x16xf32>,
          %parallel_loop3A_295 = vector.shape_cast %parallel_loop3A_294 : vector<1x16xf32> to vector<16xf32>
          %parallel_loop3A_296 = arith.mulf %parallel_loop3A_295, %parallel_loop3A_221 : vector<16xf32>
          %parallel_loop3A_297 = arith.index_cast %parallel_loop3A_217 : i32 to index
          %parallel_loop3A_298 = arith.constant 112 : index
          %parallel_loop3A_299 = tpu.vector_load %arg16[%parallel_loop3A_297, %parallel_loop3A_298] {strides = array<i32>} : memref<40x128xf32, #tpu.memory_space<vmem>>, vector<1x16xf32>,
          %parallel_loop3A_300 = vector.shape_cast %parallel_loop3A_299 : vector<1x16xf32> to vector<16xf32>
          %parallel_loop3A_301 = vector.shape_cast %parallel_loop3A_296 : vector<16xf32> to vector<1x16xf32>
          tpu.vector_store %arg16[%parallel_loop3A_297, %parallel_loop3A_298], %parallel_loop3A_301 {strides = array<i32>} : memref<40x128xf32, #tpu.memory_space<vmem>>, vector<1x16xf32>,
        } {sc.loop_unroll_factor = 4 : i64, sc.parallel_access}
        %dma_start3A_210 = arith.constant 1 : i32
        %dma_start3A_211 = arith.constant 0 : i32
        %dma_start3A_212 = tpu.memref_slice %arg8[%dma_start3A_210, %dma_start3A_211] : memref<2x40xi32, #tpu.memory_space<vmem>> -> memref<1x40xi32, #tpu.memory_space<vmem>>
        %dma_start3A_213 = tpu.memref_squeeze %dma_start3A_212 : memref<1x40xi32, #tpu.memory_space<vmem>> -> memref<40xi32, #tpu.memory_space<vmem>>
        %dma_start3A_214 = arith.constant 0 : i32
        %dma_start3A_215 = arith.constant 0 : i32
        %dma_start3A_216 = tpu.memref_slice %arg19[%dma_start3A_214, %dma_start3A_215] : memref<10000x128xf32, #tpu.memory_space<vmem_shared>> -> memref<10000x128xf32, #tpu.memory_space<vmem_shared>>
        tpu.enqueue_indirect_dma source(%arg16 : memref<40x128xf32, #tpu.memory_space<vmem>>) target(%dma_start3A_216 : memref<10000x128xf32, #tpu.memory_space<vmem_shared>>) offsets(%dma_start3A_213 : memref<40xi32, #tpu.memory_space<vmem>>) semaphore(%arg29 : memref<!tpu.dma_semaphore, #tpu.memory_space<semaphore_mem>>) {add = true}
      } else {
      }
      %mul3A_135 = arith.constant 4 : i32
      %mul3A_136 = arith.muli %scan3A_74, %mul3A_135 : i32
      %add3A_137 = arith.constant 2 : i32
      %add3A_138 = arith.addi %mul3A_136, %add3A_137 : i32
      %ge3A_139 = arith.constant 3 : i32
      %ge3A_140 = arith.cmpi sge, %add3A_138, %ge3A_139 : i32
      %sub3A_141 = arith.constant 3 : i32
      %sub3A_142 = arith.subi %add3A_138, %sub3A_141 : i32
      %lt3A_143 = arith.constant 250 : i32
      %lt3A_144 = arith.cmpi slt, %sub3A_142, %lt3A_143 : i32
      %and3A_145 = arith.andi %ge3A_140, %lt3A_144 : i1
      %convert_element_type3A_146 = arith.extui %and3A_145 : i1 to i32
      %cond3A_147 = arith.constant 0 : i32
      %cond3A_148 = arith.cmpi ne, %convert_element_type3A_146, %cond3A_147 : i32
      scf.if %cond3A_148 {
        %dma_wait3A_201 = arith.constant 1 : i32
        %dma_wait3A_202 = arith.constant 0 : i32
        %dma_wait3A_203 = tpu.memref_slice %arg10[%dma_wait3A_201, %dma_wait3A_202] : memref<2x40xi32, #tpu.memory_space<vmem>> -> memref<1x40xi32, #tpu.memory_space<vmem>>
        %dma_wait3A_204 = tpu.memref_squeeze %dma_wait3A_203 : memref<1x40xi32, #tpu.memory_space<vmem>> -> memref<40xi32, #tpu.memory_space<vmem>>
        %dma_wait3A_205 = arith.constant 0 : i32
        %dma_wait3A_206 = arith.constant 0 : i32
        %dma_wait3A_207 = tpu.memref_slice %arg19[%dma_wait3A_205, %dma_wait3A_206] : memref<10000x128xf32, #tpu.memory_space<vmem_shared>> -> memref<10000x128xf32, #tpu.memory_space<vmem_shared>>
        tpu.wait_indirect_dma semaphore(%arg31 : memref<!tpu.dma_semaphore, #tpu.memory_space<semaphore_mem>>) src(%arg18 : memref<40x128xf32, #tpu.memory_space<vmem>>) dst(%dma_wait3A_207 : memref<10000x128xf32, #tpu.memory_space<vmem_shared>>)
      } else {
      }
      %add3A_149 = arith.constant 2 : i32
      %add3A_150 = arith.addi %add3A_138, %add3A_149 : i32
      %lt3A_151 = arith.constant 250 : i32
      %lt3A_152 = arith.cmpi slt, %add3A_150, %lt3A_151 : i32
      %convert_element_type3A_153 = arith.extui %lt3A_152 : i1 to i32
      %cond3A_154 = arith.constant 0 : i32
      %cond3A_155 = arith.cmpi ne, %convert_element_type3A_153, %cond3A_154 : i32
      scf.if %cond3A_155 {
        %add3A_201 = arith.constant 2 : i32
        %add3A_202 = arith.addi %add3A_138, %add3A_201 : i32
        %dma_start3A_203 = arith.constant 0 : i32
        %dma_start3A_204 = arith.constant 0 : i32
        %dma_start3A_205 = tpu.memref_slice %arg3[%add3A, %add3A_202, %dma_start3A_203, %dma_start3A_204] : memref<32x250x2x40xi32, #tpu.memory_space<hbm>> -> memref<1x1x2x40xi32, #tpu.memory_space<hbm>>
        %dma_start3A_206 = tpu.memref_squeeze %dma_start3A_205 : memref<1x1x2x40xi32, #tpu.memory_space<hbm>> -> memref<2x40xi32, #tpu.memory_space<hbm>>
        %dma_start3A_207 = arith.constant 0 : i32
        %dma_start3A_208 = arith.constant 0 : i32
        %dma_start3A_209 = tpu.memref_slice %arg3[%add3A, %add3A_202, %dma_start3A_207, %dma_start3A_208] : memref<32x250x2x40xi32, #tpu.memory_space<hbm>> -> memref<1x1x2x40xi32, #tpu.memory_space<hbm>>
        %dma_start3A_210 = tpu.memref_squeeze %dma_start3A_209 : memref<1x1x2x40xi32, #tpu.memory_space<hbm>> -> memref<2x40xi32, #tpu.memory_space<hbm>>
        tpu.enqueue_dma source(%dma_start3A_210 : memref<2x40xi32, #tpu.memory_space<hbm>>) target(%arg7 : memref<2x40xi32, #tpu.memory_space<vmem>>) target_semaphore(%arg20 : memref<!tpu.dma_semaphore, #tpu.memory_space<semaphore_mem>>)
        %dma_start3A_211 = arith.constant 0 : i32
        %dma_start3A_212 = arith.constant 0 : i32
        %dma_start3A_213 = tpu.memref_slice %arg4[%add3A, %add3A_202, %dma_start3A_211, %dma_start3A_212] : memref<32x250x40x16xf32, #tpu.memory_space<hbm>> -> memref<1x1x40x16xf32, #tpu.memory_space<hbm>>
        %dma_start3A_214 = tpu.memref_squeeze %dma_start3A_213 : memref<1x1x40x16xf32, #tpu.memory_space<hbm>> -> memref<40x16xf32, #tpu.memory_space<hbm>>
        %dma_start3A_215 = arith.constant 0 : i32
        %dma_start3A_216 = arith.constant 0 : i32
        %dma_start3A_217 = tpu.memref_slice %arg4[%add3A, %add3A_202, %dma_start3A_215, %dma_start3A_216] : memref<32x250x40x16xf32, #tpu.memory_space<hbm>> -> memref<1x1x40x16xf32, #tpu.memory_space<hbm>>
        %dma_start3A_218 = tpu.memref_squeeze %dma_start3A_217 : memref<1x1x40x16xf32, #tpu.memory_space<hbm>> -> memref<40x16xf32, #tpu.memory_space<hbm>>
        tpu.enqueue_dma source(%dma_start3A_218 : memref<40x16xf32, #tpu.memory_space<hbm>>) target(%arg11 : memref<40x16xf32, #tpu.memory_space<vmem>>) target_semaphore(%arg20 : memref<!tpu.dma_semaphore, #tpu.memory_space<semaphore_mem>>)
      } else {
      }
      %add3A_156 = arith.constant 1 : i32
      %add3A_157 = arith.addi %add3A_138, %add3A_156 : i32
      %lt3A_158 = arith.constant 250 : i32
      %lt3A_159 = arith.cmpi slt, %add3A_157, %lt3A_158 : i32
      %convert_element_type3A_160 = arith.extui %lt3A_159 : i1 to i32
      %cond3A_161 = arith.constant 0 : i32
      %cond3A_162 = arith.cmpi ne, %convert_element_type3A_160, %cond3A_161 : i32
      scf.if %cond3A_162 {
        %add3A_201 = arith.constant 1 : i32
        %add3A_202 = arith.addi %add3A_138, %add3A_201 : i32
        %dma_wait3A_203 = arith.constant 0 : i32
        %dma_wait3A_204 = arith.constant 0 : i32
        %dma_wait3A_205 = tpu.memref_slice %arg3[%add3A, %add3A_202, %dma_wait3A_203, %dma_wait3A_204] : memref<32x250x2x40xi32, #tpu.memory_space<hbm>> -> memref<1x1x2x40xi32, #tpu.memory_space<hbm>>
        %dma_wait3A_206 = tpu.memref_squeeze %dma_wait3A_205 : memref<1x1x2x40xi32, #tpu.memory_space<hbm>> -> memref<2x40xi32, #tpu.memory_space<hbm>>
        %dma_wait3A_207 = arith.constant 0 : i32
        %dma_wait3A_208 = arith.constant 0 : i32
        %dma_wait3A_209 = tpu.memref_slice %arg3[%add3A, %add3A_202, %dma_wait3A_207, %dma_wait3A_208] : memref<32x250x2x40xi32, #tpu.memory_space<hbm>> -> memref<1x1x2x40xi32, #tpu.memory_space<hbm>>
        %dma_wait3A_210 = tpu.memref_squeeze %dma_wait3A_209 : memref<1x1x2x40xi32, #tpu.memory_space<hbm>> -> memref<2x40xi32, #tpu.memory_space<hbm>>
        tpu.wait_dma2 semaphore(%arg23 : memref<!tpu.dma_semaphore, #tpu.memory_space<semaphore_mem>>) src(%dma_wait3A_210 : memref<2x40xi32, #tpu.memory_space<hbm>>) dst(%arg10 : memref<2x40xi32, #tpu.memory_space<vmem>>)
        %dma_wait3A_211 = arith.constant 0 : i32
        %dma_wait3A_212 = arith.constant 0 : i32
        %dma_wait3A_213 = tpu.memref_slice %arg4[%add3A, %add3A_202, %dma_wait3A_211, %dma_wait3A_212] : memref<32x250x40x16xf32, #tpu.memory_space<hbm>> -> memref<1x1x40x16xf32, #tpu.memory_space<hbm>>
        %dma_wait3A_214 = tpu.memref_squeeze %dma_wait3A_213 : memref<1x1x40x16xf32, #tpu.memory_space<hbm>> -> memref<40x16xf32, #tpu.memory_space<hbm>>
        %dma_wait3A_215 = arith.constant 0 : i32
        %dma_wait3A_216 = arith.constant 0 : i32
        %dma_wait3A_217 = tpu.memref_slice %arg4[%add3A, %add3A_202, %dma_wait3A_215, %dma_wait3A_216] : memref<32x250x40x16xf32, #tpu.memory_space<hbm>> -> memref<1x1x40x16xf32, #tpu.memory_space<hbm>>
        %dma_wait3A_218 = tpu.memref_squeeze %dma_wait3A_217 : memref<1x1x40x16xf32, #tpu.memory_space<hbm>> -> memref<40x16xf32, #tpu.memory_space<hbm>>
        tpu.wait_dma2 semaphore(%arg23 : memref<!tpu.dma_semaphore, #tpu.memory_space<semaphore_mem>>) src(%dma_wait3A_218 : memref<40x16xf32, #tpu.memory_space<hbm>>) dst(%arg14 : memref<40x16xf32, #tpu.memory_space<vmem>>)
        %dma_start3A_219 = arith.constant 0 : i32
        %dma_start3A_220 = arith.constant 0 : i32
        %dma_start3A_221 = tpu.memref_slice %arg10[%dma_start3A_219, %dma_start3A_220] : memref<2x40xi32, #tpu.memory_space<vmem>> -> memref<1x40xi32, #tpu.memory_space<vmem>>
        %dma_start3A_222 = tpu.memref_squeeze %dma_start3A_221 : memref<1x40xi32, #tpu.memory_space<vmem>> -> memref<40xi32, #tpu.memory_space<vmem>>
        %dma_start3A_223 = arith.constant 0 : i32
        %dma_start3A_224 = arith.constant 0 : i32
        %dma_start3A_225 = tpu.memref_slice %arg2[%dma_start3A_223, %dma_start3A_224] : memref<10000x128xf32, #tpu.memory_space<hbm>> -> memref<10000x128xf32, #tpu.memory_space<hbm>>
        tpu.enqueue_indirect_dma source(%dma_start3A_225 : memref<10000x128xf32, #tpu.memory_space<hbm>>) target(%arg18 : memref<40x128xf32, #tpu.memory_space<vmem>>) offsets(%dma_start3A_222 : memref<40xi32, #tpu.memory_space<vmem>>) semaphore(%arg27 : memref<!tpu.dma_semaphore, #tpu.memory_space<semaphore_mem>>)
      } else {
      }
      %lt3A_163 = arith.constant 250 : i32
      %lt3A_164 = arith.cmpi slt, %add3A_138, %lt3A_163 : i32
      %convert_element_type3A_165 = arith.extui %lt3A_164 : i1 to i32
      %cond3A_166 = arith.constant 0 : i32
      %cond3A_167 = arith.cmpi ne, %convert_element_type3A_165, %cond3A_166 : i32
      scf.if %cond3A_167 {
        %dma_wait3A_201 = arith.constant 0 : i32
        %dma_wait3A_202 = arith.constant 0 : i32
        %dma_wait3A_203 = tpu.memref_slice %arg9[%dma_wait3A_201, %dma_wait3A_202] : memref<2x40xi32, #tpu.memory_space<vmem>> -> memref<1x40xi32, #tpu.memory_space<vmem>>
        %dma_wait3A_204 = tpu.memref_squeeze %dma_wait3A_203 : memref<1x40xi32, #tpu.memory_space<vmem>> -> memref<40xi32, #tpu.memory_space<vmem>>
        %dma_wait3A_205 = arith.constant 0 : i32
        %dma_wait3A_206 = arith.constant 0 : i32
        %dma_wait3A_207 = tpu.memref_slice %arg2[%dma_wait3A_205, %dma_wait3A_206] : memref<10000x128xf32, #tpu.memory_space<hbm>> -> memref<10000x128xf32, #tpu.memory_space<hbm>>
        tpu.wait_indirect_dma semaphore(%arg26 : memref<!tpu.dma_semaphore, #tpu.memory_space<semaphore_mem>>) src(%dma_wait3A_207 : memref<10000x128xf32, #tpu.memory_space<hbm>>) dst(%arg17 : memref<40x128xf32, #tpu.memory_space<vmem>>)
        %parallel_loop3A = arith.constant 0 : i32
        %parallel_loop3A_208 = arith.constant 40 : i32
        %parallel_loop3A_209 = arith.constant 1 : i32
        scf.for %parallel_loop3A_217 = %parallel_loop3A to %parallel_loop3A_208 step %parallel_loop3A_209  : i32 {
          %parallel_loop3A_218 = arith.index_cast %parallel_loop3A_217 : i32 to index
          %parallel_loop3A_219 = arith.constant 0 : index
          %parallel_loop3A_220 = tpu.vector_load %arg13[%parallel_loop3A_218, %parallel_loop3A_219] {strides = array<i32>} : memref<40x16xf32, #tpu.memory_space<vmem>>, vector<1x16xf32>,
          %parallel_loop3A_221 = vector.shape_cast %parallel_loop3A_220 : vector<1x16xf32> to vector<16xf32>
          %parallel_loop3A_222 = arith.index_cast %parallel_loop3A_217 : i32 to index
          %parallel_loop3A_223 = arith.constant 0 : index
          %parallel_loop3A_224 = tpu.vector_load %arg17[%parallel_loop3A_222, %parallel_loop3A_223] {strides = array<i32>} : memref<40x128xf32, #tpu.memory_space<vmem>>, vector<1x16xf32>,
          %parallel_loop3A_225 = vector.shape_cast %parallel_loop3A_224 : vector<1x16xf32> to vector<16xf32>
          %parallel_loop3A_226 = arith.mulf %parallel_loop3A_225, %parallel_loop3A_221 : vector<16xf32>
          %parallel_loop3A_227 = arith.index_cast %parallel_loop3A_217 : i32 to index
          %parallel_loop3A_228 = arith.constant 0 : index
          %parallel_loop3A_229 = tpu.vector_load %arg17[%parallel_loop3A_227, %parallel_loop3A_228] {strides = array<i32>} : memref<40x128xf32, #tpu.memory_space<vmem>>, vector<1x16xf32>,
          %parallel_loop3A_230 = vector.shape_cast %parallel_loop3A_229 : vector<1x16xf32> to vector<16xf32>
          %parallel_loop3A_231 = vector.shape_cast %parallel_loop3A_226 : vector<16xf32> to vector<1x16xf32>
          tpu.vector_store %arg17[%parallel_loop3A_227, %parallel_loop3A_228], %parallel_loop3A_231 {strides = array<i32>} : memref<40x128xf32, #tpu.memory_space<vmem>>, vector<1x16xf32>,
          %parallel_loop3A_232 = arith.index_cast %parallel_loop3A_217 : i32 to index
          %parallel_loop3A_233 = arith.constant 16 : index
          %parallel_loop3A_234 = tpu.vector_load %arg17[%parallel_loop3A_232, %parallel_loop3A_233] {strides = array<i32>} : memref<40x128xf32, #tpu.memory_space<vmem>>, vector<1x16xf32>,
          %parallel_loop3A_235 = vector.shape_cast %parallel_loop3A_234 : vector<1x16xf32> to vector<16xf32>
          %parallel_loop3A_236 = arith.mulf %parallel_loop3A_235, %parallel_loop3A_221 : vector<16xf32>
          %parallel_loop3A_237 = arith.index_cast %parallel_loop3A_217 : i32 to index
          %parallel_loop3A_238 = arith.constant 16 : index
          %parallel_loop3A_239 = tpu.vector_load %arg17[%parallel_loop3A_237, %parallel_loop3A_238] {strides = array<i32>} : memref<40x128xf32, #tpu.memory_space<vmem>>, vector<1x16xf32>,
          %parallel_loop3A_240 = vector.shape_cast %parallel_loop3A_239 : vector<1x16xf32> to vector<16xf32>
          %parallel_loop3A_241 = vector.shape_cast %parallel_loop3A_236 : vector<16xf32> to vector<1x16xf32>
          tpu.vector_store %arg17[%parallel_loop3A_237, %parallel_loop3A_238], %parallel_loop3A_241 {strides = array<i32>} : memref<40x128xf32, #tpu.memory_space<vmem>>, vector<1x16xf32>,
          %parallel_loop3A_242 = arith.index_cast %parallel_loop3A_217 : i32 to index
          %parallel_loop3A_243 = arith.constant 32 : index
          %parallel_loop3A_244 = tpu.vector_load %arg17[%parallel_loop3A_242, %parallel_loop3A_243] {strides = array<i32>} : memref<40x128xf32, #tpu.memory_space<vmem>>, vector<1x16xf32>,
          %parallel_loop3A_245 = vector.shape_cast %parallel_loop3A_244 : vector<1x16xf32> to vector<16xf32>
          %parallel_loop3A_246 = arith.mulf %parallel_loop3A_245, %parallel_loop3A_221 : vector<16xf32>
          %parallel_loop3A_247 = arith.index_cast %parallel_loop3A_217 : i32 to index
          %parallel_loop3A_248 = arith.constant 32 : index
          %parallel_loop3A_249 = tpu.vector_load %arg17[%parallel_loop3A_247, %parallel_loop3A_248] {strides = array<i32>} : memref<40x128xf32, #tpu.memory_space<vmem>>, vector<1x16xf32>,
          %parallel_loop3A_250 = vector.shape_cast %parallel_loop3A_249 : vector<1x16xf32> to vector<16xf32>
          %parallel_loop3A_251 = vector.shape_cast %parallel_loop3A_246 : vector<16xf32> to vector<1x16xf32>
          tpu.vector_store %arg17[%parallel_loop3A_247, %parallel_loop3A_248], %parallel_loop3A_251 {strides = array<i32>} : memref<40x128xf32, #tpu.memory_space<vmem>>, vector<1x16xf32>,
          %parallel_loop3A_252 = arith.index_cast %parallel_loop3A_217 : i32 to index
          %parallel_loop3A_253 = arith.constant 48 : index
          %parallel_loop3A_254 = tpu.vector_load %arg17[%parallel_loop3A_252, %parallel_loop3A_253] {strides = array<i32>} : memref<40x128xf32, #tpu.memory_space<vmem>>, vector<1x16xf32>,
          %parallel_loop3A_255 = vector.shape_cast %parallel_loop3A_254 : vector<1x16xf32> to vector<16xf32>
          %parallel_loop3A_256 = arith.mulf %parallel_loop3A_255, %parallel_loop3A_221 : vector<16xf32>
          %parallel_loop3A_257 = arith.index_cast %parallel_loop3A_217 : i32 to index
          %parallel_loop3A_258 = arith.constant 48 : index
          %parallel_loop3A_259 = tpu.vector_load %arg17[%parallel_loop3A_257, %parallel_loop3A_258] {strides = array<i32>} : memref<40x128xf32, #tpu.memory_space<vmem>>, vector<1x16xf32>,
          %parallel_loop3A_260 = vector.shape_cast %parallel_loop3A_259 : vector<1x16xf32> to vector<16xf32>
          %parallel_loop3A_261 = vector.shape_cast %parallel_loop3A_256 : vector<16xf32> to vector<1x16xf32>
          tpu.vector_store %arg17[%parallel_loop3A_257, %parallel_loop3A_258], %parallel_loop3A_261 {strides = array<i32>} : memref<40x128xf32, #tpu.memory_space<vmem>>, vector<1x16xf32>,
          %parallel_loop3A_262 = arith.index_cast %parallel_loop3A_217 : i32 to index
          %parallel_loop3A_263 = arith.constant 64 : index
          %parallel_loop3A_264 = tpu.vector_load %arg17[%parallel_loop3A_262, %parallel_loop3A_263] {strides = array<i32>} : memref<40x128xf32, #tpu.memory_space<vmem>>, vector<1x16xf32>,
          %parallel_loop3A_265 = vector.shape_cast %parallel_loop3A_264 : vector<1x16xf32> to vector<16xf32>
          %parallel_loop3A_266 = arith.mulf %parallel_loop3A_265, %parallel_loop3A_221 : vector<16xf32>
          %parallel_loop3A_267 = arith.index_cast %parallel_loop3A_217 : i32 to index
          %parallel_loop3A_268 = arith.constant 64 : index
          %parallel_loop3A_269 = tpu.vector_load %arg17[%parallel_loop3A_267, %parallel_loop3A_268] {strides = array<i32>} : memref<40x128xf32, #tpu.memory_space<vmem>>, vector<1x16xf32>,
          %parallel_loop3A_270 = vector.shape_cast %parallel_loop3A_269 : vector<1x16xf32> to vector<16xf32>
          %parallel_loop3A_271 = vector.shape_cast %parallel_loop3A_266 : vector<16xf32> to vector<1x16xf32>
          tpu.vector_store %arg17[%parallel_loop3A_267, %parallel_loop3A_268], %parallel_loop3A_271 {strides = array<i32>} : memref<40x128xf32, #tpu.memory_space<vmem>>, vector<1x16xf32>,
          %parallel_loop3A_272 = arith.index_cast %parallel_loop3A_217 : i32 to index
          %parallel_loop3A_273 = arith.constant 80 : index
          %parallel_loop3A_274 = tpu.vector_load %arg17[%parallel_loop3A_272, %parallel_loop3A_273] {strides = array<i32>} : memref<40x128xf32, #tpu.memory_space<vmem>>, vector<1x16xf32>,
          %parallel_loop3A_275 = vector.shape_cast %parallel_loop3A_274 : vector<1x16xf32> to vector<16xf32>
          %parallel_loop3A_276 = arith.mulf %parallel_loop3A_275, %parallel_loop3A_221 : vector<16xf32>
          %parallel_loop3A_277 = arith.index_cast %parallel_loop3A_217 : i32 to index
          %parallel_loop3A_278 = arith.constant 80 : index
          %parallel_loop3A_279 = tpu.vector_load %arg17[%parallel_loop3A_277, %parallel_loop3A_278] {strides = array<i32>} : memref<40x128xf32, #tpu.memory_space<vmem>>, vector<1x16xf32>,
          %parallel_loop3A_280 = vector.shape_cast %parallel_loop3A_279 : vector<1x16xf32> to vector<16xf32>
          %parallel_loop3A_281 = vector.shape_cast %parallel_loop3A_276 : vector<16xf32> to vector<1x16xf32>
          tpu.vector_store %arg17[%parallel_loop3A_277, %parallel_loop3A_278], %parallel_loop3A_281 {strides = array<i32>} : memref<40x128xf32, #tpu.memory_space<vmem>>, vector<1x16xf32>,
          %parallel_loop3A_282 = arith.index_cast %parallel_loop3A_217 : i32 to index
          %parallel_loop3A_283 = arith.constant 96 : index
          %parallel_loop3A_284 = tpu.vector_load %arg17[%parallel_loop3A_282, %parallel_loop3A_283] {strides = array<i32>} : memref<40x128xf32, #tpu.memory_space<vmem>>, vector<1x16xf32>,
          %parallel_loop3A_285 = vector.shape_cast %parallel_loop3A_284 : vector<1x16xf32> to vector<16xf32>
          %parallel_loop3A_286 = arith.mulf %parallel_loop3A_285, %parallel_loop3A_221 : vector<16xf32>
          %parallel_loop3A_287 = arith.index_cast %parallel_loop3A_217 : i32 to index
          %parallel_loop3A_288 = arith.constant 96 : index
          %parallel_loop3A_289 = tpu.vector_load %arg17[%parallel_loop3A_287, %parallel_loop3A_288] {strides = array<i32>} : memref<40x128xf32, #tpu.memory_space<vmem>>, vector<1x16xf32>,
          %parallel_loop3A_290 = vector.shape_cast %parallel_loop3A_289 : vector<1x16xf32> to vector<16xf32>
          %parallel_loop3A_291 = vector.shape_cast %parallel_loop3A_286 : vector<16xf32> to vector<1x16xf32>
          tpu.vector_store %arg17[%parallel_loop3A_287, %parallel_loop3A_288], %parallel_loop3A_291 {strides = array<i32>} : memref<40x128xf32, #tpu.memory_space<vmem>>, vector<1x16xf32>,
          %parallel_loop3A_292 = arith.index_cast %parallel_loop3A_217 : i32 to index
          %parallel_loop3A_293 = arith.constant 112 : index
          %parallel_loop3A_294 = tpu.vector_load %arg17[%parallel_loop3A_292, %parallel_loop3A_293] {strides = array<i32>} : memref<40x128xf32, #tpu.memory_space<vmem>>, vector<1x16xf32>,
          %parallel_loop3A_295 = vector.shape_cast %parallel_loop3A_294 : vector<1x16xf32> to vector<16xf32>
          %parallel_loop3A_296 = arith.mulf %parallel_loop3A_295, %parallel_loop3A_221 : vector<16xf32>
          %parallel_loop3A_297 = arith.index_cast %parallel_loop3A_217 : i32 to index
          %parallel_loop3A_298 = arith.constant 112 : index
          %parallel_loop3A_299 = tpu.vector_load %arg17[%parallel_loop3A_297, %parallel_loop3A_298] {strides = array<i32>} : memref<40x128xf32, #tpu.memory_space<vmem>>, vector<1x16xf32>,
          %parallel_loop3A_300 = vector.shape_cast %parallel_loop3A_299 : vector<1x16xf32> to vector<16xf32>
          %parallel_loop3A_301 = vector.shape_cast %parallel_loop3A_296 : vector<16xf32> to vector<1x16xf32>
          tpu.vector_store %arg17[%parallel_loop3A_297, %parallel_loop3A_298], %parallel_loop3A_301 {strides = array<i32>} : memref<40x128xf32, #tpu.memory_space<vmem>>, vector<1x16xf32>,
        } {sc.loop_unroll_factor = 4 : i64, sc.parallel_access}
        %dma_start3A_210 = arith.constant 1 : i32
        %dma_start3A_211 = arith.constant 0 : i32
        %dma_start3A_212 = tpu.memref_slice %arg9[%dma_start3A_210, %dma_start3A_211] : memref<2x40xi32, #tpu.memory_space<vmem>> -> memref<1x40xi32, #tpu.memory_space<vmem>>
        %dma_start3A_213 = tpu.memref_squeeze %dma_start3A_212 : memref<1x40xi32, #tpu.memory_space<vmem>> -> memref<40xi32, #tpu.memory_space<vmem>>
        %dma_start3A_214 = arith.constant 0 : i32
        %dma_start3A_215 = arith.constant 0 : i32
        %dma_start3A_216 = tpu.memref_slice %arg19[%dma_start3A_214, %dma_start3A_215] : memref<10000x128xf32, #tpu.memory_space<vmem_shared>> -> memref<10000x128xf32, #tpu.memory_space<vmem_shared>>
        tpu.enqueue_indirect_dma source(%arg17 : memref<40x128xf32, #tpu.memory_space<vmem>>) target(%dma_start3A_216 : memref<10000x128xf32, #tpu.memory_space<vmem_shared>>) offsets(%dma_start3A_213 : memref<40xi32, #tpu.memory_space<vmem>>) semaphore(%arg30 : memref<!tpu.dma_semaphore, #tpu.memory_space<semaphore_mem>>) {add = true}
      } else {
      }
      %mul3A_168 = arith.constant 4 : i32
      %mul3A_169 = arith.muli %scan3A_74, %mul3A_168 : i32
      %add3A_170 = arith.constant 3 : i32
      %add3A_171 = arith.addi %mul3A_169, %add3A_170 : i32
      %ge3A_172 = arith.constant 3 : i32
      %ge3A_173 = arith.cmpi sge, %add3A_171, %ge3A_172 : i32
      %sub3A_174 = arith.constant 3 : i32
      %sub3A_175 = arith.subi %add3A_171, %sub3A_174 : i32
      %lt3A_176 = arith.constant 250 : i32
      %lt3A_177 = arith.cmpi slt, %sub3A_175, %lt3A_176 : i32
      %and3A_178 = arith.andi %ge3A_173, %lt3A_177 : i1
      %convert_element_type3A_179 = arith.extui %and3A_178 : i1 to i32
      %cond3A_180 = arith.constant 0 : i32
      %cond3A_181 = arith.cmpi ne, %convert_element_type3A_179, %cond3A_180 : i32
      scf.if %cond3A_181 {
        %dma_wait3A_201 = arith.constant 1 : i32
        %dma_wait3A_202 = arith.constant 0 : i32
        %dma_wait3A_203 = tpu.memref_slice %arg7[%dma_wait3A_201, %dma_wait3A_202] : memref<2x40xi32, #tpu.memory_space<vmem>> -> memref<1x40xi32, #tpu.memory_space<vmem>>
        %dma_wait3A_204 = tpu.memref_squeeze %dma_wait3A_203 : memref<1x40xi32, #tpu.memory_space<vmem>> -> memref<40xi32, #tpu.memory_space<vmem>>
        %dma_wait3A_205 = arith.constant 0 : i32
        %dma_wait3A_206 = arith.constant 0 : i32
        %dma_wait3A_207 = tpu.memref_slice %arg19[%dma_wait3A_205, %dma_wait3A_206] : memref<10000x128xf32, #tpu.memory_space<vmem_shared>> -> memref<10000x128xf32, #tpu.memory_space<vmem_shared>>
        tpu.wait_indirect_dma semaphore(%arg28 : memref<!tpu.dma_semaphore, #tpu.memory_space<semaphore_mem>>) src(%arg15 : memref<40x128xf32, #tpu.memory_space<vmem>>) dst(%dma_wait3A_207 : memref<10000x128xf32, #tpu.memory_space<vmem_shared>>)
      } else {
      }
      %add3A_182 = arith.constant 2 : i32
      %add3A_183 = arith.addi %add3A_171, %add3A_182 : i32
      %lt3A_184 = arith.constant 250 : i32
      %lt3A_185 = arith.cmpi slt, %add3A_183, %lt3A_184 : i32
      %convert_element_type3A_186 = arith.extui %lt3A_185 : i1 to i32
      %cond3A_187 = arith.constant 0 : i32
      %cond3A_188 = arith.cmpi ne, %convert_element_type3A_186, %cond3A_187 : i32
      scf.if %cond3A_188 {
        %add3A_201 = arith.constant 2 : i32
        %add3A_202 = arith.addi %add3A_171, %add3A_201 : i32
        %dma_start3A_203 = arith.constant 0 : i32
        %dma_start3A_204 = arith.constant 0 : i32
        %dma_start3A_205 = tpu.memref_slice %arg3[%add3A, %add3A_202, %dma_start3A_203, %dma_start3A_204] : memref<32x250x2x40xi32, #tpu.memory_space<hbm>> -> memref<1x1x2x40xi32, #tpu.memory_space<hbm>>
        %dma_start3A_206 = tpu.memref_squeeze %dma_start3A_205 : memref<1x1x2x40xi32, #tpu.memory_space<hbm>> -> memref<2x40xi32, #tpu.memory_space<hbm>>
        %dma_start3A_207 = arith.constant 0 : i32
        %dma_start3A_208 = arith.constant 0 : i32
        %dma_start3A_209 = tpu.memref_slice %arg3[%add3A, %add3A_202, %dma_start3A_207, %dma_start3A_208] : memref<32x250x2x40xi32, #tpu.memory_space<hbm>> -> memref<1x1x2x40xi32, #tpu.memory_space<hbm>>
        %dma_start3A_210 = tpu.memref_squeeze %dma_start3A_209 : memref<1x1x2x40xi32, #tpu.memory_space<hbm>> -> memref<2x40xi32, #tpu.memory_space<hbm>>
        tpu.enqueue_dma source(%dma_start3A_210 : memref<2x40xi32, #tpu.memory_space<hbm>>) target(%arg8 : memref<2x40xi32, #tpu.memory_space<vmem>>) target_semaphore(%arg21 : memref<!tpu.dma_semaphore, #tpu.memory_space<semaphore_mem>>)
        %dma_start3A_211 = arith.constant 0 : i32
        %dma_start3A_212 = arith.constant 0 : i32
        %dma_start3A_213 = tpu.memref_slice %arg4[%add3A, %add3A_202, %dma_start3A_211, %dma_start3A_212] : memref<32x250x40x16xf32, #tpu.memory_space<hbm>> -> memref<1x1x40x16xf32, #tpu.memory_space<hbm>>
        %dma_start3A_214 = tpu.memref_squeeze %dma_start3A_213 : memref<1x1x40x16xf32, #tpu.memory_space<hbm>> -> memref<40x16xf32, #tpu.memory_space<hbm>>
        %dma_start3A_215 = arith.constant 0 : i32
        %dma_start3A_216 = arith.constant 0 : i32
        %dma_start3A_217 = tpu.memref_slice %arg4[%add3A, %add3A_202, %dma_start3A_215, %dma_start3A_216] : memref<32x250x40x16xf32, #tpu.memory_space<hbm>> -> memref<1x1x40x16xf32, #tpu.memory_space<hbm>>
        %dma_start3A_218 = tpu.memref_squeeze %dma_start3A_217 : memref<1x1x40x16xf32, #tpu.memory_space<hbm>> -> memref<40x16xf32, #tpu.memory_space<hbm>>
        tpu.enqueue_dma source(%dma_start3A_218 : memref<40x16xf32, #tpu.memory_space<hbm>>) target(%arg12 : memref<40x16xf32, #tpu.memory_space<vmem>>) target_semaphore(%arg21 : memref<!tpu.dma_semaphore, #tpu.memory_space<semaphore_mem>>)
      } else {
      }
      %add3A_189 = arith.constant 1 : i32
      %add3A_190 = arith.addi %add3A_171, %add3A_189 : i32
      %lt3A_191 = arith.constant 250 : i32
      %lt3A_192 = arith.cmpi slt, %add3A_190, %lt3A_191 : i32
      %convert_element_type3A_193 = arith.extui %lt3A_192 : i1 to i32
      %cond3A_194 = arith.constant 0 : i32
      %cond3A_195 = arith.cmpi ne, %convert_element_type3A_193, %cond3A_194 : i32
      scf.if %cond3A_195 {
        %add3A_201 = arith.constant 1 : i32
        %add3A_202 = arith.addi %add3A_171, %add3A_201 : i32
        %dma_wait3A_203 = arith.constant 0 : i32
        %dma_wait3A_204 = arith.constant 0 : i32
        %dma_wait3A_205 = tpu.memref_slice %arg3[%add3A, %add3A_202, %dma_wait3A_203, %dma_wait3A_204] : memref<32x250x2x40xi32, #tpu.memory_space<hbm>> -> memref<1x1x2x40xi32, #tpu.memory_space<hbm>>
        %dma_wait3A_206 = tpu.memref_squeeze %dma_wait3A_205 : memref<1x1x2x40xi32, #tpu.memory_space<hbm>> -> memref<2x40xi32, #tpu.memory_space<hbm>>
        %dma_wait3A_207 = arith.constant 0 : i32
        %dma_wait3A_208 = arith.constant 0 : i32
        %dma_wait3A_209 = tpu.memref_slice %arg3[%add3A, %add3A_202, %dma_wait3A_207, %dma_wait3A_208] : memref<32x250x2x40xi32, #tpu.memory_space<hbm>> -> memref<1x1x2x40xi32, #tpu.memory_space<hbm>>
        %dma_wait3A_210 = tpu.memref_squeeze %dma_wait3A_209 : memref<1x1x2x40xi32, #tpu.memory_space<hbm>> -> memref<2x40xi32, #tpu.memory_space<hbm>>
        tpu.wait_dma2 semaphore(%arg20 : memref<!tpu.dma_semaphore, #tpu.memory_space<semaphore_mem>>) src(%dma_wait3A_210 : memref<2x40xi32, #tpu.memory_space<hbm>>) dst(%arg7 : memref<2x40xi32, #tpu.memory_space<vmem>>)
        %dma_wait3A_211 = arith.constant 0 : i32
        %dma_wait3A_212 = arith.constant 0 : i32
        %dma_wait3A_213 = tpu.memref_slice %arg4[%add3A, %add3A_202, %dma_wait3A_211, %dma_wait3A_212] : memref<32x250x40x16xf32, #tpu.memory_space<hbm>> -> memref<1x1x40x16xf32, #tpu.memory_space<hbm>>
        %dma_wait3A_214 = tpu.memref_squeeze %dma_wait3A_213 : memref<1x1x40x16xf32, #tpu.memory_space<hbm>> -> memref<40x16xf32, #tpu.memory_space<hbm>>
        %dma_wait3A_215 = arith.constant 0 : i32
        %dma_wait3A_216 = arith.constant 0 : i32
        %dma_wait3A_217 = tpu.memref_slice %arg4[%add3A, %add3A_202, %dma_wait3A_215, %dma_wait3A_216] : memref<32x250x40x16xf32, #tpu.memory_space<hbm>> -> memref<1x1x40x16xf32, #tpu.memory_space<hbm>>
        %dma_wait3A_218 = tpu.memref_squeeze %dma_wait3A_217 : memref<1x1x40x16xf32, #tpu.memory_space<hbm>> -> memref<40x16xf32, #tpu.memory_space<hbm>>
        tpu.wait_dma2 semaphore(%arg20 : memref<!tpu.dma_semaphore, #tpu.memory_space<semaphore_mem>>) src(%dma_wait3A_218 : memref<40x16xf32, #tpu.memory_space<hbm>>) dst(%arg11 : memref<40x16xf32, #tpu.memory_space<vmem>>)
        %dma_start3A_219 = arith.constant 0 : i32
        %dma_start3A_220 = arith.constant 0 : i32
        %dma_start3A_221 = tpu.memref_slice %arg7[%dma_start3A_219, %dma_start3A_220] : memref<2x40xi32, #tpu.memory_space<vmem>> -> memref<1x40xi32, #tpu.memory_space<vmem>>
        %dma_start3A_222 = tpu.memref_squeeze %dma_start3A_221 : memref<1x40xi32, #tpu.memory_space<vmem>> -> memref<40xi32, #tpu.memory_space<vmem>>
        %dma_start3A_223 = arith.constant 0 : i32
        %dma_start3A_224 = arith.constant 0 : i32
        %dma_start3A_225 = tpu.memref_slice %arg2[%dma_start3A_223, %dma_start3A_224] : memref<10000x128xf32, #tpu.memory_space<hbm>> -> memref<10000x128xf32, #tpu.memory_space<hbm>>
        tpu.enqueue_indirect_dma source(%dma_start3A_225 : memref<10000x128xf32, #tpu.memory_space<hbm>>) target(%arg15 : memref<40x128xf32, #tpu.memory_space<vmem>>) offsets(%dma_start3A_222 : memref<40xi32, #tpu.memory_space<vmem>>) semaphore(%arg24 : memref<!tpu.dma_semaphore, #tpu.memory_space<semaphore_mem>>)
      } else {
      }
      %lt3A_196 = arith.constant 250 : i32
      %lt3A_197 = arith.cmpi slt, %add3A_171, %lt3A_196 : i32
      %convert_element_type3A_198 = arith.extui %lt3A_197 : i1 to i32
      %cond3A_199 = arith.constant 0 : i32
      %cond3A_200 = arith.cmpi ne, %convert_element_type3A_198, %cond3A_199 : i32
      scf.if %cond3A_200 {
        %dma_wait3A_201 = arith.constant 0 : i32
        %dma_wait3A_202 = arith.constant 0 : i32
        %dma_wait3A_203 = tpu.memref_slice %arg10[%dma_wait3A_201, %dma_wait3A_202] : memref<2x40xi32, #tpu.memory_space<vmem>> -> memref<1x40xi32, #tpu.memory_space<vmem>>
        %dma_wait3A_204 = tpu.memref_squeeze %dma_wait3A_203 : memref<1x40xi32, #tpu.memory_space<vmem>> -> memref<40xi32, #tpu.memory_space<vmem>>
        %dma_wait3A_205 = arith.constant 0 : i32
        %dma_wait3A_206 = arith.constant 0 : i32
        %dma_wait3A_207 = tpu.memref_slice %arg2[%dma_wait3A_205, %dma_wait3A_206] : memref<10000x128xf32, #tpu.memory_space<hbm>> -> memref<10000x128xf32, #tpu.memory_space<hbm>>
        tpu.wait_indirect_dma semaphore(%arg27 : memref<!tpu.dma_semaphore, #tpu.memory_space<semaphore_mem>>) src(%dma_wait3A_207 : memref<10000x128xf32, #tpu.memory_space<hbm>>) dst(%arg18 : memref<40x128xf32, #tpu.memory_space<vmem>>)
        %parallel_loop3A = arith.constant 0 : i32
        %parallel_loop3A_208 = arith.constant 40 : i32
        %parallel_loop3A_209 = arith.constant 1 : i32
        scf.for %parallel_loop3A_217 = %parallel_loop3A to %parallel_loop3A_208 step %parallel_loop3A_209  : i32 {
          %parallel_loop3A_218 = arith.index_cast %parallel_loop3A_217 : i32 to index
          %parallel_loop3A_219 = arith.constant 0 : index
          %parallel_loop3A_220 = tpu.vector_load %arg14[%parallel_loop3A_218, %parallel_loop3A_219] {strides = array<i32>} : memref<40x16xf32, #tpu.memory_space<vmem>>, vector<1x16xf32>,
          %parallel_loop3A_221 = vector.shape_cast %parallel_loop3A_220 : vector<1x16xf32> to vector<16xf32>
          %parallel_loop3A_222 = arith.index_cast %parallel_loop3A_217 : i32 to index
          %parallel_loop3A_223 = arith.constant 0 : index
          %parallel_loop3A_224 = tpu.vector_load %arg18[%parallel_loop3A_222, %parallel_loop3A_223] {strides = array<i32>} : memref<40x128xf32, #tpu.memory_space<vmem>>, vector<1x16xf32>,
          %parallel_loop3A_225 = vector.shape_cast %parallel_loop3A_224 : vector<1x16xf32> to vector<16xf32>
          %parallel_loop3A_226 = arith.mulf %parallel_loop3A_225, %parallel_loop3A_221 : vector<16xf32>
          %parallel_loop3A_227 = arith.index_cast %parallel_loop3A_217 : i32 to index
          %parallel_loop3A_228 = arith.constant 0 : index
          %parallel_loop3A_229 = tpu.vector_load %arg18[%parallel_loop3A_227, %parallel_loop3A_228] {strides = array<i32>} : memref<40x128xf32, #tpu.memory_space<vmem>>, vector<1x16xf32>,
          %parallel_loop3A_230 = vector.shape_cast %parallel_loop3A_229 : vector<1x16xf32> to vector<16xf32>
          %parallel_loop3A_231 = vector.shape_cast %parallel_loop3A_226 : vector<16xf32> to vector<1x16xf32>
          tpu.vector_store %arg18[%parallel_loop3A_227, %parallel_loop3A_228], %parallel_loop3A_231 {strides = array<i32>} : memref<40x128xf32, #tpu.memory_space<vmem>>, vector<1x16xf32>,
          %parallel_loop3A_232 = arith.index_cast %parallel_loop3A_217 : i32 to index
          %parallel_loop3A_233 = arith.constant 16 : index
          %parallel_loop3A_234 = tpu.vector_load %arg18[%parallel_loop3A_232, %parallel_loop3A_233] {strides = array<i32>} : memref<40x128xf32, #tpu.memory_space<vmem>>, vector<1x16xf32>,
          %parallel_loop3A_235 = vector.shape_cast %parallel_loop3A_234 : vector<1x16xf32> to vector<16xf32>
          %parallel_loop3A_236 = arith.mulf %parallel_loop3A_235, %parallel_loop3A_221 : vector<16xf32>
          %parallel_loop3A_237 = arith.index_cast %parallel_loop3A_217 : i32 to index
          %parallel_loop3A_238 = arith.constant 16 : index
          %parallel_loop3A_239 = tpu.vector_load %arg18[%parallel_loop3A_237, %parallel_loop3A_238] {strides = array<i32>} : memref<40x128xf32, #tpu.memory_space<vmem>>, vector<1x16xf32>,
          %parallel_loop3A_240 = vector.shape_cast %parallel_loop3A_239 : vector<1x16xf32> to vector<16xf32>
          %parallel_loop3A_241 = vector.shape_cast %parallel_loop3A_236 : vector<16xf32> to vector<1x16xf32>
          tpu.vector_store %arg18[%parallel_loop3A_237, %parallel_loop3A_238], %parallel_loop3A_241 {strides = array<i32>} : memref<40x128xf32, #tpu.memory_space<vmem>>, vector<1x16xf32>,
          %parallel_loop3A_242 = arith.index_cast %parallel_loop3A_217 : i32 to index
          %parallel_loop3A_243 = arith.constant 32 : index
          %parallel_loop3A_244 = tpu.vector_load %arg18[%parallel_loop3A_242, %parallel_loop3A_243] {strides = array<i32>} : memref<40x128xf32, #tpu.memory_space<vmem>>, vector<1x16xf32>,
          %parallel_loop3A_245 = vector.shape_cast %parallel_loop3A_244 : vector<1x16xf32> to vector<16xf32>
          %parallel_loop3A_246 = arith.mulf %parallel_loop3A_245, %parallel_loop3A_221 : vector<16xf32>
          %parallel_loop3A_247 = arith.index_cast %parallel_loop3A_217 : i32 to index
          %parallel_loop3A_248 = arith.constant 32 : index
          %parallel_loop3A_249 = tpu.vector_load %arg18[%parallel_loop3A_247, %parallel_loop3A_248] {strides = array<i32>} : memref<40x128xf32, #tpu.memory_space<vmem>>, vector<1x16xf32>,
          %parallel_loop3A_250 = vector.shape_cast %parallel_loop3A_249 : vector<1x16xf32> to vector<16xf32>
          %parallel_loop3A_251 = vector.shape_cast %parallel_loop3A_246 : vector<16xf32> to vector<1x16xf32>
          tpu.vector_store %arg18[%parallel_loop3A_247, %parallel_loop3A_248], %parallel_loop3A_251 {strides = array<i32>} : memref<40x128xf32, #tpu.memory_space<vmem>>, vector<1x16xf32>,
          %parallel_loop3A_252 = arith.index_cast %parallel_loop3A_217 : i32 to index
          %parallel_loop3A_253 = arith.constant 48 : index
          %parallel_loop3A_254 = tpu.vector_load %arg18[%parallel_loop3A_252, %parallel_loop3A_253] {strides = array<i32>} : memref<40x128xf32, #tpu.memory_space<vmem>>, vector<1x16xf32>,
          %parallel_loop3A_255 = vector.shape_cast %parallel_loop3A_254 : vector<1x16xf32> to vector<16xf32>
          %parallel_loop3A_256 = arith.mulf %parallel_loop3A_255, %parallel_loop3A_221 : vector<16xf32>
          %parallel_loop3A_257 = arith.index_cast %parallel_loop3A_217 : i32 to index
          %parallel_loop3A_258 = arith.constant 48 : index
          %parallel_loop3A_259 = tpu.vector_load %arg18[%parallel_loop3A_257, %parallel_loop3A_258] {strides = array<i32>} : memref<40x128xf32, #tpu.memory_space<vmem>>, vector<1x16xf32>,
          %parallel_loop3A_260 = vector.shape_cast %parallel_loop3A_259 : vector<1x16xf32> to vector<16xf32>
          %parallel_loop3A_261 = vector.shape_cast %parallel_loop3A_256 : vector<16xf32> to vector<1x16xf32>
          tpu.vector_store %arg18[%parallel_loop3A_257, %parallel_loop3A_258], %parallel_loop3A_261 {strides = array<i32>} : memref<40x128xf32, #tpu.memory_space<vmem>>, vector<1x16xf32>,
          %parallel_loop3A_262 = arith.index_cast %parallel_loop3A_217 : i32 to index
          %parallel_loop3A_263 = arith.constant 64 : index
          %parallel_loop3A_264 = tpu.vector_load %arg18[%parallel_loop3A_262, %parallel_loop3A_263] {strides = array<i32>} : memref<40x128xf32, #tpu.memory_space<vmem>>, vector<1x16xf32>,
          %parallel_loop3A_265 = vector.shape_cast %parallel_loop3A_264 : vector<1x16xf32> to vector<16xf32>
          %parallel_loop3A_266 = arith.mulf %parallel_loop3A_265, %parallel_loop3A_221 : vector<16xf32>
          %parallel_loop3A_267 = arith.index_cast %parallel_loop3A_217 : i32 to index
          %parallel_loop3A_268 = arith.constant 64 : index
          %parallel_loop3A_269 = tpu.vector_load %arg18[%parallel_loop3A_267, %parallel_loop3A_268] {strides = array<i32>} : memref<40x128xf32, #tpu.memory_space<vmem>>, vector<1x16xf32>,
          %parallel_loop3A_270 = vector.shape_cast %parallel_loop3A_269 : vector<1x16xf32> to vector<16xf32>
          %parallel_loop3A_271 = vector.shape_cast %parallel_loop3A_266 : vector<16xf32> to vector<1x16xf32>
          tpu.vector_store %arg18[%parallel_loop3A_267, %parallel_loop3A_268], %parallel_loop3A_271 {strides = array<i32>} : memref<40x128xf32, #tpu.memory_space<vmem>>, vector<1x16xf32>,
          %parallel_loop3A_272 = arith.index_cast %parallel_loop3A_217 : i32 to index
          %parallel_loop3A_273 = arith.constant 80 : index
          %parallel_loop3A_274 = tpu.vector_load %arg18[%parallel_loop3A_272, %parallel_loop3A_273] {strides = array<i32>} : memref<40x128xf32, #tpu.memory_space<vmem>>, vector<1x16xf32>,
          %parallel_loop3A_275 = vector.shape_cast %parallel_loop3A_274 : vector<1x16xf32> to vector<16xf32>
          %parallel_loop3A_276 = arith.mulf %parallel_loop3A_275, %parallel_loop3A_221 : vector<16xf32>
          %parallel_loop3A_277 = arith.index_cast %parallel_loop3A_217 : i32 to index
          %parallel_loop3A_278 = arith.constant 80 : index
          %parallel_loop3A_279 = tpu.vector_load %arg18[%parallel_loop3A_277, %parallel_loop3A_278] {strides = array<i32>} : memref<40x128xf32, #tpu.memory_space<vmem>>, vector<1x16xf32>,
          %parallel_loop3A_280 = vector.shape_cast %parallel_loop3A_279 : vector<1x16xf32> to vector<16xf32>
          %parallel_loop3A_281 = vector.shape_cast %parallel_loop3A_276 : vector<16xf32> to vector<1x16xf32>
          tpu.vector_store %arg18[%parallel_loop3A_277, %parallel_loop3A_278], %parallel_loop3A_281 {strides = array<i32>} : memref<40x128xf32, #tpu.memory_space<vmem>>, vector<1x16xf32>,
          %parallel_loop3A_282 = arith.index_cast %parallel_loop3A_217 : i32 to index
          %parallel_loop3A_283 = arith.constant 96 : index
          %parallel_loop3A_284 = tpu.vector_load %arg18[%parallel_loop3A_282, %parallel_loop3A_283] {strides = array<i32>} : memref<40x128xf32, #tpu.memory_space<vmem>>, vector<1x16xf32>,
          %parallel_loop3A_285 = vector.shape_cast %parallel_loop3A_284 : vector<1x16xf32> to vector<16xf32>
          %parallel_loop3A_286 = arith.mulf %parallel_loop3A_285, %parallel_loop3A_221 : vector<16xf32>
          %parallel_loop3A_287 = arith.index_cast %parallel_loop3A_217 : i32 to index
          %parallel_loop3A_288 = arith.constant 96 : index
          %parallel_loop3A_289 = tpu.vector_load %arg18[%parallel_loop3A_287, %parallel_loop3A_288] {strides = array<i32>} : memref<40x128xf32, #tpu.memory_space<vmem>>, vector<1x16xf32>,
          %parallel_loop3A_290 = vector.shape_cast %parallel_loop3A_289 : vector<1x16xf32> to vector<16xf32>
          %parallel_loop3A_291 = vector.shape_cast %parallel_loop3A_286 : vector<16xf32> to vector<1x16xf32>
          tpu.vector_store %arg18[%parallel_loop3A_287, %parallel_loop3A_288], %parallel_loop3A_291 {strides = array<i32>} : memref<40x128xf32, #tpu.memory_space<vmem>>, vector<1x16xf32>,
          %parallel_loop3A_292 = arith.index_cast %parallel_loop3A_217 : i32 to index
          %parallel_loop3A_293 = arith.constant 112 : index
          %parallel_loop3A_294 = tpu.vector_load %arg18[%parallel_loop3A_292, %parallel_loop3A_293] {strides = array<i32>} : memref<40x128xf32, #tpu.memory_space<vmem>>, vector<1x16xf32>,
          %parallel_loop3A_295 = vector.shape_cast %parallel_loop3A_294 : vector<1x16xf32> to vector<16xf32>
          %parallel_loop3A_296 = arith.mulf %parallel_loop3A_295, %parallel_loop3A_221 : vector<16xf32>
          %parallel_loop3A_297 = arith.index_cast %parallel_loop3A_217 : i32 to index
          %parallel_loop3A_298 = arith.constant 112 : index
          %parallel_loop3A_299 = tpu.vector_load %arg18[%parallel_loop3A_297, %parallel_loop3A_298] {strides = array<i32>} : memref<40x128xf32, #tpu.memory_space<vmem>>, vector<1x16xf32>,
          %parallel_loop3A_300 = vector.shape_cast %parallel_loop3A_299 : vector<1x16xf32> to vector<16xf32>
          %parallel_loop3A_301 = vector.shape_cast %parallel_loop3A_296 : vector<16xf32> to vector<1x16xf32>
          tpu.vector_store %arg18[%parallel_loop3A_297, %parallel_loop3A_298], %parallel_loop3A_301 {strides = array<i32>} : memref<40x128xf32, #tpu.memory_space<vmem>>, vector<1x16xf32>,
        } {sc.loop_unroll_factor = 4 : i64, sc.parallel_access}
        %dma_start3A_210 = arith.constant 1 : i32
        %dma_start3A_211 = arith.constant 0 : i32
        %dma_start3A_212 = tpu.memref_slice %arg10[%dma_start3A_210, %dma_start3A_211] : memref<2x40xi32, #tpu.memory_space<vmem>> -> memref<1x40xi32, #tpu.memory_space<vmem>>
        %dma_start3A_213 = tpu.memref_squeeze %dma_start3A_212 : memref<1x40xi32, #tpu.memory_space<vmem>> -> memref<40xi32, #tpu.memory_space<vmem>>
        %dma_start3A_214 = arith.constant 0 : i32
        %dma_start3A_215 = arith.constant 0 : i32
        %dma_start3A_216 = tpu.memref_slice %arg19[%dma_start3A_214, %dma_start3A_215] : memref<10000x128xf32, #tpu.memory_space<vmem_shared>> -> memref<10000x128xf32, #tpu.memory_space<vmem_shared>>
        tpu.enqueue_indirect_dma source(%arg18 : memref<40x128xf32, #tpu.memory_space<vmem>>) target(%dma_start3A_216 : memref<10000x128xf32, #tpu.memory_space<vmem_shared>>) offsets(%dma_start3A_213 : memref<40xi32, #tpu.memory_space<vmem>>) semaphore(%arg31 : memref<!tpu.dma_semaphore, #tpu.memory_space<semaphore_mem>>) {add = true}
      } else {
      }
    }
    %scan3A_70 = arith.constant 64 : i32
    %barrier3A_71 = arith.constant 0 : index
    tpu.barrier barrier_id(%barrier3A_71)
    %mul3A_72 = arith.constant 625 : i32
    %mul3A_73 = arith.muli %arg1, %mul3A_72 : i32
    "tpu.region"() ({
      %run_scoped3A = tpu.sem_alloc : memref<!tpu.dma_semaphore, #tpu.memory_space<semaphore_mem>>
      %dma_start3A_74 = arith.constant 0 : i32
      %dma_start3A_75 = arith.constant 0 : i32
      %dma_start3A_76 = tpu.memref_slice %arg6[%arg0, %arg1, %dma_start3A_74, %dma_start3A_75] : memref<2x16x625x128xf32, #tpu.memory_space<hbm>> -> memref<1x1x625x128xf32, #tpu.memory_space<hbm>>
      %dma_start3A_77 = tpu.memref_squeeze %dma_start3A_76 : memref<1x1x625x128xf32, #tpu.memory_space<hbm>> -> memref<625x128xf32, #tpu.memory_space<hbm>>
      %dma_start3A_78 = arith.constant 0 : i32
      %dma_start3A_79 = tpu.memref_slice %arg19[%mul3A_73, %dma_start3A_78] : memref<10000x128xf32, #tpu.memory_space<vmem_shared>> -> memref<625x128xf32, #tpu.memory_space<vmem_shared>>
      tpu.enqueue_dma source(%dma_start3A_79 : memref<625x128xf32, #tpu.memory_space<vmem_shared>>) target(%dma_start3A_77 : memref<625x128xf32, #tpu.memory_space<hbm>>) target_semaphore(%run_scoped3A : memref<!tpu.dma_semaphore, #tpu.memory_space<semaphore_mem>>)
      %dma_wait3A_80 = arith.constant 0 : i32
      %dma_wait3A_81 = arith.constant 0 : i32
      %dma_wait3A_82 = tpu.memref_slice %arg6[%arg0, %arg1, %dma_wait3A_80, %dma_wait3A_81] : memref<2x16x625x128xf32, #tpu.memory_space<hbm>> -> memref<1x1x625x128xf32, #tpu.memory_space<hbm>>
      %dma_wait3A_83 = tpu.memref_squeeze %dma_wait3A_82 : memref<1x1x625x128xf32, #tpu.memory_space<hbm>> -> memref<625x128xf32, #tpu.memory_space<hbm>>
      %dma_wait3A_84 = arith.constant 0 : i32
      %dma_wait3A_85 = tpu.memref_slice %arg19[%mul3A_73, %dma_wait3A_84] : memref<10000x128xf32, #tpu.memory_space<vmem_shared>> -> memref<625x128xf32, #tpu.memory_space<vmem_shared>>
      tpu.wait_dma2 semaphore(%run_scoped3A : memref<!tpu.dma_semaphore, #tpu.memory_space<semaphore_mem>>) src(%dma_wait3A_85 : memref<625x128xf32, #tpu.memory_space<vmem_shared>>) dst(%dma_wait3A_83 : memref<625x128xf32, #tpu.memory_space<hbm>>)
      tpu.yield
    }) : () -> ()
    return
  }
}

#map = affine_map<(d0, d1) -> (0, 0)>
#map1 = affine_map<(d0, d1) -> (0, 0, 0, 0)>
module attributes {stable_mosaic.version = 14 : i64} {
  func.func @_sc_edge_agg(%arg0: i32, %arg1: i32, %arg2: memref<10000x128xf32, #tpu.memory_space<hbm>>, %arg3: memref<32x250x2x40xi32, #tpu.memory_space<hbm>>, %arg4: memref<32x250x40x16xf32, #tpu.memory_space<hbm>>, %arg5: memref<625x128xf32, #tpu.memory_space<hbm>>, %arg6: memref<2x16x625x128xf32, #tpu.memory_space<hbm>>, %arg7: memref<2x40xi32, #tpu.memory_space<vmem>>, %arg8: memref<2x40xi32, #tpu.memory_space<vmem>>, %arg9: memref<2x40xi32, #tpu.memory_space<vmem>>, %arg10: memref<2x40xi32, #tpu.memory_space<vmem>>, %arg11: memref<40x16xf32, #tpu.memory_space<vmem>>, %arg12: memref<40x16xf32, #tpu.memory_space<vmem>>, %arg13: memref<40x16xf32, #tpu.memory_space<vmem>>, %arg14: memref<40x16xf32, #tpu.memory_space<vmem>>, %arg15: memref<40x128xf32, #tpu.memory_space<vmem>>, %arg16: memref<40x128xf32, #tpu.memory_space<vmem>>, %arg17: memref<40x128xf32, #tpu.memory_space<vmem>>, %arg18: memref<40x128xf32, #tpu.memory_space<vmem>>, %arg19: memref<10000x128xf32, #tpu.memory_space<vmem_shared>>, %arg20: memref<!tpu.dma_semaphore, #tpu.memory_space<semaphore_mem>>, %arg21: memref<!tpu.dma_semaphore, #tpu.memory_space<semaphore_mem>>, %arg22: memref<!tpu.dma_semaphore, #tpu.memory_space<semaphore_mem>>, %arg23: memref<!tpu.dma_semaphore, #tpu.memory_space<semaphore_mem>>, %arg24: memref<!tpu.dma_semaphore, #tpu.memory_space<semaphore_mem>>, %arg25: memref<!tpu.dma_semaphore, #tpu.memory_space<semaphore_mem>>, %arg26: memref<!tpu.dma_semaphore, #tpu.memory_space<semaphore_mem>>, %arg27: memref<!tpu.dma_semaphore, #tpu.memory_space<semaphore_mem>>, %arg28: memref<!tpu.dma_semaphore, #tpu.memory_space<semaphore_mem>>, %arg29: memref<!tpu.dma_semaphore, #tpu.memory_space<semaphore_mem>>, %arg30: memref<!tpu.dma_semaphore, #tpu.memory_space<semaphore_mem>>, %arg31: memref<!tpu.dma_semaphore, #tpu.memory_space<semaphore_mem>>) attributes {dimension_semantics = [#tpu.dimension_semantics<core_parallel>, #tpu.dimension_semantics<subcore_parallel>], iteration_bounds = array<i64: 2, 16>, scalar_prefetch = 0 : i64, scratch_operands = 25 : i64, tpu.core_type = #tpu.core_type<sc_vector_subcore>, window_params = [{transform_indices = #map}, {transform_indices = #map1}, {transform_indices = #map1}, {transform_indices = #map}, {transform_indices = #map1}]} {
    %mul3A = arith.constant 2 : i32
    %mul3A_0 = arith.muli %arg1, %mul3A : i32
    %add3A = arith.addi %mul3A_0, %arg0 : i32
    %mul3A_1 = arith.constant 625 : i32
    %mul3A_2 = arith.muli %arg1, %mul3A_1 : i32
    %dma_start3A = arith.constant 0 : i32
    %dma_start3A_3 = tpu.memref_slice %arg19[%mul3A_2, %dma_start3A] : memref<10000x128xf32, #tpu.memory_space<vmem_shared>> -> memref<625x128xf32, #tpu.memory_space<vmem_shared>>
    tpu.enqueue_dma source(%arg5 : memref<625x128xf32, #tpu.memory_space<hbm>>) target(%dma_start3A_3 : memref<625x128xf32, #tpu.memory_space<vmem_shared>>) target_semaphore(%arg28 : memref<!tpu.dma_semaphore, #tpu.memory_space<semaphore_mem>>)
    %dma_start3A_4 = arith.constant 0 : i32
    %dma_start3A_5 = arith.constant 0 : i32
    %dma_start3A_6 = arith.constant 0 : i32
    %dma_start3A_7 = tpu.memref_slice %arg3[%add3A, %dma_start3A_4, %dma_start3A_5, %dma_start3A_6] : memref<32x250x2x40xi32, #tpu.memory_space<hbm>> -> memref<1x1x2x40xi32, #tpu.memory_space<hbm>>
    %dma_start3A_8 = tpu.memref_squeeze %dma_start3A_7 : memref<1x1x2x40xi32, #tpu.memory_space<hbm>> -> memref<2x40xi32, #tpu.memory_space<hbm>>
    %dma_start3A_9 = arith.constant 0 : i32
    %dma_start3A_10 = arith.constant 0 : i32
    %dma_start3A_11 = tpu.memref_slice %arg3[%add3A, %dma_start3A_4, %dma_start3A_9, %dma_start3A_10] : memref<32x250x2x40xi32, #tpu.memory_space<hbm>> -> memref<1x1x2x40xi32, #tpu.memory_space<hbm>>
    %dma_start3A_12 = tpu.memref_squeeze %dma_start3A_11 : memref<1x1x2x40xi32, #tpu.memory_space<hbm>> -> memref<2x40xi32, #tpu.memory_space<hbm>>
    tpu.enqueue_dma source(%dma_start3A_12 : memref<2x40xi32, #tpu.memory_space<hbm>>) target(%arg7 : memref<2x40xi32, #tpu.memory_space<vmem>>) target_semaphore(%arg20 : memref<!tpu.dma_semaphore, #tpu.memory_space<semaphore_mem>>)
    %dma_start3A_13 = arith.constant 0 : i32
    %dma_start3A_14 = arith.constant 0 : i32
    %dma_start3A_15 = arith.constant 0 : i32
    %dma_start3A_16 = tpu.memref_slice %arg4[%add3A, %dma_start3A_13, %dma_start3A_14, %dma_start3A_15] : memref<32x250x40x16xf32, #tpu.memory_space<hbm>> -> memref<1x1x40x16xf32, #tpu.memory_space<hbm>>
    %dma_start3A_17 = tpu.memref_squeeze %dma_start3A_16 : memref<1x1x40x16xf32, #tpu.memory_space<hbm>> -> memref<40x16xf32, #tpu.memory_space<hbm>>
    %dma_start3A_18 = arith.constant 0 : i32
    %dma_start3A_19 = arith.constant 0 : i32
    %dma_start3A_20 = tpu.memref_slice %arg4[%add3A, %dma_start3A_13, %dma_start3A_18, %dma_start3A_19] : memref<32x250x40x16xf32, #tpu.memory_space<hbm>> -> memref<1x1x40x16xf32, #tpu.memory_space<hbm>>
    %dma_start3A_21 = tpu.memref_squeeze %dma_start3A_20 : memref<1x1x40x16xf32, #tpu.memory_space<hbm>> -> memref<40x16xf32, #tpu.memory_space<hbm>>
    tpu.enqueue_dma source(%dma_start3A_21 : memref<40x16xf32, #tpu.memory_space<hbm>>) target(%arg11 : memref<40x16xf32, #tpu.memory_space<vmem>>) target_semaphore(%arg20 : memref<!tpu.dma_semaphore, #tpu.memory_space<semaphore_mem>>)
    %dma_start3A_22 = arith.constant 1 : i32
    %dma_start3A_23 = arith.constant 0 : i32
    %dma_start3A_24 = arith.constant 0 : i32
    %dma_start3A_25 = tpu.memref_slice %arg3[%add3A, %dma_start3A_22, %dma_start3A_23, %dma_start3A_24] : memref<32x250x2x40xi32, #tpu.memory_space<hbm>> -> memref<1x1x2x40xi32, #tpu.memory_space<hbm>>
    %dma_start3A_26 = tpu.memref_squeeze %dma_start3A_25 : memref<1x1x2x40xi32, #tpu.memory_space<hbm>> -> memref<2x40xi32, #tpu.memory_space<hbm>>
    %dma_start3A_27 = arith.constant 0 : i32
    %dma_start3A_28 = arith.constant 0 : i32
    %dma_start3A_29 = tpu.memref_slice %arg3[%add3A, %dma_start3A_22, %dma_start3A_27, %dma_start3A_28] : memref<32x250x2x40xi32, #tpu.memory_space<hbm>> -> memref<1x1x2x40xi32, #tpu.memory_space<hbm>>
    %dma_start3A_30 = tpu.memref_squeeze %dma_start3A_29 : memref<1x1x2x40xi32, #tpu.memory_space<hbm>> -> memref<2x40xi32, #tpu.memory_space<hbm>>
    tpu.enqueue_dma source(%dma_start3A_30 : memref<2x40xi32, #tpu.memory_space<hbm>>) target(%arg8 : memref<2x40xi32, #tpu.memory_space<vmem>>) target_semaphore(%arg21 : memref<!tpu.dma_semaphore, #tpu.memory_space<semaphore_mem>>)
    %dma_start3A_31 = arith.constant 1 : i32
    %dma_start3A_32 = arith.constant 0 : i32
    %dma_start3A_33 = arith.constant 0 : i32
    %dma_start3A_34 = tpu.memref_slice %arg4[%add3A, %dma_start3A_31, %dma_start3A_32, %dma_start3A_33] : memref<32x250x40x16xf32, #tpu.memory_space<hbm>> -> memref<1x1x40x16xf32, #tpu.memory_space<hbm>>
    %dma_start3A_35 = tpu.memref_squeeze %dma_start3A_34 : memref<1x1x40x16xf32, #tpu.memory_space<hbm>> -> memref<40x16xf32, #tpu.memory_space<hbm>>
    %dma_start3A_36 = arith.constant 0 : i32
    %dma_start3A_37 = arith.constant 0 : i32
    %dma_start3A_38 = tpu.memref_slice %arg4[%add3A, %dma_start3A_31, %dma_start3A_36, %dma_start3A_37] : memref<32x250x40x16xf32, #tpu.memory_space<hbm>> -> memref<1x1x40x16xf32, #tpu.memory_space<hbm>>
    %dma_start3A_39 = tpu.memref_squeeze %dma_start3A_38 : memref<1x1x40x16xf32, #tpu.memory_space<hbm>> -> memref<40x16xf32, #tpu.memory_space<hbm>>
    tpu.enqueue_dma source(%dma_start3A_39 : memref<40x16xf32, #tpu.memory_space<hbm>>) target(%arg12 : memref<40x16xf32, #tpu.memory_space<vmem>>) target_semaphore(%arg21 : memref<!tpu.dma_semaphore, #tpu.memory_space<semaphore_mem>>)
    %dma_wait3A = arith.constant 0 : i32
    %dma_wait3A_40 = arith.constant 0 : i32
    %dma_wait3A_41 = arith.constant 0 : i32
    %dma_wait3A_42 = tpu.memref_slice %arg3[%add3A, %dma_wait3A, %dma_wait3A_40, %dma_wait3A_41] : memref<32x250x2x40xi32, #tpu.memory_space<hbm>> -> memref<1x1x2x40xi32, #tpu.memory_space<hbm>>
    %dma_wait3A_43 = tpu.memref_squeeze %dma_wait3A_42 : memref<1x1x2x40xi32, #tpu.memory_space<hbm>> -> memref<2x40xi32, #tpu.memory_space<hbm>>
    %dma_wait3A_44 = arith.constant 0 : i32
    %dma_wait3A_45 = arith.constant 0 : i32
    %dma_wait3A_46 = tpu.memref_slice %arg3[%add3A, %dma_wait3A, %dma_wait3A_44, %dma_wait3A_45] : memref<32x250x2x40xi32, #tpu.memory_space<hbm>> -> memref<1x1x2x40xi32, #tpu.memory_space<hbm>>
    %dma_wait3A_47 = tpu.memref_squeeze %dma_wait3A_46 : memref<1x1x2x40xi32, #tpu.memory_space<hbm>> -> memref<2x40xi32, #tpu.memory_space<hbm>>
    tpu.wait_dma2 semaphore(%arg20 : memref<!tpu.dma_semaphore, #tpu.memory_space<semaphore_mem>>) src(%dma_wait3A_47 : memref<2x40xi32, #tpu.memory_space<hbm>>) dst(%arg7 : memref<2x40xi32, #tpu.memory_space<vmem>>)
    %dma_wait3A_48 = arith.constant 0 : i32
    %dma_wait3A_49 = arith.constant 0 : i32
    %dma_wait3A_50 = arith.constant 0 : i32
    %dma_wait3A_51 = tpu.memref_slice %arg4[%add3A, %dma_wait3A_48, %dma_wait3A_49, %dma_wait3A_50] : memref<32x250x40x16xf32, #tpu.memory_space<hbm>> -> memref<1x1x40x16xf32, #tpu.memory_space<hbm>>
    %dma_wait3A_52 = tpu.memref_squeeze %dma_wait3A_51 : memref<1x1x40x16xf32, #tpu.memory_space<hbm>> -> memref<40x16xf32, #tpu.memory_space<hbm>>
    %dma_wait3A_53 = arith.constant 0 : i32
    %dma_wait3A_54 = arith.constant 0 : i32
    %dma_wait3A_55 = tpu.memref_slice %arg4[%add3A, %dma_wait3A_48, %dma_wait3A_53, %dma_wait3A_54] : memref<32x250x40x16xf32, #tpu.memory_space<hbm>> -> memref<1x1x40x16xf32, #tpu.memory_space<hbm>>
    %dma_wait3A_56 = tpu.memref_squeeze %dma_wait3A_55 : memref<1x1x40x16xf32, #tpu.memory_space<hbm>> -> memref<40x16xf32, #tpu.memory_space<hbm>>
    tpu.wait_dma2 semaphore(%arg20 : memref<!tpu.dma_semaphore, #tpu.memory_space<semaphore_mem>>) src(%dma_wait3A_56 : memref<40x16xf32, #tpu.memory_space<hbm>>) dst(%arg11 : memref<40x16xf32, #tpu.memory_space<vmem>>)
    %dma_start3A_57 = arith.constant 0 : i32
    %dma_start3A_58 = arith.constant 0 : i32
    %dma_start3A_59 = tpu.memref_slice %arg7[%dma_start3A_57, %dma_start3A_58] : memref<2x40xi32, #tpu.memory_space<vmem>> -> memref<1x40xi32, #tpu.memory_space<vmem>>
    %dma_start3A_60 = tpu.memref_squeeze %dma_start3A_59 : memref<1x40xi32, #tpu.memory_space<vmem>> -> memref<40xi32, #tpu.memory_space<vmem>>
    %dma_start3A_61 = arith.constant 0 : i32
    %dma_start3A_62 = arith.constant 0 : i32
    %dma_start3A_63 = tpu.memref_slice %arg2[%dma_start3A_61, %dma_start3A_62] : memref<10000x128xf32, #tpu.memory_space<hbm>> -> memref<10000x128xf32, #tpu.memory_space<hbm>>
    tpu.enqueue_indirect_dma source(%dma_start3A_63 : memref<10000x128xf32, #tpu.memory_space<hbm>>) target(%arg15 : memref<40x128xf32, #tpu.memory_space<vmem>>) offsets(%dma_start3A_60 : memref<40xi32, #tpu.memory_space<vmem>>) semaphore(%arg24 : memref<!tpu.dma_semaphore, #tpu.memory_space<semaphore_mem>>)
    %dma_wait3A_64 = arith.constant 0 : i32
    %dma_wait3A_65 = tpu.memref_slice %arg19[%mul3A_2, %dma_wait3A_64] : memref<10000x128xf32, #tpu.memory_space<vmem_shared>> -> memref<625x128xf32, #tpu.memory_space<vmem_shared>>
    tpu.wait_dma2 semaphore(%arg28 : memref<!tpu.dma_semaphore, #tpu.memory_space<semaphore_mem>>) src(%arg5 : memref<625x128xf32, #tpu.memory_space<hbm>>) dst(%dma_wait3A_65 : memref<625x128xf32, #tpu.memory_space<vmem_shared>>)
    %barrier3A = arith.constant 0 : index
    tpu.barrier barrier_id(%barrier3A)
    %scan3A = arith.constant 0 : i32
    %scan3A_66 = arith.constant 0 : i32
    %scan3A_67 = arith.constant 64 : i32
    %scan3A_68 = arith.addi %scan3A_66, %scan3A_67 : i32
    %scan3A_69 = arith.constant 1 : i32
    scf.for %scan3A_74 = %scan3A_66 to %scan3A_68 step %scan3A_69  : i32 {
      %mul3A_75 = arith.constant 4 : i32
      %mul3A_76 = arith.muli %scan3A_74, %mul3A_75 : i32
      %add3A_77 = arith.constant 0 : i32
      %add3A_78 = arith.addi %mul3A_76, %add3A_77 : i32
      %ge3A = arith.constant 3 : i32
      %ge3A_79 = arith.cmpi sge, %add3A_78, %ge3A : i32
      %sub3A = arith.constant 3 : i32
      %sub3A_80 = arith.subi %add3A_78, %sub3A : i32
      %lt3A = arith.constant 250 : i32
      %lt3A_81 = arith.cmpi slt, %sub3A_80, %lt3A : i32
      %and3A = arith.andi %ge3A_79, %lt3A_81 : i1
      %convert_element_type3A = arith.extui %and3A : i1 to i32
      %cond3A = arith.constant 0 : i32
      %cond3A_82 = arith.cmpi ne, %convert_element_type3A, %cond3A : i32
      scf.if %cond3A_82 {
        %dma_wait3A_201 = arith.constant 1 : i32
        %dma_wait3A_202 = arith.constant 0 : i32
        %dma_wait3A_203 = tpu.memref_slice %arg8[%dma_wait3A_201, %dma_wait3A_202] : memref<2x40xi32, #tpu.memory_space<vmem>> -> memref<1x40xi32, #tpu.memory_space<vmem>>
        %dma_wait3A_204 = tpu.memref_squeeze %dma_wait3A_203 : memref<1x40xi32, #tpu.memory_space<vmem>> -> memref<40xi32, #tpu.memory_space<vmem>>
        %dma_wait3A_205 = arith.constant 0 : i32
        %dma_wait3A_206 = arith.constant 0 : i32
        %dma_wait3A_207 = tpu.memref_slice %arg19[%dma_wait3A_205, %dma_wait3A_206] : memref<10000x128xf32, #tpu.memory_space<vmem_shared>> -> memref<10000x128xf32, #tpu.memory_space<vmem_shared>>
        tpu.wait_indirect_dma semaphore(%arg29 : memref<!tpu.dma_semaphore, #tpu.memory_space<semaphore_mem>>) src(%arg16 : memref<40x128xf32, #tpu.memory_space<vmem>>) dst(%dma_wait3A_207 : memref<10000x128xf32, #tpu.memory_space<vmem_shared>>)
      } else {
      }
      %add3A_83 = arith.constant 2 : i32
      %add3A_84 = arith.addi %add3A_78, %add3A_83 : i32
      %lt3A_85 = arith.constant 250 : i32
      %lt3A_86 = arith.cmpi slt, %add3A_84, %lt3A_85 : i32
      %convert_element_type3A_87 = arith.extui %lt3A_86 : i1 to i32
      %cond3A_88 = arith.constant 0 : i32
      %cond3A_89 = arith.cmpi ne, %convert_element_type3A_87, %cond3A_88 : i32
      scf.if %cond3A_89 {
        %add3A_201 = arith.constant 2 : i32
        %add3A_202 = arith.addi %add3A_78, %add3A_201 : i32
        %dma_start3A_203 = arith.constant 0 : i32
        %dma_start3A_204 = arith.constant 0 : i32
        %dma_start3A_205 = tpu.memref_slice %arg3[%add3A, %add3A_202, %dma_start3A_203, %dma_start3A_204] : memref<32x250x2x40xi32, #tpu.memory_space<hbm>> -> memref<1x1x2x40xi32, #tpu.memory_space<hbm>>
        %dma_start3A_206 = tpu.memref_squeeze %dma_start3A_205 : memref<1x1x2x40xi32, #tpu.memory_space<hbm>> -> memref<2x40xi32, #tpu.memory_space<hbm>>
        %dma_start3A_207 = arith.constant 0 : i32
        %dma_start3A_208 = arith.constant 0 : i32
        %dma_start3A_209 = tpu.memref_slice %arg3[%add3A, %add3A_202, %dma_start3A_207, %dma_start3A_208] : memref<32x250x2x40xi32, #tpu.memory_space<hbm>> -> memref<1x1x2x40xi32, #tpu.memory_space<hbm>>
        %dma_start3A_210 = tpu.memref_squeeze %dma_start3A_209 : memref<1x1x2x40xi32, #tpu.memory_space<hbm>> -> memref<2x40xi32, #tpu.memory_space<hbm>>
        tpu.enqueue_dma source(%dma_start3A_210 : memref<2x40xi32, #tpu.memory_space<hbm>>) target(%arg9 : memref<2x40xi32, #tpu.memory_space<vmem>>) target_semaphore(%arg22 : memref<!tpu.dma_semaphore, #tpu.memory_space<semaphore_mem>>)
        %dma_start3A_211 = arith.constant 0 : i32
        %dma_start3A_212 = arith.constant 0 : i32
        %dma_start3A_213 = tpu.memref_slice %arg4[%add3A, %add3A_202, %dma_start3A_211, %dma_start3A_212] : memref<32x250x40x16xf32, #tpu.memory_space<hbm>> -> memref<1x1x40x16xf32, #tpu.memory_space<hbm>>
        %dma_start3A_214 = tpu.memref_squeeze %dma_start3A_213 : memref<1x1x40x16xf32, #tpu.memory_space<hbm>> -> memref<40x16xf32, #tpu.memory_space<hbm>>
        %dma_start3A_215 = arith.constant 0 : i32
        %dma_start3A_216 = arith.constant 0 : i32
        %dma_start3A_217 = tpu.memref_slice %arg4[%add3A, %add3A_202, %dma_start3A_215, %dma_start3A_216] : memref<32x250x40x16xf32, #tpu.memory_space<hbm>> -> memref<1x1x40x16xf32, #tpu.memory_space<hbm>>
        %dma_start3A_218 = tpu.memref_squeeze %dma_start3A_217 : memref<1x1x40x16xf32, #tpu.memory_space<hbm>> -> memref<40x16xf32, #tpu.memory_space<hbm>>
        tpu.enqueue_dma source(%dma_start3A_218 : memref<40x16xf32, #tpu.memory_space<hbm>>) target(%arg13 : memref<40x16xf32, #tpu.memory_space<vmem>>) target_semaphore(%arg22 : memref<!tpu.dma_semaphore, #tpu.memory_space<semaphore_mem>>)
      } else {
      }
      %add3A_90 = arith.constant 1 : i32
      %add3A_91 = arith.addi %add3A_78, %add3A_90 : i32
      %lt3A_92 = arith.constant 250 : i32
      %lt3A_93 = arith.cmpi slt, %add3A_91, %lt3A_92 : i32
      %convert_element_type3A_94 = arith.extui %lt3A_93 : i1 to i32
      %cond3A_95 = arith.constant 0 : i32
      %cond3A_96 = arith.cmpi ne, %convert_element_type3A_94, %cond3A_95 : i32
      scf.if %cond3A_96 {
        %add3A_201 = arith.constant 1 : i32
        %add3A_202 = arith.addi %add3A_78, %add3A_201 : i32
        %dma_wait3A_203 = arith.constant 0 : i32
        %dma_wait3A_204 = arith.constant 0 : i32
        %dma_wait3A_205 = tpu.memref_slice %arg3[%add3A, %add3A_202, %dma_wait3A_203, %dma_wait3A_204] : memref<32x250x2x40xi32, #tpu.memory_space<hbm>> -> memref<1x1x2x40xi32, #tpu.memory_space<hbm>>
        %dma_wait3A_206 = tpu.memref_squeeze %dma_wait3A_205 : memref<1x1x2x40xi32, #tpu.memory_space<hbm>> -> memref<2x40xi32, #tpu.memory_space<hbm>>
        %dma_wait3A_207 = arith.constant 0 : i32
        %dma_wait3A_208 = arith.constant 0 : i32
        %dma_wait3A_209 = tpu.memref_slice %arg3[%add3A, %add3A_202, %dma_wait3A_207, %dma_wait3A_208] : memref<32x250x2x40xi32, #tpu.memory_space<hbm>> -> memref<1x1x2x40xi32, #tpu.memory_space<hbm>>
        %dma_wait3A_210 = tpu.memref_squeeze %dma_wait3A_209 : memref<1x1x2x40xi32, #tpu.memory_space<hbm>> -> memref<2x40xi32, #tpu.memory_space<hbm>>
        tpu.wait_dma2 semaphore(%arg21 : memref<!tpu.dma_semaphore, #tpu.memory_space<semaphore_mem>>) src(%dma_wait3A_210 : memref<2x40xi32, #tpu.memory_space<hbm>>) dst(%arg8 : memref<2x40xi32, #tpu.memory_space<vmem>>)
        %dma_wait3A_211 = arith.constant 0 : i32
        %dma_wait3A_212 = arith.constant 0 : i32
        %dma_wait3A_213 = tpu.memref_slice %arg4[%add3A, %add3A_202, %dma_wait3A_211, %dma_wait3A_212] : memref<32x250x40x16xf32, #tpu.memory_space<hbm>> -> memref<1x1x40x16xf32, #tpu.memory_space<hbm>>
        %dma_wait3A_214 = tpu.memref_squeeze %dma_wait3A_213 : memref<1x1x40x16xf32, #tpu.memory_space<hbm>> -> memref<40x16xf32, #tpu.memory_space<hbm>>
        %dma_wait3A_215 = arith.constant 0 : i32
        %dma_wait3A_216 = arith.constant 0 : i32
        %dma_wait3A_217 = tpu.memref_slice %arg4[%add3A, %add3A_202, %dma_wait3A_215, %dma_wait3A_216] : memref<32x250x40x16xf32, #tpu.memory_space<hbm>> -> memref<1x1x40x16xf32, #tpu.memory_space<hbm>>
        %dma_wait3A_218 = tpu.memref_squeeze %dma_wait3A_217 : memref<1x1x40x16xf32, #tpu.memory_space<hbm>> -> memref<40x16xf32, #tpu.memory_space<hbm>>
        tpu.wait_dma2 semaphore(%arg21 : memref<!tpu.dma_semaphore, #tpu.memory_space<semaphore_mem>>) src(%dma_wait3A_218 : memref<40x16xf32, #tpu.memory_space<hbm>>) dst(%arg12 : memref<40x16xf32, #tpu.memory_space<vmem>>)
        %dma_start3A_219 = arith.constant 0 : i32
        %dma_start3A_220 = arith.constant 0 : i32
        %dma_start3A_221 = tpu.memref_slice %arg8[%dma_start3A_219, %dma_start3A_220] : memref<2x40xi32, #tpu.memory_space<vmem>> -> memref<1x40xi32, #tpu.memory_space<vmem>>
        %dma_start3A_222 = tpu.memref_squeeze %dma_start3A_221 : memref<1x40xi32, #tpu.memory_space<vmem>> -> memref<40xi32, #tpu.memory_space<vmem>>
        %dma_start3A_223 = arith.constant 0 : i32
        %dma_start3A_224 = arith.constant 0 : i32
        %dma_start3A_225 = tpu.memref_slice %arg2[%dma_start3A_223, %dma_start3A_224] : memref<10000x128xf32, #tpu.memory_space<hbm>> -> memref<10000x128xf32, #tpu.memory_space<hbm>>
        tpu.enqueue_indirect_dma source(%dma_start3A_225 : memref<10000x128xf32, #tpu.memory_space<hbm>>) target(%arg16 : memref<40x128xf32, #tpu.memory_space<vmem>>) offsets(%dma_start3A_222 : memref<40xi32, #tpu.memory_space<vmem>>) semaphore(%arg25 : memref<!tpu.dma_semaphore, #tpu.memory_space<semaphore_mem>>)
      } else {
      }
      %lt3A_97 = arith.constant 250 : i32
      %lt3A_98 = arith.cmpi slt, %add3A_78, %lt3A_97 : i32
      %convert_element_type3A_99 = arith.extui %lt3A_98 : i1 to i32
      %cond3A_100 = arith.constant 0 : i32
      %cond3A_101 = arith.cmpi ne, %convert_element_type3A_99, %cond3A_100 : i32
      scf.if %cond3A_101 {
        %dma_wait3A_201 = arith.constant 0 : i32
        %dma_wait3A_202 = arith.constant 0 : i32
        %dma_wait3A_203 = tpu.memref_slice %arg7[%dma_wait3A_201, %dma_wait3A_202] : memref<2x40xi32, #tpu.memory_space<vmem>> -> memref<1x40xi32, #tpu.memory_space<vmem>>
        %dma_wait3A_204 = tpu.memref_squeeze %dma_wait3A_203 : memref<1x40xi32, #tpu.memory_space<vmem>> -> memref<40xi32, #tpu.memory_space<vmem>>
        %dma_wait3A_205 = arith.constant 0 : i32
        %dma_wait3A_206 = arith.constant 0 : i32
        %dma_wait3A_207 = tpu.memref_slice %arg2[%dma_wait3A_205, %dma_wait3A_206] : memref<10000x128xf32, #tpu.memory_space<hbm>> -> memref<10000x128xf32, #tpu.memory_space<hbm>>
        tpu.wait_indirect_dma semaphore(%arg24 : memref<!tpu.dma_semaphore, #tpu.memory_space<semaphore_mem>>) src(%dma_wait3A_207 : memref<10000x128xf32, #tpu.memory_space<hbm>>) dst(%arg15 : memref<40x128xf32, #tpu.memory_space<vmem>>)
        %parallel_loop3A = arith.constant 0 : i32
        %parallel_loop3A_208 = arith.constant 40 : i32
        %parallel_loop3A_209 = arith.constant 1 : i32
        scf.for %parallel_loop3A_217 = %parallel_loop3A to %parallel_loop3A_208 step %parallel_loop3A_209  : i32 {
          %parallel_loop3A_218 = arith.index_cast %parallel_loop3A_217 : i32 to index
          %parallel_loop3A_219 = arith.constant 0 : index
          %parallel_loop3A_220 = tpu.vector_load %arg11[%parallel_loop3A_218, %parallel_loop3A_219] {strides = array<i32>} : memref<40x16xf32, #tpu.memory_space<vmem>>, vector<1x16xf32>,
          %parallel_loop3A_221 = vector.shape_cast %parallel_loop3A_220 : vector<1x16xf32> to vector<16xf32>
          %parallel_loop3A_222 = arith.index_cast %parallel_loop3A_217 : i32 to index
          %parallel_loop3A_223 = arith.constant 0 : index
          %parallel_loop3A_224 = tpu.vector_load %arg15[%parallel_loop3A_222, %parallel_loop3A_223] {strides = array<i32>} : memref<40x128xf32, #tpu.memory_space<vmem>>, vector<1x16xf32>,
          %parallel_loop3A_225 = vector.shape_cast %parallel_loop3A_224 : vector<1x16xf32> to vector<16xf32>
          %parallel_loop3A_226 = arith.mulf %parallel_loop3A_225, %parallel_loop3A_221 : vector<16xf32>
          %parallel_loop3A_227 = arith.index_cast %parallel_loop3A_217 : i32 to index
          %parallel_loop3A_228 = arith.constant 0 : index
          %parallel_loop3A_229 = tpu.vector_load %arg15[%parallel_loop3A_227, %parallel_loop3A_228] {strides = array<i32>} : memref<40x128xf32, #tpu.memory_space<vmem>>, vector<1x16xf32>,
          %parallel_loop3A_230 = vector.shape_cast %parallel_loop3A_229 : vector<1x16xf32> to vector<16xf32>
          %parallel_loop3A_231 = vector.shape_cast %parallel_loop3A_226 : vector<16xf32> to vector<1x16xf32>
          tpu.vector_store %arg15[%parallel_loop3A_227, %parallel_loop3A_228], %parallel_loop3A_231 {strides = array<i32>} : memref<40x128xf32, #tpu.memory_space<vmem>>, vector<1x16xf32>,
          %parallel_loop3A_232 = arith.index_cast %parallel_loop3A_217 : i32 to index
          %parallel_loop3A_233 = arith.constant 16 : index
          %parallel_loop3A_234 = tpu.vector_load %arg15[%parallel_loop3A_232, %parallel_loop3A_233] {strides = array<i32>} : memref<40x128xf32, #tpu.memory_space<vmem>>, vector<1x16xf32>,
          %parallel_loop3A_235 = vector.shape_cast %parallel_loop3A_234 : vector<1x16xf32> to vector<16xf32>
          %parallel_loop3A_236 = arith.mulf %parallel_loop3A_235, %parallel_loop3A_221 : vector<16xf32>
          %parallel_loop3A_237 = arith.index_cast %parallel_loop3A_217 : i32 to index
          %parallel_loop3A_238 = arith.constant 16 : index
          %parallel_loop3A_239 = tpu.vector_load %arg15[%parallel_loop3A_237, %parallel_loop3A_238] {strides = array<i32>} : memref<40x128xf32, #tpu.memory_space<vmem>>, vector<1x16xf32>,
          %parallel_loop3A_240 = vector.shape_cast %parallel_loop3A_239 : vector<1x16xf32> to vector<16xf32>
          %parallel_loop3A_241 = vector.shape_cast %parallel_loop3A_236 : vector<16xf32> to vector<1x16xf32>
          tpu.vector_store %arg15[%parallel_loop3A_237, %parallel_loop3A_238], %parallel_loop3A_241 {strides = array<i32>} : memref<40x128xf32, #tpu.memory_space<vmem>>, vector<1x16xf32>,
          %parallel_loop3A_242 = arith.index_cast %parallel_loop3A_217 : i32 to index
          %parallel_loop3A_243 = arith.constant 32 : index
          %parallel_loop3A_244 = tpu.vector_load %arg15[%parallel_loop3A_242, %parallel_loop3A_243] {strides = array<i32>} : memref<40x128xf32, #tpu.memory_space<vmem>>, vector<1x16xf32>,
          %parallel_loop3A_245 = vector.shape_cast %parallel_loop3A_244 : vector<1x16xf32> to vector<16xf32>
          %parallel_loop3A_246 = arith.mulf %parallel_loop3A_245, %parallel_loop3A_221 : vector<16xf32>
          %parallel_loop3A_247 = arith.index_cast %parallel_loop3A_217 : i32 to index
          %parallel_loop3A_248 = arith.constant 32 : index
          %parallel_loop3A_249 = tpu.vector_load %arg15[%parallel_loop3A_247, %parallel_loop3A_248] {strides = array<i32>} : memref<40x128xf32, #tpu.memory_space<vmem>>, vector<1x16xf32>,
          %parallel_loop3A_250 = vector.shape_cast %parallel_loop3A_249 : vector<1x16xf32> to vector<16xf32>
          %parallel_loop3A_251 = vector.shape_cast %parallel_loop3A_246 : vector<16xf32> to vector<1x16xf32>
          tpu.vector_store %arg15[%parallel_loop3A_247, %parallel_loop3A_248], %parallel_loop3A_251 {strides = array<i32>} : memref<40x128xf32, #tpu.memory_space<vmem>>, vector<1x16xf32>,
          %parallel_loop3A_252 = arith.index_cast %parallel_loop3A_217 : i32 to index
          %parallel_loop3A_253 = arith.constant 48 : index
          %parallel_loop3A_254 = tpu.vector_load %arg15[%parallel_loop3A_252, %parallel_loop3A_253] {strides = array<i32>} : memref<40x128xf32, #tpu.memory_space<vmem>>, vector<1x16xf32>,
          %parallel_loop3A_255 = vector.shape_cast %parallel_loop3A_254 : vector<1x16xf32> to vector<16xf32>
          %parallel_loop3A_256 = arith.mulf %parallel_loop3A_255, %parallel_loop3A_221 : vector<16xf32>
          %parallel_loop3A_257 = arith.index_cast %parallel_loop3A_217 : i32 to index
          %parallel_loop3A_258 = arith.constant 48 : index
          %parallel_loop3A_259 = tpu.vector_load %arg15[%parallel_loop3A_257, %parallel_loop3A_258] {strides = array<i32>} : memref<40x128xf32, #tpu.memory_space<vmem>>, vector<1x16xf32>,
          %parallel_loop3A_260 = vector.shape_cast %parallel_loop3A_259 : vector<1x16xf32> to vector<16xf32>
          %parallel_loop3A_261 = vector.shape_cast %parallel_loop3A_256 : vector<16xf32> to vector<1x16xf32>
          tpu.vector_store %arg15[%parallel_loop3A_257, %parallel_loop3A_258], %parallel_loop3A_261 {strides = array<i32>} : memref<40x128xf32, #tpu.memory_space<vmem>>, vector<1x16xf32>,
          %parallel_loop3A_262 = arith.index_cast %parallel_loop3A_217 : i32 to index
          %parallel_loop3A_263 = arith.constant 64 : index
          %parallel_loop3A_264 = tpu.vector_load %arg15[%parallel_loop3A_262, %parallel_loop3A_263] {strides = array<i32>} : memref<40x128xf32, #tpu.memory_space<vmem>>, vector<1x16xf32>,
          %parallel_loop3A_265 = vector.shape_cast %parallel_loop3A_264 : vector<1x16xf32> to vector<16xf32>
          %parallel_loop3A_266 = arith.mulf %parallel_loop3A_265, %parallel_loop3A_221 : vector<16xf32>
          %parallel_loop3A_267 = arith.index_cast %parallel_loop3A_217 : i32 to index
          %parallel_loop3A_268 = arith.constant 64 : index
          %parallel_loop3A_269 = tpu.vector_load %arg15[%parallel_loop3A_267, %parallel_loop3A_268] {strides = array<i32>} : memref<40x128xf32, #tpu.memory_space<vmem>>, vector<1x16xf32>,
          %parallel_loop3A_270 = vector.shape_cast %parallel_loop3A_269 : vector<1x16xf32> to vector<16xf32>
          %parallel_loop3A_271 = vector.shape_cast %parallel_loop3A_266 : vector<16xf32> to vector<1x16xf32>
          tpu.vector_store %arg15[%parallel_loop3A_267, %parallel_loop3A_268], %parallel_loop3A_271 {strides = array<i32>} : memref<40x128xf32, #tpu.memory_space<vmem>>, vector<1x16xf32>,
          %parallel_loop3A_272 = arith.index_cast %parallel_loop3A_217 : i32 to index
          %parallel_loop3A_273 = arith.constant 80 : index
          %parallel_loop3A_274 = tpu.vector_load %arg15[%parallel_loop3A_272, %parallel_loop3A_273] {strides = array<i32>} : memref<40x128xf32, #tpu.memory_space<vmem>>, vector<1x16xf32>,
          %parallel_loop3A_275 = vector.shape_cast %parallel_loop3A_274 : vector<1x16xf32> to vector<16xf32>
          %parallel_loop3A_276 = arith.mulf %parallel_loop3A_275, %parallel_loop3A_221 : vector<16xf32>
          %parallel_loop3A_277 = arith.index_cast %parallel_loop3A_217 : i32 to index
          %parallel_loop3A_278 = arith.constant 80 : index
          %parallel_loop3A_279 = tpu.vector_load %arg15[%parallel_loop3A_277, %parallel_loop3A_278] {strides = array<i32>} : memref<40x128xf32, #tpu.memory_space<vmem>>, vector<1x16xf32>,
          %parallel_loop3A_280 = vector.shape_cast %parallel_loop3A_279 : vector<1x16xf32> to vector<16xf32>
          %parallel_loop3A_281 = vector.shape_cast %parallel_loop3A_276 : vector<16xf32> to vector<1x16xf32>
          tpu.vector_store %arg15[%parallel_loop3A_277, %parallel_loop3A_278], %parallel_loop3A_281 {strides = array<i32>} : memref<40x128xf32, #tpu.memory_space<vmem>>, vector<1x16xf32>,
          %parallel_loop3A_282 = arith.index_cast %parallel_loop3A_217 : i32 to index
          %parallel_loop3A_283 = arith.constant 96 : index
          %parallel_loop3A_284 = tpu.vector_load %arg15[%parallel_loop3A_282, %parallel_loop3A_283] {strides = array<i32>} : memref<40x128xf32, #tpu.memory_space<vmem>>, vector<1x16xf32>,
          %parallel_loop3A_285 = vector.shape_cast %parallel_loop3A_284 : vector<1x16xf32> to vector<16xf32>
          %parallel_loop3A_286 = arith.mulf %parallel_loop3A_285, %parallel_loop3A_221 : vector<16xf32>
          %parallel_loop3A_287 = arith.index_cast %parallel_loop3A_217 : i32 to index
          %parallel_loop3A_288 = arith.constant 96 : index
          %parallel_loop3A_289 = tpu.vector_load %arg15[%parallel_loop3A_287, %parallel_loop3A_288] {strides = array<i32>} : memref<40x128xf32, #tpu.memory_space<vmem>>, vector<1x16xf32>,
          %parallel_loop3A_290 = vector.shape_cast %parallel_loop3A_289 : vector<1x16xf32> to vector<16xf32>
          %parallel_loop3A_291 = vector.shape_cast %parallel_loop3A_286 : vector<16xf32> to vector<1x16xf32>
          tpu.vector_store %arg15[%parallel_loop3A_287, %parallel_loop3A_288], %parallel_loop3A_291 {strides = array<i32>} : memref<40x128xf32, #tpu.memory_space<vmem>>, vector<1x16xf32>,
          %parallel_loop3A_292 = arith.index_cast %parallel_loop3A_217 : i32 to index
          %parallel_loop3A_293 = arith.constant 112 : index
          %parallel_loop3A_294 = tpu.vector_load %arg15[%parallel_loop3A_292, %parallel_loop3A_293] {strides = array<i32>} : memref<40x128xf32, #tpu.memory_space<vmem>>, vector<1x16xf32>,
          %parallel_loop3A_295 = vector.shape_cast %parallel_loop3A_294 : vector<1x16xf32> to vector<16xf32>
          %parallel_loop3A_296 = arith.mulf %parallel_loop3A_295, %parallel_loop3A_221 : vector<16xf32>
          %parallel_loop3A_297 = arith.index_cast %parallel_loop3A_217 : i32 to index
          %parallel_loop3A_298 = arith.constant 112 : index
          %parallel_loop3A_299 = tpu.vector_load %arg15[%parallel_loop3A_297, %parallel_loop3A_298] {strides = array<i32>} : memref<40x128xf32, #tpu.memory_space<vmem>>, vector<1x16xf32>,
          %parallel_loop3A_300 = vector.shape_cast %parallel_loop3A_299 : vector<1x16xf32> to vector<16xf32>
          %parallel_loop3A_301 = vector.shape_cast %parallel_loop3A_296 : vector<16xf32> to vector<1x16xf32>
          tpu.vector_store %arg15[%parallel_loop3A_297, %parallel_loop3A_298], %parallel_loop3A_301 {strides = array<i32>} : memref<40x128xf32, #tpu.memory_space<vmem>>, vector<1x16xf32>,
        } {sc.loop_unroll_factor = 4 : i64, sc.parallel_access}
        %dma_start3A_210 = arith.constant 1 : i32
        %dma_start3A_211 = arith.constant 0 : i32
        %dma_start3A_212 = tpu.memref_slice %arg7[%dma_start3A_210, %dma_start3A_211] : memref<2x40xi32, #tpu.memory_space<vmem>> -> memref<1x40xi32, #tpu.memory_space<vmem>>
        %dma_start3A_213 = tpu.memref_squeeze %dma_start3A_212 : memref<1x40xi32, #tpu.memory_space<vmem>> -> memref<40xi32, #tpu.memory_space<vmem>>
        %dma_start3A_214 = arith.constant 0 : i32
        %dma_start3A_215 = arith.constant 0 : i32
        %dma_start3A_216 = tpu.memref_slice %arg19[%dma_start3A_214, %dma_start3A_215] : memref<10000x128xf32, #tpu.memory_space<vmem_shared>> -> memref<10000x128xf32, #tpu.memory_space<vmem_shared>>
        tpu.enqueue_indirect_dma source(%arg15 : memref<40x128xf32, #tpu.memory_space<vmem>>) target(%dma_start3A_216 : memref<10000x128xf32, #tpu.memory_space<vmem_shared>>) offsets(%dma_start3A_213 : memref<40xi32, #tpu.memory_space<vmem>>) semaphore(%arg28 : memref<!tpu.dma_semaphore, #tpu.memory_space<semaphore_mem>>) {add = true}
      } else {
      }
      %mul3A_102 = arith.constant 4 : i32
      %mul3A_103 = arith.muli %scan3A_74, %mul3A_102 : i32
      %add3A_104 = arith.constant 1 : i32
      %add3A_105 = arith.addi %mul3A_103, %add3A_104 : i32
      %ge3A_106 = arith.constant 3 : i32
      %ge3A_107 = arith.cmpi sge, %add3A_105, %ge3A_106 : i32
      %sub3A_108 = arith.constant 3 : i32
      %sub3A_109 = arith.subi %add3A_105, %sub3A_108 : i32
      %lt3A_110 = arith.constant 250 : i32
      %lt3A_111 = arith.cmpi slt, %sub3A_109, %lt3A_110 : i32
      %and3A_112 = arith.andi %ge3A_107, %lt3A_111 : i1
      %convert_element_type3A_113 = arith.extui %and3A_112 : i1 to i32
      %cond3A_114 = arith.constant 0 : i32
      %cond3A_115 = arith.cmpi ne, %convert_element_type3A_113, %cond3A_114 : i32
      scf.if %cond3A_115 {
        %dma_wait3A_201 = arith.constant 1 : i32
        %dma_wait3A_202 = arith.constant 0 : i32
        %dma_wait3A_203 = tpu.memref_slice %arg9[%dma_wait3A_201, %dma_wait3A_202] : memref<2x40xi32, #tpu.memory_space<vmem>> -> memref<1x40xi32, #tpu.memory_space<vmem>>
        %dma_wait3A_204 = tpu.memref_squeeze %dma_wait3A_203 : memref<1x40xi32, #tpu.memory_space<vmem>> -> memref<40xi32, #tpu.memory_space<vmem>>
        %dma_wait3A_205 = arith.constant 0 : i32
        %dma_wait3A_206 = arith.constant 0 : i32
        %dma_wait3A_207 = tpu.memref_slice %arg19[%dma_wait3A_205, %dma_wait3A_206] : memref<10000x128xf32, #tpu.memory_space<vmem_shared>> -> memref<10000x128xf32, #tpu.memory_space<vmem_shared>>
        tpu.wait_indirect_dma semaphore(%arg30 : memref<!tpu.dma_semaphore, #tpu.memory_space<semaphore_mem>>) src(%arg17 : memref<40x128xf32, #tpu.memory_space<vmem>>) dst(%dma_wait3A_207 : memref<10000x128xf32, #tpu.memory_space<vmem_shared>>)
      } else {
      }
      %add3A_116 = arith.constant 2 : i32
      %add3A_117 = arith.addi %add3A_105, %add3A_116 : i32
      %lt3A_118 = arith.constant 250 : i32
      %lt3A_119 = arith.cmpi slt, %add3A_117, %lt3A_118 : i32
      %convert_element_type3A_120 = arith.extui %lt3A_119 : i1 to i32
      %cond3A_121 = arith.constant 0 : i32
      %cond3A_122 = arith.cmpi ne, %convert_element_type3A_120, %cond3A_121 : i32
      scf.if %cond3A_122 {
        %add3A_201 = arith.constant 2 : i32
        %add3A_202 = arith.addi %add3A_105, %add3A_201 : i32
        %dma_start3A_203 = arith.constant 0 : i32
        %dma_start3A_204 = arith.constant 0 : i32
        %dma_start3A_205 = tpu.memref_slice %arg3[%add3A, %add3A_202, %dma_start3A_203, %dma_start3A_204] : memref<32x250x2x40xi32, #tpu.memory_space<hbm>> -> memref<1x1x2x40xi32, #tpu.memory_space<hbm>>
        %dma_start3A_206 = tpu.memref_squeeze %dma_start3A_205 : memref<1x1x2x40xi32, #tpu.memory_space<hbm>> -> memref<2x40xi32, #tpu.memory_space<hbm>>
        %dma_start3A_207 = arith.constant 0 : i32
        %dma_start3A_208 = arith.constant 0 : i32
        %dma_start3A_209 = tpu.memref_slice %arg3[%add3A, %add3A_202, %dma_start3A_207, %dma_start3A_208] : memref<32x250x2x40xi32, #tpu.memory_space<hbm>> -> memref<1x1x2x40xi32, #tpu.memory_space<hbm>>
        %dma_start3A_210 = tpu.memref_squeeze %dma_start3A_209 : memref<1x1x2x40xi32, #tpu.memory_space<hbm>> -> memref<2x40xi32, #tpu.memory_space<hbm>>
        tpu.enqueue_dma source(%dma_start3A_210 : memref<2x40xi32, #tpu.memory_space<hbm>>) target(%arg10 : memref<2x40xi32, #tpu.memory_space<vmem>>) target_semaphore(%arg23 : memref<!tpu.dma_semaphore, #tpu.memory_space<semaphore_mem>>)
        %dma_start3A_211 = arith.constant 0 : i32
        %dma_start3A_212 = arith.constant 0 : i32
        %dma_start3A_213 = tpu.memref_slice %arg4[%add3A, %add3A_202, %dma_start3A_211, %dma_start3A_212] : memref<32x250x40x16xf32, #tpu.memory_space<hbm>> -> memref<1x1x40x16xf32, #tpu.memory_space<hbm>>
        %dma_start3A_214 = tpu.memref_squeeze %dma_start3A_213 : memref<1x1x40x16xf32, #tpu.memory_space<hbm>> -> memref<40x16xf32, #tpu.memory_space<hbm>>
        %dma_start3A_215 = arith.constant 0 : i32
        %dma_start3A_216 = arith.constant 0 : i32
        %dma_start3A_217 = tpu.memref_slice %arg4[%add3A, %add3A_202, %dma_start3A_215, %dma_start3A_216] : memref<32x250x40x16xf32, #tpu.memory_space<hbm>> -> memref<1x1x40x16xf32, #tpu.memory_space<hbm>>
        %dma_start3A_218 = tpu.memref_squeeze %dma_start3A_217 : memref<1x1x40x16xf32, #tpu.memory_space<hbm>> -> memref<40x16xf32, #tpu.memory_space<hbm>>
        tpu.enqueue_dma source(%dma_start3A_218 : memref<40x16xf32, #tpu.memory_space<hbm>>) target(%arg14 : memref<40x16xf32, #tpu.memory_space<vmem>>) target_semaphore(%arg23 : memref<!tpu.dma_semaphore, #tpu.memory_space<semaphore_mem>>)
      } else {
      }
      %add3A_123 = arith.constant 1 : i32
      %add3A_124 = arith.addi %add3A_105, %add3A_123 : i32
      %lt3A_125 = arith.constant 250 : i32
      %lt3A_126 = arith.cmpi slt, %add3A_124, %lt3A_125 : i32
      %convert_element_type3A_127 = arith.extui %lt3A_126 : i1 to i32
      %cond3A_128 = arith.constant 0 : i32
      %cond3A_129 = arith.cmpi ne, %convert_element_type3A_127, %cond3A_128 : i32
      scf.if %cond3A_129 {
        %add3A_201 = arith.constant 1 : i32
        %add3A_202 = arith.addi %add3A_105, %add3A_201 : i32
        %dma_wait3A_203 = arith.constant 0 : i32
        %dma_wait3A_204 = arith.constant 0 : i32
        %dma_wait3A_205 = tpu.memref_slice %arg3[%add3A, %add3A_202, %dma_wait3A_203, %dma_wait3A_204] : memref<32x250x2x40xi32, #tpu.memory_space<hbm>> -> memref<1x1x2x40xi32, #tpu.memory_space<hbm>>
        %dma_wait3A_206 = tpu.memref_squeeze %dma_wait3A_205 : memref<1x1x2x40xi32, #tpu.memory_space<hbm>> -> memref<2x40xi32, #tpu.memory_space<hbm>>
        %dma_wait3A_207 = arith.constant 0 : i32
        %dma_wait3A_208 = arith.constant 0 : i32
        %dma_wait3A_209 = tpu.memref_slice %arg3[%add3A, %add3A_202, %dma_wait3A_207, %dma_wait3A_208] : memref<32x250x2x40xi32, #tpu.memory_space<hbm>> -> memref<1x1x2x40xi32, #tpu.memory_space<hbm>>
        %dma_wait3A_210 = tpu.memref_squeeze %dma_wait3A_209 : memref<1x1x2x40xi32, #tpu.memory_space<hbm>> -> memref<2x40xi32, #tpu.memory_space<hbm>>
        tpu.wait_dma2 semaphore(%arg22 : memref<!tpu.dma_semaphore, #tpu.memory_space<semaphore_mem>>) src(%dma_wait3A_210 : memref<2x40xi32, #tpu.memory_space<hbm>>) dst(%arg9 : memref<2x40xi32, #tpu.memory_space<vmem>>)
        %dma_wait3A_211 = arith.constant 0 : i32
        %dma_wait3A_212 = arith.constant 0 : i32
        %dma_wait3A_213 = tpu.memref_slice %arg4[%add3A, %add3A_202, %dma_wait3A_211, %dma_wait3A_212] : memref<32x250x40x16xf32, #tpu.memory_space<hbm>> -> memref<1x1x40x16xf32, #tpu.memory_space<hbm>>
        %dma_wait3A_214 = tpu.memref_squeeze %dma_wait3A_213 : memref<1x1x40x16xf32, #tpu.memory_space<hbm>> -> memref<40x16xf32, #tpu.memory_space<hbm>>
        %dma_wait3A_215 = arith.constant 0 : i32
        %dma_wait3A_216 = arith.constant 0 : i32
        %dma_wait3A_217 = tpu.memref_slice %arg4[%add3A, %add3A_202, %dma_wait3A_215, %dma_wait3A_216] : memref<32x250x40x16xf32, #tpu.memory_space<hbm>> -> memref<1x1x40x16xf32, #tpu.memory_space<hbm>>
        %dma_wait3A_218 = tpu.memref_squeeze %dma_wait3A_217 : memref<1x1x40x16xf32, #tpu.memory_space<hbm>> -> memref<40x16xf32, #tpu.memory_space<hbm>>
        tpu.wait_dma2 semaphore(%arg22 : memref<!tpu.dma_semaphore, #tpu.memory_space<semaphore_mem>>) src(%dma_wait3A_218 : memref<40x16xf32, #tpu.memory_space<hbm>>) dst(%arg13 : memref<40x16xf32, #tpu.memory_space<vmem>>)
        %dma_start3A_219 = arith.constant 0 : i32
        %dma_start3A_220 = arith.constant 0 : i32
        %dma_start3A_221 = tpu.memref_slice %arg9[%dma_start3A_219, %dma_start3A_220] : memref<2x40xi32, #tpu.memory_space<vmem>> -> memref<1x40xi32, #tpu.memory_space<vmem>>
        %dma_start3A_222 = tpu.memref_squeeze %dma_start3A_221 : memref<1x40xi32, #tpu.memory_space<vmem>> -> memref<40xi32, #tpu.memory_space<vmem>>
        %dma_start3A_223 = arith.constant 0 : i32
        %dma_start3A_224 = arith.constant 0 : i32
        %dma_start3A_225 = tpu.memref_slice %arg2[%dma_start3A_223, %dma_start3A_224] : memref<10000x128xf32, #tpu.memory_space<hbm>> -> memref<10000x128xf32, #tpu.memory_space<hbm>>
        tpu.enqueue_indirect_dma source(%dma_start3A_225 : memref<10000x128xf32, #tpu.memory_space<hbm>>) target(%arg17 : memref<40x128xf32, #tpu.memory_space<vmem>>) offsets(%dma_start3A_222 : memref<40xi32, #tpu.memory_space<vmem>>) semaphore(%arg26 : memref<!tpu.dma_semaphore, #tpu.memory_space<semaphore_mem>>)
      } else {
      }
      %lt3A_130 = arith.constant 250 : i32
      %lt3A_131 = arith.cmpi slt, %add3A_105, %lt3A_130 : i32
      %convert_element_type3A_132 = arith.extui %lt3A_131 : i1 to i32
      %cond3A_133 = arith.constant 0 : i32
      %cond3A_134 = arith.cmpi ne, %convert_element_type3A_132, %cond3A_133 : i32
      scf.if %cond3A_134 {
        %dma_wait3A_201 = arith.constant 0 : i32
        %dma_wait3A_202 = arith.constant 0 : i32
        %dma_wait3A_203 = tpu.memref_slice %arg8[%dma_wait3A_201, %dma_wait3A_202] : memref<2x40xi32, #tpu.memory_space<vmem>> -> memref<1x40xi32, #tpu.memory_space<vmem>>
        %dma_wait3A_204 = tpu.memref_squeeze %dma_wait3A_203 : memref<1x40xi32, #tpu.memory_space<vmem>> -> memref<40xi32, #tpu.memory_space<vmem>>
        %dma_wait3A_205 = arith.constant 0 : i32
        %dma_wait3A_206 = arith.constant 0 : i32
        %dma_wait3A_207 = tpu.memref_slice %arg2[%dma_wait3A_205, %dma_wait3A_206] : memref<10000x128xf32, #tpu.memory_space<hbm>> -> memref<10000x128xf32, #tpu.memory_space<hbm>>
        tpu.wait_indirect_dma semaphore(%arg25 : memref<!tpu.dma_semaphore, #tpu.memory_space<semaphore_mem>>) src(%dma_wait3A_207 : memref<10000x128xf32, #tpu.memory_space<hbm>>) dst(%arg16 : memref<40x128xf32, #tpu.memory_space<vmem>>)
        %parallel_loop3A = arith.constant 0 : i32
        %parallel_loop3A_208 = arith.constant 40 : i32
        %parallel_loop3A_209 = arith.constant 1 : i32
        scf.for %parallel_loop3A_217 = %parallel_loop3A to %parallel_loop3A_208 step %parallel_loop3A_209  : i32 {
          %parallel_loop3A_218 = arith.index_cast %parallel_loop3A_217 : i32 to index
          %parallel_loop3A_219 = arith.constant 0 : index
          %parallel_loop3A_220 = tpu.vector_load %arg12[%parallel_loop3A_218, %parallel_loop3A_219] {strides = array<i32>} : memref<40x16xf32, #tpu.memory_space<vmem>>, vector<1x16xf32>,
          %parallel_loop3A_221 = vector.shape_cast %parallel_loop3A_220 : vector<1x16xf32> to vector<16xf32>
          %parallel_loop3A_222 = arith.index_cast %parallel_loop3A_217 : i32 to index
          %parallel_loop3A_223 = arith.constant 0 : index
          %parallel_loop3A_224 = tpu.vector_load %arg16[%parallel_loop3A_222, %parallel_loop3A_223] {strides = array<i32>} : memref<40x128xf32, #tpu.memory_space<vmem>>, vector<1x16xf32>,
          %parallel_loop3A_225 = vector.shape_cast %parallel_loop3A_224 : vector<1x16xf32> to vector<16xf32>
          %parallel_loop3A_226 = arith.mulf %parallel_loop3A_225, %parallel_loop3A_221 : vector<16xf32>
          %parallel_loop3A_227 = arith.index_cast %parallel_loop3A_217 : i32 to index
          %parallel_loop3A_228 = arith.constant 0 : index
          %parallel_loop3A_229 = tpu.vector_load %arg16[%parallel_loop3A_227, %parallel_loop3A_228] {strides = array<i32>} : memref<40x128xf32, #tpu.memory_space<vmem>>, vector<1x16xf32>,
          %parallel_loop3A_230 = vector.shape_cast %parallel_loop3A_229 : vector<1x16xf32> to vector<16xf32>
          %parallel_loop3A_231 = vector.shape_cast %parallel_loop3A_226 : vector<16xf32> to vector<1x16xf32>
          tpu.vector_store %arg16[%parallel_loop3A_227, %parallel_loop3A_228], %parallel_loop3A_231 {strides = array<i32>} : memref<40x128xf32, #tpu.memory_space<vmem>>, vector<1x16xf32>,
          %parallel_loop3A_232 = arith.index_cast %parallel_loop3A_217 : i32 to index
          %parallel_loop3A_233 = arith.constant 16 : index
          %parallel_loop3A_234 = tpu.vector_load %arg16[%parallel_loop3A_232, %parallel_loop3A_233] {strides = array<i32>} : memref<40x128xf32, #tpu.memory_space<vmem>>, vector<1x16xf32>,
          %parallel_loop3A_235 = vector.shape_cast %parallel_loop3A_234 : vector<1x16xf32> to vector<16xf32>
          %parallel_loop3A_236 = arith.mulf %parallel_loop3A_235, %parallel_loop3A_221 : vector<16xf32>
          %parallel_loop3A_237 = arith.index_cast %parallel_loop3A_217 : i32 to index
          %parallel_loop3A_238 = arith.constant 16 : index
          %parallel_loop3A_239 = tpu.vector_load %arg16[%parallel_loop3A_237, %parallel_loop3A_238] {strides = array<i32>} : memref<40x128xf32, #tpu.memory_space<vmem>>, vector<1x16xf32>,
          %parallel_loop3A_240 = vector.shape_cast %parallel_loop3A_239 : vector<1x16xf32> to vector<16xf32>
          %parallel_loop3A_241 = vector.shape_cast %parallel_loop3A_236 : vector<16xf32> to vector<1x16xf32>
          tpu.vector_store %arg16[%parallel_loop3A_237, %parallel_loop3A_238], %parallel_loop3A_241 {strides = array<i32>} : memref<40x128xf32, #tpu.memory_space<vmem>>, vector<1x16xf32>,
          %parallel_loop3A_242 = arith.index_cast %parallel_loop3A_217 : i32 to index
          %parallel_loop3A_243 = arith.constant 32 : index
          %parallel_loop3A_244 = tpu.vector_load %arg16[%parallel_loop3A_242, %parallel_loop3A_243] {strides = array<i32>} : memref<40x128xf32, #tpu.memory_space<vmem>>, vector<1x16xf32>,
          %parallel_loop3A_245 = vector.shape_cast %parallel_loop3A_244 : vector<1x16xf32> to vector<16xf32>
          %parallel_loop3A_246 = arith.mulf %parallel_loop3A_245, %parallel_loop3A_221 : vector<16xf32>
          %parallel_loop3A_247 = arith.index_cast %parallel_loop3A_217 : i32 to index
          %parallel_loop3A_248 = arith.constant 32 : index
          %parallel_loop3A_249 = tpu.vector_load %arg16[%parallel_loop3A_247, %parallel_loop3A_248] {strides = array<i32>} : memref<40x128xf32, #tpu.memory_space<vmem>>, vector<1x16xf32>,
          %parallel_loop3A_250 = vector.shape_cast %parallel_loop3A_249 : vector<1x16xf32> to vector<16xf32>
          %parallel_loop3A_251 = vector.shape_cast %parallel_loop3A_246 : vector<16xf32> to vector<1x16xf32>
          tpu.vector_store %arg16[%parallel_loop3A_247, %parallel_loop3A_248], %parallel_loop3A_251 {strides = array<i32>} : memref<40x128xf32, #tpu.memory_space<vmem>>, vector<1x16xf32>,
          %parallel_loop3A_252 = arith.index_cast %parallel_loop3A_217 : i32 to index
          %parallel_loop3A_253 = arith.constant 48 : index
          %parallel_loop3A_254 = tpu.vector_load %arg16[%parallel_loop3A_252, %parallel_loop3A_253] {strides = array<i32>} : memref<40x128xf32, #tpu.memory_space<vmem>>, vector<1x16xf32>,
          %parallel_loop3A_255 = vector.shape_cast %parallel_loop3A_254 : vector<1x16xf32> to vector<16xf32>
          %parallel_loop3A_256 = arith.mulf %parallel_loop3A_255, %parallel_loop3A_221 : vector<16xf32>
          %parallel_loop3A_257 = arith.index_cast %parallel_loop3A_217 : i32 to index
          %parallel_loop3A_258 = arith.constant 48 : index
          %parallel_loop3A_259 = tpu.vector_load %arg16[%parallel_loop3A_257, %parallel_loop3A_258] {strides = array<i32>} : memref<40x128xf32, #tpu.memory_space<vmem>>, vector<1x16xf32>,
          %parallel_loop3A_260 = vector.shape_cast %parallel_loop3A_259 : vector<1x16xf32> to vector<16xf32>
          %parallel_loop3A_261 = vector.shape_cast %parallel_loop3A_256 : vector<16xf32> to vector<1x16xf32>
          tpu.vector_store %arg16[%parallel_loop3A_257, %parallel_loop3A_258], %parallel_loop3A_261 {strides = array<i32>} : memref<40x128xf32, #tpu.memory_space<vmem>>, vector<1x16xf32>,
          %parallel_loop3A_262 = arith.index_cast %parallel_loop3A_217 : i32 to index
          %parallel_loop3A_263 = arith.constant 64 : index
          %parallel_loop3A_264 = tpu.vector_load %arg16[%parallel_loop3A_262, %parallel_loop3A_263] {strides = array<i32>} : memref<40x128xf32, #tpu.memory_space<vmem>>, vector<1x16xf32>,
          %parallel_loop3A_265 = vector.shape_cast %parallel_loop3A_264 : vector<1x16xf32> to vector<16xf32>
          %parallel_loop3A_266 = arith.mulf %parallel_loop3A_265, %parallel_loop3A_221 : vector<16xf32>
          %parallel_loop3A_267 = arith.index_cast %parallel_loop3A_217 : i32 to index
          %parallel_loop3A_268 = arith.constant 64 : index
          %parallel_loop3A_269 = tpu.vector_load %arg16[%parallel_loop3A_267, %parallel_loop3A_268] {strides = array<i32>} : memref<40x128xf32, #tpu.memory_space<vmem>>, vector<1x16xf32>,
          %parallel_loop3A_270 = vector.shape_cast %parallel_loop3A_269 : vector<1x16xf32> to vector<16xf32>
          %parallel_loop3A_271 = vector.shape_cast %parallel_loop3A_266 : vector<16xf32> to vector<1x16xf32>
          tpu.vector_store %arg16[%parallel_loop3A_267, %parallel_loop3A_268], %parallel_loop3A_271 {strides = array<i32>} : memref<40x128xf32, #tpu.memory_space<vmem>>, vector<1x16xf32>,
          %parallel_loop3A_272 = arith.index_cast %parallel_loop3A_217 : i32 to index
          %parallel_loop3A_273 = arith.constant 80 : index
          %parallel_loop3A_274 = tpu.vector_load %arg16[%parallel_loop3A_272, %parallel_loop3A_273] {strides = array<i32>} : memref<40x128xf32, #tpu.memory_space<vmem>>, vector<1x16xf32>,
          %parallel_loop3A_275 = vector.shape_cast %parallel_loop3A_274 : vector<1x16xf32> to vector<16xf32>
          %parallel_loop3A_276 = arith.mulf %parallel_loop3A_275, %parallel_loop3A_221 : vector<16xf32>
          %parallel_loop3A_277 = arith.index_cast %parallel_loop3A_217 : i32 to index
          %parallel_loop3A_278 = arith.constant 80 : index
          %parallel_loop3A_279 = tpu.vector_load %arg16[%parallel_loop3A_277, %parallel_loop3A_278] {strides = array<i32>} : memref<40x128xf32, #tpu.memory_space<vmem>>, vector<1x16xf32>,
          %parallel_loop3A_280 = vector.shape_cast %parallel_loop3A_279 : vector<1x16xf32> to vector<16xf32>
          %parallel_loop3A_281 = vector.shape_cast %parallel_loop3A_276 : vector<16xf32> to vector<1x16xf32>
          tpu.vector_store %arg16[%parallel_loop3A_277, %parallel_loop3A_278], %parallel_loop3A_281 {strides = array<i32>} : memref<40x128xf32, #tpu.memory_space<vmem>>, vector<1x16xf32>,
          %parallel_loop3A_282 = arith.index_cast %parallel_loop3A_217 : i32 to index
          %parallel_loop3A_283 = arith.constant 96 : index
          %parallel_loop3A_284 = tpu.vector_load %arg16[%parallel_loop3A_282, %parallel_loop3A_283] {strides = array<i32>} : memref<40x128xf32, #tpu.memory_space<vmem>>, vector<1x16xf32>,
          %parallel_loop3A_285 = vector.shape_cast %parallel_loop3A_284 : vector<1x16xf32> to vector<16xf32>
          %parallel_loop3A_286 = arith.mulf %parallel_loop3A_285, %parallel_loop3A_221 : vector<16xf32>
          %parallel_loop3A_287 = arith.index_cast %parallel_loop3A_217 : i32 to index
          %parallel_loop3A_288 = arith.constant 96 : index
          %parallel_loop3A_289 = tpu.vector_load %arg16[%parallel_loop3A_287, %parallel_loop3A_288] {strides = array<i32>} : memref<40x128xf32, #tpu.memory_space<vmem>>, vector<1x16xf32>,
          %parallel_loop3A_290 = vector.shape_cast %parallel_loop3A_289 : vector<1x16xf32> to vector<16xf32>
          %parallel_loop3A_291 = vector.shape_cast %parallel_loop3A_286 : vector<16xf32> to vector<1x16xf32>
          tpu.vector_store %arg16[%parallel_loop3A_287, %parallel_loop3A_288], %parallel_loop3A_291 {strides = array<i32>} : memref<40x128xf32, #tpu.memory_space<vmem>>, vector<1x16xf32>,
          %parallel_loop3A_292 = arith.index_cast %parallel_loop3A_217 : i32 to index
          %parallel_loop3A_293 = arith.constant 112 : index
          %parallel_loop3A_294 = tpu.vector_load %arg16[%parallel_loop3A_292, %parallel_loop3A_293] {strides = array<i32>} : memref<40x128xf32, #tpu.memory_space<vmem>>, vector<1x16xf32>,
          %parallel_loop3A_295 = vector.shape_cast %parallel_loop3A_294 : vector<1x16xf32> to vector<16xf32>
          %parallel_loop3A_296 = arith.mulf %parallel_loop3A_295, %parallel_loop3A_221 : vector<16xf32>
          %parallel_loop3A_297 = arith.index_cast %parallel_loop3A_217 : i32 to index
          %parallel_loop3A_298 = arith.constant 112 : index
          %parallel_loop3A_299 = tpu.vector_load %arg16[%parallel_loop3A_297, %parallel_loop3A_298] {strides = array<i32>} : memref<40x128xf32, #tpu.memory_space<vmem>>, vector<1x16xf32>,
          %parallel_loop3A_300 = vector.shape_cast %parallel_loop3A_299 : vector<1x16xf32> to vector<16xf32>
          %parallel_loop3A_301 = vector.shape_cast %parallel_loop3A_296 : vector<16xf32> to vector<1x16xf32>
          tpu.vector_store %arg16[%parallel_loop3A_297, %parallel_loop3A_298], %parallel_loop3A_301 {strides = array<i32>} : memref<40x128xf32, #tpu.memory_space<vmem>>, vector<1x16xf32>,
        } {sc.loop_unroll_factor = 4 : i64, sc.parallel_access}
        %dma_start3A_210 = arith.constant 1 : i32
        %dma_start3A_211 = arith.constant 0 : i32
        %dma_start3A_212 = tpu.memref_slice %arg8[%dma_start3A_210, %dma_start3A_211] : memref<2x40xi32, #tpu.memory_space<vmem>> -> memref<1x40xi32, #tpu.memory_space<vmem>>
        %dma_start3A_213 = tpu.memref_squeeze %dma_start3A_212 : memref<1x40xi32, #tpu.memory_space<vmem>> -> memref<40xi32, #tpu.memory_space<vmem>>
        %dma_start3A_214 = arith.constant 0 : i32
        %dma_start3A_215 = arith.constant 0 : i32
        %dma_start3A_216 = tpu.memref_slice %arg19[%dma_start3A_214, %dma_start3A_215] : memref<10000x128xf32, #tpu.memory_space<vmem_shared>> -> memref<10000x128xf32, #tpu.memory_space<vmem_shared>>
        tpu.enqueue_indirect_dma source(%arg16 : memref<40x128xf32, #tpu.memory_space<vmem>>) target(%dma_start3A_216 : memref<10000x128xf32, #tpu.memory_space<vmem_shared>>) offsets(%dma_start3A_213 : memref<40xi32, #tpu.memory_space<vmem>>) semaphore(%arg29 : memref<!tpu.dma_semaphore, #tpu.memory_space<semaphore_mem>>) {add = true}
      } else {
      }
      %mul3A_135 = arith.constant 4 : i32
      %mul3A_136 = arith.muli %scan3A_74, %mul3A_135 : i32
      %add3A_137 = arith.constant 2 : i32
      %add3A_138 = arith.addi %mul3A_136, %add3A_137 : i32
      %ge3A_139 = arith.constant 3 : i32
      %ge3A_140 = arith.cmpi sge, %add3A_138, %ge3A_139 : i32
      %sub3A_141 = arith.constant 3 : i32
      %sub3A_142 = arith.subi %add3A_138, %sub3A_141 : i32
      %lt3A_143 = arith.constant 250 : i32
      %lt3A_144 = arith.cmpi slt, %sub3A_142, %lt3A_143 : i32
      %and3A_145 = arith.andi %ge3A_140, %lt3A_144 : i1
      %convert_element_type3A_146 = arith.extui %and3A_145 : i1 to i32
      %cond3A_147 = arith.constant 0 : i32
      %cond3A_148 = arith.cmpi ne, %convert_element_type3A_146, %cond3A_147 : i32
      scf.if %cond3A_148 {
        %dma_wait3A_201 = arith.constant 1 : i32
        %dma_wait3A_202 = arith.constant 0 : i32
        %dma_wait3A_203 = tpu.memref_slice %arg10[%dma_wait3A_201, %dma_wait3A_202] : memref<2x40xi32, #tpu.memory_space<vmem>> -> memref<1x40xi32, #tpu.memory_space<vmem>>
        %dma_wait3A_204 = tpu.memref_squeeze %dma_wait3A_203 : memref<1x40xi32, #tpu.memory_space<vmem>> -> memref<40xi32, #tpu.memory_space<vmem>>
        %dma_wait3A_205 = arith.constant 0 : i32
        %dma_wait3A_206 = arith.constant 0 : i32
        %dma_wait3A_207 = tpu.memref_slice %arg19[%dma_wait3A_205, %dma_wait3A_206] : memref<10000x128xf32, #tpu.memory_space<vmem_shared>> -> memref<10000x128xf32, #tpu.memory_space<vmem_shared>>
        tpu.wait_indirect_dma semaphore(%arg31 : memref<!tpu.dma_semaphore, #tpu.memory_space<semaphore_mem>>) src(%arg18 : memref<40x128xf32, #tpu.memory_space<vmem>>) dst(%dma_wait3A_207 : memref<10000x128xf32, #tpu.memory_space<vmem_shared>>)
      } else {
      }
      %add3A_149 = arith.constant 2 : i32
      %add3A_150 = arith.addi %add3A_138, %add3A_149 : i32
      %lt3A_151 = arith.constant 250 : i32
      %lt3A_152 = arith.cmpi slt, %add3A_150, %lt3A_151 : i32
      %convert_element_type3A_153 = arith.extui %lt3A_152 : i1 to i32
      %cond3A_154 = arith.constant 0 : i32
      %cond3A_155 = arith.cmpi ne, %convert_element_type3A_153, %cond3A_154 : i32
      scf.if %cond3A_155 {
        %add3A_201 = arith.constant 2 : i32
        %add3A_202 = arith.addi %add3A_138, %add3A_201 : i32
        %dma_start3A_203 = arith.constant 0 : i32
        %dma_start3A_204 = arith.constant 0 : i32
        %dma_start3A_205 = tpu.memref_slice %arg3[%add3A, %add3A_202, %dma_start3A_203, %dma_start3A_204] : memref<32x250x2x40xi32, #tpu.memory_space<hbm>> -> memref<1x1x2x40xi32, #tpu.memory_space<hbm>>
        %dma_start3A_206 = tpu.memref_squeeze %dma_start3A_205 : memref<1x1x2x40xi32, #tpu.memory_space<hbm>> -> memref<2x40xi32, #tpu.memory_space<hbm>>
        %dma_start3A_207 = arith.constant 0 : i32
        %dma_start3A_208 = arith.constant 0 : i32
        %dma_start3A_209 = tpu.memref_slice %arg3[%add3A, %add3A_202, %dma_start3A_207, %dma_start3A_208] : memref<32x250x2x40xi32, #tpu.memory_space<hbm>> -> memref<1x1x2x40xi32, #tpu.memory_space<hbm>>
        %dma_start3A_210 = tpu.memref_squeeze %dma_start3A_209 : memref<1x1x2x40xi32, #tpu.memory_space<hbm>> -> memref<2x40xi32, #tpu.memory_space<hbm>>
        tpu.enqueue_dma source(%dma_start3A_210 : memref<2x40xi32, #tpu.memory_space<hbm>>) target(%arg7 : memref<2x40xi32, #tpu.memory_space<vmem>>) target_semaphore(%arg20 : memref<!tpu.dma_semaphore, #tpu.memory_space<semaphore_mem>>)
        %dma_start3A_211 = arith.constant 0 : i32
        %dma_start3A_212 = arith.constant 0 : i32
        %dma_start3A_213 = tpu.memref_slice %arg4[%add3A, %add3A_202, %dma_start3A_211, %dma_start3A_212] : memref<32x250x40x16xf32, #tpu.memory_space<hbm>> -> memref<1x1x40x16xf32, #tpu.memory_space<hbm>>
        %dma_start3A_214 = tpu.memref_squeeze %dma_start3A_213 : memref<1x1x40x16xf32, #tpu.memory_space<hbm>> -> memref<40x16xf32, #tpu.memory_space<hbm>>
        %dma_start3A_215 = arith.constant 0 : i32
        %dma_start3A_216 = arith.constant 0 : i32
        %dma_start3A_217 = tpu.memref_slice %arg4[%add3A, %add3A_202, %dma_start3A_215, %dma_start3A_216] : memref<32x250x40x16xf32, #tpu.memory_space<hbm>> -> memref<1x1x40x16xf32, #tpu.memory_space<hbm>>
        %dma_start3A_218 = tpu.memref_squeeze %dma_start3A_217 : memref<1x1x40x16xf32, #tpu.memory_space<hbm>> -> memref<40x16xf32, #tpu.memory_space<hbm>>
        tpu.enqueue_dma source(%dma_start3A_218 : memref<40x16xf32, #tpu.memory_space<hbm>>) target(%arg11 : memref<40x16xf32, #tpu.memory_space<vmem>>) target_semaphore(%arg20 : memref<!tpu.dma_semaphore, #tpu.memory_space<semaphore_mem>>)
      } else {
      }
      %add3A_156 = arith.constant 1 : i32
      %add3A_157 = arith.addi %add3A_138, %add3A_156 : i32
      %lt3A_158 = arith.constant 250 : i32
      %lt3A_159 = arith.cmpi slt, %add3A_157, %lt3A_158 : i32
      %convert_element_type3A_160 = arith.extui %lt3A_159 : i1 to i32
      %cond3A_161 = arith.constant 0 : i32
      %cond3A_162 = arith.cmpi ne, %convert_element_type3A_160, %cond3A_161 : i32
      scf.if %cond3A_162 {
        %add3A_201 = arith.constant 1 : i32
        %add3A_202 = arith.addi %add3A_138, %add3A_201 : i32
        %dma_wait3A_203 = arith.constant 0 : i32
        %dma_wait3A_204 = arith.constant 0 : i32
        %dma_wait3A_205 = tpu.memref_slice %arg3[%add3A, %add3A_202, %dma_wait3A_203, %dma_wait3A_204] : memref<32x250x2x40xi32, #tpu.memory_space<hbm>> -> memref<1x1x2x40xi32, #tpu.memory_space<hbm>>
        %dma_wait3A_206 = tpu.memref_squeeze %dma_wait3A_205 : memref<1x1x2x40xi32, #tpu.memory_space<hbm>> -> memref<2x40xi32, #tpu.memory_space<hbm>>
        %dma_wait3A_207 = arith.constant 0 : i32
        %dma_wait3A_208 = arith.constant 0 : i32
        %dma_wait3A_209 = tpu.memref_slice %arg3[%add3A, %add3A_202, %dma_wait3A_207, %dma_wait3A_208] : memref<32x250x2x40xi32, #tpu.memory_space<hbm>> -> memref<1x1x2x40xi32, #tpu.memory_space<hbm>>
        %dma_wait3A_210 = tpu.memref_squeeze %dma_wait3A_209 : memref<1x1x2x40xi32, #tpu.memory_space<hbm>> -> memref<2x40xi32, #tpu.memory_space<hbm>>
        tpu.wait_dma2 semaphore(%arg23 : memref<!tpu.dma_semaphore, #tpu.memory_space<semaphore_mem>>) src(%dma_wait3A_210 : memref<2x40xi32, #tpu.memory_space<hbm>>) dst(%arg10 : memref<2x40xi32, #tpu.memory_space<vmem>>)
        %dma_wait3A_211 = arith.constant 0 : i32
        %dma_wait3A_212 = arith.constant 0 : i32
        %dma_wait3A_213 = tpu.memref_slice %arg4[%add3A, %add3A_202, %dma_wait3A_211, %dma_wait3A_212] : memref<32x250x40x16xf32, #tpu.memory_space<hbm>> -> memref<1x1x40x16xf32, #tpu.memory_space<hbm>>
        %dma_wait3A_214 = tpu.memref_squeeze %dma_wait3A_213 : memref<1x1x40x16xf32, #tpu.memory_space<hbm>> -> memref<40x16xf32, #tpu.memory_space<hbm>>
        %dma_wait3A_215 = arith.constant 0 : i32
        %dma_wait3A_216 = arith.constant 0 : i32
        %dma_wait3A_217 = tpu.memref_slice %arg4[%add3A, %add3A_202, %dma_wait3A_215, %dma_wait3A_216] : memref<32x250x40x16xf32, #tpu.memory_space<hbm>> -> memref<1x1x40x16xf32, #tpu.memory_space<hbm>>
        %dma_wait3A_218 = tpu.memref_squeeze %dma_wait3A_217 : memref<1x1x40x16xf32, #tpu.memory_space<hbm>> -> memref<40x16xf32, #tpu.memory_space<hbm>>
        tpu.wait_dma2 semaphore(%arg23 : memref<!tpu.dma_semaphore, #tpu.memory_space<semaphore_mem>>) src(%dma_wait3A_218 : memref<40x16xf32, #tpu.memory_space<hbm>>) dst(%arg14 : memref<40x16xf32, #tpu.memory_space<vmem>>)
        %dma_start3A_219 = arith.constant 0 : i32
        %dma_start3A_220 = arith.constant 0 : i32
        %dma_start3A_221 = tpu.memref_slice %arg10[%dma_start3A_219, %dma_start3A_220] : memref<2x40xi32, #tpu.memory_space<vmem>> -> memref<1x40xi32, #tpu.memory_space<vmem>>
        %dma_start3A_222 = tpu.memref_squeeze %dma_start3A_221 : memref<1x40xi32, #tpu.memory_space<vmem>> -> memref<40xi32, #tpu.memory_space<vmem>>
        %dma_start3A_223 = arith.constant 0 : i32
        %dma_start3A_224 = arith.constant 0 : i32
        %dma_start3A_225 = tpu.memref_slice %arg2[%dma_start3A_223, %dma_start3A_224] : memref<10000x128xf32, #tpu.memory_space<hbm>> -> memref<10000x128xf32, #tpu.memory_space<hbm>>
        tpu.enqueue_indirect_dma source(%dma_start3A_225 : memref<10000x128xf32, #tpu.memory_space<hbm>>) target(%arg18 : memref<40x128xf32, #tpu.memory_space<vmem>>) offsets(%dma_start3A_222 : memref<40xi32, #tpu.memory_space<vmem>>) semaphore(%arg27 : memref<!tpu.dma_semaphore, #tpu.memory_space<semaphore_mem>>)
      } else {
      }
      %lt3A_163 = arith.constant 250 : i32
      %lt3A_164 = arith.cmpi slt, %add3A_138, %lt3A_163 : i32
      %convert_element_type3A_165 = arith.extui %lt3A_164 : i1 to i32
      %cond3A_166 = arith.constant 0 : i32
      %cond3A_167 = arith.cmpi ne, %convert_element_type3A_165, %cond3A_166 : i32
      scf.if %cond3A_167 {
        %dma_wait3A_201 = arith.constant 0 : i32
        %dma_wait3A_202 = arith.constant 0 : i32
        %dma_wait3A_203 = tpu.memref_slice %arg9[%dma_wait3A_201, %dma_wait3A_202] : memref<2x40xi32, #tpu.memory_space<vmem>> -> memref<1x40xi32, #tpu.memory_space<vmem>>
        %dma_wait3A_204 = tpu.memref_squeeze %dma_wait3A_203 : memref<1x40xi32, #tpu.memory_space<vmem>> -> memref<40xi32, #tpu.memory_space<vmem>>
        %dma_wait3A_205 = arith.constant 0 : i32
        %dma_wait3A_206 = arith.constant 0 : i32
        %dma_wait3A_207 = tpu.memref_slice %arg2[%dma_wait3A_205, %dma_wait3A_206] : memref<10000x128xf32, #tpu.memory_space<hbm>> -> memref<10000x128xf32, #tpu.memory_space<hbm>>
        tpu.wait_indirect_dma semaphore(%arg26 : memref<!tpu.dma_semaphore, #tpu.memory_space<semaphore_mem>>) src(%dma_wait3A_207 : memref<10000x128xf32, #tpu.memory_space<hbm>>) dst(%arg17 : memref<40x128xf32, #tpu.memory_space<vmem>>)
        %parallel_loop3A = arith.constant 0 : i32
        %parallel_loop3A_208 = arith.constant 40 : i32
        %parallel_loop3A_209 = arith.constant 1 : i32
        scf.for %parallel_loop3A_217 = %parallel_loop3A to %parallel_loop3A_208 step %parallel_loop3A_209  : i32 {
          %parallel_loop3A_218 = arith.index_cast %parallel_loop3A_217 : i32 to index
          %parallel_loop3A_219 = arith.constant 0 : index
          %parallel_loop3A_220 = tpu.vector_load %arg13[%parallel_loop3A_218, %parallel_loop3A_219] {strides = array<i32>} : memref<40x16xf32, #tpu.memory_space<vmem>>, vector<1x16xf32>,
          %parallel_loop3A_221 = vector.shape_cast %parallel_loop3A_220 : vector<1x16xf32> to vector<16xf32>
          %parallel_loop3A_222 = arith.index_cast %parallel_loop3A_217 : i32 to index
          %parallel_loop3A_223 = arith.constant 0 : index
          %parallel_loop3A_224 = tpu.vector_load %arg17[%parallel_loop3A_222, %parallel_loop3A_223] {strides = array<i32>} : memref<40x128xf32, #tpu.memory_space<vmem>>, vector<1x16xf32>,
          %parallel_loop3A_225 = vector.shape_cast %parallel_loop3A_224 : vector<1x16xf32> to vector<16xf32>
          %parallel_loop3A_226 = arith.mulf %parallel_loop3A_225, %parallel_loop3A_221 : vector<16xf32>
          %parallel_loop3A_227 = arith.index_cast %parallel_loop3A_217 : i32 to index
          %parallel_loop3A_228 = arith.constant 0 : index
          %parallel_loop3A_229 = tpu.vector_load %arg17[%parallel_loop3A_227, %parallel_loop3A_228] {strides = array<i32>} : memref<40x128xf32, #tpu.memory_space<vmem>>, vector<1x16xf32>,
          %parallel_loop3A_230 = vector.shape_cast %parallel_loop3A_229 : vector<1x16xf32> to vector<16xf32>
          %parallel_loop3A_231 = vector.shape_cast %parallel_loop3A_226 : vector<16xf32> to vector<1x16xf32>
          tpu.vector_store %arg17[%parallel_loop3A_227, %parallel_loop3A_228], %parallel_loop3A_231 {strides = array<i32>} : memref<40x128xf32, #tpu.memory_space<vmem>>, vector<1x16xf32>,
          %parallel_loop3A_232 = arith.index_cast %parallel_loop3A_217 : i32 to index
          %parallel_loop3A_233 = arith.constant 16 : index
          %parallel_loop3A_234 = tpu.vector_load %arg17[%parallel_loop3A_232, %parallel_loop3A_233] {strides = array<i32>} : memref<40x128xf32, #tpu.memory_space<vmem>>, vector<1x16xf32>,
          %parallel_loop3A_235 = vector.shape_cast %parallel_loop3A_234 : vector<1x16xf32> to vector<16xf32>
          %parallel_loop3A_236 = arith.mulf %parallel_loop3A_235, %parallel_loop3A_221 : vector<16xf32>
          %parallel_loop3A_237 = arith.index_cast %parallel_loop3A_217 : i32 to index
          %parallel_loop3A_238 = arith.constant 16 : index
          %parallel_loop3A_239 = tpu.vector_load %arg17[%parallel_loop3A_237, %parallel_loop3A_238] {strides = array<i32>} : memref<40x128xf32, #tpu.memory_space<vmem>>, vector<1x16xf32>,
          %parallel_loop3A_240 = vector.shape_cast %parallel_loop3A_239 : vector<1x16xf32> to vector<16xf32>
          %parallel_loop3A_241 = vector.shape_cast %parallel_loop3A_236 : vector<16xf32> to vector<1x16xf32>
          tpu.vector_store %arg17[%parallel_loop3A_237, %parallel_loop3A_238], %parallel_loop3A_241 {strides = array<i32>} : memref<40x128xf32, #tpu.memory_space<vmem>>, vector<1x16xf32>,
          %parallel_loop3A_242 = arith.index_cast %parallel_loop3A_217 : i32 to index
          %parallel_loop3A_243 = arith.constant 32 : index
          %parallel_loop3A_244 = tpu.vector_load %arg17[%parallel_loop3A_242, %parallel_loop3A_243] {strides = array<i32>} : memref<40x128xf32, #tpu.memory_space<vmem>>, vector<1x16xf32>,
          %parallel_loop3A_245 = vector.shape_cast %parallel_loop3A_244 : vector<1x16xf32> to vector<16xf32>
          %parallel_loop3A_246 = arith.mulf %parallel_loop3A_245, %parallel_loop3A_221 : vector<16xf32>
          %parallel_loop3A_247 = arith.index_cast %parallel_loop3A_217 : i32 to index
          %parallel_loop3A_248 = arith.constant 32 : index
          %parallel_loop3A_249 = tpu.vector_load %arg17[%parallel_loop3A_247, %parallel_loop3A_248] {strides = array<i32>} : memref<40x128xf32, #tpu.memory_space<vmem>>, vector<1x16xf32>,
          %parallel_loop3A_250 = vector.shape_cast %parallel_loop3A_249 : vector<1x16xf32> to vector<16xf32>
          %parallel_loop3A_251 = vector.shape_cast %parallel_loop3A_246 : vector<16xf32> to vector<1x16xf32>
          tpu.vector_store %arg17[%parallel_loop3A_247, %parallel_loop3A_248], %parallel_loop3A_251 {strides = array<i32>} : memref<40x128xf32, #tpu.memory_space<vmem>>, vector<1x16xf32>,
          %parallel_loop3A_252 = arith.index_cast %parallel_loop3A_217 : i32 to index
          %parallel_loop3A_253 = arith.constant 48 : index
          %parallel_loop3A_254 = tpu.vector_load %arg17[%parallel_loop3A_252, %parallel_loop3A_253] {strides = array<i32>} : memref<40x128xf32, #tpu.memory_space<vmem>>, vector<1x16xf32>,
          %parallel_loop3A_255 = vector.shape_cast %parallel_loop3A_254 : vector<1x16xf32> to vector<16xf32>
          %parallel_loop3A_256 = arith.mulf %parallel_loop3A_255, %parallel_loop3A_221 : vector<16xf32>
          %parallel_loop3A_257 = arith.index_cast %parallel_loop3A_217 : i32 to index
          %parallel_loop3A_258 = arith.constant 48 : index
          %parallel_loop3A_259 = tpu.vector_load %arg17[%parallel_loop3A_257, %parallel_loop3A_258] {strides = array<i32>} : memref<40x128xf32, #tpu.memory_space<vmem>>, vector<1x16xf32>,
          %parallel_loop3A_260 = vector.shape_cast %parallel_loop3A_259 : vector<1x16xf32> to vector<16xf32>
          %parallel_loop3A_261 = vector.shape_cast %parallel_loop3A_256 : vector<16xf32> to vector<1x16xf32>
          tpu.vector_store %arg17[%parallel_loop3A_257, %parallel_loop3A_258], %parallel_loop3A_261 {strides = array<i32>} : memref<40x128xf32, #tpu.memory_space<vmem>>, vector<1x16xf32>,
          %parallel_loop3A_262 = arith.index_cast %parallel_loop3A_217 : i32 to index
          %parallel_loop3A_263 = arith.constant 64 : index
          %parallel_loop3A_264 = tpu.vector_load %arg17[%parallel_loop3A_262, %parallel_loop3A_263] {strides = array<i32>} : memref<40x128xf32, #tpu.memory_space<vmem>>, vector<1x16xf32>,
          %parallel_loop3A_265 = vector.shape_cast %parallel_loop3A_264 : vector<1x16xf32> to vector<16xf32>
          %parallel_loop3A_266 = arith.mulf %parallel_loop3A_265, %parallel_loop3A_221 : vector<16xf32>
          %parallel_loop3A_267 = arith.index_cast %parallel_loop3A_217 : i32 to index
          %parallel_loop3A_268 = arith.constant 64 : index
          %parallel_loop3A_269 = tpu.vector_load %arg17[%parallel_loop3A_267, %parallel_loop3A_268] {strides = array<i32>} : memref<40x128xf32, #tpu.memory_space<vmem>>, vector<1x16xf32>,
          %parallel_loop3A_270 = vector.shape_cast %parallel_loop3A_269 : vector<1x16xf32> to vector<16xf32>
          %parallel_loop3A_271 = vector.shape_cast %parallel_loop3A_266 : vector<16xf32> to vector<1x16xf32>
          tpu.vector_store %arg17[%parallel_loop3A_267, %parallel_loop3A_268], %parallel_loop3A_271 {strides = array<i32>} : memref<40x128xf32, #tpu.memory_space<vmem>>, vector<1x16xf32>,
          %parallel_loop3A_272 = arith.index_cast %parallel_loop3A_217 : i32 to index
          %parallel_loop3A_273 = arith.constant 80 : index
          %parallel_loop3A_274 = tpu.vector_load %arg17[%parallel_loop3A_272, %parallel_loop3A_273] {strides = array<i32>} : memref<40x128xf32, #tpu.memory_space<vmem>>, vector<1x16xf32>,
          %parallel_loop3A_275 = vector.shape_cast %parallel_loop3A_274 : vector<1x16xf32> to vector<16xf32>
          %parallel_loop3A_276 = arith.mulf %parallel_loop3A_275, %parallel_loop3A_221 : vector<16xf32>
          %parallel_loop3A_277 = arith.index_cast %parallel_loop3A_217 : i32 to index
          %parallel_loop3A_278 = arith.constant 80 : index
          %parallel_loop3A_279 = tpu.vector_load %arg17[%parallel_loop3A_277, %parallel_loop3A_278] {strides = array<i32>} : memref<40x128xf32, #tpu.memory_space<vmem>>, vector<1x16xf32>,
          %parallel_loop3A_280 = vector.shape_cast %parallel_loop3A_279 : vector<1x16xf32> to vector<16xf32>
          %parallel_loop3A_281 = vector.shape_cast %parallel_loop3A_276 : vector<16xf32> to vector<1x16xf32>
          tpu.vector_store %arg17[%parallel_loop3A_277, %parallel_loop3A_278], %parallel_loop3A_281 {strides = array<i32>} : memref<40x128xf32, #tpu.memory_space<vmem>>, vector<1x16xf32>,
          %parallel_loop3A_282 = arith.index_cast %parallel_loop3A_217 : i32 to index
          %parallel_loop3A_283 = arith.constant 96 : index
          %parallel_loop3A_284 = tpu.vector_load %arg17[%parallel_loop3A_282, %parallel_loop3A_283] {strides = array<i32>} : memref<40x128xf32, #tpu.memory_space<vmem>>, vector<1x16xf32>,
          %parallel_loop3A_285 = vector.shape_cast %parallel_loop3A_284 : vector<1x16xf32> to vector<16xf32>
          %parallel_loop3A_286 = arith.mulf %parallel_loop3A_285, %parallel_loop3A_221 : vector<16xf32>
          %parallel_loop3A_287 = arith.index_cast %parallel_loop3A_217 : i32 to index
          %parallel_loop3A_288 = arith.constant 96 : index
          %parallel_loop3A_289 = tpu.vector_load %arg17[%parallel_loop3A_287, %parallel_loop3A_288] {strides = array<i32>} : memref<40x128xf32, #tpu.memory_space<vmem>>, vector<1x16xf32>,
          %parallel_loop3A_290 = vector.shape_cast %parallel_loop3A_289 : vector<1x16xf32> to vector<16xf32>
          %parallel_loop3A_291 = vector.shape_cast %parallel_loop3A_286 : vector<16xf32> to vector<1x16xf32>
          tpu.vector_store %arg17[%parallel_loop3A_287, %parallel_loop3A_288], %parallel_loop3A_291 {strides = array<i32>} : memref<40x128xf32, #tpu.memory_space<vmem>>, vector<1x16xf32>,
          %parallel_loop3A_292 = arith.index_cast %parallel_loop3A_217 : i32 to index
          %parallel_loop3A_293 = arith.constant 112 : index
          %parallel_loop3A_294 = tpu.vector_load %arg17[%parallel_loop3A_292, %parallel_loop3A_293] {strides = array<i32>} : memref<40x128xf32, #tpu.memory_space<vmem>>, vector<1x16xf32>,
          %parallel_loop3A_295 = vector.shape_cast %parallel_loop3A_294 : vector<1x16xf32> to vector<16xf32>
          %parallel_loop3A_296 = arith.mulf %parallel_loop3A_295, %parallel_loop3A_221 : vector<16xf32>
          %parallel_loop3A_297 = arith.index_cast %parallel_loop3A_217 : i32 to index
          %parallel_loop3A_298 = arith.constant 112 : index
          %parallel_loop3A_299 = tpu.vector_load %arg17[%parallel_loop3A_297, %parallel_loop3A_298] {strides = array<i32>} : memref<40x128xf32, #tpu.memory_space<vmem>>, vector<1x16xf32>,
          %parallel_loop3A_300 = vector.shape_cast %parallel_loop3A_299 : vector<1x16xf32> to vector<16xf32>
          %parallel_loop3A_301 = vector.shape_cast %parallel_loop3A_296 : vector<16xf32> to vector<1x16xf32>
          tpu.vector_store %arg17[%parallel_loop3A_297, %parallel_loop3A_298], %parallel_loop3A_301 {strides = array<i32>} : memref<40x128xf32, #tpu.memory_space<vmem>>, vector<1x16xf32>,
        } {sc.loop_unroll_factor = 4 : i64, sc.parallel_access}
        %dma_start3A_210 = arith.constant 1 : i32
        %dma_start3A_211 = arith.constant 0 : i32
        %dma_start3A_212 = tpu.memref_slice %arg9[%dma_start3A_210, %dma_start3A_211] : memref<2x40xi32, #tpu.memory_space<vmem>> -> memref<1x40xi32, #tpu.memory_space<vmem>>
        %dma_start3A_213 = tpu.memref_squeeze %dma_start3A_212 : memref<1x40xi32, #tpu.memory_space<vmem>> -> memref<40xi32, #tpu.memory_space<vmem>>
        %dma_start3A_214 = arith.constant 0 : i32
        %dma_start3A_215 = arith.constant 0 : i32
        %dma_start3A_216 = tpu.memref_slice %arg19[%dma_start3A_214, %dma_start3A_215] : memref<10000x128xf32, #tpu.memory_space<vmem_shared>> -> memref<10000x128xf32, #tpu.memory_space<vmem_shared>>
        tpu.enqueue_indirect_dma source(%arg17 : memref<40x128xf32, #tpu.memory_space<vmem>>) target(%dma_start3A_216 : memref<10000x128xf32, #tpu.memory_space<vmem_shared>>) offsets(%dma_start3A_213 : memref<40xi32, #tpu.memory_space<vmem>>) semaphore(%arg30 : memref<!tpu.dma_semaphore, #tpu.memory_space<semaphore_mem>>) {add = true}
      } else {
      }
      %mul3A_168 = arith.constant 4 : i32
      %mul3A_169 = arith.muli %scan3A_74, %mul3A_168 : i32
      %add3A_170 = arith.constant 3 : i32
      %add3A_171 = arith.addi %mul3A_169, %add3A_170 : i32
      %ge3A_172 = arith.constant 3 : i32
      %ge3A_173 = arith.cmpi sge, %add3A_171, %ge3A_172 : i32
      %sub3A_174 = arith.constant 3 : i32
      %sub3A_175 = arith.subi %add3A_171, %sub3A_174 : i32
      %lt3A_176 = arith.constant 250 : i32
      %lt3A_177 = arith.cmpi slt, %sub3A_175, %lt3A_176 : i32
      %and3A_178 = arith.andi %ge3A_173, %lt3A_177 : i1
      %convert_element_type3A_179 = arith.extui %and3A_178 : i1 to i32
      %cond3A_180 = arith.constant 0 : i32
      %cond3A_181 = arith.cmpi ne, %convert_element_type3A_179, %cond3A_180 : i32
      scf.if %cond3A_181 {
        %dma_wait3A_201 = arith.constant 1 : i32
        %dma_wait3A_202 = arith.constant 0 : i32
        %dma_wait3A_203 = tpu.memref_slice %arg7[%dma_wait3A_201, %dma_wait3A_202] : memref<2x40xi32, #tpu.memory_space<vmem>> -> memref<1x40xi32, #tpu.memory_space<vmem>>
        %dma_wait3A_204 = tpu.memref_squeeze %dma_wait3A_203 : memref<1x40xi32, #tpu.memory_space<vmem>> -> memref<40xi32, #tpu.memory_space<vmem>>
        %dma_wait3A_205 = arith.constant 0 : i32
        %dma_wait3A_206 = arith.constant 0 : i32
        %dma_wait3A_207 = tpu.memref_slice %arg19[%dma_wait3A_205, %dma_wait3A_206] : memref<10000x128xf32, #tpu.memory_space<vmem_shared>> -> memref<10000x128xf32, #tpu.memory_space<vmem_shared>>
        tpu.wait_indirect_dma semaphore(%arg28 : memref<!tpu.dma_semaphore, #tpu.memory_space<semaphore_mem>>) src(%arg15 : memref<40x128xf32, #tpu.memory_space<vmem>>) dst(%dma_wait3A_207 : memref<10000x128xf32, #tpu.memory_space<vmem_shared>>)
      } else {
      }
      %add3A_182 = arith.constant 2 : i32
      %add3A_183 = arith.addi %add3A_171, %add3A_182 : i32
      %lt3A_184 = arith.constant 250 : i32
      %lt3A_185 = arith.cmpi slt, %add3A_183, %lt3A_184 : i32
      %convert_element_type3A_186 = arith.extui %lt3A_185 : i1 to i32
      %cond3A_187 = arith.constant 0 : i32
      %cond3A_188 = arith.cmpi ne, %convert_element_type3A_186, %cond3A_187 : i32
      scf.if %cond3A_188 {
        %add3A_201 = arith.constant 2 : i32
        %add3A_202 = arith.addi %add3A_171, %add3A_201 : i32
        %dma_start3A_203 = arith.constant 0 : i32
        %dma_start3A_204 = arith.constant 0 : i32
        %dma_start3A_205 = tpu.memref_slice %arg3[%add3A, %add3A_202, %dma_start3A_203, %dma_start3A_204] : memref<32x250x2x40xi32, #tpu.memory_space<hbm>> -> memref<1x1x2x40xi32, #tpu.memory_space<hbm>>
        %dma_start3A_206 = tpu.memref_squeeze %dma_start3A_205 : memref<1x1x2x40xi32, #tpu.memory_space<hbm>> -> memref<2x40xi32, #tpu.memory_space<hbm>>
        %dma_start3A_207 = arith.constant 0 : i32
        %dma_start3A_208 = arith.constant 0 : i32
        %dma_start3A_209 = tpu.memref_slice %arg3[%add3A, %add3A_202, %dma_start3A_207, %dma_start3A_208] : memref<32x250x2x40xi32, #tpu.memory_space<hbm>> -> memref<1x1x2x40xi32, #tpu.memory_space<hbm>>
        %dma_start3A_210 = tpu.memref_squeeze %dma_start3A_209 : memref<1x1x2x40xi32, #tpu.memory_space<hbm>> -> memref<2x40xi32, #tpu.memory_space<hbm>>
        tpu.enqueue_dma source(%dma_start3A_210 : memref<2x40xi32, #tpu.memory_space<hbm>>) target(%arg8 : memref<2x40xi32, #tpu.memory_space<vmem>>) target_semaphore(%arg21 : memref<!tpu.dma_semaphore, #tpu.memory_space<semaphore_mem>>)
        %dma_start3A_211 = arith.constant 0 : i32
        %dma_start3A_212 = arith.constant 0 : i32
        %dma_start3A_213 = tpu.memref_slice %arg4[%add3A, %add3A_202, %dma_start3A_211, %dma_start3A_212] : memref<32x250x40x16xf32, #tpu.memory_space<hbm>> -> memref<1x1x40x16xf32, #tpu.memory_space<hbm>>
        %dma_start3A_214 = tpu.memref_squeeze %dma_start3A_213 : memref<1x1x40x16xf32, #tpu.memory_space<hbm>> -> memref<40x16xf32, #tpu.memory_space<hbm>>
        %dma_start3A_215 = arith.constant 0 : i32
        %dma_start3A_216 = arith.constant 0 : i32
        %dma_start3A_217 = tpu.memref_slice %arg4[%add3A, %add3A_202, %dma_start3A_215, %dma_start3A_216] : memref<32x250x40x16xf32, #tpu.memory_space<hbm>> -> memref<1x1x40x16xf32, #tpu.memory_space<hbm>>
        %dma_start3A_218 = tpu.memref_squeeze %dma_start3A_217 : memref<1x1x40x16xf32, #tpu.memory_space<hbm>> -> memref<40x16xf32, #tpu.memory_space<hbm>>
        tpu.enqueue_dma source(%dma_start3A_218 : memref<40x16xf32, #tpu.memory_space<hbm>>) target(%arg12 : memref<40x16xf32, #tpu.memory_space<vmem>>) target_semaphore(%arg21 : memref<!tpu.dma_semaphore, #tpu.memory_space<semaphore_mem>>)
      } else {
      }
      %add3A_189 = arith.constant 1 : i32
      %add3A_190 = arith.addi %add3A_171, %add3A_189 : i32
      %lt3A_191 = arith.constant 250 : i32
      %lt3A_192 = arith.cmpi slt, %add3A_190, %lt3A_191 : i32
      %convert_element_type3A_193 = arith.extui %lt3A_192 : i1 to i32
      %cond3A_194 = arith.constant 0 : i32
      %cond3A_195 = arith.cmpi ne, %convert_element_type3A_193, %cond3A_194 : i32
      scf.if %cond3A_195 {
        %add3A_201 = arith.constant 1 : i32
        %add3A_202 = arith.addi %add3A_171, %add3A_201 : i32
        %dma_wait3A_203 = arith.constant 0 : i32
        %dma_wait3A_204 = arith.constant 0 : i32
        %dma_wait3A_205 = tpu.memref_slice %arg3[%add3A, %add3A_202, %dma_wait3A_203, %dma_wait3A_204] : memref<32x250x2x40xi32, #tpu.memory_space<hbm>> -> memref<1x1x2x40xi32, #tpu.memory_space<hbm>>
        %dma_wait3A_206 = tpu.memref_squeeze %dma_wait3A_205 : memref<1x1x2x40xi32, #tpu.memory_space<hbm>> -> memref<2x40xi32, #tpu.memory_space<hbm>>
        %dma_wait3A_207 = arith.constant 0 : i32
        %dma_wait3A_208 = arith.constant 0 : i32
        %dma_wait3A_209 = tpu.memref_slice %arg3[%add3A, %add3A_202, %dma_wait3A_207, %dma_wait3A_208] : memref<32x250x2x40xi32, #tpu.memory_space<hbm>> -> memref<1x1x2x40xi32, #tpu.memory_space<hbm>>
        %dma_wait3A_210 = tpu.memref_squeeze %dma_wait3A_209 : memref<1x1x2x40xi32, #tpu.memory_space<hbm>> -> memref<2x40xi32, #tpu.memory_space<hbm>>
        tpu.wait_dma2 semaphore(%arg20 : memref<!tpu.dma_semaphore, #tpu.memory_space<semaphore_mem>>) src(%dma_wait3A_210 : memref<2x40xi32, #tpu.memory_space<hbm>>) dst(%arg7 : memref<2x40xi32, #tpu.memory_space<vmem>>)
        %dma_wait3A_211 = arith.constant 0 : i32
        %dma_wait3A_212 = arith.constant 0 : i32
        %dma_wait3A_213 = tpu.memref_slice %arg4[%add3A, %add3A_202, %dma_wait3A_211, %dma_wait3A_212] : memref<32x250x40x16xf32, #tpu.memory_space<hbm>> -> memref<1x1x40x16xf32, #tpu.memory_space<hbm>>
        %dma_wait3A_214 = tpu.memref_squeeze %dma_wait3A_213 : memref<1x1x40x16xf32, #tpu.memory_space<hbm>> -> memref<40x16xf32, #tpu.memory_space<hbm>>
        %dma_wait3A_215 = arith.constant 0 : i32
        %dma_wait3A_216 = arith.constant 0 : i32
        %dma_wait3A_217 = tpu.memref_slice %arg4[%add3A, %add3A_202, %dma_wait3A_215, %dma_wait3A_216] : memref<32x250x40x16xf32, #tpu.memory_space<hbm>> -> memref<1x1x40x16xf32, #tpu.memory_space<hbm>>
        %dma_wait3A_218 = tpu.memref_squeeze %dma_wait3A_217 : memref<1x1x40x16xf32, #tpu.memory_space<hbm>> -> memref<40x16xf32, #tpu.memory_space<hbm>>
        tpu.wait_dma2 semaphore(%arg20 : memref<!tpu.dma_semaphore, #tpu.memory_space<semaphore_mem>>) src(%dma_wait3A_218 : memref<40x16xf32, #tpu.memory_space<hbm>>) dst(%arg11 : memref<40x16xf32, #tpu.memory_space<vmem>>)
        %dma_start3A_219 = arith.constant 0 : i32
        %dma_start3A_220 = arith.constant 0 : i32
        %dma_start3A_221 = tpu.memref_slice %arg7[%dma_start3A_219, %dma_start3A_220] : memref<2x40xi32, #tpu.memory_space<vmem>> -> memref<1x40xi32, #tpu.memory_space<vmem>>
        %dma_start3A_222 = tpu.memref_squeeze %dma_start3A_221 : memref<1x40xi32, #tpu.memory_space<vmem>> -> memref<40xi32, #tpu.memory_space<vmem>>
        %dma_start3A_223 = arith.constant 0 : i32
        %dma_start3A_224 = arith.constant 0 : i32
        %dma_start3A_225 = tpu.memref_slice %arg2[%dma_start3A_223, %dma_start3A_224] : memref<10000x128xf32, #tpu.memory_space<hbm>> -> memref<10000x128xf32, #tpu.memory_space<hbm>>
        tpu.enqueue_indirect_dma source(%dma_start3A_225 : memref<10000x128xf32, #tpu.memory_space<hbm>>) target(%arg15 : memref<40x128xf32, #tpu.memory_space<vmem>>) offsets(%dma_start3A_222 : memref<40xi32, #tpu.memory_space<vmem>>) semaphore(%arg24 : memref<!tpu.dma_semaphore, #tpu.memory_space<semaphore_mem>>)
      } else {
      }
      %lt3A_196 = arith.constant 250 : i32
      %lt3A_197 = arith.cmpi slt, %add3A_171, %lt3A_196 : i32
      %convert_element_type3A_198 = arith.extui %lt3A_197 : i1 to i32
      %cond3A_199 = arith.constant 0 : i32
      %cond3A_200 = arith.cmpi ne, %convert_element_type3A_198, %cond3A_199 : i32
      scf.if %cond3A_200 {
        %dma_wait3A_201 = arith.constant 0 : i32
        %dma_wait3A_202 = arith.constant 0 : i32
        %dma_wait3A_203 = tpu.memref_slice %arg10[%dma_wait3A_201, %dma_wait3A_202] : memref<2x40xi32, #tpu.memory_space<vmem>> -> memref<1x40xi32, #tpu.memory_space<vmem>>
        %dma_wait3A_204 = tpu.memref_squeeze %dma_wait3A_203 : memref<1x40xi32, #tpu.memory_space<vmem>> -> memref<40xi32, #tpu.memory_space<vmem>>
        %dma_wait3A_205 = arith.constant 0 : i32
        %dma_wait3A_206 = arith.constant 0 : i32
        %dma_wait3A_207 = tpu.memref_slice %arg2[%dma_wait3A_205, %dma_wait3A_206] : memref<10000x128xf32, #tpu.memory_space<hbm>> -> memref<10000x128xf32, #tpu.memory_space<hbm>>
        tpu.wait_indirect_dma semaphore(%arg27 : memref<!tpu.dma_semaphore, #tpu.memory_space<semaphore_mem>>) src(%dma_wait3A_207 : memref<10000x128xf32, #tpu.memory_space<hbm>>) dst(%arg18 : memref<40x128xf32, #tpu.memory_space<vmem>>)
        %parallel_loop3A = arith.constant 0 : i32
        %parallel_loop3A_208 = arith.constant 40 : i32
        %parallel_loop3A_209 = arith.constant 1 : i32
        scf.for %parallel_loop3A_217 = %parallel_loop3A to %parallel_loop3A_208 step %parallel_loop3A_209  : i32 {
          %parallel_loop3A_218 = arith.index_cast %parallel_loop3A_217 : i32 to index
          %parallel_loop3A_219 = arith.constant 0 : index
          %parallel_loop3A_220 = tpu.vector_load %arg14[%parallel_loop3A_218, %parallel_loop3A_219] {strides = array<i32>} : memref<40x16xf32, #tpu.memory_space<vmem>>, vector<1x16xf32>,
          %parallel_loop3A_221 = vector.shape_cast %parallel_loop3A_220 : vector<1x16xf32> to vector<16xf32>
          %parallel_loop3A_222 = arith.index_cast %parallel_loop3A_217 : i32 to index
          %parallel_loop3A_223 = arith.constant 0 : index
          %parallel_loop3A_224 = tpu.vector_load %arg18[%parallel_loop3A_222, %parallel_loop3A_223] {strides = array<i32>} : memref<40x128xf32, #tpu.memory_space<vmem>>, vector<1x16xf32>,
          %parallel_loop3A_225 = vector.shape_cast %parallel_loop3A_224 : vector<1x16xf32> to vector<16xf32>
          %parallel_loop3A_226 = arith.mulf %parallel_loop3A_225, %parallel_loop3A_221 : vector<16xf32>
          %parallel_loop3A_227 = arith.index_cast %parallel_loop3A_217 : i32 to index
          %parallel_loop3A_228 = arith.constant 0 : index
          %parallel_loop3A_229 = tpu.vector_load %arg18[%parallel_loop3A_227, %parallel_loop3A_228] {strides = array<i32>} : memref<40x128xf32, #tpu.memory_space<vmem>>, vector<1x16xf32>,
          %parallel_loop3A_230 = vector.shape_cast %parallel_loop3A_229 : vector<1x16xf32> to vector<16xf32>
          %parallel_loop3A_231 = vector.shape_cast %parallel_loop3A_226 : vector<16xf32> to vector<1x16xf32>
          tpu.vector_store %arg18[%parallel_loop3A_227, %parallel_loop3A_228], %parallel_loop3A_231 {strides = array<i32>} : memref<40x128xf32, #tpu.memory_space<vmem>>, vector<1x16xf32>,
          %parallel_loop3A_232 = arith.index_cast %parallel_loop3A_217 : i32 to index
          %parallel_loop3A_233 = arith.constant 16 : index
          %parallel_loop3A_234 = tpu.vector_load %arg18[%parallel_loop3A_232, %parallel_loop3A_233] {strides = array<i32>} : memref<40x128xf32, #tpu.memory_space<vmem>>, vector<1x16xf32>,
          %parallel_loop3A_235 = vector.shape_cast %parallel_loop3A_234 : vector<1x16xf32> to vector<16xf32>
          %parallel_loop3A_236 = arith.mulf %parallel_loop3A_235, %parallel_loop3A_221 : vector<16xf32>
          %parallel_loop3A_237 = arith.index_cast %parallel_loop3A_217 : i32 to index
          %parallel_loop3A_238 = arith.constant 16 : index
          %parallel_loop3A_239 = tpu.vector_load %arg18[%parallel_loop3A_237, %parallel_loop3A_238] {strides = array<i32>} : memref<40x128xf32, #tpu.memory_space<vmem>>, vector<1x16xf32>,
          %parallel_loop3A_240 = vector.shape_cast %parallel_loop3A_239 : vector<1x16xf32> to vector<16xf32>
          %parallel_loop3A_241 = vector.shape_cast %parallel_loop3A_236 : vector<16xf32> to vector<1x16xf32>
          tpu.vector_store %arg18[%parallel_loop3A_237, %parallel_loop3A_238], %parallel_loop3A_241 {strides = array<i32>} : memref<40x128xf32, #tpu.memory_space<vmem>>, vector<1x16xf32>,
          %parallel_loop3A_242 = arith.index_cast %parallel_loop3A_217 : i32 to index
          %parallel_loop3A_243 = arith.constant 32 : index
          %parallel_loop3A_244 = tpu.vector_load %arg18[%parallel_loop3A_242, %parallel_loop3A_243] {strides = array<i32>} : memref<40x128xf32, #tpu.memory_space<vmem>>, vector<1x16xf32>,
          %parallel_loop3A_245 = vector.shape_cast %parallel_loop3A_244 : vector<1x16xf32> to vector<16xf32>
          %parallel_loop3A_246 = arith.mulf %parallel_loop3A_245, %parallel_loop3A_221 : vector<16xf32>
          %parallel_loop3A_247 = arith.index_cast %parallel_loop3A_217 : i32 to index
          %parallel_loop3A_248 = arith.constant 32 : index
          %parallel_loop3A_249 = tpu.vector_load %arg18[%parallel_loop3A_247, %parallel_loop3A_248] {strides = array<i32>} : memref<40x128xf32, #tpu.memory_space<vmem>>, vector<1x16xf32>,
          %parallel_loop3A_250 = vector.shape_cast %parallel_loop3A_249 : vector<1x16xf32> to vector<16xf32>
          %parallel_loop3A_251 = vector.shape_cast %parallel_loop3A_246 : vector<16xf32> to vector<1x16xf32>
          tpu.vector_store %arg18[%parallel_loop3A_247, %parallel_loop3A_248], %parallel_loop3A_251 {strides = array<i32>} : memref<40x128xf32, #tpu.memory_space<vmem>>, vector<1x16xf32>,
          %parallel_loop3A_252 = arith.index_cast %parallel_loop3A_217 : i32 to index
          %parallel_loop3A_253 = arith.constant 48 : index
          %parallel_loop3A_254 = tpu.vector_load %arg18[%parallel_loop3A_252, %parallel_loop3A_253] {strides = array<i32>} : memref<40x128xf32, #tpu.memory_space<vmem>>, vector<1x16xf32>,
          %parallel_loop3A_255 = vector.shape_cast %parallel_loop3A_254 : vector<1x16xf32> to vector<16xf32>
          %parallel_loop3A_256 = arith.mulf %parallel_loop3A_255, %parallel_loop3A_221 : vector<16xf32>
          %parallel_loop3A_257 = arith.index_cast %parallel_loop3A_217 : i32 to index
          %parallel_loop3A_258 = arith.constant 48 : index
          %parallel_loop3A_259 = tpu.vector_load %arg18[%parallel_loop3A_257, %parallel_loop3A_258] {strides = array<i32>} : memref<40x128xf32, #tpu.memory_space<vmem>>, vector<1x16xf32>,
          %parallel_loop3A_260 = vector.shape_cast %parallel_loop3A_259 : vector<1x16xf32> to vector<16xf32>
          %parallel_loop3A_261 = vector.shape_cast %parallel_loop3A_256 : vector<16xf32> to vector<1x16xf32>
          tpu.vector_store %arg18[%parallel_loop3A_257, %parallel_loop3A_258], %parallel_loop3A_261 {strides = array<i32>} : memref<40x128xf32, #tpu.memory_space<vmem>>, vector<1x16xf32>,
          %parallel_loop3A_262 = arith.index_cast %parallel_loop3A_217 : i32 to index
          %parallel_loop3A_263 = arith.constant 64 : index
          %parallel_loop3A_264 = tpu.vector_load %arg18[%parallel_loop3A_262, %parallel_loop3A_263] {strides = array<i32>} : memref<40x128xf32, #tpu.memory_space<vmem>>, vector<1x16xf32>,
          %parallel_loop3A_265 = vector.shape_cast %parallel_loop3A_264 : vector<1x16xf32> to vector<16xf32>
          %parallel_loop3A_266 = arith.mulf %parallel_loop3A_265, %parallel_loop3A_221 : vector<16xf32>
          %parallel_loop3A_267 = arith.index_cast %parallel_loop3A_217 : i32 to index
          %parallel_loop3A_268 = arith.constant 64 : index
          %parallel_loop3A_269 = tpu.vector_load %arg18[%parallel_loop3A_267, %parallel_loop3A_268] {strides = array<i32>} : memref<40x128xf32, #tpu.memory_space<vmem>>, vector<1x16xf32>,
          %parallel_loop3A_270 = vector.shape_cast %parallel_loop3A_269 : vector<1x16xf32> to vector<16xf32>
          %parallel_loop3A_271 = vector.shape_cast %parallel_loop3A_266 : vector<16xf32> to vector<1x16xf32>
          tpu.vector_store %arg18[%parallel_loop3A_267, %parallel_loop3A_268], %parallel_loop3A_271 {strides = array<i32>} : memref<40x128xf32, #tpu.memory_space<vmem>>, vector<1x16xf32>,
          %parallel_loop3A_272 = arith.index_cast %parallel_loop3A_217 : i32 to index
          %parallel_loop3A_273 = arith.constant 80 : index
          %parallel_loop3A_274 = tpu.vector_load %arg18[%parallel_loop3A_272, %parallel_loop3A_273] {strides = array<i32>} : memref<40x128xf32, #tpu.memory_space<vmem>>, vector<1x16xf32>,
          %parallel_loop3A_275 = vector.shape_cast %parallel_loop3A_274 : vector<1x16xf32> to vector<16xf32>
          %parallel_loop3A_276 = arith.mulf %parallel_loop3A_275, %parallel_loop3A_221 : vector<16xf32>
          %parallel_loop3A_277 = arith.index_cast %parallel_loop3A_217 : i32 to index
          %parallel_loop3A_278 = arith.constant 80 : index
          %parallel_loop3A_279 = tpu.vector_load %arg18[%parallel_loop3A_277, %parallel_loop3A_278] {strides = array<i32>} : memref<40x128xf32, #tpu.memory_space<vmem>>, vector<1x16xf32>,
          %parallel_loop3A_280 = vector.shape_cast %parallel_loop3A_279 : vector<1x16xf32> to vector<16xf32>
          %parallel_loop3A_281 = vector.shape_cast %parallel_loop3A_276 : vector<16xf32> to vector<1x16xf32>
          tpu.vector_store %arg18[%parallel_loop3A_277, %parallel_loop3A_278], %parallel_loop3A_281 {strides = array<i32>} : memref<40x128xf32, #tpu.memory_space<vmem>>, vector<1x16xf32>,
          %parallel_loop3A_282 = arith.index_cast %parallel_loop3A_217 : i32 to index
          %parallel_loop3A_283 = arith.constant 96 : index
          %parallel_loop3A_284 = tpu.vector_load %arg18[%parallel_loop3A_282, %parallel_loop3A_283] {strides = array<i32>} : memref<40x128xf32, #tpu.memory_space<vmem>>, vector<1x16xf32>,
          %parallel_loop3A_285 = vector.shape_cast %parallel_loop3A_284 : vector<1x16xf32> to vector<16xf32>
          %parallel_loop3A_286 = arith.mulf %parallel_loop3A_285, %parallel_loop3A_221 : vector<16xf32>
          %parallel_loop3A_287 = arith.index_cast %parallel_loop3A_217 : i32 to index
          %parallel_loop3A_288 = arith.constant 96 : index
          %parallel_loop3A_289 = tpu.vector_load %arg18[%parallel_loop3A_287, %parallel_loop3A_288] {strides = array<i32>} : memref<40x128xf32, #tpu.memory_space<vmem>>, vector<1x16xf32>,
          %parallel_loop3A_290 = vector.shape_cast %parallel_loop3A_289 : vector<1x16xf32> to vector<16xf32>
          %parallel_loop3A_291 = vector.shape_cast %parallel_loop3A_286 : vector<16xf32> to vector<1x16xf32>
          tpu.vector_store %arg18[%parallel_loop3A_287, %parallel_loop3A_288], %parallel_loop3A_291 {strides = array<i32>} : memref<40x128xf32, #tpu.memory_space<vmem>>, vector<1x16xf32>,
          %parallel_loop3A_292 = arith.index_cast %parallel_loop3A_217 : i32 to index
          %parallel_loop3A_293 = arith.constant 112 : index
          %parallel_loop3A_294 = tpu.vector_load %arg18[%parallel_loop3A_292, %parallel_loop3A_293] {strides = array<i32>} : memref<40x128xf32, #tpu.memory_space<vmem>>, vector<1x16xf32>,
          %parallel_loop3A_295 = vector.shape_cast %parallel_loop3A_294 : vector<1x16xf32> to vector<16xf32>
          %parallel_loop3A_296 = arith.mulf %parallel_loop3A_295, %parallel_loop3A_221 : vector<16xf32>
          %parallel_loop3A_297 = arith.index_cast %parallel_loop3A_217 : i32 to index
          %parallel_loop3A_298 = arith.constant 112 : index
          %parallel_loop3A_299 = tpu.vector_load %arg18[%parallel_loop3A_297, %parallel_loop3A_298] {strides = array<i32>} : memref<40x128xf32, #tpu.memory_space<vmem>>, vector<1x16xf32>,
          %parallel_loop3A_300 = vector.shape_cast %parallel_loop3A_299 : vector<1x16xf32> to vector<16xf32>
          %parallel_loop3A_301 = vector.shape_cast %parallel_loop3A_296 : vector<16xf32> to vector<1x16xf32>
          tpu.vector_store %arg18[%parallel_loop3A_297, %parallel_loop3A_298], %parallel_loop3A_301 {strides = array<i32>} : memref<40x128xf32, #tpu.memory_space<vmem>>, vector<1x16xf32>,
        } {sc.loop_unroll_factor = 4 : i64, sc.parallel_access}
        %dma_start3A_210 = arith.constant 1 : i32
        %dma_start3A_211 = arith.constant 0 : i32
        %dma_start3A_212 = tpu.memref_slice %arg10[%dma_start3A_210, %dma_start3A_211] : memref<2x40xi32, #tpu.memory_space<vmem>> -> memref<1x40xi32, #tpu.memory_space<vmem>>
        %dma_start3A_213 = tpu.memref_squeeze %dma_start3A_212 : memref<1x40xi32, #tpu.memory_space<vmem>> -> memref<40xi32, #tpu.memory_space<vmem>>
        %dma_start3A_214 = arith.constant 0 : i32
        %dma_start3A_215 = arith.constant 0 : i32
        %dma_start3A_216 = tpu.memref_slice %arg19[%dma_start3A_214, %dma_start3A_215] : memref<10000x128xf32, #tpu.memory_space<vmem_shared>> -> memref<10000x128xf32, #tpu.memory_space<vmem_shared>>
        tpu.enqueue_indirect_dma source(%arg18 : memref<40x128xf32, #tpu.memory_space<vmem>>) target(%dma_start3A_216 : memref<10000x128xf32, #tpu.memory_space<vmem_shared>>) offsets(%dma_start3A_213 : memref<40xi32, #tpu.memory_space<vmem>>) semaphore(%arg31 : memref<!tpu.dma_semaphore, #tpu.memory_space<semaphore_mem>>) {add = true}
      } else {
      }
    }
    %scan3A_70 = arith.constant 64 : i32
    %barrier3A_71 = arith.constant 0 : index
    tpu.barrier barrier_id(%barrier3A_71)
    %mul3A_72 = arith.constant 625 : i32
    %mul3A_73 = arith.muli %arg1, %mul3A_72 : i32
    "tpu.region"() ({
      %run_scoped3A = tpu.sem_alloc : memref<!tpu.dma_semaphore, #tpu.memory_space<semaphore_mem>>
      %dma_start3A_74 = arith.constant 0 : i32
      %dma_start3A_75 = arith.constant 0 : i32
      %dma_start3A_76 = tpu.memref_slice %arg6[%arg0, %arg1, %dma_start3A_74, %dma_start3A_75] : memref<2x16x625x128xf32, #tpu.memory_space<hbm>> -> memref<1x1x625x128xf32, #tpu.memory_space<hbm>>
      %dma_start3A_77 = tpu.memref_squeeze %dma_start3A_76 : memref<1x1x625x128xf32, #tpu.memory_space<hbm>> -> memref<625x128xf32, #tpu.memory_space<hbm>>
      %dma_start3A_78 = arith.constant 0 : i32
      %dma_start3A_79 = tpu.memref_slice %arg19[%mul3A_73, %dma_start3A_78] : memref<10000x128xf32, #tpu.memory_space<vmem_shared>> -> memref<625x128xf32, #tpu.memory_space<vmem_shared>>
      tpu.enqueue_dma source(%dma_start3A_79 : memref<625x128xf32, #tpu.memory_space<vmem_shared>>) target(%dma_start3A_77 : memref<625x128xf32, #tpu.memory_space<hbm>>) target_semaphore(%run_scoped3A : memref<!tpu.dma_semaphore, #tpu.memory_space<semaphore_mem>>)
      %dma_wait3A_80 = arith.constant 0 : i32
      %dma_wait3A_81 = arith.constant 0 : i32
      %dma_wait3A_82 = tpu.memref_slice %arg6[%arg0, %arg1, %dma_wait3A_80, %dma_wait3A_81] : memref<2x16x625x128xf32, #tpu.memory_space<hbm>> -> memref<1x1x625x128xf32, #tpu.memory_space<hbm>>
      %dma_wait3A_83 = tpu.memref_squeeze %dma_wait3A_82 : memref<1x1x625x128xf32, #tpu.memory_space<hbm>> -> memref<625x128xf32, #tpu.memory_space<hbm>>
      %dma_wait3A_84 = arith.constant 0 : i32
      %dma_wait3A_85 = tpu.memref_slice %arg19[%mul3A_73, %dma_wait3A_84] : memref<10000x128xf32, #tpu.memory_space<vmem_shared>> -> memref<625x128xf32, #tpu.memory_space<vmem_shared>>
      tpu.wait_dma2 semaphore(%run_scoped3A : memref<!tpu.dma_semaphore, #tpu.memory_space<semaphore_mem>>) src(%dma_wait3A_85 : memref<625x128xf32, #tpu.memory_space<vmem_shared>>) dst(%dma_wait3A_83 : memref<625x128xf32, #tpu.memory_space<hbm>>)
      tpu.yield
    }) : () -> ()
    return
  }
}

module attributes {stable_mosaic.version = 14 : i64} {
  func.func @_mm_first(%arg0: i32, %arg1: memref<2000x128xf32, #tpu.memory_space<vmem>>, %arg2: memref<128x128xf32, #tpu.memory_space<vmem>>, %arg3: memref<128x128xf32, #tpu.memory_space<vmem>>, %arg4: memref<2000x128xf32, #tpu.memory_space<vmem>>, %arg5: memref<2000x128xf32, #tpu.memory_space<vmem>>) attributes {dimension_semantics = [#tpu.dimension_semantics<arbitrary>], iteration_bounds = array<i64: 5>, scalar_prefetch = 0 : i64, scratch_operands = 0 : i64, tpu.core_type = #tpu.core_type<tc>, window_params = [{transform_indices = @transform_0, window_bounds = array<i64: 2000, 128>}, {pipeline_mode = #tpu.pipeline_mode<synchronous>, transform_indices = @transform_1, window_bounds = array<i64: 128, 128>}, {pipeline_mode = #tpu.pipeline_mode<synchronous>, transform_indices = @transform_2, window_bounds = array<i64: 128, 128>}, {transform_indices = @transform_3, window_bounds = array<i64: 2000, 128>}, {transform_indices = @transform_4, window_bounds = array<i64: 2000, 128>}]} {
    %get3A = arith.constant 0 : index
    %get3A_0 = arith.constant 0 : index
    %get3A_1 = vector.load %arg1[%get3A, %get3A_0] : memref<2000x128xf32, #tpu.memory_space<vmem>>, vector<2000x128xf32>
    %get3A_2 = arith.constant 0 : index
    %get3A_3 = arith.constant 0 : index
    %get3A_4 = vector.load %arg2[%get3A_2, %get3A_3] : memref<128x128xf32, #tpu.memory_space<vmem>>, vector<128x128xf32>
    %dot_general3A = arith.constant dense<0.000000e+00> : vector<2000x128xf32>
    %dot_general3A_5 = tpu.matmul %get3A_1, %get3A_4, %dot_general3A {dimension_numbers = #tpu.dot_dimension_numbers<[1], [0], [0], [1], [0, 0, 1, 1], [], []>, transpose_lhs_hint = false} : vector<2000x128xf32>, vector<128x128xf32>, vector<2000x128xf32> -> vector<2000x128xf32>
    %swap3A = arith.constant 0 : index
    %swap3A_6 = arith.constant 0 : index
    %swap3A_7 = vector.load %arg4[%swap3A, %swap3A_6] : memref<2000x128xf32, #tpu.memory_space<vmem>>, vector<2000x128xf32>
    tpu.vector_store %arg4[%swap3A, %swap3A_6], %dot_general3A_5 {strides = array<i32>} : memref<2000x128xf32, #tpu.memory_space<vmem>>, vector<2000x128xf32>,
    %get3A_8 = arith.constant 0 : index
    %get3A_9 = arith.constant 0 : index
    %get3A_10 = vector.load %arg3[%get3A_8, %get3A_9] : memref<128x128xf32, #tpu.memory_space<vmem>>, vector<128x128xf32>
    %dot_general3A_11 = arith.constant dense<0.000000e+00> : vector<2000x128xf32>
    %dot_general3A_12 = tpu.matmul %get3A_1, %get3A_10, %dot_general3A_11 {dimension_numbers = #tpu.dot_dimension_numbers<[1], [0], [0], [1], [0, 0, 1, 1], [], []>, transpose_lhs_hint = false} : vector<2000x128xf32>, vector<128x128xf32>, vector<2000x128xf32> -> vector<2000x128xf32>
    %swap3A_13 = arith.constant 0 : index
    %swap3A_14 = arith.constant 0 : index
    %swap3A_15 = vector.load %arg5[%swap3A_13, %swap3A_14] : memref<2000x128xf32, #tpu.memory_space<vmem>>, vector<2000x128xf32>
    tpu.vector_store %arg5[%swap3A_13, %swap3A_14], %dot_general3A_12 {strides = array<i32>} : memref<2000x128xf32, #tpu.memory_space<vmem>>, vector<2000x128xf32>,
    return
  }
  func.func @transform_0(%arg0: i32) -> (i32, i32) {
    %c0_i32 = arith.constant 0 : i32
    %c0_i32_0 = arith.constant 0 : i32
    return %arg0, %c0_i32 : i32, i32
  }
  func.func @transform_1(%arg0: i32) -> (i32, i32) {
    %c0_i32 = arith.constant 0 : i32
    %c0_i32_0 = arith.constant 0 : i32
    %c0_i32_1 = arith.constant 0 : i32
    return %c0_i32, %c0_i32_0 : i32, i32
  }
  func.func @transform_2(%arg0: i32) -> (i32, i32) {
    %c0_i32 = arith.constant 0 : i32
    %c0_i32_0 = arith.constant 0 : i32
    %c0_i32_1 = arith.constant 0 : i32
    return %c0_i32, %c0_i32_0 : i32, i32
  }
  func.func @transform_3(%arg0: i32) -> (i32, i32) {
    %c0_i32 = arith.constant 0 : i32
    %c0_i32_0 = arith.constant 0 : i32
    return %arg0, %c0_i32 : i32, i32
  }
  func.func @transform_4(%arg0: i32) -> (i32, i32) {
    %c0_i32 = arith.constant 0 : i32
    %c0_i32_0 = arith.constant 0 : i32
    return %arg0, %c0_i32 : i32, i32
  }
}

module attributes {stable_mosaic.version = 14 : i64} {
  func.func @_mm_mid(%arg0: i32, %arg1: memref<2000x128xf32, #tpu.memory_space<vmem>>, %arg2: memref<2x2000x128xf32, #tpu.memory_space<vmem>>, %arg3: memref<1x128xf32, #tpu.memory_space<vmem>>, %arg4: memref<128x128xf32, #tpu.memory_space<vmem>>, %arg5: memref<128x128xf32, #tpu.memory_space<vmem>>, %arg6: memref<2000x128xf32, #tpu.memory_space<vmem>>, %arg7: memref<2000x128xf32, #tpu.memory_space<vmem>>) attributes {dimension_semantics = [#tpu.dimension_semantics<arbitrary>], iteration_bounds = array<i64: 5>, scalar_prefetch = 0 : i64, scratch_operands = 0 : i64, tpu.core_type = #tpu.core_type<tc>, window_params = [{transform_indices = @transform_0, window_bounds = array<i64: 2000, 128>}, {transform_indices = @transform_1, window_bounds = array<i64: 2, 2000, 128>}, {pipeline_mode = #tpu.pipeline_mode<synchronous>, transform_indices = @transform_2, window_bounds = array<i64: 1, 128>}, {pipeline_mode = #tpu.pipeline_mode<synchronous>, transform_indices = @transform_3, window_bounds = array<i64: 128, 128>}, {pipeline_mode = #tpu.pipeline_mode<synchronous>, transform_indices = @transform_4, window_bounds = array<i64: 128, 128>}, {transform_indices = @transform_5, window_bounds = array<i64: 2000, 128>}, {transform_indices = @transform_6, window_bounds = array<i64: 2000, 128>}]} {
    %get3A = arith.constant 0 : index
    %get3A_0 = arith.constant 0 : index
    %get3A_1 = vector.load %arg1[%get3A, %get3A_0] : memref<2000x128xf32, #tpu.memory_space<vmem>>, vector<2000x128xf32>
    %get3A_2 = arith.constant 0 : index
    %get3A_3 = arith.constant 0 : index
    %get3A_4 = arith.constant 0 : index
    %get3A_5 = vector.load %arg2[%get3A_2, %get3A_3, %get3A_4] : memref<2x2000x128xf32, #tpu.memory_space<vmem>>, vector<1x2000x128xf32>
    %get3A_6 = vector.shape_cast %get3A_5 : vector<1x2000x128xf32> to vector<2000x128xf32>
    %add3A = arith.addf %get3A_1, %get3A_6 : vector<2000x128xf32>
    %get3A_7 = arith.constant 1 : index
    %get3A_8 = arith.constant 0 : index
    %get3A_9 = arith.constant 0 : index
    %get3A_10 = vector.load %arg2[%get3A_7, %get3A_8, %get3A_9] : memref<2x2000x128xf32, #tpu.memory_space<vmem>>, vector<1x2000x128xf32>
    %get3A_11 = vector.shape_cast %get3A_10 : vector<1x2000x128xf32> to vector<2000x128xf32>
    %add3A_12 = arith.addf %add3A, %get3A_11 : vector<2000x128xf32>
    %get3A_13 = arith.constant 0 : index
    %get3A_14 = arith.constant 0 : index
    %get3A_15 = vector.load %arg3[%get3A_13, %get3A_14] : memref<1x128xf32, #tpu.memory_space<vmem>>, vector<1x128xf32>
    %add3A_16 = vector.broadcast %get3A_15 : vector<1x128xf32> to vector<2000x128xf32>
    %add3A_17 = arith.addf %add3A_12, %add3A_16 : vector<2000x128xf32>
    %max3A = arith.constant 0.000000e+00 : f32
    %max3A_18 = vector.broadcast %max3A : f32 to vector<2000x128xf32>
    %max3A_19 = arith.maximumf %add3A_17, %max3A_18 : vector<2000x128xf32>
    %get3A_20 = arith.constant 0 : index
    %get3A_21 = arith.constant 0 : index
    %get3A_22 = vector.load %arg4[%get3A_20, %get3A_21] : memref<128x128xf32, #tpu.memory_space<vmem>>, vector<128x128xf32>
    %dot_general3A = arith.constant dense<0.000000e+00> : vector<2000x128xf32>
    %dot_general3A_23 = tpu.matmul %max3A_19, %get3A_22, %dot_general3A {dimension_numbers = #tpu.dot_dimension_numbers<[1], [0], [0], [1], [0, 0, 1, 1], [], []>, transpose_lhs_hint = false} : vector<2000x128xf32>, vector<128x128xf32>, vector<2000x128xf32> -> vector<2000x128xf32>
    %swap3A = arith.constant 0 : index
    %swap3A_24 = arith.constant 0 : index
    %swap3A_25 = vector.load %arg6[%swap3A, %swap3A_24] : memref<2000x128xf32, #tpu.memory_space<vmem>>, vector<2000x128xf32>
    tpu.vector_store %arg6[%swap3A, %swap3A_24], %dot_general3A_23 {strides = array<i32>} : memref<2000x128xf32, #tpu.memory_space<vmem>>, vector<2000x128xf32>,
    %get3A_26 = arith.constant 0 : index
    %get3A_27 = arith.constant 0 : index
    %get3A_28 = vector.load %arg5[%get3A_26, %get3A_27] : memref<128x128xf32, #tpu.memory_space<vmem>>, vector<128x128xf32>
    %dot_general3A_29 = arith.constant dense<0.000000e+00> : vector<2000x128xf32>
    %dot_general3A_30 = tpu.matmul %max3A_19, %get3A_28, %dot_general3A_29 {dimension_numbers = #tpu.dot_dimension_numbers<[1], [0], [0], [1], [0, 0, 1, 1], [], []>, transpose_lhs_hint = false} : vector<2000x128xf32>, vector<128x128xf32>, vector<2000x128xf32> -> vector<2000x128xf32>
    %swap3A_31 = arith.constant 0 : index
    %swap3A_32 = arith.constant 0 : index
    %swap3A_33 = vector.load %arg7[%swap3A_31, %swap3A_32] : memref<2000x128xf32, #tpu.memory_space<vmem>>, vector<2000x128xf32>
    tpu.vector_store %arg7[%swap3A_31, %swap3A_32], %dot_general3A_30 {strides = array<i32>} : memref<2000x128xf32, #tpu.memory_space<vmem>>, vector<2000x128xf32>,
    return
  }
  func.func @transform_0(%arg0: i32) -> (i32, i32) {
    %c0_i32 = arith.constant 0 : i32
    %c0_i32_0 = arith.constant 0 : i32
    return %arg0, %c0_i32 : i32, i32
  }
  func.func @transform_1(%arg0: i32) -> (i32, i32, i32) {
    %c0_i32 = arith.constant 0 : i32
    %c0_i32_0 = arith.constant 0 : i32
    %c0_i32_1 = arith.constant 0 : i32
    return %c0_i32, %arg0, %c0_i32_0 : i32, i32, i32
  }
  func.func @transform_2(%arg0: i32) -> (i32, i32) {
    %c0_i32 = arith.constant 0 : i32
    %c0_i32_0 = arith.constant 0 : i32
    %c0_i32_1 = arith.constant 0 : i32
    return %c0_i32, %c0_i32_0 : i32, i32
  }
  func.func @transform_3(%arg0: i32) -> (i32, i32) {
    %c0_i32 = arith.constant 0 : i32
    %c0_i32_0 = arith.constant 0 : i32
    %c0_i32_1 = arith.constant 0 : i32
    return %c0_i32, %c0_i32_0 : i32, i32
  }
  func.func @transform_4(%arg0: i32) -> (i32, i32) {
    %c0_i32 = arith.constant 0 : i32
    %c0_i32_0 = arith.constant 0 : i32
    %c0_i32_1 = arith.constant 0 : i32
    return %c0_i32, %c0_i32_0 : i32, i32
  }
  func.func @transform_5(%arg0: i32) -> (i32, i32) {
    %c0_i32 = arith.constant 0 : i32
    %c0_i32_0 = arith.constant 0 : i32
    return %arg0, %c0_i32 : i32, i32
  }
  func.func @transform_6(%arg0: i32) -> (i32, i32) {
    %c0_i32 = arith.constant 0 : i32
    %c0_i32_0 = arith.constant 0 : i32
    return %arg0, %c0_i32 : i32, i32
  }
}

module attributes {stable_mosaic.version = 14 : i64} {
  func.func @_final(%arg0: i32, %arg1: memref<2000x128xf32, #tpu.memory_space<vmem>>, %arg2: memref<2x2000x128xf32, #tpu.memory_space<vmem>>, %arg3: memref<1x128xf32, #tpu.memory_space<vmem>>, %arg4: memref<2000x128xf32, #tpu.memory_space<vmem>>) attributes {dimension_semantics = [#tpu.dimension_semantics<arbitrary>], iteration_bounds = array<i64: 5>, scalar_prefetch = 0 : i64, scratch_operands = 0 : i64, tpu.core_type = #tpu.core_type<tc>, window_params = [{transform_indices = @transform_0, window_bounds = array<i64: 2000, 128>}, {transform_indices = @transform_1, window_bounds = array<i64: 2, 2000, 128>}, {pipeline_mode = #tpu.pipeline_mode<synchronous>, transform_indices = @transform_2, window_bounds = array<i64: 1, 128>}, {transform_indices = @transform_3, window_bounds = array<i64: 2000, 128>}]} {
    %get3A = arith.constant 0 : index
    %get3A_0 = arith.constant 0 : index
    %get3A_1 = vector.load %arg1[%get3A, %get3A_0] : memref<2000x128xf32, #tpu.memory_space<vmem>>, vector<2000x128xf32>
    %get3A_2 = arith.constant 0 : index
    %get3A_3 = arith.constant 0 : index
    %get3A_4 = arith.constant 0 : index
    %get3A_5 = vector.load %arg2[%get3A_2, %get3A_3, %get3A_4] : memref<2x2000x128xf32, #tpu.memory_space<vmem>>, vector<1x2000x128xf32>
    %get3A_6 = vector.shape_cast %get3A_5 : vector<1x2000x128xf32> to vector<2000x128xf32>
    %add3A = arith.addf %get3A_1, %get3A_6 : vector<2000x128xf32>
    %get3A_7 = arith.constant 1 : index
    %get3A_8 = arith.constant 0 : index
    %get3A_9 = arith.constant 0 : index
    %get3A_10 = vector.load %arg2[%get3A_7, %get3A_8, %get3A_9] : memref<2x2000x128xf32, #tpu.memory_space<vmem>>, vector<1x2000x128xf32>
    %get3A_11 = vector.shape_cast %get3A_10 : vector<1x2000x128xf32> to vector<2000x128xf32>
    %add3A_12 = arith.addf %add3A, %get3A_11 : vector<2000x128xf32>
    %get3A_13 = arith.constant 0 : index
    %get3A_14 = arith.constant 0 : index
    %get3A_15 = vector.load %arg3[%get3A_13, %get3A_14] : memref<1x128xf32, #tpu.memory_space<vmem>>, vector<1x128xf32>
    %add3A_16 = vector.broadcast %get3A_15 : vector<1x128xf32> to vector<2000x128xf32>
    %add3A_17 = arith.addf %add3A_12, %add3A_16 : vector<2000x128xf32>
    %max3A = arith.constant 0.000000e+00 : f32
    %max3A_18 = vector.broadcast %max3A : f32 to vector<2000x128xf32>
    %max3A_19 = arith.maximumf %add3A_17, %max3A_18 : vector<2000x128xf32>
    %swap3A = arith.constant 0 : index
    %swap3A_20 = arith.constant 0 : index
    %swap3A_21 = vector.load %arg4[%swap3A, %swap3A_20] : memref<2000x128xf32, #tpu.memory_space<vmem>>, vector<2000x128xf32>
    tpu.vector_store %arg4[%swap3A, %swap3A_20], %max3A_19 {strides = array<i32>} : memref<2000x128xf32, #tpu.memory_space<vmem>>, vector<2000x128xf32>,
    return
  }
  func.func @transform_0(%arg0: i32) -> (i32, i32) {
    %c0_i32 = arith.constant 0 : i32
    %c0_i32_0 = arith.constant 0 : i32
    return %arg0, %c0_i32 : i32, i32
  }
  func.func @transform_1(%arg0: i32) -> (i32, i32, i32) {
    %c0_i32 = arith.constant 0 : i32
    %c0_i32_0 = arith.constant 0 : i32
    %c0_i32_1 = arith.constant 0 : i32
    return %c0_i32, %arg0, %c0_i32_0 : i32, i32, i32
  }
  func.func @transform_2(%arg0: i32) -> (i32, i32) {
    %c0_i32 = arith.constant 0 : i32
    %c0_i32_0 = arith.constant 0 : i32
    %c0_i32_1 = arith.constant 0 : i32
    return %c0_i32, %c0_i32_0 : i32, i32
  }
  func.func @transform_3(%arg0: i32) -> (i32, i32) {
    %c0_i32 = arith.constant 0 : i32
    %c0_i32_0 = arith.constant 0 : i32
    return %arg0, %c0_i32 : i32, i32
  }
}

</mosaic_0001>

<sc_bundles>
// kernel: kernel.10.cloned.1.call-start
scs
__scs_entry_jumppad:
0x0: {  	(pc) =	sbr.rel $0x88, $3  }
0x1: {  	(tag) =	ssettag $0x0;
	lr =	simm.s32 $0x1  }
0x2: {  	[smem:$0x3F98] =	sst lr;
	_ =	strace $0xD0000000  }
0x3: {  	_ = 	snop  }
0x4: {  	_ = 	snop  }
0x5: {  	_ = 	snop  }
0x6: {  	_ = 	snop  }
0x7: {  	_ = 	snop  }
__scs_overlays_trampoline_lowered:
0x8: {  	[smem:$0x3FA7] =	sst s0  }
0x9: {  	[smem:$0x3FA8] =	sst s1  }
0xa: {  	[smem:$0x3FA9] =	sst s2  }
0xb: {  	[smem:$0x3FAA] =	sst s3  }
0xc: {  	[smem:$0x3FAB] =	sst s4  }
0xd: {  	[smem:$0x3FAC] =	sst s5  }
0xe: {  	[smem:$0x3FAD] =	sst s6  }
0xf: {  	[smem:$0x3FAE] =	sst s7  }
0x10: {  	[smem:$0x3FAF] =	sst s8  }
0x11: {  	[smem:$0x3FB0] =	sst s9;
	s0 =	simm.s32 @!p0 $0x0  }
0x12: {  	s1 =	sld [smem:$0x3F96];
	s0 =	simm.s32 @p0 $0x1  }
0x13: {  	[smem:$0x3FB1] =	sst s0;
	s0 =	simm.s32 @!p1 $0x0  }
0x14: {  	s2 =	sld [smem:$0x3F95];
	s0 =	simm.s32 @p1 $0x1  }
0x15: {  	[smem:$0x3FB2] =	sst s0;
	s0 =	simm.s32 @!p2 $0x0  }
0x16: {  	s3 =	sld [smem:$0x3FDB];
	s0 =	simm.s32 @p2 $0x1  }
0x17: {  	s4 =	simm.s32 $0x1BF5;
	[smem:$0x3FB4] =	sst s0  }
0x18: {  	s0 =	sld [smem:$0x3F97];
	_ =	swait.ge [sflag:s4], $0x0  }
0x19: {  	s7 =	sld [smem:$0x3F98]  }
0x1a: {  	s8 =	sadd.s32 $0xFFFFE003, lr  }
0x1b: {  	s9 =	sadd.s32 $0xFFFFFEF7, lr;
	s5 =	simm.s32 $0xFFFFFFFF;
	p2 =	slt.u32 s8, $0xFFFFF086  }
0x1c: {  	p1 =	slt.u32 s9, $0xF7A;
	s5 =	simm.s32 @!p2 $0x0  }
0x1d: {  	s5 =	simm.s32 @p1 $0x1;
	p0 =	seq.s32 s7, s2  }
0x1e: {  	s7 =	smul.u32 @!p0 $0xF7A, s2;
	p2 =	seq.s32 @!p0 s5, $0x0  }
0x1f: {  	s9 =	smul.u32 $0xF7A, s1;
	s8 =	simm.s32 @!p0 $0x1BF5;
	p2 =	por !p2, p0  }
0x20: {  	[sflag:s8] =	ssyncset.s32 @!p0 $0xFFFFF086;
	s6 =	sadd.s32 @!p0 s3, s7;
	s7 =	simm.s32 @!p0 $0x108  }
0x21: {  	s3 =	sadd.s32 s3, s9;
	s6 =	sadd.s32 @!p0 $0x88, s6;
	s7 =	simm.s32 @p2 $0x1082  }
0x22: {  	[simem:s7], [sflag:s8] =	dma.local @!p0 [hbm:s6], $0xF7A  }
0x23: {  	s9 =	sor.u32 $0xD0000000, s2;
	s6 =	simm.s32 $0x108;
	_ =	swait.ge @!p0 [sflag:s8], $0x0  }
0x24: {  	s3 =	sadd.s32 $0x88, s3;
	s6 =	simm.s32 @!p1 $0x1082;
	[sflag:s4] =	ssyncset.s32 $0xFFFFF086  }
0x25: {  	[simem:s6], [sflag:s4] =	dma.local [hbm:s3], $0xF7A  }
0x26: {  	[smem:$0x3F98] =	sst s1;
	(tag) =	ssettag s2;
	_ =	strace s9  }
0x27: {  	s1 =	sld [smem:$0x3FA8]  }
0x28: {  	s2 =	sld [smem:$0x3FA9]  }
0x29: {  	s4 =	sld [smem:$0x3FAB]  }
0x2a: {  	p0 =	seq.s32 s5, $0x0;
	s5 =	sld [smem:$0x3FAC]  }
0x2b: {  	s6 =	sld [smem:$0x3FAD]  }
0x2c: {  	s7 =	sld [smem:$0x3FAE]  }
0x2d: {  	s3 =	simm.s32 $0x108;
	s8 =	sld [smem:$0x3FAF]  }
0x2e: {  	s3 =	simm.s32 @!p0 $0x1082;
	s9 =	sld [smem:$0x3FB0]  }
0x2f: {  	lr =	sadd.s32 s0, s3;
	s0 =	sld [smem:$0x3FA7]  }
0x30: {  	s3 =	sld [smem:$0x3FAA]  }
0x31: {  	[smem:$0x3FB3] =	sst s10  }
0x32: {  	s10 =	sld [smem:$0x3FB1];
	_ =	sdelay $0x3  }
0x33: {  	p0 =	seq.s32 s10, $0x1;
	s10 =	sld [smem:$0x3FB3];
	_ =	sdelay $0x3  }
0x34: {  	[smem:$0x3FB3] =	sst s10  }
0x35: {  	s10 =	sld [smem:$0x3FB2];
	_ =	sdelay $0x3  }
0x36: {  	p1 =	seq.s32 s10, $0x1;
	s10 =	sld [smem:$0x3FB3];
	_ =	sdelay $0x3  }
0x37: {  	[smem:$0x3FB3] =	sst s10  }
0x38: {  	s10 =	sld [smem:$0x3FB4]  }
0x39: {  	_ = 	snop;
	(pc) =	sbr.ind lr, $3  }
0x3a: {  	_ = 	snop  }
0x3b: {  	_ = 	snop  }
0x3c: {  	p2 =	seq.s32 s10, $0x1;
	s10 =	sld [smem:$0x3FB3]  }
0x3d: {  	_ =	shalt  }
0x3e: {  	_ =	shalt  }
0x3f: {  	_ =	shalt  }
0x40: {  	_ =	shalt  }
0x41: {  	_ =	shalt  }
0x42: {  	_ =	shalt  }
0x43: {  	_ =	shalt  }
0x44: {  	_ =	shalt  }
0x45: {  	_ =	shalt  }
0x46: {  	_ =	shalt  }
0x47: {  	_ =	shalt  }
0x48: {  	_ =	shalt  }
0x49: {  	_ =	shalt  }
0x4a: {  	_ =	shalt  }
0x4b: {  	_ =	shalt  }
0x4c: {  	_ =	shalt  }
0x4d: {  	_ =	shalt  }
0x4e: {  	_ =	shalt  }
0x4f: {  	_ =	shalt  }
0x50: {  	_ =	shalt  }
0x51: {  	_ =	shalt  }
0x52: {  	_ =	shalt  }
0x53: {  	_ =	shalt  }
0x54: {  	_ =	shalt  }
0x55: {  	_ =	shalt  }
0x56: {  	_ =	shalt  }
0x57: {  	_ =	shalt  }
0x58: {  	_ =	shalt  }
0x59: {  	_ =	shalt  }
0x5a: {  	_ =	shalt  }
0x5b: {  	_ =	shalt  }
0x5c: {  	_ =	shalt  }
0x5d: {  	_ =	shalt  }
0x5e: {  	_ =	shalt  }
0x5f: {  	_ =	shalt  }
0x60: {  	_ =	shalt  }
0x61: {  	_ =	shalt  }
0x62: {  	_ =	shalt  }
0x63: {  	_ =	shalt  }
0x64: {  	_ =	shalt  }
0x65: {  	_ =	shalt  }
0x66: {  	_ =	shalt  }
0x67: {  	_ =	shalt  }
0x68: {  	_ =	shalt  }
0x69: {  	_ =	shalt  }
0x6a: {  	_ =	shalt  }
0x6b: {  	_ =	shalt  }
0x6c: {  	_ =	shalt  }
0x6d: {  	_ =	shalt  }
0x6e: {  	_ =	shalt  }
0x6f: {  	_ =	shalt  }
0x70: {  	_ =	shalt  }
0x71: {  	_ =	shalt  }
0x72: {  	_ =	shalt  }
0x73: {  	_ =	shalt  }
0x74: {  	_ =	shalt  }
0x75: {  	_ =	shalt  }
0x76: {  	_ =	shalt  }
0x77: {  	_ =	shalt  }
0x78: {  	_ =	shalt  }
0x79: {  	_ =	shalt  }
0x7a: {  	_ =	shalt  }
0x7b: {  	_ =	shalt  }
0x7c: {  	_ =	shalt  }
0x7d: {  	_ =	shalt  }
0x7e: {  	_ =	shalt  }
0x7f: {  	_ =	shalt  }
0x80: {  	_ =	shalt  }
0x81: {  	_ =	shalt  }
0x82: {  	_ =	shalt  }
0x83: {  	_ =	shalt  }
0x84: {  	_ =	shalt  }
0x85: {  	_ =	shalt  }
0x86: {  	_ =	shalt  }
0x87: {  	_ =	shalt  }
.Lfunc_end0:
.L_simem_size_0:
called_computation.1_lowered:
.L_overlay_start_0:
0x88: {  	s2 =	sld [smem:$0x3FD9]  }
0x89: {  	s3 =	sld [smem:$0x3FFE];
	_ =	sdelay $0x1  }
0x8a: {  	s1 =	srdreg.scid  }
0x8b: {  	s0 =	sand.u32 $0x1, s1  }
0x8c: {  	s16 =	sshll.u32 s0, $0xA;
	s2 =	sadd.s32 s3, s2  }
0x8d: {  	s2 =	sadd.s32 s2, s16  }
0x8e: {  	[smem:$0x3FBF] =	sst s2  }
0x8f: {  	_ = 	snop  }
0x90: {  	(tm) =	ssettm $0x1  }
0x91: {  	s17 =	sld [smem:$0x3FFB];
	_ =	sdelay $0x3  }
0x92: {  	_ =	strace s17  }
0x93: {  	s2 =	sld [smem:$0x3FFC];
	_ =	sdelay $0x3  }
0x94: {  	_ =	strace s2  }
0x95: {  	s2 =	sld [smem:$0x3FFD];
	_ =	sdelay $0x3  }
0x96: {  	_ =	strace s2  }
0x97: {  	_ =	strace $0x8FFFFFFF  }
0x98: {  	s18 =	sld [smem:$0x3FDB];
	_ =	sdelay $0x1  }
0x99: {  	s19 =	simm.s32 $_scs_section_size  }
0x9a: {  	s4 =	simm.s32 $_size__tile_overlayer_lowered;
	s5 =	simm.s32 $_tile_overlayer_lowered  }
0x9b: {  	s22 =	simm.s32 $0x1BFF;
	s21 =	sshll.u32 s5, $0x1;
	s2 =	sadd.s32 s19, s18  }
0x9c: {  	s6 =	simm.s32 $0x0;
	s20 =	sshll.u32 s4, $0x1;
	s4 =	sadd.s32 s21, s2  }
0x9d: {  	[timem:s6], [sflag:s22] =	dma.local [hbm:s4], s20  }
0x9e: {  	_ =	swait.ge [sflag:s22], s20  }
0x9f: {  	s3 =	ssub.s32 $0x0, s20;
	[sflag:s22] =	ssyncset.done $0x0  }
0xa0: {  	[sflag:s22] =	ssyncadd.s32 s3;
	_ =	sdelay $0x1  }
0xa1: {  	s23 =	simm.s32 $0x1B8B  }
0xa2: {  	_ =	swait.ge [sflag:s23], $0x1  }
0xa3: {  	[sflag:s23] =	ssyncset.done $0x0  }
0xa4: {  	s25 =	simm.s32 $0x1B8E;
	s24 =	sld [smem:$0x3FFE];
	[sflag:s23] =	ssyncadd.s32 $0xFFFFFFFF  }
0xa5: {  	s26 =	simm.s32 $execute0_lowered;
	[smem:$0x3FD2] =	sst s25  }
0xa6: {  	s4 =	sshll.u32 s26, $0x1;
	_ =	strace $0x80000049;
	[dreg:$0x1] =	wrdreg $0xFFFFFFFF  }
0xa7: {  	s28 =	simm.s32 $_size_execute0_lowered;
	s2 =	sadd.s32 s2, s4;
	[dreg:$0x0] =	wrdreg $0x0  }
0xa8: {  	s4 =	sshll.u32 s28, $0x1;
	[dreg:$0x2] =	wrdreg s2  }
0xa9: {  	[dreg:$0x3] =	wrdreg s4  }
0xaa: {  	[dreg:$0x4] =	wrdreg $0xC0  }
0xab: {  	_ =	task [dreg:s6], $0x5FFFF  }
0xac: {  	[dreg:$0x1] =	wrdreg $0xFFFFFFFF  }
0xad: {  	[dreg:$0x0] =	wrdreg $0x60  }
0xae: {  	[dreg:$0x2] =	wrdreg s24  }
0xaf: {  	[dreg:$0x3] =	wrdreg $0xA4000  }
0xb0: {  	[dreg:$0x4] =	wrdreg $0x9  }
0xb1: {  	_ =	task.clear_ibuf [dreg:s6], $0x5FFFF;
	_ =	strace $0x90000049  }
0xb2: {  	s29 =	simm.s32 $0x9;
	_ =	strace $0x8000004B  }
0xb3: {  	_ =	swait.ge [sflag:s29], $0x1  }
0xb4: {  	[sflag:s29] =	ssyncadd.s32 $0xFFFFFFFF  }
0xb5: {  	_ =	strace $0x9000004B  }
0xb6: {  	_ =	sfence  }
0xb7: {  	s30 =	sld [smem:$0x0];
	_ =	sdelay $0x2  }
0xb8: {  	s31 =	sshll.u32 s1, $0xD;
	s1 =	sshrl.u32 s1, $0x2  }
0xb9: {  	s3 =	sand.u32 $0x4000, s31;
	s1 =	sadd.s32 s1, s30  }
0xba: {  	s0 =	sor.u32 s3, s0;
	s1 =	sshll.u32 s1, $0x11  }
0xbb: {  	s0 =	sor.u32 s1, s0  }
0xbc: {  	s0 =	sadd.s32 $0x8F2B, s0  }
0xbd: {  	[sflag:s0] =	ssyncadd.remote.s32 $0x1  }
0xbe: {  	_ =	sfence.sel $0xFFFF  }
0xbf: {  	[dreg:$0x0] =	wrdreg $0xFFFFFFFF;
	(pc) =	sbr.abs _section_cstart, $3  }
0xc0: {  	[dreg:$0x1] =	wrdreg $0xFFFFFFFF  }
0xc1: {  	_ =	task.clear_ibuf [dreg:s6], $0x2FFFF;
	_ =	strace $0x9FFFFFFF  }
0xc2: {  	(tm) =	ssettm $0x7FFFFFFF  }
0xc3: {  	_ =	shalt  }
tec
execute0_lowered:
.L_overlay_start_1:
0x0: {  	(tag) =	ssettag $0x1  }
0x1: {  	s0 =	rddreg [dreg:$0x0]  }
0x2: {  	s1 =	rddreg [dreg:$0x1];
	s2 =	simm.s32 $0x0  }
0x3: {  	s3 =	srdreg.scid;
	s19 =	stileid.u32;
	s28 =	simm.s32 $0x280  }
0x4: {  	s29 =	simm.s32 $0x7C00;
	s30 =	simm.s32 $0x8;
	s31 =	simm.s32 $0x380  }
0x5: {  	s13 =	simm.s32 $0x2;
	s14 =	simm.s32 $0x5;
	s15 =	simm.s32 $0x80  }
0x6: {  	s16 =	simm.s32 $0x0;
	[smem:$0x7FF] =	sst s2;
	s4 =	sadd.s32 $0x41400, s0  }
0x7: {  	s3 =	sand.u32 $0x1, s3;
	s5 =	sadd.s32 $0x2C00, s0;
	s6 =	sadd.s32 $0x68600, s0  }
0x8: {  	s8 =	smul.u32 $0x13C00, s19;
	s9 =	sshll.u32 s19, $0x1;
	s10 =	sadd.s32 $0x54A600, s0  }
0x9: {  	s20 =	smul.u32 $0x4E200, s19;
	s2 =	sshll.u32 s19, $0x6;
	s19 =	simm.s32 $0x6  }
0xa: {  	_ =	strace $0x8000004A;
	s7 =	smul.u32 $0x13C000, s3;
	[dreg:$0x3] =	wrdreg s10  }
0xb: {  	s9 =	sor.u32 s3, s9;
	s3 =	ssub.s32 $0x2, s3;
	[dreg:$0x4] =	wrdreg s2  }
0xc: {  	s2 =	sor.u32 $0x1C09, s2;
	s11 =	sshrl.u32 s3, $0x1;
	s21 =	sshrl.u32 s20, $0x2  }
0xd: {  	[dreg:$0x7] =	wrdreg s2;
	s7 =	sadd.s32 s8, s7;
	s8 =	smul.u32 $0xFA00, s9  }
0xe: {  	s9 =	smul.u32 $0x138800, s9;
	s3 =	ssub.s32 s3, s11;
	s7 =	sshrl.u32 s7, $0x3  }
0xf: {  	s20 =	simm.s32 $0x100;
	s26 =	smax.u32 s3, $0x1;
	s0 =	sadd.s32 s7, s0  }
0x10: {  	s7 =	sadd.s32 s21, s1;
	s22 =	sshrl.u32 s8, $0x3;
	s23 =	sshrl.u32 s9, $0x3  }
0x11: {  	[dreg:$0xb] =	wrdreg s26;
	s26 =	simm.s32 $0x7;
	s10 =	sadd.s32 s5, s22  }
0x12: {  	s21 =	simm.s32 $0x180;
	s11 =	sadd.s32 s6, s23;
	[dreg:$0x5] =	wrdreg s10  }
.Ltmp0:
0x13: {  	s0 =	sadd.s32 $0x54CE00, s0;
	[dreg:$0x6] =	wrdreg s11;
	(pc) =	sbr.rel .LBB2_1-.Ltmp0, $4  }
0x14: {  	s22 =	simm.s32 $0x1;
	s24 =	sadd.s32 $0x20, s10;
	[dreg:$0xa] =	wrdreg s0  }
0x15: {  	s23 =	simm.s32 $0x28;
	s25 =	sadd.s32 $0x280, s11;
	[dreg:$0x8] =	wrdreg s24  }
0x16: {  	s10 =	sshrl.u32 s7, $0x3;
	s0 =	simm.s32 $0x9000;
	[dreg:$0x9] =	wrdreg s25  }
0x17: {  	s7 =	simm.s32 $0x6800;
	s24 =	simm.s32 $0x5400;
	[dreg:$0xc] =	wrdreg s10  }
.LBB2_19:
0x18: {  	[bflag:$0x0] =	sbarrier.arrive $0xFFFF  }
0x19: {  	s2 =	rddreg [dreg:$0x4]  }
0x1a: {  	s3 =	rddreg [dreg:$0xa]  }
0x1b: {  	s18 =	simm.s32 $0xD;
	s10 =	rddreg [dreg:$0xc];
	s2 =	sor.u32 $0x1C0D, s2  }
0x1c: {  	[hbm:s3], [sflag:s2] =	dma.local [spmem:s10], $0x2710  }
0x1d: {  	_ =	swait.ge [sflag:s18], $0x2710  }
0x1e: {  	s16 =	sadd.s32 $0x1, s16;
	s25 =	rddreg [dreg:$0xb]  }
0x1f: {  	p0 =	sne.s32 s16, s25  }
.Ltmp1:
0x20: {  	_ = 	snop;
	(pc) =	sbr.rel @!p0 .LBB2_20-.Ltmp1, $3  }
0x21: {  	_ =	sdelay $0x1  }
0x22: {  	[sflag:s18] =	ssyncset.done $0x0  }
0x23: {  	[sflag:s18] =	ssyncadd.s32 $0xFFFFD8F0  }
.LBB2_1:
0x24: {  	s2 =	rddreg [dreg:$0x3]  }
0x25: {  	s3 =	rddreg [dreg:$0x7]  }
0x26: {  	[spmem:s10], [sflag:s3] =	dma.local [hbm:s2], $0x2710  }
0x27: {  	s25 =	simm.s32 $0x0;
	s3 =	rddreg [dreg:$0x5]  }
0x28: {  	[tilespmem:s25], [sflag:$0x1] =	stream.linear.gather [hbm4b:s3+s25], $0x100, $0x38;
	[tilespmem:$0x1DC80] =	vst v63  }
0x29: {  	s11 =	simm.s32 $0x400;
	s10 =	rddreg [dreg:$0x6]  }
0x2a: {  	[tilespmem:s11], [sflag:$0x1] =	stream.linear.gather [hbm4b:s10+s25], $0x1400, $0x38;
	[tilespmem:$0x1DC80] =	vst v63  }
0x2b: {  	s12 =	rddreg [dreg:$0x8]  }
0x2c: {  	[tilespmem:s20], [sflag:$0x2] =	stream.linear.gather [hbm4b:s12+s25], $0x100, $0x38;
	[tilespmem:$0x1DC80] =	vst v63  }
0x2d: {  	s18 =	simm.s32 $0x1800;
	s17 =	rddreg [dreg:$0x9]  }
0x2e: {  	[tilespmem:s18], [sflag:$0x2] =	stream.linear.gather [hbm4b:s17+s25], $0x1400, $0x38;
	[tilespmem:$0x1DC80] =	vst v63  }
0x2f: {  	_ =	swait.ge [sflag:s22], $0x100  }
0x30: {  	[sflag:s22] =	ssyncset.done $0x0  }
0x31: {  	[sflag:s22] =	ssyncadd.s32 $0xFFFFFF00  }
0x32: {  	_ =	swait.ge [sflag:s22], $0x1400  }
0x33: {  	[sflag:s22] =	ssyncset.done $0x0  }
0x34: {  	[sflag:s22] =	ssyncadd.s32 $0xFFFFEC00  }
0x35: {  	[tilespmem:s24], [sflag:$0x5] =	stream.indirect.gather [hbm4b:s4+s23], $0x80, s25, s23, $0xb8;
	[tilespmem:$0x1DC80] =	vst v63  }
0x36: {  	s25 =	simm.s32 $0x9  }
.Ltmp2:
0x37: {  	_ =	swait.ge [sflag:s25], $0x2710;
	(pc) =	sbr.rel .LBB2_2-.Ltmp2, $4  }
0x38: {  	[sflag:s25] =	ssyncset.done $0x0  }
0x39: {  	[sflag:s25] =	ssyncadd.s32 $0xFFFFD8F0  }
0x3a: {  	[bflag:$0x0] =	sbarrier.arrive $0xFFFF  }
0x3b: {  	s17 =	simm.s32 $0x0  }
.LBB2_18:
0x3c: {  	s17 =	sadd.s32 $0x1, s17  }
0x3d: {  	p0 =	sne.s32 s17, $0x40  }
.Ltmp3:
0x3e: {  	_ = 	snop;
	(pc) =	sbr.rel @!p0 .LBB2_19-.Ltmp3, $1  }
0x3f: {  	_ =	sdelay $0x3  }
.LBB2_2:
0x40: {  	s10 =	sshll.u32 s17, $0x2  }
0x41: {  	s3 =	sadd.s32 $0xFFFFFFFC, s10  }
0x42: {  	s12 =	sor.u32 $0x2, s10;
	p0 =	sgt.u32 s3, $0xF9  }
0x43: {  	p1 =	sgt.u32 s12, $0xF9;
	s3 =	simm.s32 @!p0 $0xA  }
0x44: {  	s11 =	sshll.u32 @!p1 s12, $0x8;
	_ =	swait.ge @!p0 [sflag:s3], $0x1400  }
0x45: {  	s18 =	simm.s32 @!p1 $0x0;
	s11 =	sadd.s32 @!p1 s8, s11;
	[sflag:s3] =	ssyncset.done @!p0 $0x0  }
0x46: {  	s12 =	smul.u32 @!p1 $0x1400, s12;
	s11 =	sshrl.u32 @!p1 s11, $0x3;
	[sflag:s3] =	ssyncadd.s32 @!p0 $0xFFFFEC00  }
0x47: {  	s3 =	sadd.s32 @!p1 s5, s11;
	s11 =	simm.s32 @!p1 $0x200;
	p0 =	seq.s32 s17, $0x3F  }
0x48: {  	[tilespmem:s11], [sflag:$0x3] =	stream.linear.gather @!p1 [hbm4b:s3+s18], $0x100, $0x38;
	[tilespmem:$0x1DC80] =	vst v63  }
.Ltmp4:
0x49: {  	_ = 	snop;
	(pc) =	sbr.rel @p0 .LBB2_6-.Ltmp4, $4  }
0x4a: {  	s3 =	sadd.s32 @!p1 s9, s12  }
0x4b: {  	p2 =	por $0x0, $0x0;
	s3 =	sshrl.u32 @!p1 s3, $0x3  }
0x4c: {  	p3 =	por $0x0, $0x0;
	s12 =	simm.s32 @!p1 $0x2C00;
	s3 =	sadd.s32 @!p1 s6, s3  }
0x4d: {  	[tilespmem:s12], [sflag:$0x3] =	stream.linear.gather @!p1 [hbm4b:s3+s18], $0x1400, $0x38;
	[tilespmem:$0x1DC80] =	vst v63  }
0x4e: {  	_ =	swait.ge [sflag:s13], $0x100  }
0x4f: {  	[sflag:s13] =	ssyncset.done $0x0  }
0x50: {  	[sflag:s13] =	ssyncadd.s32 $0xFFFFFF00  }
0x51: {  	_ =	swait.ge [sflag:s13], $0x1400  }
0x52: {  	[sflag:s13] =	ssyncset.done $0x0  }
0x53: {  	[sflag:s13] =	ssyncadd.s32 $0xFFFFEC00  }
0x54: {  	[tilespmem:s7], [sflag:$0x6] =	stream.indirect.gather [hbm4b:s4+s23], $0x80, s20, s23, $0xb8;
	[tilespmem:$0x1DC80] =	vst v63  }
0x55: {  	_ =	swait.ge [sflag:s14], $0x1400  }
0x56: {  	[sflag:s14] =	ssyncset.done $0x0  }
0x57: {  	s3 =	simm.s32 $0x500;
	[sflag:s14] =	ssyncadd.s32 $0xFFFFEC00  }
0x58: {  	s12 =	simm.s32 $0x5500;
	v4 =	vld [tilespmem:s3+$0x80]  }
0x59: {  	v8 =	vld [tilespmem:s12+$0xF0]  }
0x5a: {  	v5 =	vld [tilespmem:s12+$0xFFFFFF00]  }
0x5b: {  	v6 =	vld [tilespmem:s12+$0xFFFFFF10]  }
0x5c: {  	v7 =	vld [tilespmem:s12+$0xFFFFFF20]  }
0x5d: {  	v2 =	vld [tilespmem:s12+$0xFFFFFF30]  }
0x5e: {  	v1 =	vld [tilespmem:s12+$0xFFFFFF40]  }
0x5f: {  	v0 =	vld [tilespmem:s12+$0xFFFFFF50]  }
0x60: {  	v9 =	vld [tilespmem:s3+$0xFFFFFF80]  }
0x61: {  	v3 =	vld [tilespmem:s12+$0xFFFFFF80]  }
0x62: {  	v10 =	vld [tilespmem:s12+$0xFFFFFF90]  }
0x63: {  	v11 =	vld [tilespmem:s12+$0xFFFFFFA0]  }
0x64: {  	v12 =	vld [tilespmem:s12+$0xFFFFFFB0]  }
0x65: {  	v13 =	vld [tilespmem:s12+$0xFFFFFFC0]  }
0x66: {  	v15 =	vld [tilespmem:s12+$0xFFFFFFD0]  }
0x67: {  	v16 =	vld [tilespmem:s12+$0xFFFFFFE0]  }
0x68: {  	v17 =	vld [tilespmem:s3+$0x0];
	v14 =	vmul.f32 v3, v9  }
0x69: {  	v18 =	vld [tilespmem:s12+$0xA0];
	v8 =	vmul.f32 v8, v4  }
0x6a: {  	v3 =	vld [tilespmem:s12+$0xFFFFFF60];
	v10 =	vmul.f32 v10, v9;
	[tilespmem:s12+$0xFFFFFF80] =	vst v14  }
0x6b: {  	[tilespmem:s12+$0xF0] =	vst v8;
	v8 =	vmul.f32 v11, v9;
	v11 =	vld [tilespmem:s12+$0x0]  }
0x6c: {  	v14 =	vld [tilespmem:s12+$0xFFFFFFF0];
	[tilespmem:s12+$0xFFFFFF90] =	vst v10;
	v10 =	vmul.f32 v12, v9  }
0x6d: {  	v12 =	vld [tilespmem:s12+$0x10];
	[tilespmem:s12+$0xFFFFFFA0] =	vst v8;
	v8 =	vmul.f32 v13, v9  }
0x6e: {  	v13 =	vld [tilespmem:s12+$0x20];
	[tilespmem:s12+$0xFFFFFFB0] =	vst v10;
	v10 =	vmul.f32 v15, v9  }
0x6f: {  	v15 =	vld [tilespmem:s12+$0x30];
	[tilespmem:s12+$0xFFFFFFC0] =	vst v8;
	v8 =	vmul.f32 v16, v9  }
0x70: {  	v16 =	vld [tilespmem:s12+$0x40];
	[tilespmem:s12+$0xFFFFFFD0] =	vst v10;
	v10 =	vmul.f32 v11, v17  }
0x71: {  	v11 =	vld [tilespmem:s12+$0x50];
	v9 =	vmul.f32 v14, v9;
	[tilespmem:s12+$0xFFFFFFE0] =	vst v8  }
0x72: {  	v14 =	vld [tilespmem:s12+$0x60];
	[tilespmem:s12+$0x0] =	vst v10;
	v10 =	vmul.f32 v12, v17  }
0x73: {  	[tilespmem:s12+$0xFFFFFFF0] =	vst v9;
	v9 =	vmul.f32 v13, v17;
	v12 =	vld [tilespmem:s12+$0x70]  }
0x74: {  	[tilespmem:s12+$0x10] =	vst v10;
	v10 =	vmul.f32 v15, v17;
	v15 =	vld [tilespmem:s12+$0x80]  }
0x75: {  	[tilespmem:s12+$0x20] =	vst v9;
	v9 =	vmul.f32 v16, v17;
	v16 =	vld [tilespmem:s12+$0x90]  }
0x76: {  	v8 =	vld [tilespmem:s12+$0xFFFFFF70];
	[tilespmem:s12+$0x30] =	vst v10;
	v10 =	vmul.f32 v11, v17  }
0x77: {  	v13 =	vld [tilespmem:s12+$0xB0];
	[tilespmem:s12+$0x40] =	vst v9;
	v9 =	vmul.f32 v14, v17  }
0x78: {  	v12 =	vmul.f32 v12, v17;
	[tilespmem:s12+$0x50] =	vst v10;
	v10 =	vld [tilespmem:s12+$0xC0]  }
0x79: {  	v11 =	vld [tilespmem:s12+$0xD0];
	[tilespmem:s12+$0x60] =	vst v9;
	v15 =	vmul.f32 v15, v4  }
0x7a: {  	[tilespmem:s12+$0x70] =	vst v12;
	v12 =	vld [tilespmem:s12+$0xE0];
	v14 =	vmul.f32 v16, v4  }
0x7b: {  	s25 =	simm.s32 $0x0;
	s18 =	simm.s32 $0x5500;
	v9 =	vld [tilespmem:s3+$0xFFFFFF00];
	s3 =	simm.s32 $0x700;
	[tilespmem:s12+$0x80] =	vst v15;
	v15 =	vmul.f32 v18, v4  }
.LBB2_4:
0x7c: {  	v16 =	vld [tilespmem:s3+$0x80];
	[tilespmem:s12+$0x90] =	vst v14;
	v13 =	vmul.f32 v13, v4;
	s18 =	sadd.s32 $0x200, s18  }
0x7d: {  	s25 =	sadd.s32 $0x4, s25;
	v14 =	vld [tilespmem:s18+$0xF0];
	[tilespmem:s12+$0xA0] =	vst v15;
	v10 =	vmul.f32 v10, v4  }
0x7e: {  	p2 =	slt.u32 s25, $0x24;
	v15 =	vld [tilespmem:s18+$0xFFFFFF00];
	[tilespmem:s12+$0xB0] =	vst v13;
	v11 =	vmul.f32 v11, v4  }
0x7f: {  	v13 =	vld [tilespmem:s18+$0xFFFFFF10];
	[tilespmem:s12+$0xC0] =	vst v10;
	v12 =	vmul.f32 v12, v4  }
0x80: {  	v10 =	vld [tilespmem:s18+$0xFFFFFF20];
	v18 =	vmul.f32 v5, v9;
	v6 =	vmul.f32 v6, v9;
	[tilespmem:s12+$0xD0] =	vst v11  }
0x81: {  	v7 =	vmul.f32 v7, v9;
	v11 =	vmul.f32 v2, v9;
	v2 =	vld [tilespmem:s18+$0xFFFFFF30];
	[tilespmem:s12+$0xE0] =	vst v12;
	v4 =	vmov v16  }
0x82: {  	v12 =	vmul.f32 v14, v4;
	[tilespmem:s12+$0xFFFFFF00] =	vst v18;
	v14 =	vmul.f32 v1, v9;
	v1 =	vld [tilespmem:s18+$0xFFFFFF40]  }
0x83: {  	v17 =	vmul.f32 v3, v9;
	v16 =	vmul.f32 v0, v9;
	[tilespmem:s12+$0xFFFFFF10] =	vst v6;
	v0 =	vld [tilespmem:s18+$0xFFFFFF50];
	v5 =	vmov v15  }
0x84: {  	v9 =	vmul.f32 v8, v9;
	v3 =	vld [tilespmem:s18+$0xFFFFFF60];
	[tilespmem:s18+$0xF0] =	vst v12;
	v6 =	vmov v13  }
0x85: {  	v8 =	vld [tilespmem:s18+$0xFFFFFF70];
	[tilespmem:s12+$0xFFFFFF20] =	vst v7;
	v7 =	vmov v10  }
0x86: {  	v10 =	vld [tilespmem:s3+$0xFFFFFF80];
	[tilespmem:s12+$0xFFFFFF30] =	vst v11  }
0x87: {  	v11 =	vld [tilespmem:s18+$0xFFFFFF80];
	[tilespmem:s12+$0xFFFFFF40] =	vst v14  }
0x88: {  	v12 =	vld [tilespmem:s18+$0xFFFFFF90];
	[tilespmem:s12+$0xFFFFFF50] =	vst v16  }
0x89: {  	v13 =	vld [tilespmem:s18+$0xFFFFFFA0];
	[tilespmem:s12+$0xFFFFFF60] =	vst v17  }
0x8a: {  	v14 =	vld [tilespmem:s18+$0xFFFFFFB0];
	[tilespmem:s12+$0xFFFFFF70] =	vst v9;
	s12 =	smov.u32 s18  }
0x8b: {  	v9 =	vld [tilespmem:s18+$0xFFFFFFC0]  }
0x8c: {  	v11 =	vmul.f32 v11, v10;
	v15 =	vld [tilespmem:s18+$0xFFFFFFD0]  }
0x8d: {  	v12 =	vmul.f32 v12, v10;
	v16 =	vld [tilespmem:s18+$0xFFFFFFE0]  }
0x8e: {  	[tilespmem:s18+$0xFFFFFF80] =	vst v11;
	v11 =	vmul.f32 v13, v10;
	v13 =	vld [tilespmem:s18+$0xFFFFFFF0]  }
0x8f: {  	[tilespmem:s18+$0xFFFFFF90] =	vst v12;
	v12 =	vmul.f32 v14, v10;
	v14 =	vld [tilespmem:s3+$0x0]  }
0x90: {  	[tilespmem:s18+$0xFFFFFFA0] =	vst v11;
	v9 =	vmul.f32 v9, v10;
	v11 =	vld [tilespmem:s18+$0x0]  }
0x91: {  	[tilespmem:s18+$0xFFFFFFB0] =	vst v12;
	v12 =	vmul.f32 v15, v10;
	v15 =	vld [tilespmem:s18+$0x10]  }
0x92: {  	[tilespmem:s18+$0xFFFFFFC0] =	vst v9;
	v9 =	vmul.f32 v16, v10;
	v16 =	vld [tilespmem:s18+$0x20]  }
0x93: {  	[tilespmem:s18+$0xFFFFFFD0] =	vst v12;
	v10 =	vmul.f32 v13, v10;
	v12 =	vld [tilespmem:s18+$0x30]  }
0x94: {  	[tilespmem:s18+$0xFFFFFFE0] =	vst v9;
	v9 =	vld [tilespmem:s18+$0x40]  }
0x95: {  	[tilespmem:s18+$0xFFFFFFF0] =	vst v10;
	v10 =	vmul.f32 v11, v14;
	v11 =	vld [tilespmem:s18+$0x50]  }
0x96: {  	v13 =	vmul.f32 v15, v14;
	v15 =	vld [tilespmem:s18+$0x60]  }
0x97: {  	[tilespmem:s18+$0x0] =	vst v10;
	v10 =	vmul.f32 v16, v14;
	v16 =	vld [tilespmem:s18+$0x70]  }
0x98: {  	[tilespmem:s18+$0x10] =	vst v13;
	v12 =	vmul.f32 v12, v14;
	v17 =	vld [tilespmem:s18+$0x80]  }
0x99: {  	[tilespmem:s18+$0x20] =	vst v10;
	v9 =	vmul.f32 v9, v14;
	v18 =	vld [tilespmem:s18+$0x90]  }
0x9a: {  	[tilespmem:s18+$0x30] =	vst v12;
	v10 =	vmul.f32 v11, v14;
	v19 =	vld [tilespmem:s18+$0xA0]  }
.Ltmp5:
0x9b: {  	[tilespmem:s18+$0x40] =	vst v9;
	v9 =	vmul.f32 v15, v14;
	v13 =	vld [tilespmem:s18+$0xB0];
	(pc) =	sbr.rel @p2 .LBB2_4-.Ltmp5, $4  }
0x9c: {  	[tilespmem:s18+$0x50] =	vst v10;
	v12 =	vmul.f32 v16, v14;
	v10 =	vld [tilespmem:s18+$0xC0]  }
0x9d: {  	[tilespmem:s18+$0x60] =	vst v9;
	v15 =	vmul.f32 v17, v4;
	v11 =	vld [tilespmem:s18+$0xD0]  }
0x9e: {  	[tilespmem:s18+$0x70] =	vst v12;
	v14 =	vmul.f32 v18, v4;
	v12 =	vld [tilespmem:s18+$0xE0]  }
0x9f: {  	v9 =	vld [tilespmem:s3+$0xFFFFFF00];
	[tilespmem:s18+$0x80] =	vst v15;
	v15 =	vmul.f32 v19, v4;
	s3 =	sadd.s32 $0x200, s3  }
0xa0: {  	[tilespmem:s12+$0x90] =	vst v14;
	v13 =	vmul.f32 v13, v4  }
0xa1: {  	[tilespmem:s12+$0xA0] =	vst v15;
	v10 =	vmul.f32 v10, v4  }
0xa2: {  	[tilespmem:s12+$0xB0] =	vst v13;
	v11 =	vmul.f32 v11, v4  }
0xa3: {  	[tilespmem:s12+$0xC0] =	vst v10;
	v60 =	vmul.f32 v12, v4  }
0xa4: {  	v5 =	vmul.f32 v5, v9;
	[tilespmem:s12+$0xD0] =	vst v11  }
0xa5: {  	v6 =	vmul.f32 v6, v9;
	[tilespmem:s12+$0xE0] =	vst v60  }
0xa6: {  	v61 =	vmul.f32 v7, v9;
	[tilespmem:s12+$0xFFFFFF00] =	vst v5  }
0xa7: {  	v2 =	vmul.f32 v2, v9;
	[tilespmem:s12+$0xFFFFFF10] =	vst v6  }
0xa8: {  	v1 =	vmul.f32 v1, v9;
	[tilespmem:s12+$0xFFFFFF20] =	vst v61  }
0xa9: {  	v0 =	vmul.f32 v0, v9;
	[tilespmem:s12+$0xFFFFFF30] =	vst v2  }
0xaa: {  	v62 =	vmul.f32 v3, v9;
	[tilespmem:s12+$0xFFFFFF40] =	vst v1  }
0xab: {  	v63 =	vmul.f32 v8, v9;
	[tilespmem:s12+$0xFFFFFF50] =	vst v0  }
0xac: {  	[tilespmem:s12+$0xFFFFFF60] =	vst v62  }
0xad: {  	s3 =	sadd.s32 $0xFFFFFFFE, s10;
	[tilespmem:s12+$0xFFFFFF70] =	vst v63;
	s12 =	sor.u32 $0x3, s10  }
0xae: {  	[spmem:s1] =	stream.indirect.scatter.add.f32 [tilespmem:s24], [sflag:$0x9], $0x80, s15, s23, $0xb8;
	[tilespmem:$0x1DC80] =	vst v63  }
0xaf: {  	p2 =	sgt.u32 s3, $0xF9;
	p4 =	sgt.u32 s12, $0xF9  }
0xb0: {  	s18 =	simm.s32 @!p2 $0xB;
	s25 =	sshll.u32 @!p4 s12, $0x8  }
0xb1: {  	_ =	swait.ge @!p2 [sflag:s18], $0x1400;
	s2 =	simm.s32 @!p4 $0x300;
	s25 =	sadd.s32 @!p4 s8, s25  }
0xb2: {  	s12 =	smul.u32 @!p4 $0x1400, s12;
	[sflag:s18] =	ssyncset.done @!p2 $0x0;
	s25 =	sshrl.u32 @!p4 s25, $0x3  }
0xb3: {  	[sflag:s18] =	ssyncadd.s32 @!p2 $0xFFFFEC00;
	s18 =	sadd.s32 @!p4 s5, s25;
	s25 =	simm.s32 @!p4 $0x0  }
0xb4: {  	[tilespmem:s2], [sflag:$0x4] =	stream.linear.gather @!p4 [hbm4b:s18+s25], $0x100, $0x38;
	[tilespmem:$0x1DC80] =	vst v63  }
0xb5: {  	p3 =	slt.u32 s3, $0xFA;
	s2 =	sadd.s32 @!p4 s9, s12  }
0xb6: {  	p5 =	por @!p4 $0x1, $0x1;
	p2 =	por $0x0, $0x0;
	s2 =	sshrl.u32 @!p4 s2, $0x3  }
0xb7: {  	p2 =	por @!p4 p5, p5;
	s12 =	simm.s32 @!p4 $0x4000;
	s2 =	sadd.s32 @!p4 s6, s2  }
0xb8: {  	[tilespmem:s12], [sflag:$0x4] =	stream.linear.gather @!p4 [hbm4b:s2+s25], $0x1400, $0x38;
	[tilespmem:$0x1DC80] =	vst v63  }
.LBB2_6:
0xb9: {  	s2 =	simm.s32 @!p1 $0x3  }
0xba: {  	_ =	swait.ge @!p1 [sflag:s2], $0x100  }
0xbb: {  	[sflag:s2] =	ssyncset.done @!p1 $0x0  }
.Ltmp6:
0xbc: {  	[sflag:s2] =	ssyncadd.s32 @!p1 $0xFFFFFF00;
	(pc) =	sbr.rel @p0 .LBB2_10-.Ltmp6, $4  }
0xbd: {  	_ =	swait.ge @!p1 [sflag:s2], $0x1400  }
0xbe: {  	[sflag:s2] =	ssyncset.done @!p1 $0x0  }
0xbf: {  	s3 =	simm.s32 @!p1 $0x7C00;
	[sflag:s2] =	ssyncadd.s32 @!p1 $0xFFFFEC00;
	s2 =	simm.s32 @!p1 $0x28  }
0xc0: {  	[tilespmem:s3], [sflag:$0x7] =	stream.indirect.gather @!p1 [hbm4b:s4+s2], $0x80, s11, s2, $0xb8;
	[tilespmem:$0x1DC80] =	vst v63  }
0xc1: {  	_ =	swait.ge [sflag:s19], $0x1400  }
0xc2: {  	[sflag:s19] =	ssyncset.done $0x0  }
0xc3: {  	s3 =	simm.s32 $0x1900;
	[sflag:s19] =	ssyncadd.s32 $0xFFFFEC00  }
0xc4: {  	s11 =	simm.s32 $0x6900;
	v4 =	vld [tilespmem:s3+$0x80]  }
0xc5: {  	v8 =	vld [tilespmem:s11+$0xF0]  }
0xc6: {  	v5 =	vld [tilespmem:s11+$0xFFFFFF00]  }
0xc7: {  	v6 =	vld [tilespmem:s11+$0xFFFFFF10]  }
0xc8: {  	v7 =	vld [tilespmem:s11+$0xFFFFFF20]  }
0xc9: {  	v2 =	vld [tilespmem:s11+$0xFFFFFF30]  }
0xca: {  	v1 =	vld [tilespmem:s11+$0xFFFFFF40]  }
0xcb: {  	v0 =	vld [tilespmem:s11+$0xFFFFFF50]  }
0xcc: {  	v9 =	vld [tilespmem:s3+$0xFFFFFF80]  }
0xcd: {  	v3 =	vld [tilespmem:s11+$0xFFFFFF80]  }
0xce: {  	v10 =	vld [tilespmem:s11+$0xFFFFFF90]  }
0xcf: {  	v11 =	vld [tilespmem:s11+$0xFFFFFFA0]  }
0xd0: {  	v12 =	vld [tilespmem:s11+$0xFFFFFFB0]  }
0xd1: {  	v13 =	vld [tilespmem:s11+$0xFFFFFFC0]  }
0xd2: {  	v15 =	vld [tilespmem:s11+$0xFFFFFFD0]  }
0xd3: {  	v16 =	vld [tilespmem:s11+$0xFFFFFFE0]  }
0xd4: {  	v17 =	vld [tilespmem:s3+$0x0];
	v14 =	vmul.f32 v3, v9  }
0xd5: {  	v18 =	vld [tilespmem:s11+$0xA0];
	v8 =	vmul.f32 v8, v4  }
0xd6: {  	v3 =	vld [tilespmem:s11+$0xFFFFFF60];
	v10 =	vmul.f32 v10, v9;
	[tilespmem:s11+$0xFFFFFF80] =	vst v14  }
0xd7: {  	[tilespmem:s11+$0xF0] =	vst v8;
	v8 =	vmul.f32 v11, v9;
	v11 =	vld [tilespmem:s11+$0x0]  }
0xd8: {  	v14 =	vld [tilespmem:s11+$0xFFFFFFF0];
	[tilespmem:s11+$0xFFFFFF90] =	vst v10;
	v10 =	vmul.f32 v12, v9  }
0xd9: {  	v12 =	vld [tilespmem:s11+$0x10];
	[tilespmem:s11+$0xFFFFFFA0] =	vst v8;
	v8 =	vmul.f32 v13, v9  }
0xda: {  	v13 =	vld [tilespmem:s11+$0x20];
	[tilespmem:s11+$0xFFFFFFB0] =	vst v10;
	v10 =	vmul.f32 v15, v9  }
0xdb: {  	v15 =	vld [tilespmem:s11+$0x30];
	[tilespmem:s11+$0xFFFFFFC0] =	vst v8;
	v8 =	vmul.f32 v16, v9  }
0xdc: {  	v16 =	vld [tilespmem:s11+$0x40];
	[tilespmem:s11+$0xFFFFFFD0] =	vst v10;
	v10 =	vmul.f32 v11, v17  }
0xdd: {  	v11 =	vld [tilespmem:s11+$0x50];
	v9 =	vmul.f32 v14, v9;
	[tilespmem:s11+$0xFFFFFFE0] =	vst v8  }
0xde: {  	v14 =	vld [tilespmem:s11+$0x60];
	[tilespmem:s11+$0x0] =	vst v10;
	v10 =	vmul.f32 v12, v17  }
0xdf: {  	[tilespmem:s11+$0xFFFFFFF0] =	vst v9;
	v9 =	vmul.f32 v13, v17;
	v12 =	vld [tilespmem:s11+$0x70]  }
0xe0: {  	[tilespmem:s11+$0x10] =	vst v10;
	v10 =	vmul.f32 v15, v17;
	v15 =	vld [tilespmem:s11+$0x80]  }
0xe1: {  	[tilespmem:s11+$0x20] =	vst v9;
	v9 =	vmul.f32 v16, v17;
	v16 =	vld [tilespmem:s11+$0x90]  }
0xe2: {  	v8 =	vld [tilespmem:s11+$0xFFFFFF70];
	[tilespmem:s11+$0x30] =	vst v10;
	v10 =	vmul.f32 v11, v17  }
0xe3: {  	v13 =	vld [tilespmem:s11+$0xB0];
	[tilespmem:s11+$0x40] =	vst v9;
	v9 =	vmul.f32 v14, v17  }
0xe4: {  	v12 =	vmul.f32 v12, v17;
	[tilespmem:s11+$0x50] =	vst v10;
	v10 =	vld [tilespmem:s11+$0xC0]  }
0xe5: {  	v11 =	vld [tilespmem:s11+$0xD0];
	[tilespmem:s11+$0x60] =	vst v9;
	v15 =	vmul.f32 v15, v4  }
0xe6: {  	[tilespmem:s11+$0x70] =	vst v12;
	v12 =	vld [tilespmem:s11+$0xE0];
	v14 =	vmul.f32 v16, v4  }
0xe7: {  	s12 =	simm.s32 $0x0;
	s18 =	simm.s32 $0x6900;
	v9 =	vld [tilespmem:s3+$0xFFFFFF00];
	s3 =	simm.s32 $0x1B00;
	[tilespmem:s11+$0x80] =	vst v15;
	v15 =	vmul.f32 v18, v4  }
.LBB2_8:
0xe8: {  	v16 =	vld [tilespmem:s3+$0x80];
	[tilespmem:s11+$0x90] =	vst v14;
	v13 =	vmul.f32 v13, v4;
	s18 =	sadd.s32 $0x200, s18  }
0xe9: {  	s12 =	sadd.s32 $0x4, s12;
	v14 =	vld [tilespmem:s18+$0xF0];
	[tilespmem:s11+$0xA0] =	vst v15;
	v10 =	vmul.f32 v10, v4  }
0xea: {  	p4 =	slt.u32 s12, $0x24;
	v15 =	vld [tilespmem:s18+$0xFFFFFF00];
	[tilespmem:s11+$0xB0] =	vst v13;
	v11 =	vmul.f32 v11, v4  }
0xeb: {  	v13 =	vld [tilespmem:s18+$0xFFFFFF10];
	[tilespmem:s11+$0xC0] =	vst v10;
	v12 =	vmul.f32 v12, v4  }
0xec: {  	v10 =	vld [tilespmem:s18+$0xFFFFFF20];
	v18 =	vmul.f32 v5, v9;
	v6 =	vmul.f32 v6, v9;
	[tilespmem:s11+$0xD0] =	vst v11  }
0xed: {  	v7 =	vmul.f32 v7, v9;
	v11 =	vmul.f32 v2, v9;
	v2 =	vld [tilespmem:s18+$0xFFFFFF30];
	[tilespmem:s11+$0xE0] =	vst v12;
	v4 =	vmov v16  }
0xee: {  	v12 =	vmul.f32 v14, v4;
	[tilespmem:s11+$0xFFFFFF00] =	vst v18;
	v14 =	vmul.f32 v1, v9;
	v1 =	vld [tilespmem:s18+$0xFFFFFF40]  }
0xef: {  	v17 =	vmul.f32 v3, v9;
	v16 =	vmul.f32 v0, v9;
	[tilespmem:s11+$0xFFFFFF10] =	vst v6;
	v0 =	vld [tilespmem:s18+$0xFFFFFF50];
	v5 =	vmov v15  }
0xf0: {  	v9 =	vmul.f32 v8, v9;
	v3 =	vld [tilespmem:s18+$0xFFFFFF60];
	[tilespmem:s18+$0xF0] =	vst v12;
	v6 =	vmov v13  }
0xf1: {  	v8 =	vld [tilespmem:s18+$0xFFFFFF70];
	[tilespmem:s11+$0xFFFFFF20] =	vst v7;
	v7 =	vmov v10  }
0xf2: {  	v10 =	vld [tilespmem:s3+$0xFFFFFF80];
	[tilespmem:s11+$0xFFFFFF30] =	vst v11  }
0xf3: {  	v11 =	vld [tilespmem:s18+$0xFFFFFF80];
	[tilespmem:s11+$0xFFFFFF40] =	vst v14  }
0xf4: {  	v12 =	vld [tilespmem:s18+$0xFFFFFF90];
	[tilespmem:s11+$0xFFFFFF50] =	vst v16  }
0xf5: {  	v13 =	vld [tilespmem:s18+$0xFFFFFFA0];
	[tilespmem:s11+$0xFFFFFF60] =	vst v17  }
0xf6: {  	v14 =	vld [tilespmem:s18+$0xFFFFFFB0];
	[tilespmem:s11+$0xFFFFFF70] =	vst v9;
	s11 =	smov.u32 s18  }
0xf7: {  	v9 =	vld [tilespmem:s18+$0xFFFFFFC0]  }
0xf8: {  	v11 =	vmul.f32 v11, v10;
	v15 =	vld [tilespmem:s18+$0xFFFFFFD0]  }
0xf9: {  	v12 =	vmul.f32 v12, v10;
	v16 =	vld [tilespmem:s18+$0xFFFFFFE0]  }
0xfa: {  	[tilespmem:s18+$0xFFFFFF80] =	vst v11;
	v11 =	vmul.f32 v13, v10;
	v13 =	vld [tilespmem:s18+$0xFFFFFFF0]  }
0xfb: {  	[tilespmem:s18+$0xFFFFFF90] =	vst v12;
	v12 =	vmul.f32 v14, v10;
	v14 =	vld [tilespmem:s3+$0x0]  }
0xfc: {  	[tilespmem:s18+$0xFFFFFFA0] =	vst v11;
	v9 =	vmul.f32 v9, v10;
	v11 =	vld [tilespmem:s18+$0x0]  }
0xfd: {  	[tilespmem:s18+$0xFFFFFFB0] =	vst v12;
	v12 =	vmul.f32 v15, v10;
	v15 =	vld [tilespmem:s18+$0x10]  }
0xfe: {  	[tilespmem:s18+$0xFFFFFFC0] =	vst v9;
	v9 =	vmul.f32 v16, v10;
	v16 =	vld [tilespmem:s18+$0x20]  }
0xff: {  	[tilespmem:s18+$0xFFFFFFD0] =	vst v12;
	v10 =	vmul.f32 v13, v10;
	v12 =	vld [tilespmem:s18+$0x30]  }
0x100: {  	[tilespmem:s18+$0xFFFFFFE0] =	vst v9;
	v9 =	vld [tilespmem:s18+$0x40]  }
0x101: {  	[tilespmem:s18+$0xFFFFFFF0] =	vst v10;
	v10 =	vmul.f32 v11, v14;
	v11 =	vld [tilespmem:s18+$0x50]  }
0x102: {  	v13 =	vmul.f32 v15, v14;
	v15 =	vld [tilespmem:s18+$0x60]  }
0x103: {  	[tilespmem:s18+$0x0] =	vst v10;
	v10 =	vmul.f32 v16, v14;
	v16 =	vld [tilespmem:s18+$0x70]  }
0x104: {  	[tilespmem:s18+$0x10] =	vst v13;
	v12 =	vmul.f32 v12, v14;
	v17 =	vld [tilespmem:s18+$0x80]  }
0x105: {  	[tilespmem:s18+$0x20] =	vst v10;
	v9 =	vmul.f32 v9, v14;
	v18 =	vld [tilespmem:s18+$0x90]  }
0x106: {  	[tilespmem:s18+$0x30] =	vst v12;
	v10 =	vmul.f32 v11, v14;
	v19 =	vld [tilespmem:s18+$0xA0]  }
.Ltmp7:
0x107: {  	[tilespmem:s18+$0x40] =	vst v9;
	v9 =	vmul.f32 v15, v14;
	v13 =	vld [tilespmem:s18+$0xB0];
	(pc) =	sbr.rel @p4 .LBB2_8-.Ltmp7, $4  }
0x108: {  	[tilespmem:s18+$0x50] =	vst v10;
	v12 =	vmul.f32 v16, v14;
	v10 =	vld [tilespmem:s18+$0xC0]  }
0x109: {  	[tilespmem:s18+$0x60] =	vst v9;
	v15 =	vmul.f32 v17, v4;
	v11 =	vld [tilespmem:s18+$0xD0]  }
0x10a: {  	[tilespmem:s18+$0x70] =	vst v12;
	v14 =	vmul.f32 v18, v4;
	v12 =	vld [tilespmem:s18+$0xE0]  }
0x10b: {  	v9 =	vld [tilespmem:s3+$0xFFFFFF00];
	[tilespmem:s18+$0x80] =	vst v15;
	v15 =	vmul.f32 v19, v4;
	s3 =	sadd.s32 $0x200, s3  }
0x10c: {  	[tilespmem:s11+$0x90] =	vst v14;
	v13 =	vmul.f32 v13, v4  }
0x10d: {  	[tilespmem:s11+$0xA0] =	vst v15;
	v10 =	vmul.f32 v10, v4  }
0x10e: {  	[tilespmem:s11+$0xB0] =	vst v13;
	v11 =	vmul.f32 v11, v4  }
0x10f: {  	[tilespmem:s11+$0xC0] =	vst v10;
	v60 =	vmul.f32 v12, v4  }
0x110: {  	v5 =	vmul.f32 v5, v9;
	[tilespmem:s11+$0xD0] =	vst v11  }
0x111: {  	v6 =	vmul.f32 v6, v9;
	[tilespmem:s11+$0xE0] =	vst v60  }
0x112: {  	v61 =	vmul.f32 v7, v9;
	[tilespmem:s11+$0xFFFFFF00] =	vst v5  }
0x113: {  	v2 =	vmul.f32 v2, v9;
	[tilespmem:s11+$0xFFFFFF10] =	vst v6  }
0x114: {  	v1 =	vmul.f32 v1, v9;
	[tilespmem:s11+$0xFFFFFF20] =	vst v61  }
0x115: {  	v0 =	vmul.f32 v0, v9;
	[tilespmem:s11+$0xFFFFFF30] =	vst v2  }
0x116: {  	v62 =	vmul.f32 v3, v9;
	[tilespmem:s11+$0xFFFFFF40] =	vst v1  }
0x117: {  	v63 =	vmul.f32 v8, v9;
	[tilespmem:s11+$0xFFFFFF50] =	vst v0  }
0x118: {  	[tilespmem:s11+$0xFFFFFF60] =	vst v62  }
0x119: {  	[tilespmem:s11+$0xFFFFFF70] =	vst v63  }
0x11a: {  	[spmem:s1] =	stream.indirect.scatter.add.f32 [tilespmem:s7], [sflag:$0xA], $0x80, s21, s23, $0xb8;
	[tilespmem:$0x1DC80] =	vst v63  }
.LBB2_10:
0x11b: {  	p4 =	sgt.u32 s17, $0x3D  }
0x11c: {  	s2 =	simm.s32 @p3 $0xC;
	s3 =	sadd.s32 @!p4 $0x4, s10  }
0x11d: {  	_ =	swait.ge @p3 [sflag:s2], $0x1400;
	s11 =	sshll.u32 @!p4 s3, $0x8  }
0x11e: {  	[sflag:s2] =	ssyncset.done @p3 $0x0;
	s11 =	sadd.s32 @!p4 s8, s11  }
0x11f: {  	[sflag:s2] =	ssyncadd.s32 @p3 $0xFFFFEC00;
	s2 =	sshrl.u32 @!p4 s11, $0x3  }
0x120: {  	s3 =	smul.u32 @!p4 $0x1400, s3;
	s11 =	simm.s32 @!p4 $0x0;
	s2 =	sadd.s32 @!p4 s5, s2  }
0x121: {  	[tilespmem:s11], [sflag:$0x1] =	stream.linear.gather @!p4 [hbm4b:s2+s11], $0x100, $0x38;
	[tilespmem:$0x1DC80] =	vst v63  }
0x122: {  	s2 =	sadd.s32 @!p4 s9, s3  }
0x123: {  	s2 =	sshrl.u32 @!p4 s2, $0x3  }
0x124: {  	s3 =	simm.s32 @!p4 $0x400;
	s2 =	sadd.s32 @!p4 s6, s2  }
0x125: {  	[tilespmem:s3], [sflag:$0x1] =	stream.linear.gather @!p4 [hbm4b:s2+s11], $0x1400, $0x38;
	[tilespmem:$0x1DC80] =	vst v63  }
0x126: {  	s2 =	simm.s32 @p2 $0x4  }
0x127: {  	_ =	swait.ge @p2 [sflag:s2], $0x100  }
0x128: {  	[sflag:s2] =	ssyncset.done @p2 $0x0  }
.Ltmp8:
0x129: {  	[sflag:s2] =	ssyncadd.s32 @p2 $0xFFFFFF00;
	(pc) =	sbr.rel @p1 .LBB2_14-.Ltmp8, $4  }
0x12a: {  	_ =	swait.ge @p2 [sflag:s2], $0x1400  }
0x12b: {  	s3 =	simm.s32 @p2 $0x300;
	[sflag:s2] =	ssyncset.done @p2 $0x0  }
0x12c: {  	s11 =	simm.s32 @p2 $0x9000;
	[sflag:s2] =	ssyncadd.s32 @p2 $0xFFFFEC00;
	s2 =	simm.s32 @p2 $0x28  }
0x12d: {  	[tilespmem:s11], [sflag:$0x8] =	stream.indirect.gather @p2 [hbm4b:s4+s2], $0x80, s3, s2, $0xb8;
	[tilespmem:$0x1DC80] =	vst v63  }
0x12e: {  	_ =	swait.ge [sflag:s26], $0x1400  }
0x12f: {  	[sflag:s26] =	ssyncset.done $0x0  }
0x130: {  	s3 =	simm.s32 $0x2D00;
	[sflag:s26] =	ssyncadd.s32 $0xFFFFEC00  }
0x131: {  	s11 =	simm.s32 $0x7D00;
	v4 =	vld [tilespmem:s3+$0x80]  }
0x132: {  	v8 =	vld [tilespmem:s11+$0xF0]  }
0x133: {  	v5 =	vld [tilespmem:s11+$0xFFFFFF00]  }
0x134: {  	v6 =	vld [tilespmem:s11+$0xFFFFFF10]  }
0x135: {  	v7 =	vld [tilespmem:s11+$0xFFFFFF20]  }
0x136: {  	v2 =	vld [tilespmem:s11+$0xFFFFFF30]  }
0x137: {  	v1 =	vld [tilespmem:s11+$0xFFFFFF40]  }
0x138: {  	v0 =	vld [tilespmem:s11+$0xFFFFFF50]  }
0x139: {  	v9 =	vld [tilespmem:s3+$0xFFFFFF80]  }
0x13a: {  	v3 =	vld [tilespmem:s11+$0xFFFFFF80]  }
0x13b: {  	v10 =	vld [tilespmem:s11+$0xFFFFFF90]  }
0x13c: {  	v11 =	vld [tilespmem:s11+$0xFFFFFFA0]  }
0x13d: {  	v12 =	vld [tilespmem:s11+$0xFFFFFFB0]  }
0x13e: {  	v13 =	vld [tilespmem:s11+$0xFFFFFFC0]  }
0x13f: {  	v15 =	vld [tilespmem:s11+$0xFFFFFFD0]  }
0x140: {  	v16 =	vld [tilespmem:s11+$0xFFFFFFE0]  }
0x141: {  	v17 =	vld [tilespmem:s3+$0x0];
	v14 =	vmul.f32 v3, v9  }
0x142: {  	v18 =	vld [tilespmem:s11+$0xA0];
	v8 =	vmul.f32 v8, v4  }
0x143: {  	v3 =	vld [tilespmem:s11+$0xFFFFFF60];
	v10 =	vmul.f32 v10, v9;
	[tilespmem:s11+$0xFFFFFF80] =	vst v14  }
0x144: {  	[tilespmem:s11+$0xF0] =	vst v8;
	v8 =	vmul.f32 v11, v9;
	v11 =	vld [tilespmem:s11+$0x0]  }
0x145: {  	v14 =	vld [tilespmem:s11+$0xFFFFFFF0];
	[tilespmem:s11+$0xFFFFFF90] =	vst v10;
	v10 =	vmul.f32 v12, v9  }
0x146: {  	v12 =	vld [tilespmem:s11+$0x10];
	[tilespmem:s11+$0xFFFFFFA0] =	vst v8;
	v8 =	vmul.f32 v13, v9  }
0x147: {  	v13 =	vld [tilespmem:s11+$0x20];
	[tilespmem:s11+$0xFFFFFFB0] =	vst v10;
	v10 =	vmul.f32 v15, v9  }
0x148: {  	v15 =	vld [tilespmem:s11+$0x30];
	[tilespmem:s11+$0xFFFFFFC0] =	vst v8;
	v8 =	vmul.f32 v16, v9  }
0x149: {  	v16 =	vld [tilespmem:s11+$0x40];
	[tilespmem:s11+$0xFFFFFFD0] =	vst v10;
	v10 =	vmul.f32 v11, v17  }
0x14a: {  	v11 =	vld [tilespmem:s11+$0x50];
	v9 =	vmul.f32 v14, v9;
	[tilespmem:s11+$0xFFFFFFE0] =	vst v8  }
0x14b: {  	v14 =	vld [tilespmem:s11+$0x60];
	[tilespmem:s11+$0x0] =	vst v10;
	v10 =	vmul.f32 v12, v17  }
0x14c: {  	[tilespmem:s11+$0xFFFFFFF0] =	vst v9;
	v9 =	vmul.f32 v13, v17;
	v12 =	vld [tilespmem:s11+$0x70]  }
0x14d: {  	[tilespmem:s11+$0x10] =	vst v10;
	v10 =	vmul.f32 v15, v17;
	v15 =	vld [tilespmem:s11+$0x80]  }
0x14e: {  	[tilespmem:s11+$0x20] =	vst v9;
	v9 =	vmul.f32 v16, v17;
	v16 =	vld [tilespmem:s11+$0x90]  }
0x14f: {  	v8 =	vld [tilespmem:s11+$0xFFFFFF70];
	[tilespmem:s11+$0x30] =	vst v10;
	v10 =	vmul.f32 v11, v17  }
0x150: {  	v13 =	vld [tilespmem:s11+$0xB0];
	[tilespmem:s11+$0x40] =	vst v9;
	v9 =	vmul.f32 v14, v17  }
0x151: {  	v12 =	vmul.f32 v12, v17;
	[tilespmem:s11+$0x50] =	vst v10;
	v10 =	vld [tilespmem:s11+$0xC0]  }
0x152: {  	v11 =	vld [tilespmem:s11+$0xD0];
	[tilespmem:s11+$0x60] =	vst v9;
	v15 =	vmul.f32 v15, v4  }
0x153: {  	[tilespmem:s11+$0x70] =	vst v12;
	v12 =	vld [tilespmem:s11+$0xE0];
	v14 =	vmul.f32 v16, v4  }
0x154: {  	s12 =	simm.s32 $0x0;
	s18 =	simm.s32 $0x7D00;
	v9 =	vld [tilespmem:s3+$0xFFFFFF00];
	s3 =	simm.s32 $0x2F00;
	[tilespmem:s11+$0x80] =	vst v15;
	v15 =	vmul.f32 v18, v4  }
.LBB2_12:
0x155: {  	v16 =	vld [tilespmem:s3+$0x80];
	[tilespmem:s11+$0x90] =	vst v14;
	v13 =	vmul.f32 v13, v4;
	s18 =	sadd.s32 $0x200, s18  }
0x156: {  	s12 =	sadd.s32 $0x4, s12;
	v14 =	vld [tilespmem:s18+$0xF0];
	[tilespmem:s11+$0xA0] =	vst v15;
	v10 =	vmul.f32 v10, v4  }
0x157: {  	p1 =	slt.u32 s12, $0x24;
	v15 =	vld [tilespmem:s18+$0xFFFFFF00];
	[tilespmem:s11+$0xB0] =	vst v13;
	v11 =	vmul.f32 v11, v4  }
0x158: {  	v13 =	vld [tilespmem:s18+$0xFFFFFF10];
	[tilespmem:s11+$0xC0] =	vst v10;
	v12 =	vmul.f32 v12, v4  }
0x159: {  	v10 =	vld [tilespmem:s18+$0xFFFFFF20];
	v18 =	vmul.f32 v5, v9;
	v6 =	vmul.f32 v6, v9;
	[tilespmem:s11+$0xD0] =	vst v11  }
0x15a: {  	v7 =	vmul.f32 v7, v9;
	v11 =	vmul.f32 v2, v9;
	v2 =	vld [tilespmem:s18+$0xFFFFFF30];
	[tilespmem:s11+$0xE0] =	vst v12;
	v4 =	vmov v16  }
0x15b: {  	v12 =	vmul.f32 v14, v4;
	[tilespmem:s11+$0xFFFFFF00] =	vst v18;
	v14 =	vmul.f32 v1, v9;
	v1 =	vld [tilespmem:s18+$0xFFFFFF40]  }
0x15c: {  	v17 =	vmul.f32 v3, v9;
	v16 =	vmul.f32 v0, v9;
	[tilespmem:s11+$0xFFFFFF10] =	vst v6;
	v0 =	vld [tilespmem:s18+$0xFFFFFF50];
	v5 =	vmov v15  }
0x15d: {  	v9 =	vmul.f32 v8, v9;
	v3 =	vld [tilespmem:s18+$0xFFFFFF60];
	[tilespmem:s18+$0xF0] =	vst v12;
	v6 =	vmov v13  }
0x15e: {  	v8 =	vld [tilespmem:s18+$0xFFFFFF70];
	[tilespmem:s11+$0xFFFFFF20] =	vst v7;
	v7 =	vmov v10  }
0x15f: {  	v10 =	vld [tilespmem:s3+$0xFFFFFF80];
	[tilespmem:s11+$0xFFFFFF30] =	vst v11  }
0x160: {  	v11 =	vld [tilespmem:s18+$0xFFFFFF80];
	[tilespmem:s11+$0xFFFFFF40] =	vst v14  }
0x161: {  	v12 =	vld [tilespmem:s18+$0xFFFFFF90];
	[tilespmem:s11+$0xFFFFFF50] =	vst v16  }
0x162: {  	v13 =	vld [tilespmem:s18+$0xFFFFFFA0];
	[tilespmem:s11+$0xFFFFFF60] =	vst v17  }
0x163: {  	v14 =	vld [tilespmem:s18+$0xFFFFFFB0];
	[tilespmem:s11+$0xFFFFFF70] =	vst v9;
	s11 =	smov.u32 s18  }
0x164: {  	v9 =	vld [tilespmem:s18+$0xFFFFFFC0]  }
0x165: {  	v11 =	vmul.f32 v11, v10;
	v15 =	vld [tilespmem:s18+$0xFFFFFFD0]  }
0x166: {  	v12 =	vmul.f32 v12, v10;
	v16 =	vld [tilespmem:s18+$0xFFFFFFE0]  }
0x167: {  	[tilespmem:s18+$0xFFFFFF80] =	vst v11;
	v11 =	vmul.f32 v13, v10;
	v13 =	vld [tilespmem:s18+$0xFFFFFFF0]  }
0x168: {  	[tilespmem:s18+$0xFFFFFF90] =	vst v12;
	v12 =	vmul.f32 v14, v10;
	v14 =	vld [tilespmem:s3+$0x0]  }
0x169: {  	[tilespmem:s18+$0xFFFFFFA0] =	vst v11;
	v9 =	vmul.f32 v9, v10;
	v11 =	vld [tilespmem:s18+$0x0]  }
0x16a: {  	[tilespmem:s18+$0xFFFFFFB0] =	vst v12;
	v12 =	vmul.f32 v15, v10;
	v15 =	vld [tilespmem:s18+$0x10]  }
0x16b: {  	[tilespmem:s18+$0xFFFFFFC0] =	vst v9;
	v9 =	vmul.f32 v16, v10;
	v16 =	vld [tilespmem:s18+$0x20]  }
0x16c: {  	[tilespmem:s18+$0xFFFFFFD0] =	vst v12;
	v10 =	vmul.f32 v13, v10;
	v12 =	vld [tilespmem:s18+$0x30]  }
0x16d: {  	[tilespmem:s18+$0xFFFFFFE0] =	vst v9;
	v9 =	vld [tilespmem:s18+$0x40]  }
0x16e: {  	[tilespmem:s18+$0xFFFFFFF0] =	vst v10;
	v10 =	vmul.f32 v11, v14;
	v11 =	vld [tilespmem:s18+$0x50]  }
0x16f: {  	v13 =	vmul.f32 v15, v14;
	v15 =	vld [tilespmem:s18+$0x60]  }
0x170: {  	[tilespmem:s18+$0x0] =	vst v10;
	v10 =	vmul.f32 v16, v14;
	v16 =	vld [tilespmem:s18+$0x70]  }
0x171: {  	[tilespmem:s18+$0x10] =	vst v13;
	v12 =	vmul.f32 v12, v14;
	v17 =	vld [tilespmem:s18+$0x80]  }
0x172: {  	[tilespmem:s18+$0x20] =	vst v10;
	v9 =	vmul.f32 v9, v14;
	v18 =	vld [tilespmem:s18+$0x90]  }
0x173: {  	[tilespmem:s18+$0x30] =	vst v12;
	v10 =	vmul.f32 v11, v14;
	v19 =	vld [tilespmem:s18+$0xA0]  }
.Ltmp9:
0x174: {  	[tilespmem:s18+$0x40] =	vst v9;
	v9 =	vmul.f32 v15, v14;
	v13 =	vld [tilespmem:s18+$0xB0];
	(pc) =	sbr.rel @p1 .LBB2_12-.Ltmp9, $4  }
0x175: {  	[tilespmem:s18+$0x50] =	vst v10;
	v12 =	vmul.f32 v16, v14;
	v10 =	vld [tilespmem:s18+$0xC0]  }
0x176: {  	[tilespmem:s18+$0x60] =	vst v9;
	v15 =	vmul.f32 v17, v4;
	v11 =	vld [tilespmem:s18+$0xD0]  }
0x177: {  	[tilespmem:s18+$0x70] =	vst v12;
	v14 =	vmul.f32 v18, v4;
	v12 =	vld [tilespmem:s18+$0xE0]  }
0x178: {  	v9 =	vld [tilespmem:s3+$0xFFFFFF00];
	[tilespmem:s18+$0x80] =	vst v15;
	v15 =	vmul.f32 v19, v4;
	s3 =	sadd.s32 $0x200, s3  }
0x179: {  	[tilespmem:s11+$0x90] =	vst v14;
	v13 =	vmul.f32 v13, v4  }
0x17a: {  	[tilespmem:s11+$0xA0] =	vst v15;
	v10 =	vmul.f32 v10, v4  }
0x17b: {  	[tilespmem:s11+$0xB0] =	vst v13;
	v11 =	vmul.f32 v11, v4  }
0x17c: {  	[tilespmem:s11+$0xC0] =	vst v10;
	v60 =	vmul.f32 v12, v4  }
0x17d: {  	v5 =	vmul.f32 v5, v9;
	[tilespmem:s11+$0xD0] =	vst v11  }
0x17e: {  	v6 =	vmul.f32 v6, v9;
	[tilespmem:s11+$0xE0] =	vst v60  }
0x17f: {  	v61 =	vmul.f32 v7, v9;
	[tilespmem:s11+$0xFFFFFF00] =	vst v5  }
0x180: {  	v2 =	vmul.f32 v2, v9;
	[tilespmem:s11+$0xFFFFFF10] =	vst v6  }
0x181: {  	v1 =	vmul.f32 v1, v9;
	[tilespmem:s11+$0xFFFFFF20] =	vst v61  }
0x182: {  	v0 =	vmul.f32 v0, v9;
	[tilespmem:s11+$0xFFFFFF30] =	vst v2  }
0x183: {  	v62 =	vmul.f32 v3, v9;
	[tilespmem:s11+$0xFFFFFF40] =	vst v1  }
0x184: {  	v63 =	vmul.f32 v8, v9;
	[tilespmem:s11+$0xFFFFFF50] =	vst v0  }
0x185: {  	[tilespmem:s11+$0xFFFFFF60] =	vst v62  }
0x186: {  	[tilespmem:s11+$0xFFFFFF70] =	vst v63  }
0x187: {  	[spmem:s1] =	stream.indirect.scatter.add.f32 [tilespmem:s29], [sflag:$0xB], $0x80, s28, s23, $0xb8;
	[tilespmem:$0x1DC80] =	vst v63  }
.LBB2_14:
0x188: {  	p1 =	sgt.u32 @!p0 s17, $0x3D  }
0x189: {  	p1 =	por p1, p0  }
0x18a: {  	s3 =	simm.s32 @!p0 $0x9;
	s2 =	sadd.s32 @!p1 $0x5, s10  }
0x18b: {  	_ =	swait.ge @!p0 [sflag:s3], $0x1400;
	s10 =	sshll.u32 @!p1 s2, $0x8;
	s2 =	smul.u32 @!p1 $0x1400, s2  }
0x18c: {  	[sflag:s3] =	ssyncset.done @!p0 $0x0;
	s11 =	simm.s32 @!p1 $0x100;
	s10 =	sadd.s32 @!p1 s8, s10  }
0x18d: {  	[sflag:s3] =	ssyncadd.s32 @!p0 $0xFFFFEC00;
	s10 =	sshrl.u32 @!p1 s10, $0x3;
	s2 =	sadd.s32 @!p1 s9, s2  }
0x18e: {  	s3 =	sadd.s32 @!p1 s5, s10;
	s10 =	simm.s32 @!p1 $0x0;
	s2 =	sshrl.u32 @!p1 s2, $0x3  }
0x18f: {  	[tilespmem:s11], [sflag:$0x2] =	stream.linear.gather @!p1 [hbm4b:s3+s10], $0x100, $0x38;
	[tilespmem:$0x1DC80] =	vst v63  }
0x190: {  	s2 =	sadd.s32 @!p1 s6, s2;
	s3 =	simm.s32 @!p1 $0x1800  }
0x191: {  	[tilespmem:s3], [sflag:$0x2] =	stream.linear.gather @!p1 [hbm4b:s2+s10], $0x1400, $0x38;
	[tilespmem:$0x1DC80] =	vst v63  }
0x192: {  	s2 =	simm.s32 @!p1 $0x1  }
0x193: {  	_ =	swait.ge @!p1 [sflag:s2], $0x100  }
0x194: {  	[sflag:s2] =	ssyncset.done @!p1 $0x0  }
.Ltmp10:
0x195: {  	[sflag:s2] =	ssyncadd.s32 @!p1 $0xFFFFFF00;
	(pc) =	sbr.rel @!p2 .LBB2_18-.Ltmp10, $4  }
0x196: {  	_ =	swait.ge @!p1 [sflag:s2], $0x1400  }
0x197: {  	[sflag:s2] =	ssyncset.done @!p1 $0x0  }
0x198: {  	s3 =	simm.s32 @!p1 $0x5400;
	[sflag:s2] =	ssyncadd.s32 @!p1 $0xFFFFEC00;
	s2 =	simm.s32 @!p1 $0x28  }
0x199: {  	[tilespmem:s3], [sflag:$0x5] =	stream.indirect.gather @!p1 [hbm4b:s4+s2], $0x80, s10, s2, $0xb8;
	[tilespmem:$0x1DC80] =	vst v63  }
0x19a: {  	_ =	swait.ge [sflag:s30], $0x1400  }
0x19b: {  	[sflag:s30] =	ssyncset.done $0x0  }
0x19c: {  	s3 =	simm.s32 $0x4100;
	[sflag:s30] =	ssyncadd.s32 $0xFFFFEC00  }
0x19d: {  	s10 =	simm.s32 $0x9100;
	v4 =	vld [tilespmem:s3+$0x80]  }
0x19e: {  	v8 =	vld [tilespmem:s10+$0xF0]  }
0x19f: {  	v5 =	vld [tilespmem:s10+$0xFFFFFF00]  }
0x1a0: {  	v6 =	vld [tilespmem:s10+$0xFFFFFF10]  }
0x1a1: {  	v7 =	vld [tilespmem:s10+$0xFFFFFF20]  }
0x1a2: {  	v2 =	vld [tilespmem:s10+$0xFFFFFF30]  }
0x1a3: {  	v1 =	vld [tilespmem:s10+$0xFFFFFF40]  }
0x1a4: {  	v0 =	vld [tilespmem:s10+$0xFFFFFF50]  }
0x1a5: {  	v9 =	vld [tilespmem:s3+$0xFFFFFF80]  }
0x1a6: {  	v3 =	vld [tilespmem:s10+$0xFFFFFF80]  }
0x1a7: {  	v10 =	vld [tilespmem:s10+$0xFFFFFF90]  }
0x1a8: {  	v11 =	vld [tilespmem:s10+$0xFFFFFFA0]  }
0x1a9: {  	v12 =	vld [tilespmem:s10+$0xFFFFFFB0]  }
0x1aa: {  	v13 =	vld [tilespmem:s10+$0xFFFFFFC0]  }
0x1ab: {  	v15 =	vld [tilespmem:s10+$0xFFFFFFD0]  }
0x1ac: {  	v16 =	vld [tilespmem:s10+$0xFFFFFFE0]  }
0x1ad: {  	v17 =	vld [tilespmem:s3+$0x0];
	v14 =	vmul.f32 v3, v9  }
0x1ae: {  	v18 =	vld [tilespmem:s10+$0xA0];
	v8 =	vmul.f32 v8, v4  }
0x1af: {  	v3 =	vld [tilespmem:s10+$0xFFFFFF60];
	v10 =	vmul.f32 v10, v9;
	[tilespmem:s10+$0xFFFFFF80] =	vst v14  }
0x1b0: {  	[tilespmem:s10+$0xF0] =	vst v8;
	v8 =	vmul.f32 v11, v9;
	v11 =	vld [tilespmem:s10+$0x0]  }
0x1b1: {  	v14 =	vld [tilespmem:s10+$0xFFFFFFF0];
	[tilespmem:s10+$0xFFFFFF90] =	vst v10;
	v10 =	vmul.f32 v12, v9  }
0x1b2: {  	v12 =	vld [tilespmem:s10+$0x10];
	[tilespmem:s10+$0xFFFFFFA0] =	vst v8;
	v8 =	vmul.f32 v13, v9  }
0x1b3: {  	v13 =	vld [tilespmem:s10+$0x20];
	[tilespmem:s10+$0xFFFFFFB0] =	vst v10;
	v10 =	vmul.f32 v15, v9  }
0x1b4: {  	v15 =	vld [tilespmem:s10+$0x30];
	[tilespmem:s10+$0xFFFFFFC0] =	vst v8;
	v8 =	vmul.f32 v16, v9  }
0x1b5: {  	v16 =	vld [tilespmem:s10+$0x40];
	[tilespmem:s10+$0xFFFFFFD0] =	vst v10;
	v10 =	vmul.f32 v11, v17  }
0x1b6: {  	v11 =	vld [tilespmem:s10+$0x50];
	v9 =	vmul.f32 v14, v9;
	[tilespmem:s10+$0xFFFFFFE0] =	vst v8  }
0x1b7: {  	v14 =	vld [tilespmem:s10+$0x60];
	[tilespmem:s10+$0x0] =	vst v10;
	v10 =	vmul.f32 v12, v17  }
0x1b8: {  	[tilespmem:s10+$0xFFFFFFF0] =	vst v9;
	v9 =	vmul.f32 v13, v17;
	v12 =	vld [tilespmem:s10+$0x70]  }
0x1b9: {  	[tilespmem:s10+$0x10] =	vst v10;
	v10 =	vmul.f32 v15, v17;
	v15 =	vld [tilespmem:s10+$0x80]  }
0x1ba: {  	[tilespmem:s10+$0x20] =	vst v9;
	v9 =	vmul.f32 v16, v17;
	v16 =	vld [tilespmem:s10+$0x90]  }
0x1bb: {  	v8 =	vld [tilespmem:s10+$0xFFFFFF70];
	[tilespmem:s10+$0x30] =	vst v10;
	v10 =	vmul.f32 v11, v17  }
0x1bc: {  	v13 =	vld [tilespmem:s10+$0xB0];
	[tilespmem:s10+$0x40] =	vst v9;
	v9 =	vmul.f32 v14, v17  }
0x1bd: {  	v12 =	vmul.f32 v12, v17;
	[tilespmem:s10+$0x50] =	vst v10;
	v10 =	vld [tilespmem:s10+$0xC0]  }
0x1be: {  	v11 =	vld [tilespmem:s10+$0xD0];
	[tilespmem:s10+$0x60] =	vst v9;
	v15 =	vmul.f32 v15, v4  }
0x1bf: {  	[tilespmem:s10+$0x70] =	vst v12;
	v12 =	vld [tilespmem:s10+$0xE0];
	v14 =	vmul.f32 v16, v4  }
0x1c0: {  	s11 =	simm.s32 $0x0;
	s12 =	simm.s32 $0x9100;
	v9 =	vld [tilespmem:s3+$0xFFFFFF00];
	s3 =	simm.s32 $0x4300;
	[tilespmem:s10+$0x80] =	vst v15;
	v15 =	vmul.f32 v18, v4  }
.LBB2_16:
0x1c1: {  	v16 =	vld [tilespmem:s3+$0x80];
	[tilespmem:s10+$0x90] =	vst v14;
	v13 =	vmul.f32 v13, v4;
	s12 =	sadd.s32 $0x200, s12  }
0x1c2: {  	s11 =	sadd.s32 $0x4, s11;
	v14 =	vld [tilespmem:s12+$0xF0];
	[tilespmem:s10+$0xA0] =	vst v15;
	v10 =	vmul.f32 v10, v4  }
0x1c3: {  	p0 =	slt.u32 s11, $0x24;
	v15 =	vld [tilespmem:s12+$0xFFFFFF00];
	[tilespmem:s10+$0xB0] =	vst v13;
	v11 =	vmul.f32 v11, v4  }
0x1c4: {  	v13 =	vld [tilespmem:s12+$0xFFFFFF10];
	[tilespmem:s10+$0xC0] =	vst v10;
	v12 =	vmul.f32 v12, v4  }
0x1c5: {  	v10 =	vld [tilespmem:s12+$0xFFFFFF20];
	v18 =	vmul.f32 v5, v9;
	v6 =	vmul.f32 v6, v9;
	[tilespmem:s10+$0xD0] =	vst v11  }
0x1c6: {  	v7 =	vmul.f32 v7, v9;
	v11 =	vmul.f32 v2, v9;
	v2 =	vld [tilespmem:s12+$0xFFFFFF30];
	[tilespmem:s10+$0xE0] =	vst v12;
	v4 =	vmov v16  }
0x1c7: {  	v12 =	vmul.f32 v14, v4;
	[tilespmem:s10+$0xFFFFFF00] =	vst v18;
	v14 =	vmul.f32 v1, v9;
	v1 =	vld [tilespmem:s12+$0xFFFFFF40]  }
0x1c8: {  	v17 =	vmul.f32 v3, v9;
	v16 =	vmul.f32 v0, v9;
	[tilespmem:s10+$0xFFFFFF10] =	vst v6;
	v0 =	vld [tilespmem:s12+$0xFFFFFF50];
	v5 =	vmov v15  }
0x1c9: {  	v9 =	vmul.f32 v8, v9;
	v3 =	vld [tilespmem:s12+$0xFFFFFF60];
	[tilespmem:s12+$0xF0] =	vst v12;
	v6 =	vmov v13  }
0x1ca: {  	v8 =	vld [tilespmem:s12+$0xFFFFFF70];
	[tilespmem:s10+$0xFFFFFF20] =	vst v7;
	v7 =	vmov v10  }
0x1cb: {  	v10 =	vld [tilespmem:s3+$0xFFFFFF80];
	[tilespmem:s10+$0xFFFFFF30] =	vst v11  }
0x1cc: {  	v11 =	vld [tilespmem:s12+$0xFFFFFF80];
	[tilespmem:s10+$0xFFFFFF40] =	vst v14  }
0x1cd: {  	v12 =	vld [tilespmem:s12+$0xFFFFFF90];
	[tilespmem:s10+$0xFFFFFF50] =	vst v16  }
0x1ce: {  	v13 =	vld [tilespmem:s12+$0xFFFFFFA0];
	[tilespmem:s10+$0xFFFFFF60] =	vst v17  }
0x1cf: {  	v14 =	vld [tilespmem:s12+$0xFFFFFFB0];
	[tilespmem:s10+$0xFFFFFF70] =	vst v9;
	s10 =	smov.u32 s12  }
0x1d0: {  	v9 =	vld [tilespmem:s12+$0xFFFFFFC0]  }
0x1d1: {  	v11 =	vmul.f32 v11, v10;
	v15 =	vld [tilespmem:s12+$0xFFFFFFD0]  }
0x1d2: {  	v12 =	vmul.f32 v12, v10;
	v16 =	vld [tilespmem:s12+$0xFFFFFFE0]  }
0x1d3: {  	[tilespmem:s12+$0xFFFFFF80] =	vst v11;
	v11 =	vmul.f32 v13, v10;
	v13 =	vld [tilespmem:s12+$0xFFFFFFF0]  }
0x1d4: {  	[tilespmem:s12+$0xFFFFFF90] =	vst v12;
	v12 =	vmul.f32 v14, v10;
	v14 =	vld [tilespmem:s3+$0x0]  }
0x1d5: {  	[tilespmem:s12+$0xFFFFFFA0] =	vst v11;
	v9 =	vmul.f32 v9, v10;
	v11 =	vld [tilespmem:s12+$0x0]  }
0x1d6: {  	[tilespmem:s12+$0xFFFFFFB0] =	vst v12;
	v12 =	vmul.f32 v15, v10;
	v15 =	vld [tilespmem:s12+$0x10]  }
0x1d7: {  	[tilespmem:s12+$0xFFFFFFC0] =	vst v9;
	v9 =	vmul.f32 v16, v10;
	v16 =	vld [tilespmem:s12+$0x20]  }
0x1d8: {  	[tilespmem:s12+$0xFFFFFFD0] =	vst v12;
	v10 =	vmul.f32 v13, v10;
	v12 =	vld [tilespmem:s12+$0x30]  }
0x1d9: {  	[tilespmem:s12+$0xFFFFFFE0] =	vst v9;
	v9 =	vld [tilespmem:s12+$0x40]  }
0x1da: {  	[tilespmem:s12+$0xFFFFFFF0] =	vst v10;
	v10 =	vmul.f32 v11, v14;
	v11 =	vld [tilespmem:s12+$0x50]  }
0x1db: {  	v13 =	vmul.f32 v15, v14;
	v15 =	vld [tilespmem:s12+$0x60]  }
0x1dc: {  	[tilespmem:s12+$0x0] =	vst v10;
	v10 =	vmul.f32 v16, v14;
	v16 =	vld [tilespmem:s12+$0x70]  }
0x1dd: {  	[tilespmem:s12+$0x10] =	vst v13;
	v12 =	vmul.f32 v12, v14;
	v17 =	vld [tilespmem:s12+$0x80]  }
0x1de: {  	[tilespmem:s12+$0x20] =	vst v10;
	v9 =	vmul.f32 v9, v14;
	v18 =	vld [tilespmem:s12+$0x90]  }
0x1df: {  	[tilespmem:s12+$0x30] =	vst v12;
	v10 =	vmul.f32 v11, v14;
	v19 =	vld [tilespmem:s12+$0xA0]  }
.Ltmp11:
0x1e0: {  	[tilespmem:s12+$0x40] =	vst v9;
	v9 =	vmul.f32 v15, v14;
	v13 =	vld [tilespmem:s12+$0xB0];
	(pc) =	sbr.rel @p0 .LBB2_16-.Ltmp11, $4  }
0x1e1: {  	[tilespmem:s12+$0x50] =	vst v10;
	v12 =	vmul.f32 v16, v14;
	v10 =	vld [tilespmem:s12+$0xC0]  }
0x1e2: {  	[tilespmem:s12+$0x60] =	vst v9;
	v15 =	vmul.f32 v17, v4;
	v11 =	vld [tilespmem:s12+$0xD0]  }
0x1e3: {  	[tilespmem:s12+$0x70] =	vst v12;
	v14 =	vmul.f32 v18, v4;
	v12 =	vld [tilespmem:s12+$0xE0]  }
0x1e4: {  	v9 =	vld [tilespmem:s3+$0xFFFFFF00];
	[tilespmem:s12+$0x80] =	vst v15;
	v15 =	vmul.f32 v19, v4;
	s3 =	sadd.s32 $0x200, s3  }
0x1e5: {  	[tilespmem:s10+$0x90] =	vst v14;
	v13 =	vmul.f32 v13, v4  }
0x1e6: {  	[tilespmem:s10+$0xA0] =	vst v15;
	v10 =	vmul.f32 v10, v4  }
0x1e7: {  	[tilespmem:s10+$0xB0] =	vst v13;
	v11 =	vmul.f32 v11, v4  }
0x1e8: {  	[tilespmem:s10+$0xC0] =	vst v10;
	v60 =	vmul.f32 v12, v4  }
0x1e9: {  	v5 =	vmul.f32 v5, v9;
	[tilespmem:s10+$0xD0] =	vst v11  }
0x1ea: {  	v6 =	vmul.f32 v6, v9;
	[tilespmem:s10+$0xE0] =	vst v60  }
0x1eb: {  	v61 =	vmul.f32 v7, v9;
	[tilespmem:s10+$0xFFFFFF00] =	vst v5  }
0x1ec: {  	v2 =	vmul.f32 v2, v9;
	[tilespmem:s10+$0xFFFFFF10] =	vst v6  }
0x1ed: {  	v1 =	vmul.f32 v1, v9;
	[tilespmem:s10+$0xFFFFFF20] =	vst v61  }
0x1ee: {  	v0 =	vmul.f32 v0, v9;
	[tilespmem:s10+$0xFFFFFF30] =	vst v2  }
.Ltmp12:
0x1ef: {  	v62 =	vmul.f32 v3, v9;
	[tilespmem:s10+$0xFFFFFF40] =	vst v1;
	(pc) =	sbr.rel .LBB2_18-.Ltmp12, $4  }
0x1f0: {  	v63 =	vmul.f32 v8, v9;
	[tilespmem:s10+$0xFFFFFF50] =	vst v0  }
0x1f1: {  	[tilespmem:s10+$0xFFFFFF60] =	vst v62  }
0x1f2: {  	[tilespmem:s10+$0xFFFFFF70] =	vst v63  }
0x1f3: {  	[spmem:s1] =	stream.indirect.scatter.add.f32 [tilespmem:s0], [sflag:$0xC], $0x80, s31, s23, $0xb8;
	[tilespmem:$0x1DC80] =	vst v63  }
.LBB2_20:
0x1f4: {  	_ =	sfence.sel $0x180000  }
0x1f5: {  	[bflag:$0x0] =	sbarrier.arrive $0xFFFF  }
0x1f6: {  	_ =	strace $0x9000004A  }
0x1f7: {  	s0 =	stileid.u32;
	[bflag:$0x2] =	sbarrier.arrive $0xFFFF  }
0x1f8: {  	p0 =	sne.s32 s0, $0x0;
	s0 =	rddreg [dreg:$0x2]  }
0x1f9: {  	s0 =	sadd.s32 @!p0 $0x100000, s0  }
0x1fa: {  	[sflag:s0] =	ssyncadd.tile.s32 @!p0 $0x1;
	_ =	shalt  }
.Lfunc_end2:
_tile_overlayer_lowered:
.L_overlay_start_2:
0x1fb: {  	(tag) =	ssettag $0x2  }
0x1fc: {  	s0 =	rddreg [dreg:$0x0];
	s2 =	stileid.u32  }
0x1fd: {  	s1 =	rddreg [dreg:$0x1];
	p0 =	sne.s32 s2, $0x0  }
0x1fe: {  	s3 =	rddreg [dreg:$0x2];
	[bflag:$0x3] =	sbarrier.arrive $0xFFFF;
	s2 =	simm.s32 @!p0 $0x1C0D  }
0x1ff: {  	[timem:s3], [sflag:s2] =	dma.local @!p0 [hbm:s0], s1  }
0x200: {  	s0 =	simm.s32 @!p0 $0xD  }
0x201: {  	_ =	swait.ge @!p0 [sflag:s0], s1  }
0x202: {  	s1 =	ssub.s32 @!p0 $0x0, s1;
	[sflag:s0] =	ssyncset.done @!p0 $0x0  }
0x203: {  	[sflag:s0] =	ssyncadd.s32 @!p0 s1  }
0x204: {  	[bflag:$0x3] =	sbarrier.arrive $0xFFFF  }
0x205: {  	_ =	shalt  }

// kernel: kernel.7.cloned.1.call-start
scs
__scs_entry_jumppad:
0x0: {  	(pc) =	sbr.rel $0x88, $3  }
0x1: {  	(tag) =	ssettag $0x0;
	lr =	simm.s32 $0x1  }
0x2: {  	[smem:$0x3F98] =	sst lr;
	_ =	strace $0xD0000000  }
0x3: {  	_ = 	snop  }
0x4: {  	_ = 	snop  }
0x5: {  	_ = 	snop  }
0x6: {  	_ = 	snop  }
0x7: {  	_ = 	snop  }
__scs_overlays_trampoline_lowered:
0x8: {  	[smem:$0x3FA7] =	sst s0  }
0x9: {  	[smem:$0x3FA8] =	sst s1  }
0xa: {  	[smem:$0x3FA9] =	sst s2  }
0xb: {  	[smem:$0x3FAA] =	sst s3  }
0xc: {  	[smem:$0x3FAB] =	sst s4  }
0xd: {  	[smem:$0x3FAC] =	sst s5  }
0xe: {  	[smem:$0x3FAD] =	sst s6  }
0xf: {  	[smem:$0x3FAE] =	sst s7  }
0x10: {  	[smem:$0x3FAF] =	sst s8  }
0x11: {  	[smem:$0x3FB0] =	sst s9;
	s0 =	simm.s32 @!p0 $0x0  }
0x12: {  	s1 =	sld [smem:$0x3F96];
	s0 =	simm.s32 @p0 $0x1  }
0x13: {  	[smem:$0x3FB1] =	sst s0;
	s0 =	simm.s32 @!p1 $0x0  }
0x14: {  	s2 =	sld [smem:$0x3F95];
	s0 =	simm.s32 @p1 $0x1  }
0x15: {  	[smem:$0x3FB2] =	sst s0;
	s0 =	simm.s32 @!p2 $0x0  }
0x16: {  	s3 =	sld [smem:$0x3FDB];
	s0 =	simm.s32 @p2 $0x1  }
0x17: {  	s4 =	simm.s32 $0x1BF5;
	[smem:$0x3FB4] =	sst s0  }
0x18: {  	s0 =	sld [smem:$0x3F97];
	_ =	swait.ge [sflag:s4], $0x0  }
0x19: {  	s7 =	sld [smem:$0x3F98]  }
0x1a: {  	s8 =	sadd.s32 $0xFFFFE003, lr  }
0x1b: {  	s9 =	sadd.s32 $0xFFFFFEF7, lr;
	s5 =	simm.s32 $0xFFFFFFFF;
	p2 =	slt.u32 s8, $0xFFFFF086  }
0x1c: {  	p1 =	slt.u32 s9, $0xF7A;
	s5 =	simm.s32 @!p2 $0x0  }
0x1d: {  	s5 =	simm.s32 @p1 $0x1;
	p0 =	seq.s32 s7, s2  }
0x1e: {  	s7 =	smul.u32 @!p0 $0xF7A, s2;
	p2 =	seq.s32 @!p0 s5, $0x0  }
0x1f: {  	s9 =	smul.u32 $0xF7A, s1;
	s8 =	simm.s32 @!p0 $0x1BF5;
	p2 =	por !p2, p0  }
0x20: {  	[sflag:s8] =	ssyncset.s32 @!p0 $0xFFFFF086;
	s6 =	sadd.s32 @!p0 s3, s7;
	s7 =	simm.s32 @!p0 $0x108  }
0x21: {  	s3 =	sadd.s32 s3, s9;
	s6 =	sadd.s32 @!p0 $0x88, s6;
	s7 =	simm.s32 @p2 $0x1082  }
0x22: {  	[simem:s7], [sflag:s8] =	dma.local @!p0 [hbm:s6], $0xF7A  }
0x23: {  	s9 =	sor.u32 $0xD0000000, s2;
	s6 =	simm.s32 $0x108;
	_ =	swait.ge @!p0 [sflag:s8], $0x0  }
0x24: {  	s3 =	sadd.s32 $0x88, s3;
	s6 =	simm.s32 @!p1 $0x1082;
	[sflag:s4] =	ssyncset.s32 $0xFFFFF086  }
0x25: {  	[simem:s6], [sflag:s4] =	dma.local [hbm:s3], $0xF7A  }
0x26: {  	[smem:$0x3F98] =	sst s1;
	(tag) =	ssettag s2;
	_ =	strace s9  }
0x27: {  	s1 =	sld [smem:$0x3FA8]  }
0x28: {  	s2 =	sld [smem:$0x3FA9]  }
0x29: {  	s4 =	sld [smem:$0x3FAB]  }
0x2a: {  	p0 =	seq.s32 s5, $0x0;
	s5 =	sld [smem:$0x3FAC]  }
0x2b: {  	s6 =	sld [smem:$0x3FAD]  }
0x2c: {  	s7 =	sld [smem:$0x3FAE]  }
0x2d: {  	s3 =	simm.s32 $0x108;
	s8 =	sld [smem:$0x3FAF]  }
0x2e: {  	s3 =	simm.s32 @!p0 $0x1082;
	s9 =	sld [smem:$0x3FB0]  }
0x2f: {  	lr =	sadd.s32 s0, s3;
	s0 =	sld [smem:$0x3FA7]  }
0x30: {  	s3 =	sld [smem:$0x3FAA]  }
0x31: {  	[smem:$0x3FB3] =	sst s10  }
0x32: {  	s10 =	sld [smem:$0x3FB1];
	_ =	sdelay $0x3  }
0x33: {  	p0 =	seq.s32 s10, $0x1;
	s10 =	sld [smem:$0x3FB3];
	_ =	sdelay $0x3  }
0x34: {  	[smem:$0x3FB3] =	sst s10  }
0x35: {  	s10 =	sld [smem:$0x3FB2];
	_ =	sdelay $0x3  }
0x36: {  	p1 =	seq.s32 s10, $0x1;
	s10 =	sld [smem:$0x3FB3];
	_ =	sdelay $0x3  }
0x37: {  	[smem:$0x3FB3] =	sst s10  }
0x38: {  	s10 =	sld [smem:$0x3FB4]  }
0x39: {  	_ = 	snop;
	(pc) =	sbr.ind lr, $3  }
0x3a: {  	_ = 	snop  }
0x3b: {  	_ = 	snop  }
0x3c: {  	p2 =	seq.s32 s10, $0x1;
	s10 =	sld [smem:$0x3FB3]  }
0x3d: {  	_ =	shalt  }
0x3e: {  	_ =	shalt  }
0x3f: {  	_ =	shalt  }
0x40: {  	_ =	shalt  }
0x41: {  	_ =	shalt  }
0x42: {  	_ =	shalt  }
0x43: {  	_ =	shalt  }
0x44: {  	_ =	shalt  }
0x45: {  	_ =	shalt  }
0x46: {  	_ =	shalt  }
0x47: {  	_ =	shalt  }
0x48: {  	_ =	shalt  }
0x49: {  	_ =	shalt  }
0x4a: {  	_ =	shalt  }
0x4b: {  	_ =	shalt  }
0x4c: {  	_ =	shalt  }
0x4d: {  	_ =	shalt  }
0x4e: {  	_ =	shalt  }
0x4f: {  	_ =	shalt  }
0x50: {  	_ =	shalt  }
0x51: {  	_ =	shalt  }
0x52: {  	_ =	shalt  }
0x53: {  	_ =	shalt  }
0x54: {  	_ =	shalt  }
0x55: {  	_ =	shalt  }
0x56: {  	_ =	shalt  }
0x57: {  	_ =	shalt  }
0x58: {  	_ =	shalt  }
0x59: {  	_ =	shalt  }
0x5a: {  	_ =	shalt  }
0x5b: {  	_ =	shalt  }
0x5c: {  	_ =	shalt  }
0x5d: {  	_ =	shalt  }
0x5e: {  	_ =	shalt  }
0x5f: {  	_ =	shalt  }
0x60: {  	_ =	shalt  }
0x61: {  	_ =	shalt  }
0x62: {  	_ =	shalt  }
0x63: {  	_ =	shalt  }
0x64: {  	_ =	shalt  }
0x65: {  	_ =	shalt  }
0x66: {  	_ =	shalt  }
0x67: {  	_ =	shalt  }
0x68: {  	_ =	shalt  }
0x69: {  	_ =	shalt  }
0x6a: {  	_ =	shalt  }
0x6b: {  	_ =	shalt  }
0x6c: {  	_ =	shalt  }
0x6d: {  	_ =	shalt  }
0x6e: {  	_ =	shalt  }
0x6f: {  	_ =	shalt  }
0x70: {  	_ =	shalt  }
0x71: {  	_ =	shalt  }
0x72: {  	_ =	shalt  }
0x73: {  	_ =	shalt  }
0x74: {  	_ =	shalt  }
0x75: {  	_ =	shalt  }
0x76: {  	_ =	shalt  }
0x77: {  	_ =	shalt  }
0x78: {  	_ =	shalt  }
0x79: {  	_ =	shalt  }
0x7a: {  	_ =	shalt  }
0x7b: {  	_ =	shalt  }
0x7c: {  	_ =	shalt  }
0x7d: {  	_ =	shalt  }
0x7e: {  	_ =	shalt  }
0x7f: {  	_ =	shalt  }
0x80: {  	_ =	shalt  }
0x81: {  	_ =	shalt  }
0x82: {  	_ =	shalt  }
0x83: {  	_ =	shalt  }
0x84: {  	_ =	shalt  }
0x85: {  	_ =	shalt  }
0x86: {  	_ =	shalt  }
0x87: {  	_ =	shalt  }
.Lfunc_end0:
.L_simem_size_0:
called_computation_lowered:
.L_overlay_start_0:
0x88: {  	s2 =	sld [smem:$0x3FD9]  }
0x89: {  	s3 =	sld [smem:$0x3FFE];
	_ =	sdelay $0x1  }
0x8a: {  	s1 =	srdreg.scid  }
0x8b: {  	s0 =	sand.u32 $0x1, s1  }
0x8c: {  	s16 =	sshll.u32 s0, $0xA;
	s2 =	sadd.s32 s3, s2  }
0x8d: {  	s2 =	sadd.s32 s2, s16  }
0x8e: {  	[smem:$0x3FBF] =	sst s2  }
0x8f: {  	_ = 	snop  }
0x90: {  	(tm) =	ssettm $0x1  }
0x91: {  	s17 =	sld [smem:$0x3FFB];
	_ =	sdelay $0x3  }
0x92: {  	_ =	strace s17  }
0x93: {  	s2 =	sld [smem:$0x3FFC];
	_ =	sdelay $0x3  }
0x94: {  	_ =	strace s2  }
0x95: {  	s2 =	sld [smem:$0x3FFD];
	_ =	sdelay $0x3  }
0x96: {  	_ =	strace s2  }
0x97: {  	_ =	strace $0x8FFFFFFF  }
0x98: {  	s18 =	sld [smem:$0x3FDB];
	_ =	sdelay $0x1  }
0x99: {  	s19 =	simm.s32 $_scs_section_size  }
0x9a: {  	s4 =	simm.s32 $_size__tile_overlayer_lowered;
	s5 =	simm.s32 $_tile_overlayer_lowered  }
0x9b: {  	s22 =	simm.s32 $0x1BFF;
	s21 =	sshll.u32 s5, $0x1;
	s2 =	sadd.s32 s19, s18  }
0x9c: {  	s6 =	simm.s32 $0x0;
	s20 =	sshll.u32 s4, $0x1;
	s4 =	sadd.s32 s21, s2  }
0x9d: {  	[timem:s6], [sflag:s22] =	dma.local [hbm:s4], s20  }
0x9e: {  	_ =	swait.ge [sflag:s22], s20  }
0x9f: {  	s3 =	ssub.s32 $0x0, s20;
	[sflag:s22] =	ssyncset.done $0x0  }
0xa0: {  	[sflag:s22] =	ssyncadd.s32 s3;
	_ =	sdelay $0x1  }
0xa1: {  	s23 =	simm.s32 $0x1B8B  }
0xa2: {  	_ =	swait.ge [sflag:s23], $0x1  }
0xa3: {  	[sflag:s23] =	ssyncset.done $0x0  }
0xa4: {  	s25 =	simm.s32 $0x1B8E;
	s24 =	sld [smem:$0x3FFE];
	[sflag:s23] =	ssyncadd.s32 $0xFFFFFFFF  }
0xa5: {  	s26 =	simm.s32 $execute0_lowered;
	[smem:$0x3FD2] =	sst s25  }
0xa6: {  	s4 =	sshll.u32 s26, $0x1;
	_ =	strace $0x80000046;
	[dreg:$0x1] =	wrdreg $0xFFFFFFFF  }
0xa7: {  	s28 =	simm.s32 $_size_execute0_lowered;
	s2 =	sadd.s32 s2, s4;
	[dreg:$0x0] =	wrdreg $0x0  }
0xa8: {  	s4 =	sshll.u32 s28, $0x1;
	[dreg:$0x2] =	wrdreg s2  }
0xa9: {  	[dreg:$0x3] =	wrdreg s4  }
0xaa: {  	[dreg:$0x4] =	wrdreg $0xC0  }
0xab: {  	_ =	task [dreg:s6], $0x5FFFF  }
0xac: {  	[dreg:$0x1] =	wrdreg $0xFFFFFFFF  }
0xad: {  	[dreg:$0x0] =	wrdreg $0x60  }
0xae: {  	[dreg:$0x2] =	wrdreg s24  }
0xaf: {  	[dreg:$0x3] =	wrdreg $0xA4000  }
0xb0: {  	[dreg:$0x4] =	wrdreg $0x9  }
0xb1: {  	_ =	task.clear_ibuf [dreg:s6], $0x5FFFF;
	_ =	strace $0x90000046  }
0xb2: {  	s29 =	simm.s32 $0x9;
	_ =	strace $0x80000048  }
0xb3: {  	_ =	swait.ge [sflag:s29], $0x1  }
0xb4: {  	[sflag:s29] =	ssyncadd.s32 $0xFFFFFFFF  }
0xb5: {  	_ =	strace $0x90000048  }
0xb6: {  	_ =	sfence  }
0xb7: {  	s30 =	sld [smem:$0x0];
	_ =	sdelay $0x2  }
0xb8: {  	s31 =	sshll.u32 s1, $0xD;
	s1 =	sshrl.u32 s1, $0x2  }
0xb9: {  	s3 =	sand.u32 $0x4000, s31;
	s1 =	sadd.s32 s1, s30  }
0xba: {  	s0 =	sor.u32 s3, s0;
	s1 =	sshll.u32 s1, $0x11  }
0xbb: {  	s0 =	sor.u32 s1, s0  }
0xbc: {  	s0 =	sadd.s32 $0x8F2B, s0  }
0xbd: {  	[sflag:s0] =	ssyncadd.remote.s32 $0x1  }
0xbe: {  	_ =	sfence.sel $0xFFFF  }
0xbf: {  	[dreg:$0x0] =	wrdreg $0xFFFFFFFF;
	(pc) =	sbr.abs _section_cstart, $3  }
0xc0: {  	[dreg:$0x1] =	wrdreg $0xFFFFFFFF  }
0xc1: {  	_ =	task.clear_ibuf [dreg:s6], $0x2FFFF;
	_ =	strace $0x9FFFFFFF  }
0xc2: {  	(tm) =	ssettm $0x7FFFFFFF  }
0xc3: {  	_ =	shalt  }
tec
execute0_lowered:
.L_overlay_start_1:
0x0: {  	(tag) =	ssettag $0x1  }
0x1: {  	s0 =	rddreg [dreg:$0x0]  }
0x2: {  	s1 =	rddreg [dreg:$0x1];
	s2 =	simm.s32 $0x0  }
0x3: {  	s3 =	srdreg.scid;
	s19 =	stileid.u32;
	s28 =	simm.s32 $0x280  }
0x4: {  	s29 =	simm.s32 $0x7C00;
	s30 =	simm.s32 $0x8;
	s31 =	simm.s32 $0x380  }
0x5: {  	s13 =	simm.s32 $0x2;
	s14 =	simm.s32 $0x5;
	s15 =	simm.s32 $0x80  }
0x6: {  	s16 =	simm.s32 $0x0;
	[smem:$0x7FF] =	sst s2;
	s4 =	sadd.s32 $0x41400, s0  }
0x7: {  	s3 =	sand.u32 $0x1, s3;
	s5 =	sadd.s32 $0x2C00, s0;
	s6 =	sadd.s32 $0x68600, s0  }
0x8: {  	s8 =	smul.u32 $0x13C00, s19;
	s9 =	sshll.u32 s19, $0x1;
	s10 =	sadd.s32 $0x54A600, s0  }
0x9: {  	s20 =	smul.u32 $0x4E200, s19;
	s2 =	sshll.u32 s19, $0x6;
	s19 =	simm.s32 $0x6  }
0xa: {  	_ =	strace $0x80000047;
	s7 =	smul.u32 $0x13C000, s3;
	[dreg:$0x3] =	wrdreg s10  }
0xb: {  	s9 =	sor.u32 s3, s9;
	s3 =	ssub.s32 $0x2, s3;
	[dreg:$0x4] =	wrdreg s2  }
0xc: {  	s2 =	sor.u32 $0x1C09, s2;
	s11 =	sshrl.u32 s3, $0x1;
	s21 =	sshrl.u32 s20, $0x2  }
0xd: {  	[dreg:$0x7] =	wrdreg s2;
	s7 =	sadd.s32 s8, s7;
	s8 =	smul.u32 $0xFA00, s9  }
0xe: {  	s9 =	smul.u32 $0x138800, s9;
	s3 =	ssub.s32 s3, s11;
	s7 =	sshrl.u32 s7, $0x3  }
0xf: {  	s20 =	simm.s32 $0x100;
	s26 =	smax.u32 s3, $0x1;
	s0 =	sadd.s32 s7, s0  }
0x10: {  	s7 =	sadd.s32 s21, s1;
	s22 =	sshrl.u32 s8, $0x3;
	s23 =	sshrl.u32 s9, $0x3  }
0x11: {  	[dreg:$0xb] =	wrdreg s26;
	s26 =	simm.s32 $0x7;
	s10 =	sadd.s32 s5, s22  }
0x12: {  	s21 =	simm.s32 $0x180;
	s11 =	sadd.s32 s6, s23;
	[dreg:$0x5] =	wrdreg s10  }
.Ltmp0:
0x13: {  	s0 =	sadd.s32 $0x54CE00, s0;
	[dreg:$0x6] =	wrdreg s11;
	(pc) =	sbr.rel .LBB2_1-.Ltmp0, $4  }
0x14: {  	s22 =	simm.s32 $0x1;
	s24 =	sadd.s32 $0x20, s10;
	[dreg:$0xa] =	wrdreg s0  }
0x15: {  	s23 =	simm.s32 $0x28;
	s25 =	sadd.s32 $0x280, s11;
	[dreg:$0x8] =	wrdreg s24  }
0x16: {  	s10 =	sshrl.u32 s7, $0x3;
	s0 =	simm.s32 $0x9000;
	[dreg:$0x9] =	wrdreg s25  }
0x17: {  	s7 =	simm.s32 $0x6800;
	s24 =	simm.s32 $0x5400;
	[dreg:$0xc] =	wrdreg s10  }
.LBB2_19:
0x18: {  	[bflag:$0x0] =	sbarrier.arrive $0xFFFF  }
0x19: {  	s2 =	rddreg [dreg:$0x4]  }
0x1a: {  	s3 =	rddreg [dreg:$0xa]  }
0x1b: {  	s18 =	simm.s32 $0xD;
	s10 =	rddreg [dreg:$0xc];
	s2 =	sor.u32 $0x1C0D, s2  }
0x1c: {  	[hbm:s3], [sflag:s2] =	dma.local [spmem:s10], $0x2710  }
0x1d: {  	_ =	swait.ge [sflag:s18], $0x2710  }
0x1e: {  	s16 =	sadd.s32 $0x1, s16;
	s25 =	rddreg [dreg:$0xb]  }
0x1f: {  	p0 =	sne.s32 s16, s25  }
.Ltmp1:
0x20: {  	_ = 	snop;
	(pc) =	sbr.rel @!p0 .LBB2_20-.Ltmp1, $3  }
0x21: {  	_ =	sdelay $0x1  }
0x22: {  	[sflag:s18] =	ssyncset.done $0x0  }
0x23: {  	[sflag:s18] =	ssyncadd.s32 $0xFFFFD8F0  }
.LBB2_1:
0x24: {  	s2 =	rddreg [dreg:$0x3]  }
0x25: {  	s3 =	rddreg [dreg:$0x7]  }
0x26: {  	[spmem:s10], [sflag:s3] =	dma.local [hbm:s2], $0x2710  }
0x27: {  	s25 =	simm.s32 $0x0;
	s3 =	rddreg [dreg:$0x5]  }
0x28: {  	[tilespmem:s25], [sflag:$0x1] =	stream.linear.gather [hbm4b:s3+s25], $0x100, $0x38;
	[tilespmem:$0x1DC80] =	vst v63  }
0x29: {  	s11 =	simm.s32 $0x400;
	s10 =	rddreg [dreg:$0x6]  }
0x2a: {  	[tilespmem:s11], [sflag:$0x1] =	stream.linear.gather [hbm4b:s10+s25], $0x1400, $0x38;
	[tilespmem:$0x1DC80] =	vst v63  }
0x2b: {  	s12 =	rddreg [dreg:$0x8]  }
0x2c: {  	[tilespmem:s20], [sflag:$0x2] =	stream.linear.gather [hbm4b:s12+s25], $0x100, $0x38;
	[tilespmem:$0x1DC80] =	vst v63  }
0x2d: {  	s18 =	simm.s32 $0x1800;
	s17 =	rddreg [dreg:$0x9]  }
0x2e: {  	[tilespmem:s18], [sflag:$0x2] =	stream.linear.gather [hbm4b:s17+s25], $0x1400, $0x38;
	[tilespmem:$0x1DC80] =	vst v63  }
0x2f: {  	_ =	swait.ge [sflag:s22], $0x100  }
0x30: {  	[sflag:s22] =	ssyncset.done $0x0  }
0x31: {  	[sflag:s22] =	ssyncadd.s32 $0xFFFFFF00  }
0x32: {  	_ =	swait.ge [sflag:s22], $0x1400  }
0x33: {  	[sflag:s22] =	ssyncset.done $0x0  }
0x34: {  	[sflag:s22] =	ssyncadd.s32 $0xFFFFEC00  }
0x35: {  	[tilespmem:s24], [sflag:$0x5] =	stream.indirect.gather [hbm4b:s4+s23], $0x80, s25, s23, $0xb8;
	[tilespmem:$0x1DC80] =	vst v63  }
0x36: {  	s25 =	simm.s32 $0x9  }
.Ltmp2:
0x37: {  	_ =	swait.ge [sflag:s25], $0x2710;
	(pc) =	sbr.rel .LBB2_2-.Ltmp2, $4  }
0x38: {  	[sflag:s25] =	ssyncset.done $0x0  }
0x39: {  	[sflag:s25] =	ssyncadd.s32 $0xFFFFD8F0  }
0x3a: {  	[bflag:$0x0] =	sbarrier.arrive $0xFFFF  }
0x3b: {  	s17 =	simm.s32 $0x0  }
.LBB2_18:
0x3c: {  	s17 =	sadd.s32 $0x1, s17  }
0x3d: {  	p0 =	sne.s32 s17, $0x40  }
.Ltmp3:
0x3e: {  	_ = 	snop;
	(pc) =	sbr.rel @!p0 .LBB2_19-.Ltmp3, $1  }
0x3f: {  	_ =	sdelay $0x3  }
.LBB2_2:
0x40: {  	s10 =	sshll.u32 s17, $0x2  }
0x41: {  	s3 =	sadd.s32 $0xFFFFFFFC, s10  }
0x42: {  	s12 =	sor.u32 $0x2, s10;
	p0 =	sgt.u32 s3, $0xF9  }
0x43: {  	p1 =	sgt.u32 s12, $0xF9;
	s3 =	simm.s32 @!p0 $0xA  }
0x44: {  	s11 =	sshll.u32 @!p1 s12, $0x8;
	_ =	swait.ge @!p0 [sflag:s3], $0x1400  }
0x45: {  	s18 =	simm.s32 @!p1 $0x0;
	s11 =	sadd.s32 @!p1 s8, s11;
	[sflag:s3] =	ssyncset.done @!p0 $0x0  }
0x46: {  	s12 =	smul.u32 @!p1 $0x1400, s12;
	s11 =	sshrl.u32 @!p1 s11, $0x3;
	[sflag:s3] =	ssyncadd.s32 @!p0 $0xFFFFEC00  }
0x47: {  	s3 =	sadd.s32 @!p1 s5, s11;
	s11 =	simm.s32 @!p1 $0x200;
	p0 =	seq.s32 s17, $0x3F  }
0x48: {  	[tilespmem:s11], [sflag:$0x3] =	stream.linear.gather @!p1 [hbm4b:s3+s18], $0x100, $0x38;
	[tilespmem:$0x1DC80] =	vst v63  }
.Ltmp4:
0x49: {  	_ = 	snop;
	(pc) =	sbr.rel @p0 .LBB2_6-.Ltmp4, $4  }
0x4a: {  	s3 =	sadd.s32 @!p1 s9, s12  }
0x4b: {  	p2 =	por $0x0, $0x0;
	s3 =	sshrl.u32 @!p1 s3, $0x3  }
0x4c: {  	p3 =	por $0x0, $0x0;
	s12 =	simm.s32 @!p1 $0x2C00;
	s3 =	sadd.s32 @!p1 s6, s3  }
0x4d: {  	[tilespmem:s12], [sflag:$0x3] =	stream.linear.gather @!p1 [hbm4b:s3+s18], $0x1400, $0x38;
	[tilespmem:$0x1DC80] =	vst v63  }
0x4e: {  	_ =	swait.ge [sflag:s13], $0x100  }
0x4f: {  	[sflag:s13] =	ssyncset.done $0x0  }
0x50: {  	[sflag:s13] =	ssyncadd.s32 $0xFFFFFF00  }
0x51: {  	_ =	swait.ge [sflag:s13], $0x1400  }
0x52: {  	[sflag:s13] =	ssyncset.done $0x0  }
0x53: {  	[sflag:s13] =	ssyncadd.s32 $0xFFFFEC00  }
0x54: {  	[tilespmem:s7], [sflag:$0x6] =	stream.indirect.gather [hbm4b:s4+s23], $0x80, s20, s23, $0xb8;
	[tilespmem:$0x1DC80] =	vst v63  }
0x55: {  	_ =	swait.ge [sflag:s14], $0x1400  }
0x56: {  	[sflag:s14] =	ssyncset.done $0x0  }
0x57: {  	s3 =	simm.s32 $0x500;
	[sflag:s14] =	ssyncadd.s32 $0xFFFFEC00  }
0x58: {  	s12 =	simm.s32 $0x5500;
	v4 =	vld [tilespmem:s3+$0x80]  }
0x59: {  	v8 =	vld [tilespmem:s12+$0xF0]  }
0x5a: {  	v5 =	vld [tilespmem:s12+$0xFFFFFF00]  }
0x5b: {  	v6 =	vld [tilespmem:s12+$0xFFFFFF10]  }
0x5c: {  	v7 =	vld [tilespmem:s12+$0xFFFFFF20]  }
0x5d: {  	v2 =	vld [tilespmem:s12+$0xFFFFFF30]  }
0x5e: {  	v1 =	vld [tilespmem:s12+$0xFFFFFF40]  }
0x5f: {  	v0 =	vld [tilespmem:s12+$0xFFFFFF50]  }
0x60: {  	v9 =	vld [tilespmem:s3+$0xFFFFFF80]  }
0x61: {  	v3 =	vld [tilespmem:s12+$0xFFFFFF80]  }
0x62: {  	v10 =	vld [tilespmem:s12+$0xFFFFFF90]  }
0x63: {  	v11 =	vld [tilespmem:s12+$0xFFFFFFA0]  }
0x64: {  	v12 =	vld [tilespmem:s12+$0xFFFFFFB0]  }
0x65: {  	v13 =	vld [tilespmem:s12+$0xFFFFFFC0]  }
0x66: {  	v15 =	vld [tilespmem:s12+$0xFFFFFFD0]  }
0x67: {  	v16 =	vld [tilespmem:s12+$0xFFFFFFE0]  }
0x68: {  	v17 =	vld [tilespmem:s3+$0x0];
	v14 =	vmul.f32 v3, v9  }
0x69: {  	v18 =	vld [tilespmem:s12+$0xA0];
	v8 =	vmul.f32 v8, v4  }
0x6a: {  	v3 =	vld [tilespmem:s12+$0xFFFFFF60];
	v10 =	vmul.f32 v10, v9;
	[tilespmem:s12+$0xFFFFFF80] =	vst v14  }
0x6b: {  	[tilespmem:s12+$0xF0] =	vst v8;
	v8 =	vmul.f32 v11, v9;
	v11 =	vld [tilespmem:s12+$0x0]  }
0x6c: {  	v14 =	vld [tilespmem:s12+$0xFFFFFFF0];
	[tilespmem:s12+$0xFFFFFF90] =	vst v10;
	v10 =	vmul.f32 v12, v9  }
0x6d: {  	v12 =	vld [tilespmem:s12+$0x10];
	[tilespmem:s12+$0xFFFFFFA0] =	vst v8;
	v8 =	vmul.f32 v13, v9  }
0x6e: {  	v13 =	vld [tilespmem:s12+$0x20];
	[tilespmem:s12+$0xFFFFFFB0] =	vst v10;
	v10 =	vmul.f32 v15, v9  }
0x6f: {  	v15 =	vld [tilespmem:s12+$0x30];
	[tilespmem:s12+$0xFFFFFFC0] =	vst v8;
	v8 =	vmul.f32 v16, v9  }
0x70: {  	v16 =	vld [tilespmem:s12+$0x40];
	[tilespmem:s12+$0xFFFFFFD0] =	vst v10;
	v10 =	vmul.f32 v11, v17  }
0x71: {  	v11 =	vld [tilespmem:s12+$0x50];
	v9 =	vmul.f32 v14, v9;
	[tilespmem:s12+$0xFFFFFFE0] =	vst v8  }
0x72: {  	v14 =	vld [tilespmem:s12+$0x60];
	[tilespmem:s12+$0x0] =	vst v10;
	v10 =	vmul.f32 v12, v17  }
0x73: {  	[tilespmem:s12+$0xFFFFFFF0] =	vst v9;
	v9 =	vmul.f32 v13, v17;
	v12 =	vld [tilespmem:s12+$0x70]  }
0x74: {  	[tilespmem:s12+$0x10] =	vst v10;
	v10 =	vmul.f32 v15, v17;
	v15 =	vld [tilespmem:s12+$0x80]  }
0x75: {  	[tilespmem:s12+$0x20] =	vst v9;
	v9 =	vmul.f32 v16, v17;
	v16 =	vld [tilespmem:s12+$0x90]  }
0x76: {  	v8 =	vld [tilespmem:s12+$0xFFFFFF70];
	[tilespmem:s12+$0x30] =	vst v10;
	v10 =	vmul.f32 v11, v17  }
0x77: {  	v13 =	vld [tilespmem:s12+$0xB0];
	[tilespmem:s12+$0x40] =	vst v9;
	v9 =	vmul.f32 v14, v17  }
0x78: {  	v12 =	vmul.f32 v12, v17;
	[tilespmem:s12+$0x50] =	vst v10;
	v10 =	vld [tilespmem:s12+$0xC0]  }
0x79: {  	v11 =	vld [tilespmem:s12+$0xD0];
	[tilespmem:s12+$0x60] =	vst v9;
	v15 =	vmul.f32 v15, v4  }
0x7a: {  	[tilespmem:s12+$0x70] =	vst v12;
	v12 =	vld [tilespmem:s12+$0xE0];
	v14 =	vmul.f32 v16, v4  }
0x7b: {  	s25 =	simm.s32 $0x0;
	s18 =	simm.s32 $0x5500;
	v9 =	vld [tilespmem:s3+$0xFFFFFF00];
	s3 =	simm.s32 $0x700;
	[tilespmem:s12+$0x80] =	vst v15;
	v15 =	vmul.f32 v18, v4  }
.LBB2_4:
0x7c: {  	v16 =	vld [tilespmem:s3+$0x80];
	[tilespmem:s12+$0x90] =	vst v14;
	v13 =	vmul.f32 v13, v4;
	s18 =	sadd.s32 $0x200, s18  }
0x7d: {  	s25 =	sadd.s32 $0x4, s25;
	v14 =	vld [tilespmem:s18+$0xF0];
	[tilespmem:s12+$0xA0] =	vst v15;
	v10 =	vmul.f32 v10, v4  }
0x7e: {  	p2 =	slt.u32 s25, $0x24;
	v15 =	vld [tilespmem:s18+$0xFFFFFF00];
	[tilespmem:s12+$0xB0] =	vst v13;
	v11 =	vmul.f32 v11, v4  }
0x7f: {  	v13 =	vld [tilespmem:s18+$0xFFFFFF10];
	[tilespmem:s12+$0xC0] =	vst v10;
	v12 =	vmul.f32 v12, v4  }
0x80: {  	v10 =	vld [tilespmem:s18+$0xFFFFFF20];
	v18 =	vmul.f32 v5, v9;
	v6 =	vmul.f32 v6, v9;
	[tilespmem:s12+$0xD0] =	vst v11  }
0x81: {  	v7 =	vmul.f32 v7, v9;
	v11 =	vmul.f32 v2, v9;
	v2 =	vld [tilespmem:s18+$0xFFFFFF30];
	[tilespmem:s12+$0xE0] =	vst v12;
	v4 =	vmov v16  }
0x82: {  	v12 =	vmul.f32 v14, v4;
	[tilespmem:s12+$0xFFFFFF00] =	vst v18;
	v14 =	vmul.f32 v1, v9;
	v1 =	vld [tilespmem:s18+$0xFFFFFF40]  }
0x83: {  	v17 =	vmul.f32 v3, v9;
	v16 =	vmul.f32 v0, v9;
	[tilespmem:s12+$0xFFFFFF10] =	vst v6;
	v0 =	vld [tilespmem:s18+$0xFFFFFF50];
	v5 =	vmov v15  }
0x84: {  	v9 =	vmul.f32 v8, v9;
	v3 =	vld [tilespmem:s18+$0xFFFFFF60];
	[tilespmem:s18+$0xF0] =	vst v12;
	v6 =	vmov v13  }
0x85: {  	v8 =	vld [tilespmem:s18+$0xFFFFFF70];
	[tilespmem:s12+$0xFFFFFF20] =	vst v7;
	v7 =	vmov v10  }
0x86: {  	v10 =	vld [tilespmem:s3+$0xFFFFFF80];
	[tilespmem:s12+$0xFFFFFF30] =	vst v11  }
0x87: {  	v11 =	vld [tilespmem:s18+$0xFFFFFF80];
	[tilespmem:s12+$0xFFFFFF40] =	vst v14  }
0x88: {  	v12 =	vld [tilespmem:s18+$0xFFFFFF90];
	[tilespmem:s12+$0xFFFFFF50] =	vst v16  }
0x89: {  	v13 =	vld [tilespmem:s18+$0xFFFFFFA0];
	[tilespmem:s12+$0xFFFFFF60] =	vst v17  }
0x8a: {  	v14 =	vld [tilespmem:s18+$0xFFFFFFB0];
	[tilespmem:s12+$0xFFFFFF70] =	vst v9;
	s12 =	smov.u32 s18  }
0x8b: {  	v9 =	vld [tilespmem:s18+$0xFFFFFFC0]  }
0x8c: {  	v11 =	vmul.f32 v11, v10;
	v15 =	vld [tilespmem:s18+$0xFFFFFFD0]  }
0x8d: {  	v12 =	vmul.f32 v12, v10;
	v16 =	vld [tilespmem:s18+$0xFFFFFFE0]  }
0x8e: {  	[tilespmem:s18+$0xFFFFFF80] =	vst v11;
	v11 =	vmul.f32 v13, v10;
	v13 =	vld [tilespmem:s18+$0xFFFFFFF0]  }
0x8f: {  	[tilespmem:s18+$0xFFFFFF90] =	vst v12;
	v12 =	vmul.f32 v14, v10;
	v14 =	vld [tilespmem:s3+$0x0]  }
0x90: {  	[tilespmem:s18+$0xFFFFFFA0] =	vst v11;
	v9 =	vmul.f32 v9, v10;
	v11 =	vld [tilespmem:s18+$0x0]  }
0x91: {  	[tilespmem:s18+$0xFFFFFFB0] =	vst v12;
	v12 =	vmul.f32 v15, v10;
	v15 =	vld [tilespmem:s18+$0x10]  }
0x92: {  	[tilespmem:s18+$0xFFFFFFC0] =	vst v9;
	v9 =	vmul.f32 v16, v10;
	v16 =	vld [tilespmem:s18+$0x20]  }
0x93: {  	[tilespmem:s18+$0xFFFFFFD0] =	vst v12;
	v10 =	vmul.f32 v13, v10;
	v12 =	vld [tilespmem:s18+$0x30]  }
0x94: {  	[tilespmem:s18+$0xFFFFFFE0] =	vst v9;
	v9 =	vld [tilespmem:s18+$0x40]  }
0x95: {  	[tilespmem:s18+$0xFFFFFFF0] =	vst v10;
	v10 =	vmul.f32 v11, v14;
	v11 =	vld [tilespmem:s18+$0x50]  }
0x96: {  	v13 =	vmul.f32 v15, v14;
	v15 =	vld [tilespmem:s18+$0x60]  }
0x97: {  	[tilespmem:s18+$0x0] =	vst v10;
	v10 =	vmul.f32 v16, v14;
	v16 =	vld [tilespmem:s18+$0x70]  }
0x98: {  	[tilespmem:s18+$0x10] =	vst v13;
	v12 =	vmul.f32 v12, v14;
	v17 =	vld [tilespmem:s18+$0x80]  }
0x99: {  	[tilespmem:s18+$0x20] =	vst v10;
	v9 =	vmul.f32 v9, v14;
	v18 =	vld [tilespmem:s18+$0x90]  }
0x9a: {  	[tilespmem:s18+$0x30] =	vst v12;
	v10 =	vmul.f32 v11, v14;
	v19 =	vld [tilespmem:s18+$0xA0]  }
.Ltmp5:
0x9b: {  	[tilespmem:s18+$0x40] =	vst v9;
	v9 =	vmul.f32 v15, v14;
	v13 =	vld [tilespmem:s18+$0xB0];
	(pc) =	sbr.rel @p2 .LBB2_4-.Ltmp5, $4  }
0x9c: {  	[tilespmem:s18+$0x50] =	vst v10;
	v12 =	vmul.f32 v16, v14;
	v10 =	vld [tilespmem:s18+$0xC0]  }
0x9d: {  	[tilespmem:s18+$0x60] =	vst v9;
	v15 =	vmul.f32 v17, v4;
	v11 =	vld [tilespmem:s18+$0xD0]  }
0x9e: {  	[tilespmem:s18+$0x70] =	vst v12;
	v14 =	vmul.f32 v18, v4;
	v12 =	vld [tilespmem:s18+$0xE0]  }
0x9f: {  	v9 =	vld [tilespmem:s3+$0xFFFFFF00];
	[tilespmem:s18+$0x80] =	vst v15;
	v15 =	vmul.f32 v19, v4;
	s3 =	sadd.s32 $0x200, s3  }
0xa0: {  	[tilespmem:s12+$0x90] =	vst v14;
	v13 =	vmul.f32 v13, v4  }
0xa1: {  	[tilespmem:s12+$0xA0] =	vst v15;
	v10 =	vmul.f32 v10, v4  }
0xa2: {  	[tilespmem:s12+$0xB0] =	vst v13;
	v11 =	vmul.f32 v11, v4  }
0xa3: {  	[tilespmem:s12+$0xC0] =	vst v10;
	v60 =	vmul.f32 v12, v4  }
0xa4: {  	v5 =	vmul.f32 v5, v9;
	[tilespmem:s12+$0xD0] =	vst v11  }
0xa5: {  	v6 =	vmul.f32 v6, v9;
	[tilespmem:s12+$0xE0] =	vst v60  }
0xa6: {  	v61 =	vmul.f32 v7, v9;
	[tilespmem:s12+$0xFFFFFF00] =	vst v5  }
0xa7: {  	v2 =	vmul.f32 v2, v9;
	[tilespmem:s12+$0xFFFFFF10] =	vst v6  }
0xa8: {  	v1 =	vmul.f32 v1, v9;
	[tilespmem:s12+$0xFFFFFF20] =	vst v61  }
0xa9: {  	v0 =	vmul.f32 v0, v9;
	[tilespmem:s12+$0xFFFFFF30] =	vst v2  }
0xaa: {  	v62 =	vmul.f32 v3, v9;
	[tilespmem:s12+$0xFFFFFF40] =	vst v1  }
0xab: {  	v63 =	vmul.f32 v8, v9;
	[tilespmem:s12+$0xFFFFFF50] =	vst v0  }
0xac: {  	[tilespmem:s12+$0xFFFFFF60] =	vst v62  }
0xad: {  	s3 =	sadd.s32 $0xFFFFFFFE, s10;
	[tilespmem:s12+$0xFFFFFF70] =	vst v63;
	s12 =	sor.u32 $0x3, s10  }
0xae: {  	[spmem:s1] =	stream.indirect.scatter.add.f32 [tilespmem:s24], [sflag:$0x9], $0x80, s15, s23, $0xb8;
	[tilespmem:$0x1DC80] =	vst v63  }
0xaf: {  	p2 =	sgt.u32 s3, $0xF9;
	p4 =	sgt.u32 s12, $0xF9  }
0xb0: {  	s18 =	simm.s32 @!p2 $0xB;
	s25 =	sshll.u32 @!p4 s12, $0x8  }
0xb1: {  	_ =	swait.ge @!p2 [sflag:s18], $0x1400;
	s2 =	simm.s32 @!p4 $0x300;
	s25 =	sadd.s32 @!p4 s8, s25  }
0xb2: {  	s12 =	smul.u32 @!p4 $0x1400, s12;
	[sflag:s18] =	ssyncset.done @!p2 $0x0;
	s25 =	sshrl.u32 @!p4 s25, $0x3  }
0xb3: {  	[sflag:s18] =	ssyncadd.s32 @!p2 $0xFFFFEC00;
	s18 =	sadd.s32 @!p4 s5, s25;
	s25 =	simm.s32 @!p4 $0x0  }
0xb4: {  	[tilespmem:s2], [sflag:$0x4] =	stream.linear.gather @!p4 [hbm4b:s18+s25], $0x100, $0x38;
	[tilespmem:$0x1DC80] =	vst v63  }
0xb5: {  	p3 =	slt.u32 s3, $0xFA;
	s2 =	sadd.s32 @!p4 s9, s12  }
0xb6: {  	p5 =	por @!p4 $0x1, $0x1;
	p2 =	por $0x0, $0x0;
	s2 =	sshrl.u32 @!p4 s2, $0x3  }
0xb7: {  	p2 =	por @!p4 p5, p5;
	s12 =	simm.s32 @!p4 $0x4000;
	s2 =	sadd.s32 @!p4 s6, s2  }
0xb8: {  	[tilespmem:s12], [sflag:$0x4] =	stream.linear.gather @!p4 [hbm4b:s2+s25], $0x1400, $0x38;
	[tilespmem:$0x1DC80] =	vst v63  }
.LBB2_6:
0xb9: {  	s2 =	simm.s32 @!p1 $0x3  }
0xba: {  	_ =	swait.ge @!p1 [sflag:s2], $0x100  }
0xbb: {  	[sflag:s2] =	ssyncset.done @!p1 $0x0  }
.Ltmp6:
0xbc: {  	[sflag:s2] =	ssyncadd.s32 @!p1 $0xFFFFFF00;
	(pc) =	sbr.rel @p0 .LBB2_10-.Ltmp6, $4  }
0xbd: {  	_ =	swait.ge @!p1 [sflag:s2], $0x1400  }
0xbe: {  	[sflag:s2] =	ssyncset.done @!p1 $0x0  }
0xbf: {  	s3 =	simm.s32 @!p1 $0x7C00;
	[sflag:s2] =	ssyncadd.s32 @!p1 $0xFFFFEC00;
	s2 =	simm.s32 @!p1 $0x28  }
0xc0: {  	[tilespmem:s3], [sflag:$0x7] =	stream.indirect.gather @!p1 [hbm4b:s4+s2], $0x80, s11, s2, $0xb8;
	[tilespmem:$0x1DC80] =	vst v63  }
0xc1: {  	_ =	swait.ge [sflag:s19], $0x1400  }
0xc2: {  	[sflag:s19] =	ssyncset.done $0x0  }
0xc3: {  	s3 =	simm.s32 $0x1900;
	[sflag:s19] =	ssyncadd.s32 $0xFFFFEC00  }
0xc4: {  	s11 =	simm.s32 $0x6900;
	v4 =	vld [tilespmem:s3+$0x80]  }
0xc5: {  	v8 =	vld [tilespmem:s11+$0xF0]  }
0xc6: {  	v5 =	vld [tilespmem:s11+$0xFFFFFF00]  }
0xc7: {  	v6 =	vld [tilespmem:s11+$0xFFFFFF10]  }
0xc8: {  	v7 =	vld [tilespmem:s11+$0xFFFFFF20]  }
0xc9: {  	v2 =	vld [tilespmem:s11+$0xFFFFFF30]  }
0xca: {  	v1 =	vld [tilespmem:s11+$0xFFFFFF40]  }
0xcb: {  	v0 =	vld [tilespmem:s11+$0xFFFFFF50]  }
0xcc: {  	v9 =	vld [tilespmem:s3+$0xFFFFFF80]  }
0xcd: {  	v3 =	vld [tilespmem:s11+$0xFFFFFF80]  }
0xce: {  	v10 =	vld [tilespmem:s11+$0xFFFFFF90]  }
0xcf: {  	v11 =	vld [tilespmem:s11+$0xFFFFFFA0]  }
0xd0: {  	v12 =	vld [tilespmem:s11+$0xFFFFFFB0]  }
0xd1: {  	v13 =	vld [tilespmem:s11+$0xFFFFFFC0]  }
0xd2: {  	v15 =	vld [tilespmem:s11+$0xFFFFFFD0]  }
0xd3: {  	v16 =	vld [tilespmem:s11+$0xFFFFFFE0]  }
0xd4: {  	v17 =	vld [tilespmem:s3+$0x0];
	v14 =	vmul.f32 v3, v9  }
0xd5: {  	v18 =	vld [tilespmem:s11+$0xA0];
	v8 =	vmul.f32 v8, v4  }
0xd6: {  	v3 =	vld [tilespmem:s11+$0xFFFFFF60];
	v10 =	vmul.f32 v10, v9;
	[tilespmem:s11+$0xFFFFFF80] =	vst v14  }
0xd7: {  	[tilespmem:s11+$0xF0] =	vst v8;
	v8 =	vmul.f32 v11, v9;
	v11 =	vld [tilespmem:s11+$0x0]  }
0xd8: {  	v14 =	vld [tilespmem:s11+$0xFFFFFFF0];
	[tilespmem:s11+$0xFFFFFF90] =	vst v10;
	v10 =	vmul.f32 v12, v9  }
0xd9: {  	v12 =	vld [tilespmem:s11+$0x10];
	[tilespmem:s11+$0xFFFFFFA0] =	vst v8;
	v8 =	vmul.f32 v13, v9  }
0xda: {  	v13 =	vld [tilespmem:s11+$0x20];
	[tilespmem:s11+$0xFFFFFFB0] =	vst v10;
	v10 =	vmul.f32 v15, v9  }
0xdb: {  	v15 =	vld [tilespmem:s11+$0x30];
	[tilespmem:s11+$0xFFFFFFC0] =	vst v8;
	v8 =	vmul.f32 v16, v9  }
0xdc: {  	v16 =	vld [tilespmem:s11+$0x40];
	[tilespmem:s11+$0xFFFFFFD0] =	vst v10;
	v10 =	vmul.f32 v11, v17  }
0xdd: {  	v11 =	vld [tilespmem:s11+$0x50];
	v9 =	vmul.f32 v14, v9;
	[tilespmem:s11+$0xFFFFFFE0] =	vst v8  }
0xde: {  	v14 =	vld [tilespmem:s11+$0x60];
	[tilespmem:s11+$0x0] =	vst v10;
	v10 =	vmul.f32 v12, v17  }
0xdf: {  	[tilespmem:s11+$0xFFFFFFF0] =	vst v9;
	v9 =	vmul.f32 v13, v17;
	v12 =	vld [tilespmem:s11+$0x70]  }
0xe0: {  	[tilespmem:s11+$0x10] =	vst v10;
	v10 =	vmul.f32 v15, v17;
	v15 =	vld [tilespmem:s11+$0x80]  }
0xe1: {  	[tilespmem:s11+$0x20] =	vst v9;
	v9 =	vmul.f32 v16, v17;
	v16 =	vld [tilespmem:s11+$0x90]  }
0xe2: {  	v8 =	vld [tilespmem:s11+$0xFFFFFF70];
	[tilespmem:s11+$0x30] =	vst v10;
	v10 =	vmul.f32 v11, v17  }
0xe3: {  	v13 =	vld [tilespmem:s11+$0xB0];
	[tilespmem:s11+$0x40] =	vst v9;
	v9 =	vmul.f32 v14, v17  }
0xe4: {  	v12 =	vmul.f32 v12, v17;
	[tilespmem:s11+$0x50] =	vst v10;
	v10 =	vld [tilespmem:s11+$0xC0]  }
0xe5: {  	v11 =	vld [tilespmem:s11+$0xD0];
	[tilespmem:s11+$0x60] =	vst v9;
	v15 =	vmul.f32 v15, v4  }
0xe6: {  	[tilespmem:s11+$0x70] =	vst v12;
	v12 =	vld [tilespmem:s11+$0xE0];
	v14 =	vmul.f32 v16, v4  }
0xe7: {  	s12 =	simm.s32 $0x0;
	s18 =	simm.s32 $0x6900;
	v9 =	vld [tilespmem:s3+$0xFFFFFF00];
	s3 =	simm.s32 $0x1B00;
	[tilespmem:s11+$0x80] =	vst v15;
	v15 =	vmul.f32 v18, v4  }
.LBB2_8:
0xe8: {  	v16 =	vld [tilespmem:s3+$0x80];
	[tilespmem:s11+$0x90] =	vst v14;
	v13 =	vmul.f32 v13, v4;
	s18 =	sadd.s32 $0x200, s18  }
0xe9: {  	s12 =	sadd.s32 $0x4, s12;
	v14 =	vld [tilespmem:s18+$0xF0];
	[tilespmem:s11+$0xA0] =	vst v15;
	v10 =	vmul.f32 v10, v4  }
0xea: {  	p4 =	slt.u32 s12, $0x24;
	v15 =	vld [tilespmem:s18+$0xFFFFFF00];
	[tilespmem:s11+$0xB0] =	vst v13;
	v11 =	vmul.f32 v11, v4  }
0xeb: {  	v13 =	vld [tilespmem:s18+$0xFFFFFF10];
	[tilespmem:s11+$0xC0] =	vst v10;
	v12 =	vmul.f32 v12, v4  }
0xec: {  	v10 =	vld [tilespmem:s18+$0xFFFFFF20];
	v18 =	vmul.f32 v5, v9;
	v6 =	vmul.f32 v6, v9;
	[tilespmem:s11+$0xD0] =	vst v11  }
0xed: {  	v7 =	vmul.f32 v7, v9;
	v11 =	vmul.f32 v2, v9;
	v2 =	vld [tilespmem:s18+$0xFFFFFF30];
	[tilespmem:s11+$0xE0] =	vst v12;
	v4 =	vmov v16  }
0xee: {  	v12 =	vmul.f32 v14, v4;
	[tilespmem:s11+$0xFFFFFF00] =	vst v18;
	v14 =	vmul.f32 v1, v9;
	v1 =	vld [tilespmem:s18+$0xFFFFFF40]  }
0xef: {  	v17 =	vmul.f32 v3, v9;
	v16 =	vmul.f32 v0, v9;
	[tilespmem:s11+$0xFFFFFF10] =	vst v6;
	v0 =	vld [tilespmem:s18+$0xFFFFFF50];
	v5 =	vmov v15  }
0xf0: {  	v9 =	vmul.f32 v8, v9;
	v3 =	vld [tilespmem:s18+$0xFFFFFF60];
	[tilespmem:s18+$0xF0] =	vst v12;
	v6 =	vmov v13  }
0xf1: {  	v8 =	vld [tilespmem:s18+$0xFFFFFF70];
	[tilespmem:s11+$0xFFFFFF20] =	vst v7;
	v7 =	vmov v10  }
0xf2: {  	v10 =	vld [tilespmem:s3+$0xFFFFFF80];
	[tilespmem:s11+$0xFFFFFF30] =	vst v11  }
0xf3: {  	v11 =	vld [tilespmem:s18+$0xFFFFFF80];
	[tilespmem:s11+$0xFFFFFF40] =	vst v14  }
0xf4: {  	v12 =	vld [tilespmem:s18+$0xFFFFFF90];
	[tilespmem:s11+$0xFFFFFF50] =	vst v16  }
0xf5: {  	v13 =	vld [tilespmem:s18+$0xFFFFFFA0];
	[tilespmem:s11+$0xFFFFFF60] =	vst v17  }
0xf6: {  	v14 =	vld [tilespmem:s18+$0xFFFFFFB0];
	[tilespmem:s11+$0xFFFFFF70] =	vst v9;
	s11 =	smov.u32 s18  }
0xf7: {  	v9 =	vld [tilespmem:s18+$0xFFFFFFC0]  }
0xf8: {  	v11 =	vmul.f32 v11, v10;
	v15 =	vld [tilespmem:s18+$0xFFFFFFD0]  }
0xf9: {  	v12 =	vmul.f32 v12, v10;
	v16 =	vld [tilespmem:s18+$0xFFFFFFE0]  }
0xfa: {  	[tilespmem:s18+$0xFFFFFF80] =	vst v11;
	v11 =	vmul.f32 v13, v10;
	v13 =	vld [tilespmem:s18+$0xFFFFFFF0]  }
0xfb: {  	[tilespmem:s18+$0xFFFFFF90] =	vst v12;
	v12 =	vmul.f32 v14, v10;
	v14 =	vld [tilespmem:s3+$0x0]  }
0xfc: {  	[tilespmem:s18+$0xFFFFFFA0] =	vst v11;
	v9 =	vmul.f32 v9, v10;
	v11 =	vld [tilespmem:s18+$0x0]  }
0xfd: {  	[tilespmem:s18+$0xFFFFFFB0] =	vst v12;
	v12 =	vmul.f32 v15, v10;
	v15 =	vld [tilespmem:s18+$0x10]  }
0xfe: {  	[tilespmem:s18+$0xFFFFFFC0] =	vst v9;
	v9 =	vmul.f32 v16, v10;
	v16 =	vld [tilespmem:s18+$0x20]  }
0xff: {  	[tilespmem:s18+$0xFFFFFFD0] =	vst v12;
	v10 =	vmul.f32 v13, v10;
	v12 =	vld [tilespmem:s18+$0x30]  }
0x100: {  	[tilespmem:s18+$0xFFFFFFE0] =	vst v9;
	v9 =	vld [tilespmem:s18+$0x40]  }
0x101: {  	[tilespmem:s18+$0xFFFFFFF0] =	vst v10;
	v10 =	vmul.f32 v11, v14;
	v11 =	vld [tilespmem:s18+$0x50]  }
0x102: {  	v13 =	vmul.f32 v15, v14;
	v15 =	vld [tilespmem:s18+$0x60]  }
0x103: {  	[tilespmem:s18+$0x0] =	vst v10;
	v10 =	vmul.f32 v16, v14;
	v16 =	vld [tilespmem:s18+$0x70]  }
0x104: {  	[tilespmem:s18+$0x10] =	vst v13;
	v12 =	vmul.f32 v12, v14;
	v17 =	vld [tilespmem:s18+$0x80]  }
0x105: {  	[tilespmem:s18+$0x20] =	vst v10;
	v9 =	vmul.f32 v9, v14;
	v18 =	vld [tilespmem:s18+$0x90]  }
0x106: {  	[tilespmem:s18+$0x30] =	vst v12;
	v10 =	vmul.f32 v11, v14;
	v19 =	vld [tilespmem:s18+$0xA0]  }
.Ltmp7:
0x107: {  	[tilespmem:s18+$0x40] =	vst v9;
	v9 =	vmul.f32 v15, v14;
	v13 =	vld [tilespmem:s18+$0xB0];
	(pc) =	sbr.rel @p4 .LBB2_8-.Ltmp7, $4  }
0x108: {  	[tilespmem:s18+$0x50] =	vst v10;
	v12 =	vmul.f32 v16, v14;
	v10 =	vld [tilespmem:s18+$0xC0]  }
0x109: {  	[tilespmem:s18+$0x60] =	vst v9;
	v15 =	vmul.f32 v17, v4;
	v11 =	vld [tilespmem:s18+$0xD0]  }
0x10a: {  	[tilespmem:s18+$0x70] =	vst v12;
	v14 =	vmul.f32 v18, v4;
	v12 =	vld [tilespmem:s18+$0xE0]  }
0x10b: {  	v9 =	vld [tilespmem:s3+$0xFFFFFF00];
	[tilespmem:s18+$0x80] =	vst v15;
	v15 =	vmul.f32 v19, v4;
	s3 =	sadd.s32 $0x200, s3  }
0x10c: {  	[tilespmem:s11+$0x90] =	vst v14;
	v13 =	vmul.f32 v13, v4  }
0x10d: {  	[tilespmem:s11+$0xA0] =	vst v15;
	v10 =	vmul.f32 v10, v4  }
0x10e: {  	[tilespmem:s11+$0xB0] =	vst v13;
	v11 =	vmul.f32 v11, v4  }
0x10f: {  	[tilespmem:s11+$0xC0] =	vst v10;
	v60 =	vmul.f32 v12, v4  }
0x110: {  	v5 =	vmul.f32 v5, v9;
	[tilespmem:s11+$0xD0] =	vst v11  }
0x111: {  	v6 =	vmul.f32 v6, v9;
	[tilespmem:s11+$0xE0] =	vst v60  }
0x112: {  	v61 =	vmul.f32 v7, v9;
	[tilespmem:s11+$0xFFFFFF00] =	vst v5  }
0x113: {  	v2 =	vmul.f32 v2, v9;
	[tilespmem:s11+$0xFFFFFF10] =	vst v6  }
0x114: {  	v1 =	vmul.f32 v1, v9;
	[tilespmem:s11+$0xFFFFFF20] =	vst v61  }
0x115: {  	v0 =	vmul.f32 v0, v9;
	[tilespmem:s11+$0xFFFFFF30] =	vst v2  }
0x116: {  	v62 =	vmul.f32 v3, v9;
	[tilespmem:s11+$0xFFFFFF40] =	vst v1  }
0x117: {  	v63 =	vmul.f32 v8, v9;
	[tilespmem:s11+$0xFFFFFF50] =	vst v0  }
0x118: {  	[tilespmem:s11+$0xFFFFFF60] =	vst v62  }
0x119: {  	[tilespmem:s11+$0xFFFFFF70] =	vst v63  }
0x11a: {  	[spmem:s1] =	stream.indirect.scatter.add.f32 [tilespmem:s7], [sflag:$0xA], $0x80, s21, s23, $0xb8;
	[tilespmem:$0x1DC80] =	vst v63  }
.LBB2_10:
0x11b: {  	p4 =	sgt.u32 s17, $0x3D  }
0x11c: {  	s2 =	simm.s32 @p3 $0xC;
	s3 =	sadd.s32 @!p4 $0x4, s10  }
0x11d: {  	_ =	swait.ge @p3 [sflag:s2], $0x1400;
	s11 =	sshll.u32 @!p4 s3, $0x8  }
0x11e: {  	[sflag:s2] =	ssyncset.done @p3 $0x0;
	s11 =	sadd.s32 @!p4 s8, s11  }
0x11f: {  	[sflag:s2] =	ssyncadd.s32 @p3 $0xFFFFEC00;
	s2 =	sshrl.u32 @!p4 s11, $0x3  }
0x120: {  	s3 =	smul.u32 @!p4 $0x1400, s3;
	s11 =	simm.s32 @!p4 $0x0;
	s2 =	sadd.s32 @!p4 s5, s2  }
0x121: {  	[tilespmem:s11], [sflag:$0x1] =	stream.linear.gather @!p4 [hbm4b:s2+s11], $0x100, $0x38;
	[tilespmem:$0x1DC80] =	vst v63  }
0x122: {  	s2 =	sadd.s32 @!p4 s9, s3  }
0x123: {  	s2 =	sshrl.u32 @!p4 s2, $0x3  }
0x124: {  	s3 =	simm.s32 @!p4 $0x400;
	s2 =	sadd.s32 @!p4 s6, s2  }
0x125: {  	[tilespmem:s3], [sflag:$0x1] =	stream.linear.gather @!p4 [hbm4b:s2+s11], $0x1400, $0x38;
	[tilespmem:$0x1DC80] =	vst v63  }
0x126: {  	s2 =	simm.s32 @p2 $0x4  }
0x127: {  	_ =	swait.ge @p2 [sflag:s2], $0x100  }
0x128: {  	[sflag:s2] =	ssyncset.done @p2 $0x0  }
.Ltmp8:
0x129: {  	[sflag:s2] =	ssyncadd.s32 @p2 $0xFFFFFF00;
	(pc) =	sbr.rel @p1 .LBB2_14-.Ltmp8, $4  }
0x12a: {  	_ =	swait.ge @p2 [sflag:s2], $0x1400  }
0x12b: {  	s3 =	simm.s32 @p2 $0x300;
	[sflag:s2] =	ssyncset.done @p2 $0x0  }
0x12c: {  	s11 =	simm.s32 @p2 $0x9000;
	[sflag:s2] =	ssyncadd.s32 @p2 $0xFFFFEC00;
	s2 =	simm.s32 @p2 $0x28  }
0x12d: {  	[tilespmem:s11], [sflag:$0x8] =	stream.indirect.gather @p2 [hbm4b:s4+s2], $0x80, s3, s2, $0xb8;
	[tilespmem:$0x1DC80] =	vst v63  }
0x12e: {  	_ =	swait.ge [sflag:s26], $0x1400  }
0x12f: {  	[sflag:s26] =	ssyncset.done $0x0  }
0x130: {  	s3 =	simm.s32 $0x2D00;
	[sflag:s26] =	ssyncadd.s32 $0xFFFFEC00  }
0x131: {  	s11 =	simm.s32 $0x7D00;
	v4 =	vld [tilespmem:s3+$0x80]  }
0x132: {  	v8 =	vld [tilespmem:s11+$0xF0]  }
0x133: {  	v5 =	vld [tilespmem:s11+$0xFFFFFF00]  }
0x134: {  	v6 =	vld [tilespmem:s11+$0xFFFFFF10]  }
0x135: {  	v7 =	vld [tilespmem:s11+$0xFFFFFF20]  }
0x136: {  	v2 =	vld [tilespmem:s11+$0xFFFFFF30]  }
0x137: {  	v1 =	vld [tilespmem:s11+$0xFFFFFF40]  }
0x138: {  	v0 =	vld [tilespmem:s11+$0xFFFFFF50]  }
0x139: {  	v9 =	vld [tilespmem:s3+$0xFFFFFF80]  }
0x13a: {  	v3 =	vld [tilespmem:s11+$0xFFFFFF80]  }
0x13b: {  	v10 =	vld [tilespmem:s11+$0xFFFFFF90]  }
0x13c: {  	v11 =	vld [tilespmem:s11+$0xFFFFFFA0]  }
0x13d: {  	v12 =	vld [tilespmem:s11+$0xFFFFFFB0]  }
0x13e: {  	v13 =	vld [tilespmem:s11+$0xFFFFFFC0]  }
0x13f: {  	v15 =	vld [tilespmem:s11+$0xFFFFFFD0]  }
0x140: {  	v16 =	vld [tilespmem:s11+$0xFFFFFFE0]  }
0x141: {  	v17 =	vld [tilespmem:s3+$0x0];
	v14 =	vmul.f32 v3, v9  }
0x142: {  	v18 =	vld [tilespmem:s11+$0xA0];
	v8 =	vmul.f32 v8, v4  }
0x143: {  	v3 =	vld [tilespmem:s11+$0xFFFFFF60];
	v10 =	vmul.f32 v10, v9;
	[tilespmem:s11+$0xFFFFFF80] =	vst v14  }
0x144: {  	[tilespmem:s11+$0xF0] =	vst v8;
	v8 =	vmul.f32 v11, v9;
	v11 =	vld [tilespmem:s11+$0x0]  }
0x145: {  	v14 =	vld [tilespmem:s11+$0xFFFFFFF0];
	[tilespmem:s11+$0xFFFFFF90] =	vst v10;
	v10 =	vmul.f32 v12, v9  }
0x146: {  	v12 =	vld [tilespmem:s11+$0x10];
	[tilespmem:s11+$0xFFFFFFA0] =	vst v8;
	v8 =	vmul.f32 v13, v9  }
0x147: {  	v13 =	vld [tilespmem:s11+$0x20];
	[tilespmem:s11+$0xFFFFFFB0] =	vst v10;
	v10 =	vmul.f32 v15, v9  }
0x148: {  	v15 =	vld [tilespmem:s11+$0x30];
	[tilespmem:s11+$0xFFFFFFC0] =	vst v8;
	v8 =	vmul.f32 v16, v9  }
0x149: {  	v16 =	vld [tilespmem:s11+$0x40];
	[tilespmem:s11+$0xFFFFFFD0] =	vst v10;
	v10 =	vmul.f32 v11, v17  }
0x14a: {  	v11 =	vld [tilespmem:s11+$0x50];
	v9 =	vmul.f32 v14, v9;
	[tilespmem:s11+$0xFFFFFFE0] =	vst v8  }
0x14b: {  	v14 =	vld [tilespmem:s11+$0x60];
	[tilespmem:s11+$0x0] =	vst v10;
	v10 =	vmul.f32 v12, v17  }
0x14c: {  	[tilespmem:s11+$0xFFFFFFF0] =	vst v9;
	v9 =	vmul.f32 v13, v17;
	v12 =	vld [tilespmem:s11+$0x70]  }
0x14d: {  	[tilespmem:s11+$0x10] =	vst v10;
	v10 =	vmul.f32 v15, v17;
	v15 =	vld [tilespmem:s11+$0x80]  }
0x14e: {  	[tilespmem:s11+$0x20] =	vst v9;
	v9 =	vmul.f32 v16, v17;
	v16 =	vld [tilespmem:s11+$0x90]  }
0x14f: {  	v8 =	vld [tilespmem:s11+$0xFFFFFF70];
	[tilespmem:s11+$0x30] =	vst v10;
	v10 =	vmul.f32 v11, v17  }
0x150: {  	v13 =	vld [tilespmem:s11+$0xB0];
	[tilespmem:s11+$0x40] =	vst v9;
	v9 =	vmul.f32 v14, v17  }
0x151: {  	v12 =	vmul.f32 v12, v17;
	[tilespmem:s11+$0x50] =	vst v10;
	v10 =	vld [tilespmem:s11+$0xC0]  }
0x152: {  	v11 =	vld [tilespmem:s11+$0xD0];
	[tilespmem:s11+$0x60] =	vst v9;
	v15 =	vmul.f32 v15, v4  }
0x153: {  	[tilespmem:s11+$0x70] =	vst v12;
	v12 =	vld [tilespmem:s11+$0xE0];
	v14 =	vmul.f32 v16, v4  }
0x154: {  	s12 =	simm.s32 $0x0;
	s18 =	simm.s32 $0x7D00;
	v9 =	vld [tilespmem:s3+$0xFFFFFF00];
	s3 =	simm.s32 $0x2F00;
	[tilespmem:s11+$0x80] =	vst v15;
	v15 =	vmul.f32 v18, v4  }
.LBB2_12:
0x155: {  	v16 =	vld [tilespmem:s3+$0x80];
	[tilespmem:s11+$0x90] =	vst v14;
	v13 =	vmul.f32 v13, v4;
	s18 =	sadd.s32 $0x200, s18  }
0x156: {  	s12 =	sadd.s32 $0x4, s12;
	v14 =	vld [tilespmem:s18+$0xF0];
	[tilespmem:s11+$0xA0] =	vst v15;
	v10 =	vmul.f32 v10, v4  }
0x157: {  	p1 =	slt.u32 s12, $0x24;
	v15 =	vld [tilespmem:s18+$0xFFFFFF00];
	[tilespmem:s11+$0xB0] =	vst v13;
	v11 =	vmul.f32 v11, v4  }
0x158: {  	v13 =	vld [tilespmem:s18+$0xFFFFFF10];
	[tilespmem:s11+$0xC0] =	vst v10;
	v12 =	vmul.f32 v12, v4  }
0x159: {  	v10 =	vld [tilespmem:s18+$0xFFFFFF20];
	v18 =	vmul.f32 v5, v9;
	v6 =	vmul.f32 v6, v9;
	[tilespmem:s11+$0xD0] =	vst v11  }
0x15a: {  	v7 =	vmul.f32 v7, v9;
	v11 =	vmul.f32 v2, v9;
	v2 =	vld [tilespmem:s18+$0xFFFFFF30];
	[tilespmem:s11+$0xE0] =	vst v12;
	v4 =	vmov v16  }
0x15b: {  	v12 =	vmul.f32 v14, v4;
	[tilespmem:s11+$0xFFFFFF00] =	vst v18;
	v14 =	vmul.f32 v1, v9;
	v1 =	vld [tilespmem:s18+$0xFFFFFF40]  }
0x15c: {  	v17 =	vmul.f32 v3, v9;
	v16 =	vmul.f32 v0, v9;
	[tilespmem:s11+$0xFFFFFF10] =	vst v6;
	v0 =	vld [tilespmem:s18+$0xFFFFFF50];
	v5 =	vmov v15  }
0x15d: {  	v9 =	vmul.f32 v8, v9;
	v3 =	vld [tilespmem:s18+$0xFFFFFF60];
	[tilespmem:s18+$0xF0] =	vst v12;
	v6 =	vmov v13  }
0x15e: {  	v8 =	vld [tilespmem:s18+$0xFFFFFF70];
	[tilespmem:s11+$0xFFFFFF20] =	vst v7;
	v7 =	vmov v10  }
0x15f: {  	v10 =	vld [tilespmem:s3+$0xFFFFFF80];
	[tilespmem:s11+$0xFFFFFF30] =	vst v11  }
0x160: {  	v11 =	vld [tilespmem:s18+$0xFFFFFF80];
	[tilespmem:s11+$0xFFFFFF40] =	vst v14  }
0x161: {  	v12 =	vld [tilespmem:s18+$0xFFFFFF90];
	[tilespmem:s11+$0xFFFFFF50] =	vst v16  }
0x162: {  	v13 =	vld [tilespmem:s18+$0xFFFFFFA0];
	[tilespmem:s11+$0xFFFFFF60] =	vst v17  }
0x163: {  	v14 =	vld [tilespmem:s18+$0xFFFFFFB0];
	[tilespmem:s11+$0xFFFFFF70] =	vst v9;
	s11 =	smov.u32 s18  }
0x164: {  	v9 =	vld [tilespmem:s18+$0xFFFFFFC0]  }
0x165: {  	v11 =	vmul.f32 v11, v10;
	v15 =	vld [tilespmem:s18+$0xFFFFFFD0]  }
0x166: {  	v12 =	vmul.f32 v12, v10;
	v16 =	vld [tilespmem:s18+$0xFFFFFFE0]  }
0x167: {  	[tilespmem:s18+$0xFFFFFF80] =	vst v11;
	v11 =	vmul.f32 v13, v10;
	v13 =	vld [tilespmem:s18+$0xFFFFFFF0]  }
0x168: {  	[tilespmem:s18+$0xFFFFFF90] =	vst v12;
	v12 =	vmul.f32 v14, v10;
	v14 =	vld [tilespmem:s3+$0x0]  }
0x169: {  	[tilespmem:s18+$0xFFFFFFA0] =	vst v11;
	v9 =	vmul.f32 v9, v10;
	v11 =	vld [tilespmem:s18+$0x0]  }
0x16a: {  	[tilespmem:s18+$0xFFFFFFB0] =	vst v12;
	v12 =	vmul.f32 v15, v10;
	v15 =	vld [tilespmem:s18+$0x10]  }
0x16b: {  	[tilespmem:s18+$0xFFFFFFC0] =	vst v9;
	v9 =	vmul.f32 v16, v10;
	v16 =	vld [tilespmem:s18+$0x20]  }
0x16c: {  	[tilespmem:s18+$0xFFFFFFD0] =	vst v12;
	v10 =	vmul.f32 v13, v10;
	v12 =	vld [tilespmem:s18+$0x30]  }
0x16d: {  	[tilespmem:s18+$0xFFFFFFE0] =	vst v9;
	v9 =	vld [tilespmem:s18+$0x40]  }
0x16e: {  	[tilespmem:s18+$0xFFFFFFF0] =	vst v10;
	v10 =	vmul.f32 v11, v14;
	v11 =	vld [tilespmem:s18+$0x50]  }
0x16f: {  	v13 =	vmul.f32 v15, v14;
	v15 =	vld [tilespmem:s18+$0x60]  }
0x170: {  	[tilespmem:s18+$0x0] =	vst v10;
	v10 =	vmul.f32 v16, v14;
	v16 =	vld [tilespmem:s18+$0x70]  }
0x171: {  	[tilespmem:s18+$0x10] =	vst v13;
	v12 =	vmul.f32 v12, v14;
	v17 =	vld [tilespmem:s18+$0x80]  }
0x172: {  	[tilespmem:s18+$0x20] =	vst v10;
	v9 =	vmul.f32 v9, v14;
	v18 =	vld [tilespmem:s18+$0x90]  }
0x173: {  	[tilespmem:s18+$0x30] =	vst v12;
	v10 =	vmul.f32 v11, v14;
	v19 =	vld [tilespmem:s18+$0xA0]  }
.Ltmp9:
0x174: {  	[tilespmem:s18+$0x40] =	vst v9;
	v9 =	vmul.f32 v15, v14;
	v13 =	vld [tilespmem:s18+$0xB0];
	(pc) =	sbr.rel @p1 .LBB2_12-.Ltmp9, $4  }
0x175: {  	[tilespmem:s18+$0x50] =	vst v10;
	v12 =	vmul.f32 v16, v14;
	v10 =	vld [tilespmem:s18+$0xC0]  }
0x176: {  	[tilespmem:s18+$0x60] =	vst v9;
	v15 =	vmul.f32 v17, v4;
	v11 =	vld [tilespmem:s18+$0xD0]  }
0x177: {  	[tilespmem:s18+$0x70] =	vst v12;
	v14 =	vmul.f32 v18, v4;
	v12 =	vld [tilespmem:s18+$0xE0]  }
0x178: {  	v9 =	vld [tilespmem:s3+$0xFFFFFF00];
	[tilespmem:s18+$0x80] =	vst v15;
	v15 =	vmul.f32 v19, v4;
	s3 =	sadd.s32 $0x200, s3  }
0x179: {  	[tilespmem:s11+$0x90] =	vst v14;
	v13 =	vmul.f32 v13, v4  }
0x17a: {  	[tilespmem:s11+$0xA0] =	vst v15;
	v10 =	vmul.f32 v10, v4  }
0x17b: {  	[tilespmem:s11+$0xB0] =	vst v13;
	v11 =	vmul.f32 v11, v4  }
0x17c: {  	[tilespmem:s11+$0xC0] =	vst v10;
	v60 =	vmul.f32 v12, v4  }
0x17d: {  	v5 =	vmul.f32 v5, v9;
	[tilespmem:s11+$0xD0] =	vst v11  }
0x17e: {  	v6 =	vmul.f32 v6, v9;
	[tilespmem:s11+$0xE0] =	vst v60  }
0x17f: {  	v61 =	vmul.f32 v7, v9;
	[tilespmem:s11+$0xFFFFFF00] =	vst v5  }
0x180: {  	v2 =	vmul.f32 v2, v9;
	[tilespmem:s11+$0xFFFFFF10] =	vst v6  }
0x181: {  	v1 =	vmul.f32 v1, v9;
	[tilespmem:s11+$0xFFFFFF20] =	vst v61  }
0x182: {  	v0 =	vmul.f32 v0, v9;
	[tilespmem:s11+$0xFFFFFF30] =	vst v2  }
0x183: {  	v62 =	vmul.f32 v3, v9;
	[tilespmem:s11+$0xFFFFFF40] =	vst v1  }
0x184: {  	v63 =	vmul.f32 v8, v9;
	[tilespmem:s11+$0xFFFFFF50] =	vst v0  }
0x185: {  	[tilespmem:s11+$0xFFFFFF60] =	vst v62  }
0x186: {  	[tilespmem:s11+$0xFFFFFF70] =	vst v63  }
0x187: {  	[spmem:s1] =	stream.indirect.scatter.add.f32 [tilespmem:s29], [sflag:$0xB], $0x80, s28, s23, $0xb8;
	[tilespmem:$0x1DC80] =	vst v63  }
.LBB2_14:
0x188: {  	p1 =	sgt.u32 @!p0 s17, $0x3D  }
0x189: {  	p1 =	por p1, p0  }
0x18a: {  	s3 =	simm.s32 @!p0 $0x9;
	s2 =	sadd.s32 @!p1 $0x5, s10  }
0x18b: {  	_ =	swait.ge @!p0 [sflag:s3], $0x1400;
	s10 =	sshll.u32 @!p1 s2, $0x8;
	s2 =	smul.u32 @!p1 $0x1400, s2  }
0x18c: {  	[sflag:s3] =	ssyncset.done @!p0 $0x0;
	s11 =	simm.s32 @!p1 $0x100;
	s10 =	sadd.s32 @!p1 s8, s10  }
0x18d: {  	[sflag:s3] =	ssyncadd.s32 @!p0 $0xFFFFEC00;
	s10 =	sshrl.u32 @!p1 s10, $0x3;
	s2 =	sadd.s32 @!p1 s9, s2  }
0x18e: {  	s3 =	sadd.s32 @!p1 s5, s10;
	s10 =	simm.s32 @!p1 $0x0;
	s2 =	sshrl.u32 @!p1 s2, $0x3  }
0x18f: {  	[tilespmem:s11], [sflag:$0x2] =	stream.linear.gather @!p1 [hbm4b:s3+s10], $0x100, $0x38;
	[tilespmem:$0x1DC80] =	vst v63  }
0x190: {  	s2 =	sadd.s32 @!p1 s6, s2;
	s3 =	simm.s32 @!p1 $0x1800  }
0x191: {  	[tilespmem:s3], [sflag:$0x2] =	stream.linear.gather @!p1 [hbm4b:s2+s10], $0x1400, $0x38;
	[tilespmem:$0x1DC80] =	vst v63  }
0x192: {  	s2 =	simm.s32 @!p1 $0x1  }
0x193: {  	_ =	swait.ge @!p1 [sflag:s2], $0x100  }
0x194: {  	[sflag:s2] =	ssyncset.done @!p1 $0x0  }
.Ltmp10:
0x195: {  	[sflag:s2] =	ssyncadd.s32 @!p1 $0xFFFFFF00;
	(pc) =	sbr.rel @!p2 .LBB2_18-.Ltmp10, $4  }
0x196: {  	_ =	swait.ge @!p1 [sflag:s2], $0x1400  }
0x197: {  	[sflag:s2] =	ssyncset.done @!p1 $0x0  }
0x198: {  	s3 =	simm.s32 @!p1 $0x5400;
	[sflag:s2] =	ssyncadd.s32 @!p1 $0xFFFFEC00;
	s2 =	simm.s32 @!p1 $0x28  }
0x199: {  	[tilespmem:s3], [sflag:$0x5] =	stream.indirect.gather @!p1 [hbm4b:s4+s2], $0x80, s10, s2, $0xb8;
	[tilespmem:$0x1DC80] =	vst v63  }
0x19a: {  	_ =	swait.ge [sflag:s30], $0x1400  }
0x19b: {  	[sflag:s30] =	ssyncset.done $0x0  }
0x19c: {  	s3 =	simm.s32 $0x4100;
	[sflag:s30] =	ssyncadd.s32 $0xFFFFEC00  }
0x19d: {  	s10 =	simm.s32 $0x9100;
	v4 =	vld [tilespmem:s3+$0x80]  }
0x19e: {  	v8 =	vld [tilespmem:s10+$0xF0]  }
0x19f: {  	v5 =	vld [tilespmem:s10+$0xFFFFFF00]  }
0x1a0: {  	v6 =	vld [tilespmem:s10+$0xFFFFFF10]  }
0x1a1: {  	v7 =	vld [tilespmem:s10+$0xFFFFFF20]  }
0x1a2: {  	v2 =	vld [tilespmem:s10+$0xFFFFFF30]  }
0x1a3: {  	v1 =	vld [tilespmem:s10+$0xFFFFFF40]  }
0x1a4: {  	v0 =	vld [tilespmem:s10+$0xFFFFFF50]  }
0x1a5: {  	v9 =	vld [tilespmem:s3+$0xFFFFFF80]  }
0x1a6: {  	v3 =	vld [tilespmem:s10+$0xFFFFFF80]  }
0x1a7: {  	v10 =	vld [tilespmem:s10+$0xFFFFFF90]  }
0x1a8: {  	v11 =	vld [tilespmem:s10+$0xFFFFFFA0]  }
0x1a9: {  	v12 =	vld [tilespmem:s10+$0xFFFFFFB0]  }
0x1aa: {  	v13 =	vld [tilespmem:s10+$0xFFFFFFC0]  }
0x1ab: {  	v15 =	vld [tilespmem:s10+$0xFFFFFFD0]  }
0x1ac: {  	v16 =	vld [tilespmem:s10+$0xFFFFFFE0]  }
0x1ad: {  	v17 =	vld [tilespmem:s3+$0x0];
	v14 =	vmul.f32 v3, v9  }
0x1ae: {  	v18 =	vld [tilespmem:s10+$0xA0];
	v8 =	vmul.f32 v8, v4  }
0x1af: {  	v3 =	vld [tilespmem:s10+$0xFFFFFF60];
	v10 =	vmul.f32 v10, v9;
	[tilespmem:s10+$0xFFFFFF80] =	vst v14  }
0x1b0: {  	[tilespmem:s10+$0xF0] =	vst v8;
	v8 =	vmul.f32 v11, v9;
	v11 =	vld [tilespmem:s10+$0x0]  }
0x1b1: {  	v14 =	vld [tilespmem:s10+$0xFFFFFFF0];
	[tilespmem:s10+$0xFFFFFF90] =	vst v10;
	v10 =	vmul.f32 v12, v9  }
0x1b2: {  	v12 =	vld [tilespmem:s10+$0x10];
	[tilespmem:s10+$0xFFFFFFA0] =	vst v8;
	v8 =	vmul.f32 v13, v9  }
0x1b3: {  	v13 =	vld [tilespmem:s10+$0x20];
	[tilespmem:s10+$0xFFFFFFB0] =	vst v10;
	v10 =	vmul.f32 v15, v9  }
0x1b4: {  	v15 =	vld [tilespmem:s10+$0x30];
	[tilespmem:s10+$0xFFFFFFC0] =	vst v8;
	v8 =	vmul.f32 v16, v9  }
0x1b5: {  	v16 =	vld [tilespmem:s10+$0x40];
	[tilespmem:s10+$0xFFFFFFD0] =	vst v10;
	v10 =	vmul.f32 v11, v17  }
0x1b6: {  	v11 =	vld [tilespmem:s10+$0x50];
	v9 =	vmul.f32 v14, v9;
	[tilespmem:s10+$0xFFFFFFE0] =	vst v8  }
0x1b7: {  	v14 =	vld [tilespmem:s10+$0x60];
	[tilespmem:s10+$0x0] =	vst v10;
	v10 =	vmul.f32 v12, v17  }
0x1b8: {  	[tilespmem:s10+$0xFFFFFFF0] =	vst v9;
	v9 =	vmul.f32 v13, v17;
	v12 =	vld [tilespmem:s10+$0x70]  }
0x1b9: {  	[tilespmem:s10+$0x10] =	vst v10;
	v10 =	vmul.f32 v15, v17;
	v15 =	vld [tilespmem:s10+$0x80]  }
0x1ba: {  	[tilespmem:s10+$0x20] =	vst v9;
	v9 =	vmul.f32 v16, v17;
	v16 =	vld [tilespmem:s10+$0x90]  }
0x1bb: {  	v8 =	vld [tilespmem:s10+$0xFFFFFF70];
	[tilespmem:s10+$0x30] =	vst v10;
	v10 =	vmul.f32 v11, v17  }
0x1bc: {  	v13 =	vld [tilespmem:s10+$0xB0];
	[tilespmem:s10+$0x40] =	vst v9;
	v9 =	vmul.f32 v14, v17  }
0x1bd: {  	v12 =	vmul.f32 v12, v17;
	[tilespmem:s10+$0x50] =	vst v10;
	v10 =	vld [tilespmem:s10+$0xC0]  }
0x1be: {  	v11 =	vld [tilespmem:s10+$0xD0];
	[tilespmem:s10+$0x60] =	vst v9;
	v15 =	vmul.f32 v15, v4  }
0x1bf: {  	[tilespmem:s10+$0x70] =	vst v12;
	v12 =	vld [tilespmem:s10+$0xE0];
	v14 =	vmul.f32 v16, v4  }
0x1c0: {  	s11 =	simm.s32 $0x0;
	s12 =	simm.s32 $0x9100;
	v9 =	vld [tilespmem:s3+$0xFFFFFF00];
	s3 =	simm.s32 $0x4300;
	[tilespmem:s10+$0x80] =	vst v15;
	v15 =	vmul.f32 v18, v4  }
.LBB2_16:
0x1c1: {  	v16 =	vld [tilespmem:s3+$0x80];
	[tilespmem:s10+$0x90] =	vst v14;
	v13 =	vmul.f32 v13, v4;
	s12 =	sadd.s32 $0x200, s12  }
0x1c2: {  	s11 =	sadd.s32 $0x4, s11;
	v14 =	vld [tilespmem:s12+$0xF0];
	[tilespmem:s10+$0xA0] =	vst v15;
	v10 =	vmul.f32 v10, v4  }
0x1c3: {  	p0 =	slt.u32 s11, $0x24;
	v15 =	vld [tilespmem:s12+$0xFFFFFF00];
	[tilespmem:s10+$0xB0] =	vst v13;
	v11 =	vmul.f32 v11, v4  }
0x1c4: {  	v13 =	vld [tilespmem:s12+$0xFFFFFF10];
	[tilespmem:s10+$0xC0] =	vst v10;
	v12 =	vmul.f32 v12, v4  }
0x1c5: {  	v10 =	vld [tilespmem:s12+$0xFFFFFF20];
	v18 =	vmul.f32 v5, v9;
	v6 =	vmul.f32 v6, v9;
	[tilespmem:s10+$0xD0] =	vst v11  }
0x1c6: {  	v7 =	vmul.f32 v7, v9;
	v11 =	vmul.f32 v2, v9;
	v2 =	vld [tilespmem:s12+$0xFFFFFF30];
	[tilespmem:s10+$0xE0] =	vst v12;
	v4 =	vmov v16  }
0x1c7: {  	v12 =	vmul.f32 v14, v4;
	[tilespmem:s10+$0xFFFFFF00] =	vst v18;
	v14 =	vmul.f32 v1, v9;
	v1 =	vld [tilespmem:s12+$0xFFFFFF40]  }
0x1c8: {  	v17 =	vmul.f32 v3, v9;
	v16 =	vmul.f32 v0, v9;
	[tilespmem:s10+$0xFFFFFF10] =	vst v6;
	v0 =	vld [tilespmem:s12+$0xFFFFFF50];
	v5 =	vmov v15  }
0x1c9: {  	v9 =	vmul.f32 v8, v9;
	v3 =	vld [tilespmem:s12+$0xFFFFFF60];
	[tilespmem:s12+$0xF0] =	vst v12;
	v6 =	vmov v13  }
0x1ca: {  	v8 =	vld [tilespmem:s12+$0xFFFFFF70];
	[tilespmem:s10+$0xFFFFFF20] =	vst v7;
	v7 =	vmov v10  }
0x1cb: {  	v10 =	vld [tilespmem:s3+$0xFFFFFF80];
	[tilespmem:s10+$0xFFFFFF30] =	vst v11  }
0x1cc: {  	v11 =	vld [tilespmem:s12+$0xFFFFFF80];
	[tilespmem:s10+$0xFFFFFF40] =	vst v14  }
0x1cd: {  	v12 =	vld [tilespmem:s12+$0xFFFFFF90];
	[tilespmem:s10+$0xFFFFFF50] =	vst v16  }
0x1ce: {  	v13 =	vld [tilespmem:s12+$0xFFFFFFA0];
	[tilespmem:s10+$0xFFFFFF60] =	vst v17  }
0x1cf: {  	v14 =	vld [tilespmem:s12+$0xFFFFFFB0];
	[tilespmem:s10+$0xFFFFFF70] =	vst v9;
	s10 =	smov.u32 s12  }
0x1d0: {  	v9 =	vld [tilespmem:s12+$0xFFFFFFC0]  }
0x1d1: {  	v11 =	vmul.f32 v11, v10;
	v15 =	vld [tilespmem:s12+$0xFFFFFFD0]  }
0x1d2: {  	v12 =	vmul.f32 v12, v10;
	v16 =	vld [tilespmem:s12+$0xFFFFFFE0]  }
0x1d3: {  	[tilespmem:s12+$0xFFFFFF80] =	vst v11;
	v11 =	vmul.f32 v13, v10;
	v13 =	vld [tilespmem:s12+$0xFFFFFFF0]  }
0x1d4: {  	[tilespmem:s12+$0xFFFFFF90] =	vst v12;
	v12 =	vmul.f32 v14, v10;
	v14 =	vld [tilespmem:s3+$0x0]  }
0x1d5: {  	[tilespmem:s12+$0xFFFFFFA0] =	vst v11;
	v9 =	vmul.f32 v9, v10;
	v11 =	vld [tilespmem:s12+$0x0]  }
0x1d6: {  	[tilespmem:s12+$0xFFFFFFB0] =	vst v12;
	v12 =	vmul.f32 v15, v10;
	v15 =	vld [tilespmem:s12+$0x10]  }
0x1d7: {  	[tilespmem:s12+$0xFFFFFFC0] =	vst v9;
	v9 =	vmul.f32 v16, v10;
	v16 =	vld [tilespmem:s12+$0x20]  }
0x1d8: {  	[tilespmem:s12+$0xFFFFFFD0] =	vst v12;
	v10 =	vmul.f32 v13, v10;
	v12 =	vld [tilespmem:s12+$0x30]  }
0x1d9: {  	[tilespmem:s12+$0xFFFFFFE0] =	vst v9;
	v9 =	vld [tilespmem:s12+$0x40]  }
0x1da: {  	[tilespmem:s12+$0xFFFFFFF0] =	vst v10;
	v10 =	vmul.f32 v11, v14;
	v11 =	vld [tilespmem:s12+$0x50]  }
0x1db: {  	v13 =	vmul.f32 v15, v14;
	v15 =	vld [tilespmem:s12+$0x60]  }
0x1dc: {  	[tilespmem:s12+$0x0] =	vst v10;
	v10 =	vmul.f32 v16, v14;
	v16 =	vld [tilespmem:s12+$0x70]  }
0x1dd: {  	[tilespmem:s12+$0x10] =	vst v13;
	v12 =	vmul.f32 v12, v14;
	v17 =	vld [tilespmem:s12+$0x80]  }
0x1de: {  	[tilespmem:s12+$0x20] =	vst v10;
	v9 =	vmul.f32 v9, v14;
	v18 =	vld [tilespmem:s12+$0x90]  }
0x1df: {  	[tilespmem:s12+$0x30] =	vst v12;
	v10 =	vmul.f32 v11, v14;
	v19 =	vld [tilespmem:s12+$0xA0]  }
.Ltmp11:
0x1e0: {  	[tilespmem:s12+$0x40] =	vst v9;
	v9 =	vmul.f32 v15, v14;
	v13 =	vld [tilespmem:s12+$0xB0];
	(pc) =	sbr.rel @p0 .LBB2_16-.Ltmp11, $4  }
0x1e1: {  	[tilespmem:s12+$0x50] =	vst v10;
	v12 =	vmul.f32 v16, v14;
	v10 =	vld [tilespmem:s12+$0xC0]  }
0x1e2: {  	[tilespmem:s12+$0x60] =	vst v9;
	v15 =	vmul.f32 v17, v4;
	v11 =	vld [tilespmem:s12+$0xD0]  }
0x1e3: {  	[tilespmem:s12+$0x70] =	vst v12;
	v14 =	vmul.f32 v18, v4;
	v12 =	vld [tilespmem:s12+$0xE0]  }
0x1e4: {  	v9 =	vld [tilespmem:s3+$0xFFFFFF00];
	[tilespmem:s12+$0x80] =	vst v15;
	v15 =	vmul.f32 v19, v4;
	s3 =	sadd.s32 $0x200, s3  }
0x1e5: {  	[tilespmem:s10+$0x90] =	vst v14;
	v13 =	vmul.f32 v13, v4  }
0x1e6: {  	[tilespmem:s10+$0xA0] =	vst v15;
	v10 =	vmul.f32 v10, v4  }
0x1e7: {  	[tilespmem:s10+$0xB0] =	vst v13;
	v11 =	vmul.f32 v11, v4  }
0x1e8: {  	[tilespmem:s10+$0xC0] =	vst v10;
	v60 =	vmul.f32 v12, v4  }
0x1e9: {  	v5 =	vmul.f32 v5, v9;
	[tilespmem:s10+$0xD0] =	vst v11  }
0x1ea: {  	v6 =	vmul.f32 v6, v9;
	[tilespmem:s10+$0xE0] =	vst v60  }
0x1eb: {  	v61 =	vmul.f32 v7, v9;
	[tilespmem:s10+$0xFFFFFF00] =	vst v5  }
0x1ec: {  	v2 =	vmul.f32 v2, v9;
	[tilespmem:s10+$0xFFFFFF10] =	vst v6  }
0x1ed: {  	v1 =	vmul.f32 v1, v9;
	[tilespmem:s10+$0xFFFFFF20] =	vst v61  }
0x1ee: {  	v0 =	vmul.f32 v0, v9;
	[tilespmem:s10+$0xFFFFFF30] =	vst v2  }
.Ltmp12:
0x1ef: {  	v62 =	vmul.f32 v3, v9;
	[tilespmem:s10+$0xFFFFFF40] =	vst v1;
	(pc) =	sbr.rel .LBB2_18-.Ltmp12, $4  }
0x1f0: {  	v63 =	vmul.f32 v8, v9;
	[tilespmem:s10+$0xFFFFFF50] =	vst v0  }
0x1f1: {  	[tilespmem:s10+$0xFFFFFF60] =	vst v62  }
0x1f2: {  	[tilespmem:s10+$0xFFFFFF70] =	vst v63  }
0x1f3: {  	[spmem:s1] =	stream.indirect.scatter.add.f32 [tilespmem:s0], [sflag:$0xC], $0x80, s31, s23, $0xb8;
	[tilespmem:$0x1DC80] =	vst v63  }
.LBB2_20:
0x1f4: {  	_ =	sfence.sel $0x180000  }
0x1f5: {  	[bflag:$0x0] =	sbarrier.arrive $0xFFFF  }
0x1f6: {  	_ =	strace $0x90000047  }
0x1f7: {  	s0 =	stileid.u32;
	[bflag:$0x2] =	sbarrier.arrive $0xFFFF  }
0x1f8: {  	p0 =	sne.s32 s0, $0x0;
	s0 =	rddreg [dreg:$0x2]  }
0x1f9: {  	s0 =	sadd.s32 @!p0 $0x100000, s0  }
0x1fa: {  	[sflag:s0] =	ssyncadd.tile.s32 @!p0 $0x1;
	_ =	shalt  }
.Lfunc_end2:
_tile_overlayer_lowered:
.L_overlay_start_2:
0x1fb: {  	(tag) =	ssettag $0x2  }
0x1fc: {  	s0 =	rddreg [dreg:$0x0];
	s2 =	stileid.u32  }
0x1fd: {  	s1 =	rddreg [dreg:$0x1];
	p0 =	sne.s32 s2, $0x0  }
0x1fe: {  	s3 =	rddreg [dreg:$0x2];
	[bflag:$0x3] =	sbarrier.arrive $0xFFFF;
	s2 =	simm.s32 @!p0 $0x1C0D  }
0x1ff: {  	[timem:s3], [sflag:s2] =	dma.local @!p0 [hbm:s0], s1  }
0x200: {  	s0 =	simm.s32 @!p0 $0xD  }
0x201: {  	_ =	swait.ge @!p0 [sflag:s0], s1  }
0x202: {  	s1 =	ssub.s32 @!p0 $0x0, s1;
	[sflag:s0] =	ssyncset.done @!p0 $0x0  }
0x203: {  	[sflag:s0] =	ssyncadd.s32 @!p0 s1  }
0x204: {  	[bflag:$0x3] =	sbarrier.arrive $0xFFFF  }
0x205: {  	_ =	shalt  }

</sc_bundles>
